<compile_context>
chip_gen: v7x
topology: tpu7x:2x2x1
jax: 0.10.2.dev20260603
libtpu: 0.0.44.dev20260713+nightly
codegen_flags: <defaults>
</compile_context>

<pallas_src>
import functools

import jax
import jax.numpy as jnp
from jax import lax
from jax.experimental import pallas as pl
from jax.experimental.pallas import tpu as pltpu
from jax.experimental.pallas import tpu_sc as plsc

N = 10000
E = 320000
C = 128
L = 4
NPAD = 10240
EPAD = 79 * 4096
K = 128
NCH = EPAD // (32 * K)
ROWS = NPAD // 16

_mesh = plsc.VectorSubcoreMesh(core_axis_name="c", subcore_axis_name="s")


@functools.partial(
    pl.kernel,
    out_type=jax.ShapeDtypeStruct((2, NPAD, 16), jnp.float32),
    mesh=_mesh,
    scratch_types=[
        pltpu.VMEM((NCH, K), jnp.int32),
        pltpu.VMEM((K, 16), jnp.float32),
        pltpu.VMEM_SHARED((NPAD, 16), jnp.float32),
        pltpu.SemaphoreType.DMA,
    ],
)
def _deg_kernel(dst_hbm, ones_hbm, out_hbm, idx_v, ones_v, acc_sh, sem):
    c = lax.axis_index("c")
    s = lax.axis_index("s")
    wid = c * 16 + s
    pltpu.sync_copy(ones_hbm.at[pl.ds(0, K)], ones_v)
    pltpu.sync_copy(dst_hbm.at[wid], idx_v)
    pltpu.sync_copy(ones_hbm.at[pl.ds(s * ROWS, ROWS)],
                    acc_sh.at[pl.ds(s * ROWS, ROWS)])
    plsc.subcore_barrier()

    def fire(j, carry):
        pltpu.async_copy(ones_v, acc_sh.at[idx_v.at[j]], sem, add=True)
        return carry

    lax.fori_loop(0, NCH, fire, 0)

    def drain(j, carry):
        pltpu.make_async_copy(ones_v, acc_sh.at[idx_v.at[0]], sem).wait()
        return carry

    lax.fori_loop(0, NCH, drain, 0)
    plsc.subcore_barrier()
    pltpu.sync_copy(acc_sh.at[pl.ds(s * ROWS, ROWS)],
                    out_hbm.at[c, pl.ds(s * ROWS, ROWS)])


@functools.partial(
    pl.kernel,
    out_type=jax.ShapeDtypeStruct((2, NPAD, C), jnp.float32),
    mesh=_mesh,
    scratch_types=[
        pltpu.VMEM((NCH, K), jnp.int32),
        pltpu.VMEM((2, 2, K), jnp.int32),
        pltpu.VMEM((2, K, C), jnp.float32),
        pltpu.VMEM_SHARED((NPAD, C), jnp.float32),
        pltpu.SemaphoreType.DMA,
        pltpu.SemaphoreType.DMA,
    ],
)
def _agg_kernel(hwn_hbm, eidx_hbm, out_hbm,
                pidx_v, idx_ring, rows_v, acc_sh, gsem, ssem):
    c = lax.axis_index("c")
    s = lax.axis_index("s")
    wid = c * 16 + s
    pltpu.sync_copy(eidx_hbm.at[wid], pidx_v)
    pltpu.sync_copy(hwn_hbm.at[pl.ds(s * ROWS, ROWS)],
                    acc_sh.at[pl.ds(s * ROWS, ROWS)])

    def unpack(j, slot):
        for k in range(K // 16):
            pv = pidx_v[j, pl.ds(k * 16, 16)]
            idx_ring[slot, 0, pl.ds(k * 16, 16)] = lax.shift_right_logical(
                pv, 16)
            idx_ring[slot, 1, pl.ds(k * 16, 16)] = lax.bitwise_and(
                pv, 0xFFFF)

    unpack(0, 0)
    pltpu.async_copy(hwn_hbm.at[idx_ring.at[0, 0]], rows_v.at[0], gsem)
    plsc.subcore_barrier()

    def body(j, carry):
        b = lax.rem(j, 2)
        bn = 1 - b
        pltpu.make_async_copy(hwn_hbm.at[idx_ring.at[b, 0]],
                              rows_v.at[b], gsem).wait()

        @pl.when(j > 0)
        def _():
            pltpu.make_async_copy(rows_v.at[bn],
                                  acc_sh.at[idx_ring.at[bn, 1]], ssem).wait()

        pltpu.async_copy(rows_v.at[b], acc_sh.at[idx_ring.at[b, 1]],
                         ssem, add=True)

        @pl.when(j + 1 < NCH)
        def _():
            unpack(j + 1, bn)
            pltpu.async_copy(hwn_hbm.at[idx_ring.at[bn, 0]],
                             rows_v.at[bn], gsem)

        return carry

    lax.fori_loop(0, NCH, body, 0)
    pltpu.make_async_copy(rows_v.at[lax.rem(NCH - 1, 2)],
                          acc_sh.at[idx_ring.at[lax.rem(NCH - 1, 2), 1]],
                          ssem).wait()
    plsc.subcore_barrier()
    pltpu.sync_copy(acc_sh.at[pl.ds(s * ROWS, ROWS)],
                    out_hbm.at[c, pl.ds(s * ROWS, ROWS)])


BLK = 1024
GRID = NPAD // BLK


def _agg_to_bn(acc_ref, hwn_ref, deg_ref, gcnb_ref):
    accblk = acc_ref[0] + acc_ref[1] - hwn_ref[...]
    dinv = lax.rsqrt(deg_ref[...])
    return accblk * dinv + gcnb_ref[...]


def _postbn_body(acc_ref, hwn_ref, deg_ref, gcnb_ref, bng_ref, bnb_ref,
                 wn_ref, h_out, hwnn_out, sum_ref, sq_ref):
    p = pl.program_id(0)
    i = pl.program_id(1)
    agg = _agg_to_bn(acc_ref, hwn_ref, deg_ref, gcnb_ref)

    @pl.when(p == 0)
    def _():
        rows = i * BLK + lax.broadcasted_iota(jnp.int32, (BLK, 1), 0)
        m = jnp.where(rows < N, agg, 0.0)
        ssum = jnp.sum(m, axis=0, keepdims=True)
        ssq = jnp.sum(m * m, axis=0, keepdims=True)

        @pl.when(i == 0)
        def _():
            sum_ref[...] = ssum
            sq_ref[...] = ssq

        @pl.when(i > 0)
        def _():
            sum_ref[...] += ssum
            sq_ref[...] += ssq

    @pl.when(p == 1)
    def _():
        inv_n = jnp.float32(1.0 / N)
        mean = sum_ref[...] * inv_n
        var = sq_ref[...] * inv_n - mean * mean
        rstd = lax.rsqrt(var + 1e-5)
        h2 = jnp.maximum((agg - mean) * rstd * bng_ref[...] + bnb_ref[...],
                         0.0)
        h_out[...] = h2
        dinv = lax.rsqrt(deg_ref[...])
        hwnn_out[...] = dinv * jnp.dot(h2, wn_ref[...],
                                       preferred_element_type=jnp.float32)


def _postbn_call(acc, hwn, deg, gcnb, bng, bnb, wnext):
    vec = pl.BlockSpec((1, C), lambda p, i: (0, 0))
    ospec = pl.BlockSpec((BLK, C), lambda p, i: (i * p, 0))
    return pl.pallas_call(
        _postbn_body,
        grid=(2, GRID),
        in_specs=[
            pl.BlockSpec((2, BLK, C), lambda p, i: (0, i, 0)),
            pl.BlockSpec((BLK, C), lambda p, i: (i, 0)),
            pl.BlockSpec((BLK, 1), lambda p, i: (i, 0)),
            vec, vec, vec,
            pl.BlockSpec((C, C), lambda p, i: (0, 0)),
        ],
        out_specs=[ospec, ospec],
        out_shape=[
            jax.ShapeDtypeStruct((NPAD, C), jnp.float32),
            jax.ShapeDtypeStruct((NPAD, C), jnp.float32),
        ],
        scratch_shapes=[
            pltpu.VMEM((1, C), jnp.float32),
            pltpu.VMEM((1, C), jnp.float32),
        ],
    )(acc, hwn, deg, gcnb, bng, bnb, wnext)


MBLK = 400
MGRID = N // MBLK


def _mlp_body(out_in_ref, h_ref, w1_ref, b1_ref, lng_ref, lnb_ref,
              w2_ref, b2_ref, t_out):
    tt = jnp.dot(h_ref[...], w1_ref[...], preferred_element_type=jnp.float32)
    tt = tt + b1_ref[...]
    mu = jnp.mean(tt, axis=1, keepdims=True)
    vv = jnp.mean(tt * tt, axis=1, keepdims=True) - mu * mu
    tt = (tt - mu) * lax.rsqrt(vv + 1e-5) * lng_ref[...] + lnb_ref[...]
    tt = jnp.maximum(tt, 0.0)
    t_out[...] = jnp.dot(tt, w2_ref[...],
                         preferred_element_type=jnp.float32)[None] + b2_ref[...]


def _mlp_call(i, out_buf, h2, w1, b1, lng, lnb, w2, b2):
    vec = pl.BlockSpec((1, C), lambda n: (0, 0))
    mat = pl.BlockSpec((C, C), lambda n: (0, 0))
    return pl.pallas_call(
        _mlp_body,
        grid=(MGRID,),
        in_specs=[
            pl.BlockSpec((1, MBLK, C), lambda n: (0, n, i)),
            pl.BlockSpec((MBLK, C), lambda n: (n, 0)),
            mat, vec, vec, vec, mat, vec,
        ],
        out_specs=pl.BlockSpec((1, MBLK, C), lambda n: (0, n, i)),
        out_shape=jax.ShapeDtypeStruct((1, N, L * C), jnp.float32),
        input_output_aliases={0: 0},
    )(out_buf, h2, w1, b1, lng, lnb, w2, b2)


def _mm_body(h_ref, w_ref, out_ref):
    out_ref[...] = jnp.dot(h_ref[...], w_ref[...],
                           preferred_element_type=jnp.float32)


def _mm_call(h, w):
    return pl.pallas_call(
        _mm_body,
        grid=(GRID,),
        in_specs=[
            pl.BlockSpec((BLK, C), lambda i: (i, 0)),
            pl.BlockSpec((C, C), lambda i: (0, 0)),
        ],
        out_specs=pl.BlockSpec((BLK, C), lambda i: (i, 0)),
        out_shape=jax.ShapeDtypeStruct((NPAD, C), jnp.float32),
    )(h, w)


def _scale_body(xw_ref, parts_ref, out_ref):
    deg = parts_ref[0, :, 0:1] + parts_ref[1, :, 0:1] - 1.0
    out_ref[...] = xw_ref[...] * lax.rsqrt(deg)


def _scale_call(xw, deg_parts):
    return pl.pallas_call(
        _scale_body,
        grid=(GRID,),
        in_specs=[
            pl.BlockSpec((BLK, C), lambda i: (i, 0)),
            pl.BlockSpec((2, BLK, 16), lambda i: (0, i, 0)),
        ],
        out_specs=pl.BlockSpec((BLK, C), lambda i: (i, 0)),
        out_shape=jax.ShapeDtypeStruct((NPAD, C), jnp.float32),
    )(xw, deg_parts)


def kernel(x, edge_index, batch, gcn_W, gcn_b, bn_g, bn_b,
           mlp_W1, mlp_b1, ln_g, ln_b, mlp_W2, mlp_b2):
    src = edge_index[0]
    dst = edge_index[1]
    pad = EPAD - E
    trash = N + (jnp.arange(pad, dtype=jnp.int32) % (NPAD - N))
    src_p = jnp.concatenate([src, trash])
    dst_p = jnp.concatenate([dst, trash])
    packed = jnp.left_shift(src_p, 16) + dst_p
    eidx = packed.reshape(32, NCH, K)
    dst_d = dst_p.reshape(32, NCH, K)
    ones_nd = jnp.ones((NPAD, 16), jnp.float32)

    x_pad = jnp.zeros((NPAD, C), jnp.float32).at[:N].set(x)

    deg_parts = _deg_kernel(dst_d, ones_nd)
    xw = _mm_call(x_pad, gcn_W[0])
    hwn = _scale_call(xw, deg_parts)
    deg = (deg_parts[0, :, 0] + deg_parts[1, :, 0] - 1.0).reshape(NPAD, 1)

    r = lambda a: a.reshape(1, C)
    out = jnp.zeros((1, N, L * C), jnp.float32)
    for i in range(L):
        acc = _agg_kernel(hwn, eidx)
        h, hwn = _postbn_call(acc, hwn, deg, r(gcn_b[i]),
                              r(bn_g[i]), r(bn_b[i]), gcn_W[(i + 1) % L])
        out = _mlp_call(i, out, h, mlp_W1[i], r(mlp_b1[i]), r(ln_g[i]),
                        r(ln_b[i]), mlp_W2[i], r(mlp_b2[i]))
    return out

# --- scband reference (transcript-rebuilt; emitter-appended) ---
"""Pipeline reference for scband-gcn-layer-80264348828246 (READ-ONLY COPY).

The authoritative reference and input builder live on the scoring server;
editing this copy changes nothing except your own understanding.
"""

import jax, jax.numpy as jnp
import numpy as np

N = 10000
E = 320000
C = 128
L = 4

def setup_inputs(seed: int = 0) -> dict:
    key = jax.random.key(seed)
    ks = jax.random.split(key, 12)
    inp = {}
    inp["x"] = jax.random.normal(ks[0], (N, C), dtype=jnp.float32)
    inp["edge_index"] = jax.random.randint(ks[1], (2, E), 0, N, dtype=jnp.int32)
    inp["batch"] = jnp.zeros((N,), dtype=jnp.int32)
    inp["gcn_W"] = jax.random.normal(ks[2], (L, C, C), dtype=jnp.float32) * (1.0 / np.sqrt(C))
    inp["gcn_b"] = jnp.zeros((L, C), dtype=jnp.float32)
    inp["bn_g"] = jnp.ones((L, C), dtype=jnp.float32)
    inp["bn_b"] = jnp.zeros((L, C), dtype=jnp.float32)
    inp["mlp_W1"] = jax.random.normal(ks[3], (L, C, C), dtype=jnp.float32) * (1.0 / np.sqrt(C))
    inp["mlp_b1"] = jnp.zeros((L, C), dtype=jnp.float32)
    inp["ln_g"] = jnp.ones((L, C), dtype=jnp.float32)
    inp["ln_b"] = jnp.zeros((L, C), dtype=jnp.float32)
    inp["mlp_W2"] = jax.random.normal(ks[4], (L, C, C), dtype=jnp.float32) * (1.0 / np.sqrt(C))
    inp["mlp_b2"] = jnp.zeros((L, C), dtype=jnp.float32)
    return inp

def _forward(x, gcn_W, gcn_b, bn_g, bn_b, mlp_W1, mlp_b1, ln_g, ln_b, mlp_W2, mlp_b2, edge_index, batch):
    src = edge_index[0]
    dst = edge_index[1]
    loop = jnp.arange(N, dtype=src.dtype)
    src_f = jnp.concatenate([src, loop])
    dst_f = jnp.concatenate([dst, loop])
    # symmetric GCN normalization with self-loops (PyG GCNConv default)
    deg = jnp.zeros((N,), jnp.float32).at[dst_f].add(1.0)
    dinv = jnp.where(deg > 0, 1.0 / jnp.sqrt(deg), 0.0)
    norm = dinv[src_f] * dinv[dst_f]
    h = x
    outs = []
    for i in range(L):
        hw = h @ gcn_W[i]
        msg = hw[src_f] * norm[:, None]
        agg = jnp.zeros((N, C), jnp.float32).at[dst_f].add(msg) + gcn_b[i]
        # BatchNorm1d, training-mode batch statistics
        mean = jnp.mean(agg, axis=0)
        var = jnp.var(agg, axis=0)
        hbn = (agg - mean) / jnp.sqrt(var + 1e-5) * bn_g[i] + bn_b[i]
        h = jax.nn.relu(hbn)
        # per-layer MLP: Linear -> LayerNorm -> ReLU -> Linear
        t = h @ mlp_W1[i] + mlp_b1[i]
        mu = jnp.mean(t, axis=-1, keepdims=True)
        v = jnp.var(t, axis=-1, keepdims=True)
        t = (t - mu) / jnp.sqrt(v + 1e-5) * ln_g[i] + ln_b[i]
        t = jax.nn.relu(t)
        t = t @ mlp_W2[i] + mlp_b2[i]
        outs.append(t)
    stacked = jnp.stack(outs, axis=1)  # [N, L, C]
    # to_dense_batch with batch == zeros (single graph, num_graphs=1)
    dense = stacked[None, :, :, :]  # [1, N, L, C]
    return dense.reshape(1, N, L * C)

def reference(x, edge_index, batch, gcn_W, gcn_b, bn_g, bn_b, mlp_W1, mlp_b1, ln_g, ln_b, mlp_W2, mlp_b2):
    return _forward(x, gcn_W, gcn_b, bn_g, bn_b, mlp_W1, mlp_b1, ln_g, ln_b, mlp_W2, mlp_b2, edge_index, batch)

if __name__ == "__main__":
    import jax
    _d = setup_inputs()
    print(jax.jit(kernel)(*tuple(_d.values())))

</pallas_src>

<mosaic_0001>
#map = affine_map<(d0, d1) -> (0, 0)>
#map1 = affine_map<(d0, d1) -> (0, 0, 0)>
module attributes {stable_mosaic.version = 14 : i64} {
  func.func @_agg_kernel(%arg0: i32, %arg1: i32, %arg2: memref<10240x128xf32, #tpu.memory_space<hbm>>, %arg3: memref<32x79x128xi32, #tpu.memory_space<hbm>>, %arg4: memref<2x10240x128xf32, #tpu.memory_space<hbm>>, %arg5: memref<79x128xi32, #tpu.memory_space<vmem>>, %arg6: memref<2x2x128xi32, #tpu.memory_space<vmem>>, %arg7: memref<2x128x128xf32, #tpu.memory_space<vmem>>, %arg8: memref<10240x128xf32, #tpu.memory_space<vmem_shared>>, %arg9: memref<!tpu.dma_semaphore, #tpu.memory_space<semaphore_mem>>, %arg10: memref<!tpu.dma_semaphore, #tpu.memory_space<semaphore_mem>>) attributes {dimension_semantics = [#tpu.dimension_semantics<core_parallel>, #tpu.dimension_semantics<subcore_parallel>], iteration_bounds = array<i64: 2, 16>, scalar_prefetch = 0 : i64, scratch_operands = 6 : i64, tpu.core_type = #tpu.core_type<sc_vector_subcore>, window_params = [{transform_indices = #map}, {transform_indices = #map1}, {transform_indices = #map1}]} {
    %mul3A = arith.constant 16 : i32
    %mul3A_0 = arith.muli %arg0, %mul3A : i32
    %add3A = arith.addi %mul3A_0, %arg1 : i32
    "tpu.region"() ({
      %run_scoped3A = tpu.sem_alloc : memref<!tpu.dma_semaphore, #tpu.memory_space<semaphore_mem>>
      %dma_start3A_254 = arith.constant 0 : i32
      %dma_start3A_255 = arith.constant 0 : i32
      %dma_start3A_256 = tpu.memref_slice %arg3[%add3A, %dma_start3A_254, %dma_start3A_255] : memref<32x79x128xi32, #tpu.memory_space<hbm>> -> memref<1x79x128xi32, #tpu.memory_space<hbm>>
      %dma_start3A_257 = tpu.memref_squeeze %dma_start3A_256 : memref<1x79x128xi32, #tpu.memory_space<hbm>> -> memref<79x128xi32, #tpu.memory_space<hbm>>
      %dma_start3A_258 = arith.constant 0 : i32
      %dma_start3A_259 = arith.constant 0 : i32
      %dma_start3A_260 = tpu.memref_slice %arg3[%add3A, %dma_start3A_258, %dma_start3A_259] : memref<32x79x128xi32, #tpu.memory_space<hbm>> -> memref<1x79x128xi32, #tpu.memory_space<hbm>>
      %dma_start3A_261 = tpu.memref_squeeze %dma_start3A_260 : memref<1x79x128xi32, #tpu.memory_space<hbm>> -> memref<79x128xi32, #tpu.memory_space<hbm>>
      tpu.enqueue_dma source(%dma_start3A_261 : memref<79x128xi32, #tpu.memory_space<hbm>>) target(%arg5 : memref<79x128xi32, #tpu.memory_space<vmem>>) target_semaphore(%run_scoped3A : memref<!tpu.dma_semaphore, #tpu.memory_space<semaphore_mem>>)
      %dma_wait3A_262 = arith.constant 0 : i32
      %dma_wait3A_263 = arith.constant 0 : i32
      %dma_wait3A_264 = tpu.memref_slice %arg3[%add3A, %dma_wait3A_262, %dma_wait3A_263] : memref<32x79x128xi32, #tpu.memory_space<hbm>> -> memref<1x79x128xi32, #tpu.memory_space<hbm>>
      %dma_wait3A_265 = tpu.memref_squeeze %dma_wait3A_264 : memref<1x79x128xi32, #tpu.memory_space<hbm>> -> memref<79x128xi32, #tpu.memory_space<hbm>>
      %dma_wait3A_266 = arith.constant 0 : i32
      %dma_wait3A_267 = arith.constant 0 : i32
      %dma_wait3A_268 = tpu.memref_slice %arg3[%add3A, %dma_wait3A_266, %dma_wait3A_267] : memref<32x79x128xi32, #tpu.memory_space<hbm>> -> memref<1x79x128xi32, #tpu.memory_space<hbm>>
      %dma_wait3A_269 = tpu.memref_squeeze %dma_wait3A_268 : memref<1x79x128xi32, #tpu.memory_space<hbm>> -> memref<79x128xi32, #tpu.memory_space<hbm>>
      tpu.wait_dma2 semaphore(%run_scoped3A : memref<!tpu.dma_semaphore, #tpu.memory_space<semaphore_mem>>) src(%dma_wait3A_269 : memref<79x128xi32, #tpu.memory_space<hbm>>) dst(%arg5 : memref<79x128xi32, #tpu.memory_space<vmem>>)
      tpu.yield
    }) : () -> ()
    %mul3A_1 = arith.constant 640 : i32
    %mul3A_2 = arith.muli %arg1, %mul3A_1 : i32
    %mul3A_3 = arith.constant 640 : i32
    %mul3A_4 = arith.muli %arg1, %mul3A_3 : i32
    "tpu.region"() ({
      %run_scoped3A = tpu.sem_alloc : memref<!tpu.dma_semaphore, #tpu.memory_space<semaphore_mem>>
      %dma_start3A_254 = arith.constant 0 : i32
      %dma_start3A_255 = tpu.memref_slice %arg8[%mul3A_4, %dma_start3A_254] : memref<10240x128xf32, #tpu.memory_space<vmem_shared>> -> memref<640x128xf32, #tpu.memory_space<vmem_shared>>
      %dma_start3A_256 = arith.constant 0 : i32
      %dma_start3A_257 = tpu.memref_slice %arg2[%mul3A_2, %dma_start3A_256] : memref<10240x128xf32, #tpu.memory_space<hbm>> -> memref<640x128xf32, #tpu.memory_space<hbm>>
      tpu.enqueue_dma source(%dma_start3A_257 : memref<640x128xf32, #tpu.memory_space<hbm>>) target(%dma_start3A_255 : memref<640x128xf32, #tpu.memory_space<vmem_shared>>) target_semaphore(%run_scoped3A : memref<!tpu.dma_semaphore, #tpu.memory_space<semaphore_mem>>)
      %dma_wait3A_258 = arith.constant 0 : i32
      %dma_wait3A_259 = tpu.memref_slice %arg8[%mul3A_4, %dma_wait3A_258] : memref<10240x128xf32, #tpu.memory_space<vmem_shared>> -> memref<640x128xf32, #tpu.memory_space<vmem_shared>>
      %dma_wait3A_260 = arith.constant 0 : i32
      %dma_wait3A_261 = tpu.memref_slice %arg2[%mul3A_2, %dma_wait3A_260] : memref<10240x128xf32, #tpu.memory_space<hbm>> -> memref<640x128xf32, #tpu.memory_space<hbm>>
      tpu.wait_dma2 semaphore(%run_scoped3A : memref<!tpu.dma_semaphore, #tpu.memory_space<semaphore_mem>>) src(%dma_wait3A_261 : memref<640x128xf32, #tpu.memory_space<hbm>>) dst(%dma_wait3A_259 : memref<640x128xf32, #tpu.memory_space<vmem_shared>>)
      tpu.yield
    }) : () -> ()
    %get3A = arith.constant 0 : i32
    %get3A_5 = arith.index_cast %get3A : i32 to index
    %get3A_6 = arith.constant 0 : index
    %get3A_7 = tpu.vector_load %arg5[%get3A_5, %get3A_6] {strides = array<i32>} : memref<79x128xi32, #tpu.memory_space<vmem>>, vector<1x16xi32>,
    %get3A_8 = vector.shape_cast %get3A_7 : vector<1x16xi32> to vector<16xi32>
    %shift_right_logical3A = arith.constant 16 : i32
    %shift_right_logical3A_9 = vector.broadcast %shift_right_logical3A : i32 to vector<16xi32>
    %shift_right_logical3A_10 = arith.shrui %get3A_8, %shift_right_logical3A_9 : vector<16xi32>
    %swap3A = arith.constant 0 : i32
    %swap3A_11 = arith.constant 0 : i32
    %swap3A_12 = arith.index_cast %swap3A : i32 to index
    %swap3A_13 = arith.index_cast %swap3A_11 : i32 to index
    %swap3A_14 = arith.constant 0 : index
    %swap3A_15 = tpu.vector_load %arg6[%swap3A_12, %swap3A_13, %swap3A_14] {strides = array<i32>} : memref<2x2x128xi32, #tpu.memory_space<vmem>>, vector<1x1x16xi32>,
    %swap3A_16 = vector.shape_cast %swap3A_15 : vector<1x1x16xi32> to vector<16xi32>
    %swap3A_17 = vector.shape_cast %shift_right_logical3A_10 : vector<16xi32> to vector<1x1x16xi32>
    tpu.vector_store %arg6[%swap3A_12, %swap3A_13, %swap3A_14], %swap3A_17 {strides = array<i32>} : memref<2x2x128xi32, #tpu.memory_space<vmem>>, vector<1x1x16xi32>,
    %and3A = arith.constant 65535 : i32
    %and3A_18 = vector.broadcast %and3A : i32 to vector<16xi32>
    %and3A_19 = arith.andi %get3A_8, %and3A_18 : vector<16xi32>
    %swap3A_20 = arith.constant 0 : i32
    %swap3A_21 = arith.constant 1 : i32
    %swap3A_22 = arith.index_cast %swap3A_20 : i32 to index
    %swap3A_23 = arith.index_cast %swap3A_21 : i32 to index
    %swap3A_24 = arith.constant 0 : index
    %swap3A_25 = tpu.vector_load %arg6[%swap3A_22, %swap3A_23, %swap3A_24] {strides = array<i32>} : memref<2x2x128xi32, #tpu.memory_space<vmem>>, vector<1x1x16xi32>,
    %swap3A_26 = vector.shape_cast %swap3A_25 : vector<1x1x16xi32> to vector<16xi32>
    %swap3A_27 = vector.shape_cast %and3A_19 : vector<16xi32> to vector<1x1x16xi32>
    tpu.vector_store %arg6[%swap3A_22, %swap3A_23, %swap3A_24], %swap3A_27 {strides = array<i32>} : memref<2x2x128xi32, #tpu.memory_space<vmem>>, vector<1x1x16xi32>,
    %get3A_28 = arith.constant 0 : i32
    %get3A_29 = arith.index_cast %get3A_28 : i32 to index
    %get3A_30 = arith.constant 16 : index
    %get3A_31 = tpu.vector_load %arg5[%get3A_29, %get3A_30] {strides = array<i32>} : memref<79x128xi32, #tpu.memory_space<vmem>>, vector<1x16xi32>,
    %get3A_32 = vector.shape_cast %get3A_31 : vector<1x16xi32> to vector<16xi32>
    %shift_right_logical3A_33 = arith.constant 16 : i32
    %shift_right_logical3A_34 = vector.broadcast %shift_right_logical3A_33 : i32 to vector<16xi32>
    %shift_right_logical3A_35 = arith.shrui %get3A_32, %shift_right_logical3A_34 : vector<16xi32>
    %swap3A_36 = arith.constant 0 : i32
    %swap3A_37 = arith.constant 0 : i32
    %swap3A_38 = arith.index_cast %swap3A_36 : i32 to index
    %swap3A_39 = arith.index_cast %swap3A_37 : i32 to index
    %swap3A_40 = arith.constant 16 : index
    %swap3A_41 = tpu.vector_load %arg6[%swap3A_38, %swap3A_39, %swap3A_40] {strides = array<i32>} : memref<2x2x128xi32, #tpu.memory_space<vmem>>, vector<1x1x16xi32>,
    %swap3A_42 = vector.shape_cast %swap3A_41 : vector<1x1x16xi32> to vector<16xi32>
    %swap3A_43 = vector.shape_cast %shift_right_logical3A_35 : vector<16xi32> to vector<1x1x16xi32>
    tpu.vector_store %arg6[%swap3A_38, %swap3A_39, %swap3A_40], %swap3A_43 {strides = array<i32>} : memref<2x2x128xi32, #tpu.memory_space<vmem>>, vector<1x1x16xi32>,
    %and3A_44 = arith.constant 65535 : i32
    %and3A_45 = vector.broadcast %and3A_44 : i32 to vector<16xi32>
    %and3A_46 = arith.andi %get3A_32, %and3A_45 : vector<16xi32>
    %swap3A_47 = arith.constant 0 : i32
    %swap3A_48 = arith.constant 1 : i32
    %swap3A_49 = arith.index_cast %swap3A_47 : i32 to index
    %swap3A_50 = arith.index_cast %swap3A_48 : i32 to index
    %swap3A_51 = arith.constant 16 : index
    %swap3A_52 = tpu.vector_load %arg6[%swap3A_49, %swap3A_50, %swap3A_51] {strides = array<i32>} : memref<2x2x128xi32, #tpu.memory_space<vmem>>, vector<1x1x16xi32>,
    %swap3A_53 = vector.shape_cast %swap3A_52 : vector<1x1x16xi32> to vector<16xi32>
    %swap3A_54 = vector.shape_cast %and3A_46 : vector<16xi32> to vector<1x1x16xi32>
    tpu.vector_store %arg6[%swap3A_49, %swap3A_50, %swap3A_51], %swap3A_54 {strides = array<i32>} : memref<2x2x128xi32, #tpu.memory_space<vmem>>, vector<1x1x16xi32>,
    %get3A_55 = arith.constant 0 : i32
    %get3A_56 = arith.index_cast %get3A_55 : i32 to index
    %get3A_57 = arith.constant 32 : index
    %get3A_58 = tpu.vector_load %arg5[%get3A_56, %get3A_57] {strides = array<i32>} : memref<79x128xi32, #tpu.memory_space<vmem>>, vector<1x16xi32>,
    %get3A_59 = vector.shape_cast %get3A_58 : vector<1x16xi32> to vector<16xi32>
    %shift_right_logical3A_60 = arith.constant 16 : i32
    %shift_right_logical3A_61 = vector.broadcast %shift_right_logical3A_60 : i32 to vector<16xi32>
    %shift_right_logical3A_62 = arith.shrui %get3A_59, %shift_right_logical3A_61 : vector<16xi32>
    %swap3A_63 = arith.constant 0 : i32
    %swap3A_64 = arith.constant 0 : i32
    %swap3A_65 = arith.index_cast %swap3A_63 : i32 to index
    %swap3A_66 = arith.index_cast %swap3A_64 : i32 to index
    %swap3A_67 = arith.constant 32 : index
    %swap3A_68 = tpu.vector_load %arg6[%swap3A_65, %swap3A_66, %swap3A_67] {strides = array<i32>} : memref<2x2x128xi32, #tpu.memory_space<vmem>>, vector<1x1x16xi32>,
    %swap3A_69 = vector.shape_cast %swap3A_68 : vector<1x1x16xi32> to vector<16xi32>
    %swap3A_70 = vector.shape_cast %shift_right_logical3A_62 : vector<16xi32> to vector<1x1x16xi32>
    tpu.vector_store %arg6[%swap3A_65, %swap3A_66, %swap3A_67], %swap3A_70 {strides = array<i32>} : memref<2x2x128xi32, #tpu.memory_space<vmem>>, vector<1x1x16xi32>,
    %and3A_71 = arith.constant 65535 : i32
    %and3A_72 = vector.broadcast %and3A_71 : i32 to vector<16xi32>
    %and3A_73 = arith.andi %get3A_59, %and3A_72 : vector<16xi32>
    %swap3A_74 = arith.constant 0 : i32
    %swap3A_75 = arith.constant 1 : i32
    %swap3A_76 = arith.index_cast %swap3A_74 : i32 to index
    %swap3A_77 = arith.index_cast %swap3A_75 : i32 to index
    %swap3A_78 = arith.constant 32 : index
    %swap3A_79 = tpu.vector_load %arg6[%swap3A_76, %swap3A_77, %swap3A_78] {strides = array<i32>} : memref<2x2x128xi32, #tpu.memory_space<vmem>>, vector<1x1x16xi32>,
    %swap3A_80 = vector.shape_cast %swap3A_79 : vector<1x1x16xi32> to vector<16xi32>
    %swap3A_81 = vector.shape_cast %and3A_73 : vector<16xi32> to vector<1x1x16xi32>
    tpu.vector_store %arg6[%swap3A_76, %swap3A_77, %swap3A_78], %swap3A_81 {strides = array<i32>} : memref<2x2x128xi32, #tpu.memory_space<vmem>>, vector<1x1x16xi32>,
    %get3A_82 = arith.constant 0 : i32
    %get3A_83 = arith.index_cast %get3A_82 : i32 to index
    %get3A_84 = arith.constant 48 : index
    %get3A_85 = tpu.vector_load %arg5[%get3A_83, %get3A_84] {strides = array<i32>} : memref<79x128xi32, #tpu.memory_space<vmem>>, vector<1x16xi32>,
    %get3A_86 = vector.shape_cast %get3A_85 : vector<1x16xi32> to vector<16xi32>
    %shift_right_logical3A_87 = arith.constant 16 : i32
    %shift_right_logical3A_88 = vector.broadcast %shift_right_logical3A_87 : i32 to vector<16xi32>
    %shift_right_logical3A_89 = arith.shrui %get3A_86, %shift_right_logical3A_88 : vector<16xi32>
    %swap3A_90 = arith.constant 0 : i32
    %swap3A_91 = arith.constant 0 : i32
    %swap3A_92 = arith.index_cast %swap3A_90 : i32 to index
    %swap3A_93 = arith.index_cast %swap3A_91 : i32 to index
    %swap3A_94 = arith.constant 48 : index
    %swap3A_95 = tpu.vector_load %arg6[%swap3A_92, %swap3A_93, %swap3A_94] {strides = array<i32>} : memref<2x2x128xi32, #tpu.memory_space<vmem>>, vector<1x1x16xi32>,
    %swap3A_96 = vector.shape_cast %swap3A_95 : vector<1x1x16xi32> to vector<16xi32>
    %swap3A_97 = vector.shape_cast %shift_right_logical3A_89 : vector<16xi32> to vector<1x1x16xi32>
    tpu.vector_store %arg6[%swap3A_92, %swap3A_93, %swap3A_94], %swap3A_97 {strides = array<i32>} : memref<2x2x128xi32, #tpu.memory_space<vmem>>, vector<1x1x16xi32>,
    %and3A_98 = arith.constant 65535 : i32
    %and3A_99 = vector.broadcast %and3A_98 : i32 to vector<16xi32>
    %and3A_100 = arith.andi %get3A_86, %and3A_99 : vector<16xi32>
    %swap3A_101 = arith.constant 0 : i32
    %swap3A_102 = arith.constant 1 : i32
    %swap3A_103 = arith.index_cast %swap3A_101 : i32 to index
    %swap3A_104 = arith.index_cast %swap3A_102 : i32 to index
    %swap3A_105 = arith.constant 48 : index
    %swap3A_106 = tpu.vector_load %arg6[%swap3A_103, %swap3A_104, %swap3A_105] {strides = array<i32>} : memref<2x2x128xi32, #tpu.memory_space<vmem>>, vector<1x1x16xi32>,
    %swap3A_107 = vector.shape_cast %swap3A_106 : vector<1x1x16xi32> to vector<16xi32>
    %swap3A_108 = vector.shape_cast %and3A_100 : vector<16xi32> to vector<1x1x16xi32>
    tpu.vector_store %arg6[%swap3A_103, %swap3A_104, %swap3A_105], %swap3A_108 {strides = array<i32>} : memref<2x2x128xi32, #tpu.memory_space<vmem>>, vector<1x1x16xi32>,
    %get3A_109 = arith.constant 0 : i32
    %get3A_110 = arith.index_cast %get3A_109 : i32 to index
    %get3A_111 = arith.constant 64 : index
    %get3A_112 = tpu.vector_load %arg5[%get3A_110, %get3A_111] {strides = array<i32>} : memref<79x128xi32, #tpu.memory_space<vmem>>, vector<1x16xi32>,
    %get3A_113 = vector.shape_cast %get3A_112 : vector<1x16xi32> to vector<16xi32>
    %shift_right_logical3A_114 = arith.constant 16 : i32
    %shift_right_logical3A_115 = vector.broadcast %shift_right_logical3A_114 : i32 to vector<16xi32>
    %shift_right_logical3A_116 = arith.shrui %get3A_113, %shift_right_logical3A_115 : vector<16xi32>
    %swap3A_117 = arith.constant 0 : i32
    %swap3A_118 = arith.constant 0 : i32
    %swap3A_119 = arith.index_cast %swap3A_117 : i32 to index
    %swap3A_120 = arith.index_cast %swap3A_118 : i32 to index
    %swap3A_121 = arith.constant 64 : index
    %swap3A_122 = tpu.vector_load %arg6[%swap3A_119, %swap3A_120, %swap3A_121] {strides = array<i32>} : memref<2x2x128xi32, #tpu.memory_space<vmem>>, vector<1x1x16xi32>,
    %swap3A_123 = vector.shape_cast %swap3A_122 : vector<1x1x16xi32> to vector<16xi32>
    %swap3A_124 = vector.shape_cast %shift_right_logical3A_116 : vector<16xi32> to vector<1x1x16xi32>
    tpu.vector_store %arg6[%swap3A_119, %swap3A_120, %swap3A_121], %swap3A_124 {strides = array<i32>} : memref<2x2x128xi32, #tpu.memory_space<vmem>>, vector<1x1x16xi32>,
    %and3A_125 = arith.constant 65535 : i32
    %and3A_126 = vector.broadcast %and3A_125 : i32 to vector<16xi32>
    %and3A_127 = arith.andi %get3A_113, %and3A_126 : vector<16xi32>
    %swap3A_128 = arith.constant 0 : i32
    %swap3A_129 = arith.constant 1 : i32
    %swap3A_130 = arith.index_cast %swap3A_128 : i32 to index
    %swap3A_131 = arith.index_cast %swap3A_129 : i32 to index
    %swap3A_132 = arith.constant 64 : index
    %swap3A_133 = tpu.vector_load %arg6[%swap3A_130, %swap3A_131, %swap3A_132] {strides = array<i32>} : memref<2x2x128xi32, #tpu.memory_space<vmem>>, vector<1x1x16xi32>,
    %swap3A_134 = vector.shape_cast %swap3A_133 : vector<1x1x16xi32> to vector<16xi32>
    %swap3A_135 = vector.shape_cast %and3A_127 : vector<16xi32> to vector<1x1x16xi32>
    tpu.vector_store %arg6[%swap3A_130, %swap3A_131, %swap3A_132], %swap3A_135 {strides = array<i32>} : memref<2x2x128xi32, #tpu.memory_space<vmem>>, vector<1x1x16xi32>,
    %get3A_136 = arith.constant 0 : i32
    %get3A_137 = arith.index_cast %get3A_136 : i32 to index
    %get3A_138 = arith.constant 80 : index
    %get3A_139 = tpu.vector_load %arg5[%get3A_137, %get3A_138] {strides = array<i32>} : memref<79x128xi32, #tpu.memory_space<vmem>>, vector<1x16xi32>,
    %get3A_140 = vector.shape_cast %get3A_139 : vector<1x16xi32> to vector<16xi32>
    %shift_right_logical3A_141 = arith.constant 16 : i32
    %shift_right_logical3A_142 = vector.broadcast %shift_right_logical3A_141 : i32 to vector<16xi32>
    %shift_right_logical3A_143 = arith.shrui %get3A_140, %shift_right_logical3A_142 : vector<16xi32>
    %swap3A_144 = arith.constant 0 : i32
    %swap3A_145 = arith.constant 0 : i32
    %swap3A_146 = arith.index_cast %swap3A_144 : i32 to index
    %swap3A_147 = arith.index_cast %swap3A_145 : i32 to index
    %swap3A_148 = arith.constant 80 : index
    %swap3A_149 = tpu.vector_load %arg6[%swap3A_146, %swap3A_147, %swap3A_148] {strides = array<i32>} : memref<2x2x128xi32, #tpu.memory_space<vmem>>, vector<1x1x16xi32>,
    %swap3A_150 = vector.shape_cast %swap3A_149 : vector<1x1x16xi32> to vector<16xi32>
    %swap3A_151 = vector.shape_cast %shift_right_logical3A_143 : vector<16xi32> to vector<1x1x16xi32>
    tpu.vector_store %arg6[%swap3A_146, %swap3A_147, %swap3A_148], %swap3A_151 {strides = array<i32>} : memref<2x2x128xi32, #tpu.memory_space<vmem>>, vector<1x1x16xi32>,
    %and3A_152 = arith.constant 65535 : i32
    %and3A_153 = vector.broadcast %and3A_152 : i32 to vector<16xi32>
    %and3A_154 = arith.andi %get3A_140, %and3A_153 : vector<16xi32>
    %swap3A_155 = arith.constant 0 : i32
    %swap3A_156 = arith.constant 1 : i32
    %swap3A_157 = arith.index_cast %swap3A_155 : i32 to index
    %swap3A_158 = arith.index_cast %swap3A_156 : i32 to index
    %swap3A_159 = arith.constant 80 : index
    %swap3A_160 = tpu.vector_load %arg6[%swap3A_157, %swap3A_158, %swap3A_159] {strides = array<i32>} : memref<2x2x128xi32, #tpu.memory_space<vmem>>, vector<1x1x16xi32>,
    %swap3A_161 = vector.shape_cast %swap3A_160 : vector<1x1x16xi32> to vector<16xi32>
    %swap3A_162 = vector.shape_cast %and3A_154 : vector<16xi32> to vector<1x1x16xi32>
    tpu.vector_store %arg6[%swap3A_157, %swap3A_158, %swap3A_159], %swap3A_162 {strides = array<i32>} : memref<2x2x128xi32, #tpu.memory_space<vmem>>, vector<1x1x16xi32>,
    %get3A_163 = arith.constant 0 : i32
    %get3A_164 = arith.index_cast %get3A_163 : i32 to index
    %get3A_165 = arith.constant 96 : index
    %get3A_166 = tpu.vector_load %arg5[%get3A_164, %get3A_165] {strides = array<i32>} : memref<79x128xi32, #tpu.memory_space<vmem>>, vector<1x16xi32>,
    %get3A_167 = vector.shape_cast %get3A_166 : vector<1x16xi32> to vector<16xi32>
    %shift_right_logical3A_168 = arith.constant 16 : i32
    %shift_right_logical3A_169 = vector.broadcast %shift_right_logical3A_168 : i32 to vector<16xi32>
    %shift_right_logical3A_170 = arith.shrui %get3A_167, %shift_right_logical3A_169 : vector<16xi32>
    %swap3A_171 = arith.constant 0 : i32
    %swap3A_172 = arith.constant 0 : i32
    %swap3A_173 = arith.index_cast %swap3A_171 : i32 to index
    %swap3A_174 = arith.index_cast %swap3A_172 : i32 to index
    %swap3A_175 = arith.constant 96 : index
    %swap3A_176 = tpu.vector_load %arg6[%swap3A_173, %swap3A_174, %swap3A_175] {strides = array<i32>} : memref<2x2x128xi32, #tpu.memory_space<vmem>>, vector<1x1x16xi32>,
    %swap3A_177 = vector.shape_cast %swap3A_176 : vector<1x1x16xi32> to vector<16xi32>
    %swap3A_178 = vector.shape_cast %shift_right_logical3A_170 : vector<16xi32> to vector<1x1x16xi32>
    tpu.vector_store %arg6[%swap3A_173, %swap3A_174, %swap3A_175], %swap3A_178 {strides = array<i32>} : memref<2x2x128xi32, #tpu.memory_space<vmem>>, vector<1x1x16xi32>,
    %and3A_179 = arith.constant 65535 : i32
    %and3A_180 = vector.broadcast %and3A_179 : i32 to vector<16xi32>
    %and3A_181 = arith.andi %get3A_167, %and3A_180 : vector<16xi32>
    %swap3A_182 = arith.constant 0 : i32
    %swap3A_183 = arith.constant 1 : i32
    %swap3A_184 = arith.index_cast %swap3A_182 : i32 to index
    %swap3A_185 = arith.index_cast %swap3A_183 : i32 to index
    %swap3A_186 = arith.constant 96 : index
    %swap3A_187 = tpu.vector_load %arg6[%swap3A_184, %swap3A_185, %swap3A_186] {strides = array<i32>} : memref<2x2x128xi32, #tpu.memory_space<vmem>>, vector<1x1x16xi32>,
    %swap3A_188 = vector.shape_cast %swap3A_187 : vector<1x1x16xi32> to vector<16xi32>
    %swap3A_189 = vector.shape_cast %and3A_181 : vector<16xi32> to vector<1x1x16xi32>
    tpu.vector_store %arg6[%swap3A_184, %swap3A_185, %swap3A_186], %swap3A_189 {strides = array<i32>} : memref<2x2x128xi32, #tpu.memory_space<vmem>>, vector<1x1x16xi32>,
    %get3A_190 = arith.constant 0 : i32
    %get3A_191 = arith.index_cast %get3A_190 : i32 to index
    %get3A_192 = arith.constant 112 : index
    %get3A_193 = tpu.vector_load %arg5[%get3A_191, %get3A_192] {strides = array<i32>} : memref<79x128xi32, #tpu.memory_space<vmem>>, vector<1x16xi32>,
    %get3A_194 = vector.shape_cast %get3A_193 : vector<1x16xi32> to vector<16xi32>
    %shift_right_logical3A_195 = arith.constant 16 : i32
    %shift_right_logical3A_196 = vector.broadcast %shift_right_logical3A_195 : i32 to vector<16xi32>
    %shift_right_logical3A_197 = arith.shrui %get3A_194, %shift_right_logical3A_196 : vector<16xi32>
    %swap3A_198 = arith.constant 0 : i32
    %swap3A_199 = arith.constant 0 : i32
    %swap3A_200 = arith.index_cast %swap3A_198 : i32 to index
    %swap3A_201 = arith.index_cast %swap3A_199 : i32 to index
    %swap3A_202 = arith.constant 112 : index
    %swap3A_203 = tpu.vector_load %arg6[%swap3A_200, %swap3A_201, %swap3A_202] {strides = array<i32>} : memref<2x2x128xi32, #tpu.memory_space<vmem>>, vector<1x1x16xi32>,
    %swap3A_204 = vector.shape_cast %swap3A_203 : vector<1x1x16xi32> to vector<16xi32>
    %swap3A_205 = vector.shape_cast %shift_right_logical3A_197 : vector<16xi32> to vector<1x1x16xi32>
    tpu.vector_store %arg6[%swap3A_200, %swap3A_201, %swap3A_202], %swap3A_205 {strides = array<i32>} : memref<2x2x128xi32, #tpu.memory_space<vmem>>, vector<1x1x16xi32>,
    %and3A_206 = arith.constant 65535 : i32
    %and3A_207 = vector.broadcast %and3A_206 : i32 to vector<16xi32>
    %and3A_208 = arith.andi %get3A_194, %and3A_207 : vector<16xi32>
    %swap3A_209 = arith.constant 0 : i32
    %swap3A_210 = arith.constant 1 : i32
    %swap3A_211 = arith.index_cast %swap3A_209 : i32 to index
    %swap3A_212 = arith.index_cast %swap3A_210 : i32 to index
    %swap3A_213 = arith.constant 112 : index
    %swap3A_214 = tpu.vector_load %arg6[%swap3A_211, %swap3A_212, %swap3A_213] {strides = array<i32>} : memref<2x2x128xi32, #tpu.memory_space<vmem>>, vector<1x1x16xi32>,
    %swap3A_215 = vector.shape_cast %swap3A_214 : vector<1x1x16xi32> to vector<16xi32>
    %swap3A_216 = vector.shape_cast %and3A_208 : vector<16xi32> to vector<1x1x16xi32>
    tpu.vector_store %arg6[%swap3A_211, %swap3A_212, %swap3A_213], %swap3A_216 {strides = array<i32>} : memref<2x2x128xi32, #tpu.memory_space<vmem>>, vector<1x1x16xi32>,
    %dma_start3A = arith.constant 0 : i32
    %dma_start3A_217 = arith.constant 0 : i32
    %dma_start3A_218 = arith.constant 0 : i32
    %dma_start3A_219 = arith.constant 0 : i32
    %dma_start3A_220 = arith.constant 0 : i32
    %dma_start3A_221 = tpu.memref_slice %arg7[%dma_start3A_218, %dma_start3A_219, %dma_start3A_220] : memref<2x128x128xf32, #tpu.memory_space<vmem>> -> memref<1x128x128xf32, #tpu.memory_space<vmem>>
    %dma_start3A_222 = tpu.memref_squeeze %dma_start3A_221 : memref<1x128x128xf32, #tpu.memory_space<vmem>> -> memref<128x128xf32, #tpu.memory_space<vmem>>
    %dma_start3A_223 = arith.constant 0 : i32
    %dma_start3A_224 = tpu.memref_slice %arg6[%dma_start3A, %dma_start3A_217, %dma_start3A_223] : memref<2x2x128xi32, #tpu.memory_space<vmem>> -> memref<1x1x128xi32, #tpu.memory_space<vmem>>
    %dma_start3A_225 = tpu.memref_squeeze %dma_start3A_224 : memref<1x1x128xi32, #tpu.memory_space<vmem>> -> memref<128xi32, #tpu.memory_space<vmem>>
    %dma_start3A_226 = arith.constant 0 : i32
    %dma_start3A_227 = arith.constant 0 : i32
    %dma_start3A_228 = tpu.memref_slice %arg2[%dma_start3A_226, %dma_start3A_227] : memref<10240x128xf32, #tpu.memory_space<hbm>> -> memref<10240x128xf32, #tpu.memory_space<hbm>>
    tpu.enqueue_indirect_dma source(%dma_start3A_228 : memref<10240x128xf32, #tpu.memory_space<hbm>>) target(%dma_start3A_222 : memref<128x128xf32, #tpu.memory_space<vmem>>) offsets(%dma_start3A_225 : memref<128xi32, #tpu.memory_space<vmem>>) semaphore(%arg9 : memref<!tpu.dma_semaphore, #tpu.memory_space<semaphore_mem>>)
    %barrier3A = arith.constant 0 : index
    tpu.barrier barrier_id(%barrier3A)
    %scan3A = arith.constant 0 : i32
    %scan3A_229 = arith.constant 0 : i32
    %scan3A_230 = arith.constant 79 : i32
    %scan3A_231 = arith.addi %scan3A_229, %scan3A_230 : i32
    %scan3A_232 = arith.constant 1 : i32
    scf.for %scan3A_254 = %scan3A_229 to %scan3A_231 step %scan3A_232  : i32 {
      %rem3A_255 = arith.constant 2 : i32
      %rem3A_256 = arith.remsi %scan3A_254, %rem3A_255 : i32
      %sub3A = arith.constant 1 : i32
      %sub3A_257 = arith.subi %sub3A, %rem3A_256 : i32
      %dma_wait3A_258 = arith.constant 0 : i32
      %dma_wait3A_259 = arith.constant 0 : i32
      %dma_wait3A_260 = arith.constant 0 : i32
      %dma_wait3A_261 = tpu.memref_slice %arg7[%rem3A_256, %dma_wait3A_259, %dma_wait3A_260] : memref<2x128x128xf32, #tpu.memory_space<vmem>> -> memref<1x128x128xf32, #tpu.memory_space<vmem>>
      %dma_wait3A_262 = tpu.memref_squeeze %dma_wait3A_261 : memref<1x128x128xf32, #tpu.memory_space<vmem>> -> memref<128x128xf32, #tpu.memory_space<vmem>>
      %dma_wait3A_263 = arith.constant 0 : i32
      %dma_wait3A_264 = tpu.memref_slice %arg6[%rem3A_256, %dma_wait3A_258, %dma_wait3A_263] : memref<2x2x128xi32, #tpu.memory_space<vmem>> -> memref<1x1x128xi32, #tpu.memory_space<vmem>>
      %dma_wait3A_265 = tpu.memref_squeeze %dma_wait3A_264 : memref<1x1x128xi32, #tpu.memory_space<vmem>> -> memref<128xi32, #tpu.memory_space<vmem>>
      %dma_wait3A_266 = arith.constant 0 : i32
      %dma_wait3A_267 = arith.constant 0 : i32
      %dma_wait3A_268 = tpu.memref_slice %arg2[%dma_wait3A_266, %dma_wait3A_267] : memref<10240x128xf32, #tpu.memory_space<hbm>> -> memref<10240x128xf32, #tpu.memory_space<hbm>>
      tpu.wait_indirect_dma semaphore(%arg9 : memref<!tpu.dma_semaphore, #tpu.memory_space<semaphore_mem>>) src(%dma_wait3A_268 : memref<10240x128xf32, #tpu.memory_space<hbm>>) dst(%dma_wait3A_262 : memref<128x128xf32, #tpu.memory_space<vmem>>)
      %gt3A = arith.constant 0 : i32
      %gt3A_269 = arith.cmpi sgt, %scan3A_254, %gt3A : i32
      %convert_element_type3A = arith.extui %gt3A_269 : i1 to i32
      %cond3A = arith.constant 0 : i32
      %cond3A_270 = arith.cmpi ne, %convert_element_type3A, %cond3A : i32
      scf.if %cond3A_270 {
        %dma_wait3A_288 = arith.constant 1 : i32
        %dma_wait3A_289 = arith.constant 0 : i32
        %dma_wait3A_290 = arith.constant 0 : i32
        %dma_wait3A_291 = tpu.memref_slice %arg7[%sub3A_257, %dma_wait3A_289, %dma_wait3A_290] : memref<2x128x128xf32, #tpu.memory_space<vmem>> -> memref<1x128x128xf32, #tpu.memory_space<vmem>>
        %dma_wait3A_292 = tpu.memref_squeeze %dma_wait3A_291 : memref<1x128x128xf32, #tpu.memory_space<vmem>> -> memref<128x128xf32, #tpu.memory_space<vmem>>
        %dma_wait3A_293 = arith.constant 0 : i32
        %dma_wait3A_294 = tpu.memref_slice %arg6[%sub3A_257, %dma_wait3A_288, %dma_wait3A_293] : memref<2x2x128xi32, #tpu.memory_space<vmem>> -> memref<1x1x128xi32, #tpu.memory_space<vmem>>
        %dma_wait3A_295 = tpu.memref_squeeze %dma_wait3A_294 : memref<1x1x128xi32, #tpu.memory_space<vmem>> -> memref<128xi32, #tpu.memory_space<vmem>>
        %dma_wait3A_296 = arith.constant 0 : i32
        %dma_wait3A_297 = arith.constant 0 : i32
        %dma_wait3A_298 = tpu.memref_slice %arg8[%dma_wait3A_296, %dma_wait3A_297] : memref<10240x128xf32, #tpu.memory_space<vmem_shared>> -> memref<10240x128xf32, #tpu.memory_space<vmem_shared>>
        tpu.wait_indirect_dma semaphore(%arg10 : memref<!tpu.dma_semaphore, #tpu.memory_space<semaphore_mem>>) src(%dma_wait3A_292 : memref<128x128xf32, #tpu.memory_space<vmem>>) dst(%dma_wait3A_298 : memref<10240x128xf32, #tpu.memory_space<vmem_shared>>)
      } else {
      }
      %dma_start3A_271 = arith.constant 1 : i32
      %dma_start3A_272 = arith.constant 0 : i32
      %dma_start3A_273 = arith.constant 0 : i32
      %dma_start3A_274 = tpu.memref_slice %arg7[%rem3A_256, %dma_start3A_272, %dma_start3A_273] : memref<2x128x128xf32, #tpu.memory_space<vmem>> -> memref<1x128x128xf32, #tpu.memory_space<vmem>>
      %dma_start3A_275 = tpu.memref_squeeze %dma_start3A_274 : memref<1x128x128xf32, #tpu.memory_space<vmem>> -> memref<128x128xf32, #tpu.memory_space<vmem>>
      %dma_start3A_276 = arith.constant 0 : i32
      %dma_start3A_277 = tpu.memref_slice %arg6[%rem3A_256, %dma_start3A_271, %dma_start3A_276] : memref<2x2x128xi32, #tpu.memory_space<vmem>> -> memref<1x1x128xi32, #tpu.memory_space<vmem>>
      %dma_start3A_278 = tpu.memref_squeeze %dma_start3A_277 : memref<1x1x128xi32, #tpu.memory_space<vmem>> -> memref<128xi32, #tpu.memory_space<vmem>>
      %dma_start3A_279 = arith.constant 0 : i32
      %dma_start3A_280 = arith.constant 0 : i32
      %dma_start3A_281 = tpu.memref_slice %arg8[%dma_start3A_279, %dma_start3A_280] : memref<10240x128xf32, #tpu.memory_space<vmem_shared>> -> memref<10240x128xf32, #tpu.memory_space<vmem_shared>>
      tpu.enqueue_indirect_dma source(%dma_start3A_275 : memref<128x128xf32, #tpu.memory_space<vmem>>) target(%dma_start3A_281 : memref<10240x128xf32, #tpu.memory_space<vmem_shared>>) offsets(%dma_start3A_278 : memref<128xi32, #tpu.memory_space<vmem>>) semaphore(%arg10 : memref<!tpu.dma_semaphore, #tpu.memory_space<semaphore_mem>>) {add = true}
      %add3A_282 = arith.constant 1 : i32
      %add3A_283 = arith.addi %scan3A_254, %add3A_282 : i32
      %lt3A = arith.constant 79 : i32
      %lt3A_284 = arith.cmpi slt, %add3A_283, %lt3A : i32
      %convert_element_type3A_285 = arith.extui %lt3A_284 : i1 to i32
      %cond3A_286 = arith.constant 0 : i32
      %cond3A_287 = arith.cmpi ne, %convert_element_type3A_285, %cond3A_286 : i32
      scf.if %cond3A_287 {
        %add3A_288 = arith.constant 1 : i32
        %add3A_289 = arith.addi %scan3A_254, %add3A_288 : i32
        %get3A_290 = arith.index_cast %add3A_289 : i32 to index
        %get3A_291 = arith.constant 0 : index
        %get3A_292 = tpu.vector_load %arg5[%get3A_290, %get3A_291] {strides = array<i32>} : memref<79x128xi32, #tpu.memory_space<vmem>>, vector<1x16xi32>,
        %get3A_293 = vector.shape_cast %get3A_292 : vector<1x16xi32> to vector<16xi32>
        %shift_right_logical3A_294 = arith.constant 16 : i32
        %shift_right_logical3A_295 = vector.broadcast %shift_right_logical3A_294 : i32 to vector<16xi32>
        %shift_right_logical3A_296 = arith.shrui %get3A_293, %shift_right_logical3A_295 : vector<16xi32>
        %swap3A_297 = arith.constant 0 : i32
        %swap3A_298 = arith.index_cast %sub3A_257 : i32 to index
        %swap3A_299 = arith.index_cast %swap3A_297 : i32 to index
        %swap3A_300 = arith.constant 0 : index
        %swap3A_301 = tpu.vector_load %arg6[%swap3A_298, %swap3A_299, %swap3A_300] {strides = array<i32>} : memref<2x2x128xi32, #tpu.memory_space<vmem>>, vector<1x1x16xi32>,
        %swap3A_302 = vector.shape_cast %swap3A_301 : vector<1x1x16xi32> to vector<16xi32>
        %swap3A_303 = vector.shape_cast %shift_right_logical3A_296 : vector<16xi32> to vector<1x1x16xi32>
        tpu.vector_store %arg6[%swap3A_298, %swap3A_299, %swap3A_300], %swap3A_303 {strides = array<i32>} : memref<2x2x128xi32, #tpu.memory_space<vmem>>, vector<1x1x16xi32>,
        %and3A_304 = arith.constant 65535 : i32
        %and3A_305 = vector.broadcast %and3A_304 : i32 to vector<16xi32>
        %and3A_306 = arith.andi %get3A_293, %and3A_305 : vector<16xi32>
        %swap3A_307 = arith.constant 1 : i32
        %swap3A_308 = arith.index_cast %sub3A_257 : i32 to index
        %swap3A_309 = arith.index_cast %swap3A_307 : i32 to index
        %swap3A_310 = arith.constant 0 : index
        %swap3A_311 = tpu.vector_load %arg6[%swap3A_308, %swap3A_309, %swap3A_310] {strides = array<i32>} : memref<2x2x128xi32, #tpu.memory_space<vmem>>, vector<1x1x16xi32>,
        %swap3A_312 = vector.shape_cast %swap3A_311 : vector<1x1x16xi32> to vector<16xi32>
        %swap3A_313 = vector.shape_cast %and3A_306 : vector<16xi32> to vector<1x1x16xi32>
        tpu.vector_store %arg6[%swap3A_308, %swap3A_309, %swap3A_310], %swap3A_313 {strides = array<i32>} : memref<2x2x128xi32, #tpu.memory_space<vmem>>, vector<1x1x16xi32>,
        %get3A_314 = arith.index_cast %add3A_289 : i32 to index
        %get3A_315 = arith.constant 16 : index
        %get3A_316 = tpu.vector_load %arg5[%get3A_314, %get3A_315] {strides = array<i32>} : memref<79x128xi32, #tpu.memory_space<vmem>>, vector<1x16xi32>,
        %get3A_317 = vector.shape_cast %get3A_316 : vector<1x16xi32> to vector<16xi32>
        %shift_right_logical3A_318 = arith.constant 16 : i32
        %shift_right_logical3A_319 = vector.broadcast %shift_right_logical3A_318 : i32 to vector<16xi32>
        %shift_right_logical3A_320 = arith.shrui %get3A_317, %shift_right_logical3A_319 : vector<16xi32>
        %swap3A_321 = arith.constant 0 : i32
        %swap3A_322 = arith.index_cast %sub3A_257 : i32 to index
        %swap3A_323 = arith.index_cast %swap3A_321 : i32 to index
        %swap3A_324 = arith.constant 16 : index
        %swap3A_325 = tpu.vector_load %arg6[%swap3A_322, %swap3A_323, %swap3A_324] {strides = array<i32>} : memref<2x2x128xi32, #tpu.memory_space<vmem>>, vector<1x1x16xi32>,
        %swap3A_326 = vector.shape_cast %swap3A_325 : vector<1x1x16xi32> to vector<16xi32>
        %swap3A_327 = vector.shape_cast %shift_right_logical3A_320 : vector<16xi32> to vector<1x1x16xi32>
        tpu.vector_store %arg6[%swap3A_322, %swap3A_323, %swap3A_324], %swap3A_327 {strides = array<i32>} : memref<2x2x128xi32, #tpu.memory_space<vmem>>, vector<1x1x16xi32>,
        %and3A_328 = arith.constant 65535 : i32
        %and3A_329 = vector.broadcast %and3A_328 : i32 to vector<16xi32>
        %and3A_330 = arith.andi %get3A_317, %and3A_329 : vector<16xi32>
        %swap3A_331 = arith.constant 1 : i32
        %swap3A_332 = arith.index_cast %sub3A_257 : i32 to index
        %swap3A_333 = arith.index_cast %swap3A_331 : i32 to index
        %swap3A_334 = arith.constant 16 : index
        %swap3A_335 = tpu.vector_load %arg6[%swap3A_332, %swap3A_333, %swap3A_334] {strides = array<i32>} : memref<2x2x128xi32, #tpu.memory_space<vmem>>, vector<1x1x16xi32>,
        %swap3A_336 = vector.shape_cast %swap3A_335 : vector<1x1x16xi32> to vector<16xi32>
        %swap3A_337 = vector.shape_cast %and3A_330 : vector<16xi32> to vector<1x1x16xi32>
        tpu.vector_store %arg6[%swap3A_332, %swap3A_333, %swap3A_334], %swap3A_337 {strides = array<i32>} : memref<2x2x128xi32, #tpu.memory_space<vmem>>, vector<1x1x16xi32>,
        %get3A_338 = arith.index_cast %add3A_289 : i32 to index
        %get3A_339 = arith.constant 32 : index
        %get3A_340 = tpu.vector_load %arg5[%get3A_338, %get3A_339] {strides = array<i32>} : memref<79x128xi32, #tpu.memory_space<vmem>>, vector<1x16xi32>,
        %get3A_341 = vector.shape_cast %get3A_340 : vector<1x16xi32> to vector<16xi32>
        %shift_right_logical3A_342 = arith.constant 16 : i32
        %shift_right_logical3A_343 = vector.broadcast %shift_right_logical3A_342 : i32 to vector<16xi32>
        %shift_right_logical3A_344 = arith.shrui %get3A_341, %shift_right_logical3A_343 : vector<16xi32>
        %swap3A_345 = arith.constant 0 : i32
        %swap3A_346 = arith.index_cast %sub3A_257 : i32 to index
        %swap3A_347 = arith.index_cast %swap3A_345 : i32 to index
        %swap3A_348 = arith.constant 32 : index
        %swap3A_349 = tpu.vector_load %arg6[%swap3A_346, %swap3A_347, %swap3A_348] {strides = array<i32>} : memref<2x2x128xi32, #tpu.memory_space<vmem>>, vector<1x1x16xi32>,
        %swap3A_350 = vector.shape_cast %swap3A_349 : vector<1x1x16xi32> to vector<16xi32>
        %swap3A_351 = vector.shape_cast %shift_right_logical3A_344 : vector<16xi32> to vector<1x1x16xi32>
        tpu.vector_store %arg6[%swap3A_346, %swap3A_347, %swap3A_348], %swap3A_351 {strides = array<i32>} : memref<2x2x128xi32, #tpu.memory_space<vmem>>, vector<1x1x16xi32>,
        %and3A_352 = arith.constant 65535 : i32
        %and3A_353 = vector.broadcast %and3A_352 : i32 to vector<16xi32>
        %and3A_354 = arith.andi %get3A_341, %and3A_353 : vector<16xi32>
        %swap3A_355 = arith.constant 1 : i32
        %swap3A_356 = arith.index_cast %sub3A_257 : i32 to index
        %swap3A_357 = arith.index_cast %swap3A_355 : i32 to index
        %swap3A_358 = arith.constant 32 : index
        %swap3A_359 = tpu.vector_load %arg6[%swap3A_356, %swap3A_357, %swap3A_358] {strides = array<i32>} : memref<2x2x128xi32, #tpu.memory_space<vmem>>, vector<1x1x16xi32>,
        %swap3A_360 = vector.shape_cast %swap3A_359 : vector<1x1x16xi32> to vector<16xi32>
        %swap3A_361 = vector.shape_cast %and3A_354 : vector<16xi32> to vector<1x1x16xi32>
        tpu.vector_store %arg6[%swap3A_356, %swap3A_357, %swap3A_358], %swap3A_361 {strides = array<i32>} : memref<2x2x128xi32, #tpu.memory_space<vmem>>, vector<1x1x16xi32>,
        %get3A_362 = arith.index_cast %add3A_289 : i32 to index
        %get3A_363 = arith.constant 48 : index
        %get3A_364 = tpu.vector_load %arg5[%get3A_362, %get3A_363] {strides = array<i32>} : memref<79x128xi32, #tpu.memory_space<vmem>>, vector<1x16xi32>,
        %get3A_365 = vector.shape_cast %get3A_364 : vector<1x16xi32> to vector<16xi32>
        %shift_right_logical3A_366 = arith.constant 16 : i32
        %shift_right_logical3A_367 = vector.broadcast %shift_right_logical3A_366 : i32 to vector<16xi32>
        %shift_right_logical3A_368 = arith.shrui %get3A_365, %shift_right_logical3A_367 : vector<16xi32>
        %swap3A_369 = arith.constant 0 : i32
        %swap3A_370 = arith.index_cast %sub3A_257 : i32 to index
        %swap3A_371 = arith.index_cast %swap3A_369 : i32 to index
        %swap3A_372 = arith.constant 48 : index
        %swap3A_373 = tpu.vector_load %arg6[%swap3A_370, %swap3A_371, %swap3A_372] {strides = array<i32>} : memref<2x2x128xi32, #tpu.memory_space<vmem>>, vector<1x1x16xi32>,
        %swap3A_374 = vector.shape_cast %swap3A_373 : vector<1x1x16xi32> to vector<16xi32>
        %swap3A_375 = vector.shape_cast %shift_right_logical3A_368 : vector<16xi32> to vector<1x1x16xi32>
        tpu.vector_store %arg6[%swap3A_370, %swap3A_371, %swap3A_372], %swap3A_375 {strides = array<i32>} : memref<2x2x128xi32, #tpu.memory_space<vmem>>, vector<1x1x16xi32>,
        %and3A_376 = arith.constant 65535 : i32
        %and3A_377 = vector.broadcast %and3A_376 : i32 to vector<16xi32>
        %and3A_378 = arith.andi %get3A_365, %and3A_377 : vector<16xi32>
        %swap3A_379 = arith.constant 1 : i32
        %swap3A_380 = arith.index_cast %sub3A_257 : i32 to index
        %swap3A_381 = arith.index_cast %swap3A_379 : i32 to index
        %swap3A_382 = arith.constant 48 : index
        %swap3A_383 = tpu.vector_load %arg6[%swap3A_380, %swap3A_381, %swap3A_382] {strides = array<i32>} : memref<2x2x128xi32, #tpu.memory_space<vmem>>, vector<1x1x16xi32>,
        %swap3A_384 = vector.shape_cast %swap3A_383 : vector<1x1x16xi32> to vector<16xi32>
        %swap3A_385 = vector.shape_cast %and3A_378 : vector<16xi32> to vector<1x1x16xi32>
        tpu.vector_store %arg6[%swap3A_380, %swap3A_381, %swap3A_382], %swap3A_385 {strides = array<i32>} : memref<2x2x128xi32, #tpu.memory_space<vmem>>, vector<1x1x16xi32>,
        %get3A_386 = arith.index_cast %add3A_289 : i32 to index
        %get3A_387 = arith.constant 64 : index
        %get3A_388 = tpu.vector_load %arg5[%get3A_386, %get3A_387] {strides = array<i32>} : memref<79x128xi32, #tpu.memory_space<vmem>>, vector<1x16xi32>,
        %get3A_389 = vector.shape_cast %get3A_388 : vector<1x16xi32> to vector<16xi32>
        %shift_right_logical3A_390 = arith.constant 16 : i32
        %shift_right_logical3A_391 = vector.broadcast %shift_right_logical3A_390 : i32 to vector<16xi32>
        %shift_right_logical3A_392 = arith.shrui %get3A_389, %shift_right_logical3A_391 : vector<16xi32>
        %swap3A_393 = arith.constant 0 : i32
        %swap3A_394 = arith.index_cast %sub3A_257 : i32 to index
        %swap3A_395 = arith.index_cast %swap3A_393 : i32 to index
        %swap3A_396 = arith.constant 64 : index
        %swap3A_397 = tpu.vector_load %arg6[%swap3A_394, %swap3A_395, %swap3A_396] {strides = array<i32>} : memref<2x2x128xi32, #tpu.memory_space<vmem>>, vector<1x1x16xi32>,
        %swap3A_398 = vector.shape_cast %swap3A_397 : vector<1x1x16xi32> to vector<16xi32>
        %swap3A_399 = vector.shape_cast %shift_right_logical3A_392 : vector<16xi32> to vector<1x1x16xi32>
        tpu.vector_store %arg6[%swap3A_394, %swap3A_395, %swap3A_396], %swap3A_399 {strides = array<i32>} : memref<2x2x128xi32, #tpu.memory_space<vmem>>, vector<1x1x16xi32>,
        %and3A_400 = arith.constant 65535 : i32
        %and3A_401 = vector.broadcast %and3A_400 : i32 to vector<16xi32>
        %and3A_402 = arith.andi %get3A_389, %and3A_401 : vector<16xi32>
        %swap3A_403 = arith.constant 1 : i32
        %swap3A_404 = arith.index_cast %sub3A_257 : i32 to index
        %swap3A_405 = arith.index_cast %swap3A_403 : i32 to index
        %swap3A_406 = arith.constant 64 : index
        %swap3A_407 = tpu.vector_load %arg6[%swap3A_404, %swap3A_405, %swap3A_406] {strides = array<i32>} : memref<2x2x128xi32, #tpu.memory_space<vmem>>, vector<1x1x16xi32>,
        %swap3A_408 = vector.shape_cast %swap3A_407 : vector<1x1x16xi32> to vector<16xi32>
        %swap3A_409 = vector.shape_cast %and3A_402 : vector<16xi32> to vector<1x1x16xi32>
        tpu.vector_store %arg6[%swap3A_404, %swap3A_405, %swap3A_406], %swap3A_409 {strides = array<i32>} : memref<2x2x128xi32, #tpu.memory_space<vmem>>, vector<1x1x16xi32>,
        %get3A_410 = arith.index_cast %add3A_289 : i32 to index
        %get3A_411 = arith.constant 80 : index
        %get3A_412 = tpu.vector_load %arg5[%get3A_410, %get3A_411] {strides = array<i32>} : memref<79x128xi32, #tpu.memory_space<vmem>>, vector<1x16xi32>,
        %get3A_413 = vector.shape_cast %get3A_412 : vector<1x16xi32> to vector<16xi32>
        %shift_right_logical3A_414 = arith.constant 16 : i32
        %shift_right_logical3A_415 = vector.broadcast %shift_right_logical3A_414 : i32 to vector<16xi32>
        %shift_right_logical3A_416 = arith.shrui %get3A_413, %shift_right_logical3A_415 : vector<16xi32>
        %swap3A_417 = arith.constant 0 : i32
        %swap3A_418 = arith.index_cast %sub3A_257 : i32 to index
        %swap3A_419 = arith.index_cast %swap3A_417 : i32 to index
        %swap3A_420 = arith.constant 80 : index
        %swap3A_421 = tpu.vector_load %arg6[%swap3A_418, %swap3A_419, %swap3A_420] {strides = array<i32>} : memref<2x2x128xi32, #tpu.memory_space<vmem>>, vector<1x1x16xi32>,
        %swap3A_422 = vector.shape_cast %swap3A_421 : vector<1x1x16xi32> to vector<16xi32>
        %swap3A_423 = vector.shape_cast %shift_right_logical3A_416 : vector<16xi32> to vector<1x1x16xi32>
        tpu.vector_store %arg6[%swap3A_418, %swap3A_419, %swap3A_420], %swap3A_423 {strides = array<i32>} : memref<2x2x128xi32, #tpu.memory_space<vmem>>, vector<1x1x16xi32>,
        %and3A_424 = arith.constant 65535 : i32
        %and3A_425 = vector.broadcast %and3A_424 : i32 to vector<16xi32>
        %and3A_426 = arith.andi %get3A_413, %and3A_425 : vector<16xi32>
        %swap3A_427 = arith.constant 1 : i32
        %swap3A_428 = arith.index_cast %sub3A_257 : i32 to index
        %swap3A_429 = arith.index_cast %swap3A_427 : i32 to index
        %swap3A_430 = arith.constant 80 : index
        %swap3A_431 = tpu.vector_load %arg6[%swap3A_428, %swap3A_429, %swap3A_430] {strides = array<i32>} : memref<2x2x128xi32, #tpu.memory_space<vmem>>, vector<1x1x16xi32>,
        %swap3A_432 = vector.shape_cast %swap3A_431 : vector<1x1x16xi32> to vector<16xi32>
        %swap3A_433 = vector.shape_cast %and3A_426 : vector<16xi32> to vector<1x1x16xi32>
        tpu.vector_store %arg6[%swap3A_428, %swap3A_429, %swap3A_430], %swap3A_433 {strides = array<i32>} : memref<2x2x128xi32, #tpu.memory_space<vmem>>, vector<1x1x16xi32>,
        %get3A_434 = arith.index_cast %add3A_289 : i32 to index
        %get3A_435 = arith.constant 96 : index
        %get3A_436 = tpu.vector_load %arg5[%get3A_434, %get3A_435] {strides = array<i32>} : memref<79x128xi32, #tpu.memory_space<vmem>>, vector<1x16xi32>,
        %get3A_437 = vector.shape_cast %get3A_436 : vector<1x16xi32> to vector<16xi32>
        %shift_right_logical3A_438 = arith.constant 16 : i32
        %shift_right_logical3A_439 = vector.broadcast %shift_right_logical3A_438 : i32 to vector<16xi32>
        %shift_right_logical3A_440 = arith.shrui %get3A_437, %shift_right_logical3A_439 : vector<16xi32>
        %swap3A_441 = arith.constant 0 : i32
        %swap3A_442 = arith.index_cast %sub3A_257 : i32 to index
        %swap3A_443 = arith.index_cast %swap3A_441 : i32 to index
        %swap3A_444 = arith.constant 96 : index
        %swap3A_445 = tpu.vector_load %arg6[%swap3A_442, %swap3A_443, %swap3A_444] {strides = array<i32>} : memref<2x2x128xi32, #tpu.memory_space<vmem>>, vector<1x1x16xi32>,
        %swap3A_446 = vector.shape_cast %swap3A_445 : vector<1x1x16xi32> to vector<16xi32>
        %swap3A_447 = vector.shape_cast %shift_right_logical3A_440 : vector<16xi32> to vector<1x1x16xi32>
        tpu.vector_store %arg6[%swap3A_442, %swap3A_443, %swap3A_444], %swap3A_447 {strides = array<i32>} : memref<2x2x128xi32, #tpu.memory_space<vmem>>, vector<1x1x16xi32>,
        %and3A_448 = arith.constant 65535 : i32
        %and3A_449 = vector.broadcast %and3A_448 : i32 to vector<16xi32>
        %and3A_450 = arith.andi %get3A_437, %and3A_449 : vector<16xi32>
        %swap3A_451 = arith.constant 1 : i32
        %swap3A_452 = arith.index_cast %sub3A_257 : i32 to index
        %swap3A_453 = arith.index_cast %swap3A_451 : i32 to index
        %swap3A_454 = arith.constant 96 : index
        %swap3A_455 = tpu.vector_load %arg6[%swap3A_452, %swap3A_453, %swap3A_454] {strides = array<i32>} : memref<2x2x128xi32, #tpu.memory_space<vmem>>, vector<1x1x16xi32>,
        %swap3A_456 = vector.shape_cast %swap3A_455 : vector<1x1x16xi32> to vector<16xi32>
        %swap3A_457 = vector.shape_cast %and3A_450 : vector<16xi32> to vector<1x1x16xi32>
        tpu.vector_store %arg6[%swap3A_452, %swap3A_453, %swap3A_454], %swap3A_457 {strides = array<i32>} : memref<2x2x128xi32, #tpu.memory_space<vmem>>, vector<1x1x16xi32>,
        %get3A_458 = arith.index_cast %add3A_289 : i32 to index
        %get3A_459 = arith.constant 112 : index
        %get3A_460 = tpu.vector_load %arg5[%get3A_458, %get3A_459] {strides = array<i32>} : memref<79x128xi32, #tpu.memory_space<vmem>>, vector<1x16xi32>,
        %get3A_461 = vector.shape_cast %get3A_460 : vector<1x16xi32> to vector<16xi32>
        %shift_right_logical3A_462 = arith.constant 16 : i32
        %shift_right_logical3A_463 = vector.broadcast %shift_right_logical3A_462 : i32 to vector<16xi32>
        %shift_right_logical3A_464 = arith.shrui %get3A_461, %shift_right_logical3A_463 : vector<16xi32>
        %swap3A_465 = arith.constant 0 : i32
        %swap3A_466 = arith.index_cast %sub3A_257 : i32 to index
        %swap3A_467 = arith.index_cast %swap3A_465 : i32 to index
        %swap3A_468 = arith.constant 112 : index
        %swap3A_469 = tpu.vector_load %arg6[%swap3A_466, %swap3A_467, %swap3A_468] {strides = array<i32>} : memref<2x2x128xi32, #tpu.memory_space<vmem>>, vector<1x1x16xi32>,
        %swap3A_470 = vector.shape_cast %swap3A_469 : vector<1x1x16xi32> to vector<16xi32>
        %swap3A_471 = vector.shape_cast %shift_right_logical3A_464 : vector<16xi32> to vector<1x1x16xi32>
        tpu.vector_store %arg6[%swap3A_466, %swap3A_467, %swap3A_468], %swap3A_471 {strides = array<i32>} : memref<2x2x128xi32, #tpu.memory_space<vmem>>, vector<1x1x16xi32>,
        %and3A_472 = arith.constant 65535 : i32
        %and3A_473 = vector.broadcast %and3A_472 : i32 to vector<16xi32>
        %and3A_474 = arith.andi %get3A_461, %and3A_473 : vector<16xi32>
        %swap3A_475 = arith.constant 1 : i32
        %swap3A_476 = arith.index_cast %sub3A_257 : i32 to index
        %swap3A_477 = arith.index_cast %swap3A_475 : i32 to index
        %swap3A_478 = arith.constant 112 : index
        %swap3A_479 = tpu.vector_load %arg6[%swap3A_476, %swap3A_477, %swap3A_478] {strides = array<i32>} : memref<2x2x128xi32, #tpu.memory_space<vmem>>, vector<1x1x16xi32>,
        %swap3A_480 = vector.shape_cast %swap3A_479 : vector<1x1x16xi32> to vector<16xi32>
        %swap3A_481 = vector.shape_cast %and3A_474 : vector<16xi32> to vector<1x1x16xi32>
        tpu.vector_store %arg6[%swap3A_476, %swap3A_477, %swap3A_478], %swap3A_481 {strides = array<i32>} : memref<2x2x128xi32, #tpu.memory_space<vmem>>, vector<1x1x16xi32>,
        %dma_start3A_482 = arith.constant 0 : i32
        %dma_start3A_483 = arith.constant 0 : i32
        %dma_start3A_484 = arith.constant 0 : i32
        %dma_start3A_485 = tpu.memref_slice %arg7[%sub3A_257, %dma_start3A_483, %dma_start3A_484] : memref<2x128x128xf32, #tpu.memory_space<vmem>> -> memref<1x128x128xf32, #tpu.memory_space<vmem>>
        %dma_start3A_486 = tpu.memref_squeeze %dma_start3A_485 : memref<1x128x128xf32, #tpu.memory_space<vmem>> -> memref<128x128xf32, #tpu.memory_space<vmem>>
        %dma_start3A_487 = arith.constant 0 : i32
        %dma_start3A_488 = tpu.memref_slice %arg6[%sub3A_257, %dma_start3A_482, %dma_start3A_487] : memref<2x2x128xi32, #tpu.memory_space<vmem>> -> memref<1x1x128xi32, #tpu.memory_space<vmem>>
        %dma_start3A_489 = tpu.memref_squeeze %dma_start3A_488 : memref<1x1x128xi32, #tpu.memory_space<vmem>> -> memref<128xi32, #tpu.memory_space<vmem>>
        %dma_start3A_490 = arith.constant 0 : i32
        %dma_start3A_491 = arith.constant 0 : i32
        %dma_start3A_492 = tpu.memref_slice %arg2[%dma_start3A_490, %dma_start3A_491] : memref<10240x128xf32, #tpu.memory_space<hbm>> -> memref<10240x128xf32, #tpu.memory_space<hbm>>
        tpu.enqueue_indirect_dma source(%dma_start3A_492 : memref<10240x128xf32, #tpu.memory_space<hbm>>) target(%dma_start3A_486 : memref<128x128xf32, #tpu.memory_space<vmem>>) offsets(%dma_start3A_489 : memref<128xi32, #tpu.memory_space<vmem>>) semaphore(%arg9 : memref<!tpu.dma_semaphore, #tpu.memory_space<semaphore_mem>>)
      } else {
      }
    }
    %scan3A_233 = arith.constant 79 : i32
    %rem3A = arith.constant 78 : i32
    %rem3A_234 = arith.constant 2 : i32
    %rem3A_235 = arith.remsi %rem3A, %rem3A_234 : i32
    %rem3A_236 = arith.constant 78 : i32
    %rem3A_237 = arith.constant 2 : i32
    %rem3A_238 = arith.remsi %rem3A_236, %rem3A_237 : i32
    %dma_wait3A = arith.constant 1 : i32
    %dma_wait3A_239 = arith.constant 0 : i32
    %dma_wait3A_240 = arith.constant 0 : i32
    %dma_wait3A_241 = tpu.memref_slice %arg7[%rem3A_235, %dma_wait3A_239, %dma_wait3A_240] : memref<2x128x128xf32, #tpu.memory_space<vmem>> -> memref<1x128x128xf32, #tpu.memory_space<vmem>>
    %dma_wait3A_242 = tpu.memref_squeeze %dma_wait3A_241 : memref<1x128x128xf32, #tpu.memory_space<vmem>> -> memref<128x128xf32, #tpu.memory_space<vmem>>
    %dma_wait3A_243 = arith.constant 0 : i32
    %dma_wait3A_244 = tpu.memref_slice %arg6[%rem3A_238, %dma_wait3A, %dma_wait3A_243] : memref<2x2x128xi32, #tpu.memory_space<vmem>> -> memref<1x1x128xi32, #tpu.memory_space<vmem>>
    %dma_wait3A_245 = tpu.memref_squeeze %dma_wait3A_244 : memref<1x1x128xi32, #tpu.memory_space<vmem>> -> memref<128xi32, #tpu.memory_space<vmem>>
    %dma_wait3A_246 = arith.constant 0 : i32
    %dma_wait3A_247 = arith.constant 0 : i32
    %dma_wait3A_248 = tpu.memref_slice %arg8[%dma_wait3A_246, %dma_wait3A_247] : memref<10240x128xf32, #tpu.memory_space<vmem_shared>> -> memref<10240x128xf32, #tpu.memory_space<vmem_shared>>
    tpu.wait_indirect_dma semaphore(%arg10 : memref<!tpu.dma_semaphore, #tpu.memory_space<semaphore_mem>>) src(%dma_wait3A_242 : memref<128x128xf32, #tpu.memory_space<vmem>>) dst(%dma_wait3A_248 : memref<10240x128xf32, #tpu.memory_space<vmem_shared>>)
    %barrier3A_249 = arith.constant 0 : index
    tpu.barrier barrier_id(%barrier3A_249)
    %mul3A_250 = arith.constant 640 : i32
    %mul3A_251 = arith.muli %arg1, %mul3A_250 : i32
    %mul3A_252 = arith.constant 640 : i32
    %mul3A_253 = arith.muli %arg1, %mul3A_252 : i32
    "tpu.region"() ({
      %run_scoped3A = tpu.sem_alloc : memref<!tpu.dma_semaphore, #tpu.memory_space<semaphore_mem>>
      %dma_start3A_254 = arith.constant 0 : i32
      %dma_start3A_255 = tpu.memref_slice %arg4[%arg0, %mul3A_253, %dma_start3A_254] : memref<2x10240x128xf32, #tpu.memory_space<hbm>> -> memref<1x640x128xf32, #tpu.memory_space<hbm>>
      %dma_start3A_256 = tpu.memref_squeeze %dma_start3A_255 : memref<1x640x128xf32, #tpu.memory_space<hbm>> -> memref<640x128xf32, #tpu.memory_space<hbm>>
      %dma_start3A_257 = arith.constant 0 : i32
      %dma_start3A_258 = tpu.memref_slice %arg8[%mul3A_251, %dma_start3A_257] : memref<10240x128xf32, #tpu.memory_space<vmem_shared>> -> memref<640x128xf32, #tpu.memory_space<vmem_shared>>
      tpu.enqueue_dma source(%dma_start3A_258 : memref<640x128xf32, #tpu.memory_space<vmem_shared>>) target(%dma_start3A_256 : memref<640x128xf32, #tpu.memory_space<hbm>>) target_semaphore(%run_scoped3A : memref<!tpu.dma_semaphore, #tpu.memory_space<semaphore_mem>>)
      %dma_wait3A_259 = arith.constant 0 : i32
      %dma_wait3A_260 = tpu.memref_slice %arg4[%arg0, %mul3A_253, %dma_wait3A_259] : memref<2x10240x128xf32, #tpu.memory_space<hbm>> -> memref<1x640x128xf32, #tpu.memory_space<hbm>>
      %dma_wait3A_261 = tpu.memref_squeeze %dma_wait3A_260 : memref<1x640x128xf32, #tpu.memory_space<hbm>> -> memref<640x128xf32, #tpu.memory_space<hbm>>
      %dma_wait3A_262 = arith.constant 0 : i32
      %dma_wait3A_263 = tpu.memref_slice %arg8[%mul3A_251, %dma_wait3A_262] : memref<10240x128xf32, #tpu.memory_space<vmem_shared>> -> memref<640x128xf32, #tpu.memory_space<vmem_shared>>
      tpu.wait_dma2 semaphore(%run_scoped3A : memref<!tpu.dma_semaphore, #tpu.memory_space<semaphore_mem>>) src(%dma_wait3A_263 : memref<640x128xf32, #tpu.memory_space<vmem_shared>>) dst(%dma_wait3A_261 : memref<640x128xf32, #tpu.memory_space<hbm>>)
      tpu.yield
    }) : () -> ()
    return
  }
}

#map = affine_map<(d0, d1) -> (0, 0)>
#map1 = affine_map<(d0, d1) -> (0, 0, 0)>
module attributes {stable_mosaic.version = 14 : i64} {
  func.func @_agg_kernel(%arg0: i32, %arg1: i32, %arg2: memref<10240x128xf32, #tpu.memory_space<hbm>>, %arg3: memref<32x79x128xi32, #tpu.memory_space<hbm>>, %arg4: memref<2x10240x128xf32, #tpu.memory_space<hbm>>, %arg5: memref<79x128xi32, #tpu.memory_space<vmem>>, %arg6: memref<2x2x128xi32, #tpu.memory_space<vmem>>, %arg7: memref<2x128x128xf32, #tpu.memory_space<vmem>>, %arg8: memref<10240x128xf32, #tpu.memory_space<vmem_shared>>, %arg9: memref<!tpu.dma_semaphore, #tpu.memory_space<semaphore_mem>>, %arg10: memref<!tpu.dma_semaphore, #tpu.memory_space<semaphore_mem>>) attributes {dimension_semantics = [#tpu.dimension_semantics<core_parallel>, #tpu.dimension_semantics<subcore_parallel>], iteration_bounds = array<i64: 2, 16>, scalar_prefetch = 0 : i64, scratch_operands = 6 : i64, tpu.core_type = #tpu.core_type<sc_vector_subcore>, window_params = [{transform_indices = #map}, {transform_indices = #map1}, {transform_indices = #map1}]} {
    %mul3A = arith.constant 16 : i32
    %mul3A_0 = arith.muli %arg0, %mul3A : i32
    %add3A = arith.addi %mul3A_0, %arg1 : i32
    "tpu.region"() ({
      %run_scoped3A = tpu.sem_alloc : memref<!tpu.dma_semaphore, #tpu.memory_space<semaphore_mem>>
      %dma_start3A_254 = arith.constant 0 : i32
      %dma_start3A_255 = arith.constant 0 : i32
      %dma_start3A_256 = tpu.memref_slice %arg3[%add3A, %dma_start3A_254, %dma_start3A_255] : memref<32x79x128xi32, #tpu.memory_space<hbm>> -> memref<1x79x128xi32, #tpu.memory_space<hbm>>
      %dma_start3A_257 = tpu.memref_squeeze %dma_start3A_256 : memref<1x79x128xi32, #tpu.memory_space<hbm>> -> memref<79x128xi32, #tpu.memory_space<hbm>>
      %dma_start3A_258 = arith.constant 0 : i32
      %dma_start3A_259 = arith.constant 0 : i32
      %dma_start3A_260 = tpu.memref_slice %arg3[%add3A, %dma_start3A_258, %dma_start3A_259] : memref<32x79x128xi32, #tpu.memory_space<hbm>> -> memref<1x79x128xi32, #tpu.memory_space<hbm>>
      %dma_start3A_261 = tpu.memref_squeeze %dma_start3A_260 : memref<1x79x128xi32, #tpu.memory_space<hbm>> -> memref<79x128xi32, #tpu.memory_space<hbm>>
      tpu.enqueue_dma source(%dma_start3A_261 : memref<79x128xi32, #tpu.memory_space<hbm>>) target(%arg5 : memref<79x128xi32, #tpu.memory_space<vmem>>) target_semaphore(%run_scoped3A : memref<!tpu.dma_semaphore, #tpu.memory_space<semaphore_mem>>)
      %dma_wait3A_262 = arith.constant 0 : i32
      %dma_wait3A_263 = arith.constant 0 : i32
      %dma_wait3A_264 = tpu.memref_slice %arg3[%add3A, %dma_wait3A_262, %dma_wait3A_263] : memref<32x79x128xi32, #tpu.memory_space<hbm>> -> memref<1x79x128xi32, #tpu.memory_space<hbm>>
      %dma_wait3A_265 = tpu.memref_squeeze %dma_wait3A_264 : memref<1x79x128xi32, #tpu.memory_space<hbm>> -> memref<79x128xi32, #tpu.memory_space<hbm>>
      %dma_wait3A_266 = arith.constant 0 : i32
      %dma_wait3A_267 = arith.constant 0 : i32
      %dma_wait3A_268 = tpu.memref_slice %arg3[%add3A, %dma_wait3A_266, %dma_wait3A_267] : memref<32x79x128xi32, #tpu.memory_space<hbm>> -> memref<1x79x128xi32, #tpu.memory_space<hbm>>
      %dma_wait3A_269 = tpu.memref_squeeze %dma_wait3A_268 : memref<1x79x128xi32, #tpu.memory_space<hbm>> -> memref<79x128xi32, #tpu.memory_space<hbm>>
      tpu.wait_dma2 semaphore(%run_scoped3A : memref<!tpu.dma_semaphore, #tpu.memory_space<semaphore_mem>>) src(%dma_wait3A_269 : memref<79x128xi32, #tpu.memory_space<hbm>>) dst(%arg5 : memref<79x128xi32, #tpu.memory_space<vmem>>)
      tpu.yield
    }) : () -> ()
    %mul3A_1 = arith.constant 640 : i32
    %mul3A_2 = arith.muli %arg1, %mul3A_1 : i32
    %mul3A_3 = arith.constant 640 : i32
    %mul3A_4 = arith.muli %arg1, %mul3A_3 : i32
    "tpu.region"() ({
      %run_scoped3A = tpu.sem_alloc : memref<!tpu.dma_semaphore, #tpu.memory_space<semaphore_mem>>
      %dma_start3A_254 = arith.constant 0 : i32
      %dma_start3A_255 = tpu.memref_slice %arg8[%mul3A_4, %dma_start3A_254] : memref<10240x128xf32, #tpu.memory_space<vmem_shared>> -> memref<640x128xf32, #tpu.memory_space<vmem_shared>>
      %dma_start3A_256 = arith.constant 0 : i32
      %dma_start3A_257 = tpu.memref_slice %arg2[%mul3A_2, %dma_start3A_256] : memref<10240x128xf32, #tpu.memory_space<hbm>> -> memref<640x128xf32, #tpu.memory_space<hbm>>
      tpu.enqueue_dma source(%dma_start3A_257 : memref<640x128xf32, #tpu.memory_space<hbm>>) target(%dma_start3A_255 : memref<640x128xf32, #tpu.memory_space<vmem_shared>>) target_semaphore(%run_scoped3A : memref<!tpu.dma_semaphore, #tpu.memory_space<semaphore_mem>>)
      %dma_wait3A_258 = arith.constant 0 : i32
      %dma_wait3A_259 = tpu.memref_slice %arg8[%mul3A_4, %dma_wait3A_258] : memref<10240x128xf32, #tpu.memory_space<vmem_shared>> -> memref<640x128xf32, #tpu.memory_space<vmem_shared>>
      %dma_wait3A_260 = arith.constant 0 : i32
      %dma_wait3A_261 = tpu.memref_slice %arg2[%mul3A_2, %dma_wait3A_260] : memref<10240x128xf32, #tpu.memory_space<hbm>> -> memref<640x128xf32, #tpu.memory_space<hbm>>
      tpu.wait_dma2 semaphore(%run_scoped3A : memref<!tpu.dma_semaphore, #tpu.memory_space<semaphore_mem>>) src(%dma_wait3A_261 : memref<640x128xf32, #tpu.memory_space<hbm>>) dst(%dma_wait3A_259 : memref<640x128xf32, #tpu.memory_space<vmem_shared>>)
      tpu.yield
    }) : () -> ()
    %get3A = arith.constant 0 : i32
    %get3A_5 = arith.index_cast %get3A : i32 to index
    %get3A_6 = arith.constant 0 : index
    %get3A_7 = tpu.vector_load %arg5[%get3A_5, %get3A_6] {strides = array<i32>} : memref<79x128xi32, #tpu.memory_space<vmem>>, vector<1x16xi32>,
    %get3A_8 = vector.shape_cast %get3A_7 : vector<1x16xi32> to vector<16xi32>
    %shift_right_logical3A = arith.constant 16 : i32
    %shift_right_logical3A_9 = vector.broadcast %shift_right_logical3A : i32 to vector<16xi32>
    %shift_right_logical3A_10 = arith.shrui %get3A_8, %shift_right_logical3A_9 : vector<16xi32>
    %swap3A = arith.constant 0 : i32
    %swap3A_11 = arith.constant 0 : i32
    %swap3A_12 = arith.index_cast %swap3A : i32 to index
    %swap3A_13 = arith.index_cast %swap3A_11 : i32 to index
    %swap3A_14 = arith.constant 0 : index
    %swap3A_15 = tpu.vector_load %arg6[%swap3A_12, %swap3A_13, %swap3A_14] {strides = array<i32>} : memref<2x2x128xi32, #tpu.memory_space<vmem>>, vector<1x1x16xi32>,
    %swap3A_16 = vector.shape_cast %swap3A_15 : vector<1x1x16xi32> to vector<16xi32>
    %swap3A_17 = vector.shape_cast %shift_right_logical3A_10 : vector<16xi32> to vector<1x1x16xi32>
    tpu.vector_store %arg6[%swap3A_12, %swap3A_13, %swap3A_14], %swap3A_17 {strides = array<i32>} : memref<2x2x128xi32, #tpu.memory_space<vmem>>, vector<1x1x16xi32>,
    %and3A = arith.constant 65535 : i32
    %and3A_18 = vector.broadcast %and3A : i32 to vector<16xi32>
    %and3A_19 = arith.andi %get3A_8, %and3A_18 : vector<16xi32>
    %swap3A_20 = arith.constant 0 : i32
    %swap3A_21 = arith.constant 1 : i32
    %swap3A_22 = arith.index_cast %swap3A_20 : i32 to index
    %swap3A_23 = arith.index_cast %swap3A_21 : i32 to index
    %swap3A_24 = arith.constant 0 : index
    %swap3A_25 = tpu.vector_load %arg6[%swap3A_22, %swap3A_23, %swap3A_24] {strides = array<i32>} : memref<2x2x128xi32, #tpu.memory_space<vmem>>, vector<1x1x16xi32>,
    %swap3A_26 = vector.shape_cast %swap3A_25 : vector<1x1x16xi32> to vector<16xi32>
    %swap3A_27 = vector.shape_cast %and3A_19 : vector<16xi32> to vector<1x1x16xi32>
    tpu.vector_store %arg6[%swap3A_22, %swap3A_23, %swap3A_24], %swap3A_27 {strides = array<i32>} : memref<2x2x128xi32, #tpu.memory_space<vmem>>, vector<1x1x16xi32>,
    %get3A_28 = arith.constant 0 : i32
    %get3A_29 = arith.index_cast %get3A_28 : i32 to index
    %get3A_30 = arith.constant 16 : index
    %get3A_31 = tpu.vector_load %arg5[%get3A_29, %get3A_30] {strides = array<i32>} : memref<79x128xi32, #tpu.memory_space<vmem>>, vector<1x16xi32>,
    %get3A_32 = vector.shape_cast %get3A_31 : vector<1x16xi32> to vector<16xi32>
    %shift_right_logical3A_33 = arith.constant 16 : i32
    %shift_right_logical3A_34 = vector.broadcast %shift_right_logical3A_33 : i32 to vector<16xi32>
    %shift_right_logical3A_35 = arith.shrui %get3A_32, %shift_right_logical3A_34 : vector<16xi32>
    %swap3A_36 = arith.constant 0 : i32
    %swap3A_37 = arith.constant 0 : i32
    %swap3A_38 = arith.index_cast %swap3A_36 : i32 to index
    %swap3A_39 = arith.index_cast %swap3A_37 : i32 to index
    %swap3A_40 = arith.constant 16 : index
    %swap3A_41 = tpu.vector_load %arg6[%swap3A_38, %swap3A_39, %swap3A_40] {strides = array<i32>} : memref<2x2x128xi32, #tpu.memory_space<vmem>>, vector<1x1x16xi32>,
    %swap3A_42 = vector.shape_cast %swap3A_41 : vector<1x1x16xi32> to vector<16xi32>
    %swap3A_43 = vector.shape_cast %shift_right_logical3A_35 : vector<16xi32> to vector<1x1x16xi32>
    tpu.vector_store %arg6[%swap3A_38, %swap3A_39, %swap3A_40], %swap3A_43 {strides = array<i32>} : memref<2x2x128xi32, #tpu.memory_space<vmem>>, vector<1x1x16xi32>,
    %and3A_44 = arith.constant 65535 : i32
    %and3A_45 = vector.broadcast %and3A_44 : i32 to vector<16xi32>
    %and3A_46 = arith.andi %get3A_32, %and3A_45 : vector<16xi32>
    %swap3A_47 = arith.constant 0 : i32
    %swap3A_48 = arith.constant 1 : i32
    %swap3A_49 = arith.index_cast %swap3A_47 : i32 to index
    %swap3A_50 = arith.index_cast %swap3A_48 : i32 to index
    %swap3A_51 = arith.constant 16 : index
    %swap3A_52 = tpu.vector_load %arg6[%swap3A_49, %swap3A_50, %swap3A_51] {strides = array<i32>} : memref<2x2x128xi32, #tpu.memory_space<vmem>>, vector<1x1x16xi32>,
    %swap3A_53 = vector.shape_cast %swap3A_52 : vector<1x1x16xi32> to vector<16xi32>
    %swap3A_54 = vector.shape_cast %and3A_46 : vector<16xi32> to vector<1x1x16xi32>
    tpu.vector_store %arg6[%swap3A_49, %swap3A_50, %swap3A_51], %swap3A_54 {strides = array<i32>} : memref<2x2x128xi32, #tpu.memory_space<vmem>>, vector<1x1x16xi32>,
    %get3A_55 = arith.constant 0 : i32
    %get3A_56 = arith.index_cast %get3A_55 : i32 to index
    %get3A_57 = arith.constant 32 : index
    %get3A_58 = tpu.vector_load %arg5[%get3A_56, %get3A_57] {strides = array<i32>} : memref<79x128xi32, #tpu.memory_space<vmem>>, vector<1x16xi32>,
    %get3A_59 = vector.shape_cast %get3A_58 : vector<1x16xi32> to vector<16xi32>
    %shift_right_logical3A_60 = arith.constant 16 : i32
    %shift_right_logical3A_61 = vector.broadcast %shift_right_logical3A_60 : i32 to vector<16xi32>
    %shift_right_logical3A_62 = arith.shrui %get3A_59, %shift_right_logical3A_61 : vector<16xi32>
    %swap3A_63 = arith.constant 0 : i32
    %swap3A_64 = arith.constant 0 : i32
    %swap3A_65 = arith.index_cast %swap3A_63 : i32 to index
    %swap3A_66 = arith.index_cast %swap3A_64 : i32 to index
    %swap3A_67 = arith.constant 32 : index
    %swap3A_68 = tpu.vector_load %arg6[%swap3A_65, %swap3A_66, %swap3A_67] {strides = array<i32>} : memref<2x2x128xi32, #tpu.memory_space<vmem>>, vector<1x1x16xi32>,
    %swap3A_69 = vector.shape_cast %swap3A_68 : vector<1x1x16xi32> to vector<16xi32>
    %swap3A_70 = vector.shape_cast %shift_right_logical3A_62 : vector<16xi32> to vector<1x1x16xi32>
    tpu.vector_store %arg6[%swap3A_65, %swap3A_66, %swap3A_67], %swap3A_70 {strides = array<i32>} : memref<2x2x128xi32, #tpu.memory_space<vmem>>, vector<1x1x16xi32>,
    %and3A_71 = arith.constant 65535 : i32
    %and3A_72 = vector.broadcast %and3A_71 : i32 to vector<16xi32>
    %and3A_73 = arith.andi %get3A_59, %and3A_72 : vector<16xi32>
    %swap3A_74 = arith.constant 0 : i32
    %swap3A_75 = arith.constant 1 : i32
    %swap3A_76 = arith.index_cast %swap3A_74 : i32 to index
    %swap3A_77 = arith.index_cast %swap3A_75 : i32 to index
    %swap3A_78 = arith.constant 32 : index
    %swap3A_79 = tpu.vector_load %arg6[%swap3A_76, %swap3A_77, %swap3A_78] {strides = array<i32>} : memref<2x2x128xi32, #tpu.memory_space<vmem>>, vector<1x1x16xi32>,
    %swap3A_80 = vector.shape_cast %swap3A_79 : vector<1x1x16xi32> to vector<16xi32>
    %swap3A_81 = vector.shape_cast %and3A_73 : vector<16xi32> to vector<1x1x16xi32>
    tpu.vector_store %arg6[%swap3A_76, %swap3A_77, %swap3A_78], %swap3A_81 {strides = array<i32>} : memref<2x2x128xi32, #tpu.memory_space<vmem>>, vector<1x1x16xi32>,
    %get3A_82 = arith.constant 0 : i32
    %get3A_83 = arith.index_cast %get3A_82 : i32 to index
    %get3A_84 = arith.constant 48 : index
    %get3A_85 = tpu.vector_load %arg5[%get3A_83, %get3A_84] {strides = array<i32>} : memref<79x128xi32, #tpu.memory_space<vmem>>, vector<1x16xi32>,
    %get3A_86 = vector.shape_cast %get3A_85 : vector<1x16xi32> to vector<16xi32>
    %shift_right_logical3A_87 = arith.constant 16 : i32
    %shift_right_logical3A_88 = vector.broadcast %shift_right_logical3A_87 : i32 to vector<16xi32>
    %shift_right_logical3A_89 = arith.shrui %get3A_86, %shift_right_logical3A_88 : vector<16xi32>
    %swap3A_90 = arith.constant 0 : i32
    %swap3A_91 = arith.constant 0 : i32
    %swap3A_92 = arith.index_cast %swap3A_90 : i32 to index
    %swap3A_93 = arith.index_cast %swap3A_91 : i32 to index
    %swap3A_94 = arith.constant 48 : index
    %swap3A_95 = tpu.vector_load %arg6[%swap3A_92, %swap3A_93, %swap3A_94] {strides = array<i32>} : memref<2x2x128xi32, #tpu.memory_space<vmem>>, vector<1x1x16xi32>,
    %swap3A_96 = vector.shape_cast %swap3A_95 : vector<1x1x16xi32> to vector<16xi32>
    %swap3A_97 = vector.shape_cast %shift_right_logical3A_89 : vector<16xi32> to vector<1x1x16xi32>
    tpu.vector_store %arg6[%swap3A_92, %swap3A_93, %swap3A_94], %swap3A_97 {strides = array<i32>} : memref<2x2x128xi32, #tpu.memory_space<vmem>>, vector<1x1x16xi32>,
    %and3A_98 = arith.constant 65535 : i32
    %and3A_99 = vector.broadcast %and3A_98 : i32 to vector<16xi32>
    %and3A_100 = arith.andi %get3A_86, %and3A_99 : vector<16xi32>
    %swap3A_101 = arith.constant 0 : i32
    %swap3A_102 = arith.constant 1 : i32
    %swap3A_103 = arith.index_cast %swap3A_101 : i32 to index
    %swap3A_104 = arith.index_cast %swap3A_102 : i32 to index
    %swap3A_105 = arith.constant 48 : index
    %swap3A_106 = tpu.vector_load %arg6[%swap3A_103, %swap3A_104, %swap3A_105] {strides = array<i32>} : memref<2x2x128xi32, #tpu.memory_space<vmem>>, vector<1x1x16xi32>,
    %swap3A_107 = vector.shape_cast %swap3A_106 : vector<1x1x16xi32> to vector<16xi32>
    %swap3A_108 = vector.shape_cast %and3A_100 : vector<16xi32> to vector<1x1x16xi32>
    tpu.vector_store %arg6[%swap3A_103, %swap3A_104, %swap3A_105], %swap3A_108 {strides = array<i32>} : memref<2x2x128xi32, #tpu.memory_space<vmem>>, vector<1x1x16xi32>,
    %get3A_109 = arith.constant 0 : i32
    %get3A_110 = arith.index_cast %get3A_109 : i32 to index
    %get3A_111 = arith.constant 64 : index
    %get3A_112 = tpu.vector_load %arg5[%get3A_110, %get3A_111] {strides = array<i32>} : memref<79x128xi32, #tpu.memory_space<vmem>>, vector<1x16xi32>,
    %get3A_113 = vector.shape_cast %get3A_112 : vector<1x16xi32> to vector<16xi32>
    %shift_right_logical3A_114 = arith.constant 16 : i32
    %shift_right_logical3A_115 = vector.broadcast %shift_right_logical3A_114 : i32 to vector<16xi32>
    %shift_right_logical3A_116 = arith.shrui %get3A_113, %shift_right_logical3A_115 : vector<16xi32>
    %swap3A_117 = arith.constant 0 : i32
    %swap3A_118 = arith.constant 0 : i32
    %swap3A_119 = arith.index_cast %swap3A_117 : i32 to index
    %swap3A_120 = arith.index_cast %swap3A_118 : i32 to index
    %swap3A_121 = arith.constant 64 : index
    %swap3A_122 = tpu.vector_load %arg6[%swap3A_119, %swap3A_120, %swap3A_121] {strides = array<i32>} : memref<2x2x128xi32, #tpu.memory_space<vmem>>, vector<1x1x16xi32>,
    %swap3A_123 = vector.shape_cast %swap3A_122 : vector<1x1x16xi32> to vector<16xi32>
    %swap3A_124 = vector.shape_cast %shift_right_logical3A_116 : vector<16xi32> to vector<1x1x16xi32>
    tpu.vector_store %arg6[%swap3A_119, %swap3A_120, %swap3A_121], %swap3A_124 {strides = array<i32>} : memref<2x2x128xi32, #tpu.memory_space<vmem>>, vector<1x1x16xi32>,
    %and3A_125 = arith.constant 65535 : i32
    %and3A_126 = vector.broadcast %and3A_125 : i32 to vector<16xi32>
    %and3A_127 = arith.andi %get3A_113, %and3A_126 : vector<16xi32>
    %swap3A_128 = arith.constant 0 : i32
    %swap3A_129 = arith.constant 1 : i32
    %swap3A_130 = arith.index_cast %swap3A_128 : i32 to index
    %swap3A_131 = arith.index_cast %swap3A_129 : i32 to index
    %swap3A_132 = arith.constant 64 : index
    %swap3A_133 = tpu.vector_load %arg6[%swap3A_130, %swap3A_131, %swap3A_132] {strides = array<i32>} : memref<2x2x128xi32, #tpu.memory_space<vmem>>, vector<1x1x16xi32>,
    %swap3A_134 = vector.shape_cast %swap3A_133 : vector<1x1x16xi32> to vector<16xi32>
    %swap3A_135 = vector.shape_cast %and3A_127 : vector<16xi32> to vector<1x1x16xi32>
    tpu.vector_store %arg6[%swap3A_130, %swap3A_131, %swap3A_132], %swap3A_135 {strides = array<i32>} : memref<2x2x128xi32, #tpu.memory_space<vmem>>, vector<1x1x16xi32>,
    %get3A_136 = arith.constant 0 : i32
    %get3A_137 = arith.index_cast %get3A_136 : i32 to index
    %get3A_138 = arith.constant 80 : index
    %get3A_139 = tpu.vector_load %arg5[%get3A_137, %get3A_138] {strides = array<i32>} : memref<79x128xi32, #tpu.memory_space<vmem>>, vector<1x16xi32>,
    %get3A_140 = vector.shape_cast %get3A_139 : vector<1x16xi32> to vector<16xi32>
    %shift_right_logical3A_141 = arith.constant 16 : i32
    %shift_right_logical3A_142 = vector.broadcast %shift_right_logical3A_141 : i32 to vector<16xi32>
    %shift_right_logical3A_143 = arith.shrui %get3A_140, %shift_right_logical3A_142 : vector<16xi32>
    %swap3A_144 = arith.constant 0 : i32
    %swap3A_145 = arith.constant 0 : i32
    %swap3A_146 = arith.index_cast %swap3A_144 : i32 to index
    %swap3A_147 = arith.index_cast %swap3A_145 : i32 to index
    %swap3A_148 = arith.constant 80 : index
    %swap3A_149 = tpu.vector_load %arg6[%swap3A_146, %swap3A_147, %swap3A_148] {strides = array<i32>} : memref<2x2x128xi32, #tpu.memory_space<vmem>>, vector<1x1x16xi32>,
    %swap3A_150 = vector.shape_cast %swap3A_149 : vector<1x1x16xi32> to vector<16xi32>
    %swap3A_151 = vector.shape_cast %shift_right_logical3A_143 : vector<16xi32> to vector<1x1x16xi32>
    tpu.vector_store %arg6[%swap3A_146, %swap3A_147, %swap3A_148], %swap3A_151 {strides = array<i32>} : memref<2x2x128xi32, #tpu.memory_space<vmem>>, vector<1x1x16xi32>,
    %and3A_152 = arith.constant 65535 : i32
    %and3A_153 = vector.broadcast %and3A_152 : i32 to vector<16xi32>
    %and3A_154 = arith.andi %get3A_140, %and3A_153 : vector<16xi32>
    %swap3A_155 = arith.constant 0 : i32
    %swap3A_156 = arith.constant 1 : i32
    %swap3A_157 = arith.index_cast %swap3A_155 : i32 to index
    %swap3A_158 = arith.index_cast %swap3A_156 : i32 to index
    %swap3A_159 = arith.constant 80 : index
    %swap3A_160 = tpu.vector_load %arg6[%swap3A_157, %swap3A_158, %swap3A_159] {strides = array<i32>} : memref<2x2x128xi32, #tpu.memory_space<vmem>>, vector<1x1x16xi32>,
    %swap3A_161 = vector.shape_cast %swap3A_160 : vector<1x1x16xi32> to vector<16xi32>
    %swap3A_162 = vector.shape_cast %and3A_154 : vector<16xi32> to vector<1x1x16xi32>
    tpu.vector_store %arg6[%swap3A_157, %swap3A_158, %swap3A_159], %swap3A_162 {strides = array<i32>} : memref<2x2x128xi32, #tpu.memory_space<vmem>>, vector<1x1x16xi32>,
    %get3A_163 = arith.constant 0 : i32
    %get3A_164 = arith.index_cast %get3A_163 : i32 to index
    %get3A_165 = arith.constant 96 : index
    %get3A_166 = tpu.vector_load %arg5[%get3A_164, %get3A_165] {strides = array<i32>} : memref<79x128xi32, #tpu.memory_space<vmem>>, vector<1x16xi32>,
    %get3A_167 = vector.shape_cast %get3A_166 : vector<1x16xi32> to vector<16xi32>
    %shift_right_logical3A_168 = arith.constant 16 : i32
    %shift_right_logical3A_169 = vector.broadcast %shift_right_logical3A_168 : i32 to vector<16xi32>
    %shift_right_logical3A_170 = arith.shrui %get3A_167, %shift_right_logical3A_169 : vector<16xi32>
    %swap3A_171 = arith.constant 0 : i32
    %swap3A_172 = arith.constant 0 : i32
    %swap3A_173 = arith.index_cast %swap3A_171 : i32 to index
    %swap3A_174 = arith.index_cast %swap3A_172 : i32 to index
    %swap3A_175 = arith.constant 96 : index
    %swap3A_176 = tpu.vector_load %arg6[%swap3A_173, %swap3A_174, %swap3A_175] {strides = array<i32>} : memref<2x2x128xi32, #tpu.memory_space<vmem>>, vector<1x1x16xi32>,
    %swap3A_177 = vector.shape_cast %swap3A_176 : vector<1x1x16xi32> to vector<16xi32>
    %swap3A_178 = vector.shape_cast %shift_right_logical3A_170 : vector<16xi32> to vector<1x1x16xi32>
    tpu.vector_store %arg6[%swap3A_173, %swap3A_174, %swap3A_175], %swap3A_178 {strides = array<i32>} : memref<2x2x128xi32, #tpu.memory_space<vmem>>, vector<1x1x16xi32>,
    %and3A_179 = arith.constant 65535 : i32
    %and3A_180 = vector.broadcast %and3A_179 : i32 to vector<16xi32>
    %and3A_181 = arith.andi %get3A_167, %and3A_180 : vector<16xi32>
    %swap3A_182 = arith.constant 0 : i32
    %swap3A_183 = arith.constant 1 : i32
    %swap3A_184 = arith.index_cast %swap3A_182 : i32 to index
    %swap3A_185 = arith.index_cast %swap3A_183 : i32 to index
    %swap3A_186 = arith.constant 96 : index
    %swap3A_187 = tpu.vector_load %arg6[%swap3A_184, %swap3A_185, %swap3A_186] {strides = array<i32>} : memref<2x2x128xi32, #tpu.memory_space<vmem>>, vector<1x1x16xi32>,
    %swap3A_188 = vector.shape_cast %swap3A_187 : vector<1x1x16xi32> to vector<16xi32>
    %swap3A_189 = vector.shape_cast %and3A_181 : vector<16xi32> to vector<1x1x16xi32>
    tpu.vector_store %arg6[%swap3A_184, %swap3A_185, %swap3A_186], %swap3A_189 {strides = array<i32>} : memref<2x2x128xi32, #tpu.memory_space<vmem>>, vector<1x1x16xi32>,
    %get3A_190 = arith.constant 0 : i32
    %get3A_191 = arith.index_cast %get3A_190 : i32 to index
    %get3A_192 = arith.constant 112 : index
    %get3A_193 = tpu.vector_load %arg5[%get3A_191, %get3A_192] {strides = array<i32>} : memref<79x128xi32, #tpu.memory_space<vmem>>, vector<1x16xi32>,
    %get3A_194 = vector.shape_cast %get3A_193 : vector<1x16xi32> to vector<16xi32>
    %shift_right_logical3A_195 = arith.constant 16 : i32
    %shift_right_logical3A_196 = vector.broadcast %shift_right_logical3A_195 : i32 to vector<16xi32>
    %shift_right_logical3A_197 = arith.shrui %get3A_194, %shift_right_logical3A_196 : vector<16xi32>
    %swap3A_198 = arith.constant 0 : i32
    %swap3A_199 = arith.constant 0 : i32
    %swap3A_200 = arith.index_cast %swap3A_198 : i32 to index
    %swap3A_201 = arith.index_cast %swap3A_199 : i32 to index
    %swap3A_202 = arith.constant 112 : index
    %swap3A_203 = tpu.vector_load %arg6[%swap3A_200, %swap3A_201, %swap3A_202] {strides = array<i32>} : memref<2x2x128xi32, #tpu.memory_space<vmem>>, vector<1x1x16xi32>,
    %swap3A_204 = vector.shape_cast %swap3A_203 : vector<1x1x16xi32> to vector<16xi32>
    %swap3A_205 = vector.shape_cast %shift_right_logical3A_197 : vector<16xi32> to vector<1x1x16xi32>
    tpu.vector_store %arg6[%swap3A_200, %swap3A_201, %swap3A_202], %swap3A_205 {strides = array<i32>} : memref<2x2x128xi32, #tpu.memory_space<vmem>>, vector<1x1x16xi32>,
    %and3A_206 = arith.constant 65535 : i32
    %and3A_207 = vector.broadcast %and3A_206 : i32 to vector<16xi32>
    %and3A_208 = arith.andi %get3A_194, %and3A_207 : vector<16xi32>
    %swap3A_209 = arith.constant 0 : i32
    %swap3A_210 = arith.constant 1 : i32
    %swap3A_211 = arith.index_cast %swap3A_209 : i32 to index
    %swap3A_212 = arith.index_cast %swap3A_210 : i32 to index
    %swap3A_213 = arith.constant 112 : index
    %swap3A_214 = tpu.vector_load %arg6[%swap3A_211, %swap3A_212, %swap3A_213] {strides = array<i32>} : memref<2x2x128xi32, #tpu.memory_space<vmem>>, vector<1x1x16xi32>,
    %swap3A_215 = vector.shape_cast %swap3A_214 : vector<1x1x16xi32> to vector<16xi32>
    %swap3A_216 = vector.shape_cast %and3A_208 : vector<16xi32> to vector<1x1x16xi32>
    tpu.vector_store %arg6[%swap3A_211, %swap3A_212, %swap3A_213], %swap3A_216 {strides = array<i32>} : memref<2x2x128xi32, #tpu.memory_space<vmem>>, vector<1x1x16xi32>,
    %dma_start3A = arith.constant 0 : i32
    %dma_start3A_217 = arith.constant 0 : i32
    %dma_start3A_218 = arith.constant 0 : i32
    %dma_start3A_219 = arith.constant 0 : i32
    %dma_start3A_220 = arith.constant 0 : i32
    %dma_start3A_221 = tpu.memref_slice %arg7[%dma_start3A_218, %dma_start3A_219, %dma_start3A_220] : memref<2x128x128xf32, #tpu.memory_space<vmem>> -> memref<1x128x128xf32, #tpu.memory_space<vmem>>
    %dma_start3A_222 = tpu.memref_squeeze %dma_start3A_221 : memref<1x128x128xf32, #tpu.memory_space<vmem>> -> memref<128x128xf32, #tpu.memory_space<vmem>>
    %dma_start3A_223 = arith.constant 0 : i32
    %dma_start3A_224 = tpu.memref_slice %arg6[%dma_start3A, %dma_start3A_217, %dma_start3A_223] : memref<2x2x128xi32, #tpu.memory_space<vmem>> -> memref<1x1x128xi32, #tpu.memory_space<vmem>>
    %dma_start3A_225 = tpu.memref_squeeze %dma_start3A_224 : memref<1x1x128xi32, #tpu.memory_space<vmem>> -> memref<128xi32, #tpu.memory_space<vmem>>
    %dma_start3A_226 = arith.constant 0 : i32
    %dma_start3A_227 = arith.constant 0 : i32
    %dma_start3A_228 = tpu.memref_slice %arg2[%dma_start3A_226, %dma_start3A_227] : memref<10240x128xf32, #tpu.memory_space<hbm>> -> memref<10240x128xf32, #tpu.memory_space<hbm>>
    tpu.enqueue_indirect_dma source(%dma_start3A_228 : memref<10240x128xf32, #tpu.memory_space<hbm>>) target(%dma_start3A_222 : memref<128x128xf32, #tpu.memory_space<vmem>>) offsets(%dma_start3A_225 : memref<128xi32, #tpu.memory_space<vmem>>) semaphore(%arg9 : memref<!tpu.dma_semaphore, #tpu.memory_space<semaphore_mem>>)
    %barrier3A = arith.constant 0 : index
    tpu.barrier barrier_id(%barrier3A)
    %scan3A = arith.constant 0 : i32
    %scan3A_229 = arith.constant 0 : i32
    %scan3A_230 = arith.constant 79 : i32
    %scan3A_231 = arith.addi %scan3A_229, %scan3A_230 : i32
    %scan3A_232 = arith.constant 1 : i32
    scf.for %scan3A_254 = %scan3A_229 to %scan3A_231 step %scan3A_232  : i32 {
      %rem3A_255 = arith.constant 2 : i32
      %rem3A_256 = arith.remsi %scan3A_254, %rem3A_255 : i32
      %sub3A = arith.constant 1 : i32
      %sub3A_257 = arith.subi %sub3A, %rem3A_256 : i32
      %dma_wait3A_258 = arith.constant 0 : i32
      %dma_wait3A_259 = arith.constant 0 : i32
      %dma_wait3A_260 = arith.constant 0 : i32
      %dma_wait3A_261 = tpu.memref_slice %arg7[%rem3A_256, %dma_wait3A_259, %dma_wait3A_260] : memref<2x128x128xf32, #tpu.memory_space<vmem>> -> memref<1x128x128xf32, #tpu.memory_space<vmem>>
      %dma_wait3A_262 = tpu.memref_squeeze %dma_wait3A_261 : memref<1x128x128xf32, #tpu.memory_space<vmem>> -> memref<128x128xf32, #tpu.memory_space<vmem>>
      %dma_wait3A_263 = arith.constant 0 : i32
      %dma_wait3A_264 = tpu.memref_slice %arg6[%rem3A_256, %dma_wait3A_258, %dma_wait3A_263] : memref<2x2x128xi32, #tpu.memory_space<vmem>> -> memref<1x1x128xi32, #tpu.memory_space<vmem>>
      %dma_wait3A_265 = tpu.memref_squeeze %dma_wait3A_264 : memref<1x1x128xi32, #tpu.memory_space<vmem>> -> memref<128xi32, #tpu.memory_space<vmem>>
      %dma_wait3A_266 = arith.constant 0 : i32
      %dma_wait3A_267 = arith.constant 0 : i32
      %dma_wait3A_268 = tpu.memref_slice %arg2[%dma_wait3A_266, %dma_wait3A_267] : memref<10240x128xf32, #tpu.memory_space<hbm>> -> memref<10240x128xf32, #tpu.memory_space<hbm>>
      tpu.wait_indirect_dma semaphore(%arg9 : memref<!tpu.dma_semaphore, #tpu.memory_space<semaphore_mem>>) src(%dma_wait3A_268 : memref<10240x128xf32, #tpu.memory_space<hbm>>) dst(%dma_wait3A_262 : memref<128x128xf32, #tpu.memory_space<vmem>>)
      %gt3A = arith.constant 0 : i32
      %gt3A_269 = arith.cmpi sgt, %scan3A_254, %gt3A : i32
      %convert_element_type3A = arith.extui %gt3A_269 : i1 to i32
      %cond3A = arith.constant 0 : i32
      %cond3A_270 = arith.cmpi ne, %convert_element_type3A, %cond3A : i32
      scf.if %cond3A_270 {
        %dma_wait3A_288 = arith.constant 1 : i32
        %dma_wait3A_289 = arith.constant 0 : i32
        %dma_wait3A_290 = arith.constant 0 : i32
        %dma_wait3A_291 = tpu.memref_slice %arg7[%sub3A_257, %dma_wait3A_289, %dma_wait3A_290] : memref<2x128x128xf32, #tpu.memory_space<vmem>> -> memref<1x128x128xf32, #tpu.memory_space<vmem>>
        %dma_wait3A_292 = tpu.memref_squeeze %dma_wait3A_291 : memref<1x128x128xf32, #tpu.memory_space<vmem>> -> memref<128x128xf32, #tpu.memory_space<vmem>>
        %dma_wait3A_293 = arith.constant 0 : i32
        %dma_wait3A_294 = tpu.memref_slice %arg6[%sub3A_257, %dma_wait3A_288, %dma_wait3A_293] : memref<2x2x128xi32, #tpu.memory_space<vmem>> -> memref<1x1x128xi32, #tpu.memory_space<vmem>>
        %dma_wait3A_295 = tpu.memref_squeeze %dma_wait3A_294 : memref<1x1x128xi32, #tpu.memory_space<vmem>> -> memref<128xi32, #tpu.memory_space<vmem>>
        %dma_wait3A_296 = arith.constant 0 : i32
        %dma_wait3A_297 = arith.constant 0 : i32
        %dma_wait3A_298 = tpu.memref_slice %arg8[%dma_wait3A_296, %dma_wait3A_297] : memref<10240x128xf32, #tpu.memory_space<vmem_shared>> -> memref<10240x128xf32, #tpu.memory_space<vmem_shared>>
        tpu.wait_indirect_dma semaphore(%arg10 : memref<!tpu.dma_semaphore, #tpu.memory_space<semaphore_mem>>) src(%dma_wait3A_292 : memref<128x128xf32, #tpu.memory_space<vmem>>) dst(%dma_wait3A_298 : memref<10240x128xf32, #tpu.memory_space<vmem_shared>>)
      } else {
      }
      %dma_start3A_271 = arith.constant 1 : i32
      %dma_start3A_272 = arith.constant 0 : i32
      %dma_start3A_273 = arith.constant 0 : i32
      %dma_start3A_274 = tpu.memref_slice %arg7[%rem3A_256, %dma_start3A_272, %dma_start3A_273] : memref<2x128x128xf32, #tpu.memory_space<vmem>> -> memref<1x128x128xf32, #tpu.memory_space<vmem>>
      %dma_start3A_275 = tpu.memref_squeeze %dma_start3A_274 : memref<1x128x128xf32, #tpu.memory_space<vmem>> -> memref<128x128xf32, #tpu.memory_space<vmem>>
      %dma_start3A_276 = arith.constant 0 : i32
      %dma_start3A_277 = tpu.memref_slice %arg6[%rem3A_256, %dma_start3A_271, %dma_start3A_276] : memref<2x2x128xi32, #tpu.memory_space<vmem>> -> memref<1x1x128xi32, #tpu.memory_space<vmem>>
      %dma_start3A_278 = tpu.memref_squeeze %dma_start3A_277 : memref<1x1x128xi32, #tpu.memory_space<vmem>> -> memref<128xi32, #tpu.memory_space<vmem>>
      %dma_start3A_279 = arith.constant 0 : i32
      %dma_start3A_280 = arith.constant 0 : i32
      %dma_start3A_281 = tpu.memref_slice %arg8[%dma_start3A_279, %dma_start3A_280] : memref<10240x128xf32, #tpu.memory_space<vmem_shared>> -> memref<10240x128xf32, #tpu.memory_space<vmem_shared>>
      tpu.enqueue_indirect_dma source(%dma_start3A_275 : memref<128x128xf32, #tpu.memory_space<vmem>>) target(%dma_start3A_281 : memref<10240x128xf32, #tpu.memory_space<vmem_shared>>) offsets(%dma_start3A_278 : memref<128xi32, #tpu.memory_space<vmem>>) semaphore(%arg10 : memref<!tpu.dma_semaphore, #tpu.memory_space<semaphore_mem>>) {add = true}
      %add3A_282 = arith.constant 1 : i32
      %add3A_283 = arith.addi %scan3A_254, %add3A_282 : i32
      %lt3A = arith.constant 79 : i32
      %lt3A_284 = arith.cmpi slt, %add3A_283, %lt3A : i32
      %convert_element_type3A_285 = arith.extui %lt3A_284 : i1 to i32
      %cond3A_286 = arith.constant 0 : i32
      %cond3A_287 = arith.cmpi ne, %convert_element_type3A_285, %cond3A_286 : i32
      scf.if %cond3A_287 {
        %add3A_288 = arith.constant 1 : i32
        %add3A_289 = arith.addi %scan3A_254, %add3A_288 : i32
        %get3A_290 = arith.index_cast %add3A_289 : i32 to index
        %get3A_291 = arith.constant 0 : index
        %get3A_292 = tpu.vector_load %arg5[%get3A_290, %get3A_291] {strides = array<i32>} : memref<79x128xi32, #tpu.memory_space<vmem>>, vector<1x16xi32>,
        %get3A_293 = vector.shape_cast %get3A_292 : vector<1x16xi32> to vector<16xi32>
        %shift_right_logical3A_294 = arith.constant 16 : i32
        %shift_right_logical3A_295 = vector.broadcast %shift_right_logical3A_294 : i32 to vector<16xi32>
        %shift_right_logical3A_296 = arith.shrui %get3A_293, %shift_right_logical3A_295 : vector<16xi32>
        %swap3A_297 = arith.constant 0 : i32
        %swap3A_298 = arith.index_cast %sub3A_257 : i32 to index
        %swap3A_299 = arith.index_cast %swap3A_297 : i32 to index
        %swap3A_300 = arith.constant 0 : index
        %swap3A_301 = tpu.vector_load %arg6[%swap3A_298, %swap3A_299, %swap3A_300] {strides = array<i32>} : memref<2x2x128xi32, #tpu.memory_space<vmem>>, vector<1x1x16xi32>,
        %swap3A_302 = vector.shape_cast %swap3A_301 : vector<1x1x16xi32> to vector<16xi32>
        %swap3A_303 = vector.shape_cast %shift_right_logical3A_296 : vector<16xi32> to vector<1x1x16xi32>
        tpu.vector_store %arg6[%swap3A_298, %swap3A_299, %swap3A_300], %swap3A_303 {strides = array<i32>} : memref<2x2x128xi32, #tpu.memory_space<vmem>>, vector<1x1x16xi32>,
        %and3A_304 = arith.constant 65535 : i32
        %and3A_305 = vector.broadcast %and3A_304 : i32 to vector<16xi32>
        %and3A_306 = arith.andi %get3A_293, %and3A_305 : vector<16xi32>
        %swap3A_307 = arith.constant 1 : i32
        %swap3A_308 = arith.index_cast %sub3A_257 : i32 to index
        %swap3A_309 = arith.index_cast %swap3A_307 : i32 to index
        %swap3A_310 = arith.constant 0 : index
        %swap3A_311 = tpu.vector_load %arg6[%swap3A_308, %swap3A_309, %swap3A_310] {strides = array<i32>} : memref<2x2x128xi32, #tpu.memory_space<vmem>>, vector<1x1x16xi32>,
        %swap3A_312 = vector.shape_cast %swap3A_311 : vector<1x1x16xi32> to vector<16xi32>
        %swap3A_313 = vector.shape_cast %and3A_306 : vector<16xi32> to vector<1x1x16xi32>
        tpu.vector_store %arg6[%swap3A_308, %swap3A_309, %swap3A_310], %swap3A_313 {strides = array<i32>} : memref<2x2x128xi32, #tpu.memory_space<vmem>>, vector<1x1x16xi32>,
        %get3A_314 = arith.index_cast %add3A_289 : i32 to index
        %get3A_315 = arith.constant 16 : index
        %get3A_316 = tpu.vector_load %arg5[%get3A_314, %get3A_315] {strides = array<i32>} : memref<79x128xi32, #tpu.memory_space<vmem>>, vector<1x16xi32>,
        %get3A_317 = vector.shape_cast %get3A_316 : vector<1x16xi32> to vector<16xi32>
        %shift_right_logical3A_318 = arith.constant 16 : i32
        %shift_right_logical3A_319 = vector.broadcast %shift_right_logical3A_318 : i32 to vector<16xi32>
        %shift_right_logical3A_320 = arith.shrui %get3A_317, %shift_right_logical3A_319 : vector<16xi32>
        %swap3A_321 = arith.constant 0 : i32
        %swap3A_322 = arith.index_cast %sub3A_257 : i32 to index
        %swap3A_323 = arith.index_cast %swap3A_321 : i32 to index
        %swap3A_324 = arith.constant 16 : index
        %swap3A_325 = tpu.vector_load %arg6[%swap3A_322, %swap3A_323, %swap3A_324] {strides = array<i32>} : memref<2x2x128xi32, #tpu.memory_space<vmem>>, vector<1x1x16xi32>,
        %swap3A_326 = vector.shape_cast %swap3A_325 : vector<1x1x16xi32> to vector<16xi32>
        %swap3A_327 = vector.shape_cast %shift_right_logical3A_320 : vector<16xi32> to vector<1x1x16xi32>
        tpu.vector_store %arg6[%swap3A_322, %swap3A_323, %swap3A_324], %swap3A_327 {strides = array<i32>} : memref<2x2x128xi32, #tpu.memory_space<vmem>>, vector<1x1x16xi32>,
        %and3A_328 = arith.constant 65535 : i32
        %and3A_329 = vector.broadcast %and3A_328 : i32 to vector<16xi32>
        %and3A_330 = arith.andi %get3A_317, %and3A_329 : vector<16xi32>
        %swap3A_331 = arith.constant 1 : i32
        %swap3A_332 = arith.index_cast %sub3A_257 : i32 to index
        %swap3A_333 = arith.index_cast %swap3A_331 : i32 to index
        %swap3A_334 = arith.constant 16 : index
        %swap3A_335 = tpu.vector_load %arg6[%swap3A_332, %swap3A_333, %swap3A_334] {strides = array<i32>} : memref<2x2x128xi32, #tpu.memory_space<vmem>>, vector<1x1x16xi32>,
        %swap3A_336 = vector.shape_cast %swap3A_335 : vector<1x1x16xi32> to vector<16xi32>
        %swap3A_337 = vector.shape_cast %and3A_330 : vector<16xi32> to vector<1x1x16xi32>
        tpu.vector_store %arg6[%swap3A_332, %swap3A_333, %swap3A_334], %swap3A_337 {strides = array<i32>} : memref<2x2x128xi32, #tpu.memory_space<vmem>>, vector<1x1x16xi32>,
        %get3A_338 = arith.index_cast %add3A_289 : i32 to index
        %get3A_339 = arith.constant 32 : index
        %get3A_340 = tpu.vector_load %arg5[%get3A_338, %get3A_339] {strides = array<i32>} : memref<79x128xi32, #tpu.memory_space<vmem>>, vector<1x16xi32>,
        %get3A_341 = vector.shape_cast %get3A_340 : vector<1x16xi32> to vector<16xi32>
        %shift_right_logical3A_342 = arith.constant 16 : i32
        %shift_right_logical3A_343 = vector.broadcast %shift_right_logical3A_342 : i32 to vector<16xi32>
        %shift_right_logical3A_344 = arith.shrui %get3A_341, %shift_right_logical3A_343 : vector<16xi32>
        %swap3A_345 = arith.constant 0 : i32
        %swap3A_346 = arith.index_cast %sub3A_257 : i32 to index
        %swap3A_347 = arith.index_cast %swap3A_345 : i32 to index
        %swap3A_348 = arith.constant 32 : index
        %swap3A_349 = tpu.vector_load %arg6[%swap3A_346, %swap3A_347, %swap3A_348] {strides = array<i32>} : memref<2x2x128xi32, #tpu.memory_space<vmem>>, vector<1x1x16xi32>,
        %swap3A_350 = vector.shape_cast %swap3A_349 : vector<1x1x16xi32> to vector<16xi32>
        %swap3A_351 = vector.shape_cast %shift_right_logical3A_344 : vector<16xi32> to vector<1x1x16xi32>
        tpu.vector_store %arg6[%swap3A_346, %swap3A_347, %swap3A_348], %swap3A_351 {strides = array<i32>} : memref<2x2x128xi32, #tpu.memory_space<vmem>>, vector<1x1x16xi32>,
        %and3A_352 = arith.constant 65535 : i32
        %and3A_353 = vector.broadcast %and3A_352 : i32 to vector<16xi32>
        %and3A_354 = arith.andi %get3A_341, %and3A_353 : vector<16xi32>
        %swap3A_355 = arith.constant 1 : i32
        %swap3A_356 = arith.index_cast %sub3A_257 : i32 to index
        %swap3A_357 = arith.index_cast %swap3A_355 : i32 to index
        %swap3A_358 = arith.constant 32 : index
        %swap3A_359 = tpu.vector_load %arg6[%swap3A_356, %swap3A_357, %swap3A_358] {strides = array<i32>} : memref<2x2x128xi32, #tpu.memory_space<vmem>>, vector<1x1x16xi32>,
        %swap3A_360 = vector.shape_cast %swap3A_359 : vector<1x1x16xi32> to vector<16xi32>
        %swap3A_361 = vector.shape_cast %and3A_354 : vector<16xi32> to vector<1x1x16xi32>
        tpu.vector_store %arg6[%swap3A_356, %swap3A_357, %swap3A_358], %swap3A_361 {strides = array<i32>} : memref<2x2x128xi32, #tpu.memory_space<vmem>>, vector<1x1x16xi32>,
        %get3A_362 = arith.index_cast %add3A_289 : i32 to index
        %get3A_363 = arith.constant 48 : index
        %get3A_364 = tpu.vector_load %arg5[%get3A_362, %get3A_363] {strides = array<i32>} : memref<79x128xi32, #tpu.memory_space<vmem>>, vector<1x16xi32>,
        %get3A_365 = vector.shape_cast %get3A_364 : vector<1x16xi32> to vector<16xi32>
        %shift_right_logical3A_366 = arith.constant 16 : i32
        %shift_right_logical3A_367 = vector.broadcast %shift_right_logical3A_366 : i32 to vector<16xi32>
        %shift_right_logical3A_368 = arith.shrui %get3A_365, %shift_right_logical3A_367 : vector<16xi32>
        %swap3A_369 = arith.constant 0 : i32
        %swap3A_370 = arith.index_cast %sub3A_257 : i32 to index
        %swap3A_371 = arith.index_cast %swap3A_369 : i32 to index
        %swap3A_372 = arith.constant 48 : index
        %swap3A_373 = tpu.vector_load %arg6[%swap3A_370, %swap3A_371, %swap3A_372] {strides = array<i32>} : memref<2x2x128xi32, #tpu.memory_space<vmem>>, vector<1x1x16xi32>,
        %swap3A_374 = vector.shape_cast %swap3A_373 : vector<1x1x16xi32> to vector<16xi32>
        %swap3A_375 = vector.shape_cast %shift_right_logical3A_368 : vector<16xi32> to vector<1x1x16xi32>
        tpu.vector_store %arg6[%swap3A_370, %swap3A_371, %swap3A_372], %swap3A_375 {strides = array<i32>} : memref<2x2x128xi32, #tpu.memory_space<vmem>>, vector<1x1x16xi32>,
        %and3A_376 = arith.constant 65535 : i32
        %and3A_377 = vector.broadcast %and3A_376 : i32 to vector<16xi32>
        %and3A_378 = arith.andi %get3A_365, %and3A_377 : vector<16xi32>
        %swap3A_379 = arith.constant 1 : i32
        %swap3A_380 = arith.index_cast %sub3A_257 : i32 to index
        %swap3A_381 = arith.index_cast %swap3A_379 : i32 to index
        %swap3A_382 = arith.constant 48 : index
        %swap3A_383 = tpu.vector_load %arg6[%swap3A_380, %swap3A_381, %swap3A_382] {strides = array<i32>} : memref<2x2x128xi32, #tpu.memory_space<vmem>>, vector<1x1x16xi32>,
        %swap3A_384 = vector.shape_cast %swap3A_383 : vector<1x1x16xi32> to vector<16xi32>
        %swap3A_385 = vector.shape_cast %and3A_378 : vector<16xi32> to vector<1x1x16xi32>
        tpu.vector_store %arg6[%swap3A_380, %swap3A_381, %swap3A_382], %swap3A_385 {strides = array<i32>} : memref<2x2x128xi32, #tpu.memory_space<vmem>>, vector<1x1x16xi32>,
        %get3A_386 = arith.index_cast %add3A_289 : i32 to index
        %get3A_387 = arith.constant 64 : index
        %get3A_388 = tpu.vector_load %arg5[%get3A_386, %get3A_387] {strides = array<i32>} : memref<79x128xi32, #tpu.memory_space<vmem>>, vector<1x16xi32>,
        %get3A_389 = vector.shape_cast %get3A_388 : vector<1x16xi32> to vector<16xi32>
        %shift_right_logical3A_390 = arith.constant 16 : i32
        %shift_right_logical3A_391 = vector.broadcast %shift_right_logical3A_390 : i32 to vector<16xi32>
        %shift_right_logical3A_392 = arith.shrui %get3A_389, %shift_right_logical3A_391 : vector<16xi32>
        %swap3A_393 = arith.constant 0 : i32
        %swap3A_394 = arith.index_cast %sub3A_257 : i32 to index
        %swap3A_395 = arith.index_cast %swap3A_393 : i32 to index
        %swap3A_396 = arith.constant 64 : index
        %swap3A_397 = tpu.vector_load %arg6[%swap3A_394, %swap3A_395, %swap3A_396] {strides = array<i32>} : memref<2x2x128xi32, #tpu.memory_space<vmem>>, vector<1x1x16xi32>,
        %swap3A_398 = vector.shape_cast %swap3A_397 : vector<1x1x16xi32> to vector<16xi32>
        %swap3A_399 = vector.shape_cast %shift_right_logical3A_392 : vector<16xi32> to vector<1x1x16xi32>
        tpu.vector_store %arg6[%swap3A_394, %swap3A_395, %swap3A_396], %swap3A_399 {strides = array<i32>} : memref<2x2x128xi32, #tpu.memory_space<vmem>>, vector<1x1x16xi32>,
        %and3A_400 = arith.constant 65535 : i32
        %and3A_401 = vector.broadcast %and3A_400 : i32 to vector<16xi32>
        %and3A_402 = arith.andi %get3A_389, %and3A_401 : vector<16xi32>
        %swap3A_403 = arith.constant 1 : i32
        %swap3A_404 = arith.index_cast %sub3A_257 : i32 to index
        %swap3A_405 = arith.index_cast %swap3A_403 : i32 to index
        %swap3A_406 = arith.constant 64 : index
        %swap3A_407 = tpu.vector_load %arg6[%swap3A_404, %swap3A_405, %swap3A_406] {strides = array<i32>} : memref<2x2x128xi32, #tpu.memory_space<vmem>>, vector<1x1x16xi32>,
        %swap3A_408 = vector.shape_cast %swap3A_407 : vector<1x1x16xi32> to vector<16xi32>
        %swap3A_409 = vector.shape_cast %and3A_402 : vector<16xi32> to vector<1x1x16xi32>
        tpu.vector_store %arg6[%swap3A_404, %swap3A_405, %swap3A_406], %swap3A_409 {strides = array<i32>} : memref<2x2x128xi32, #tpu.memory_space<vmem>>, vector<1x1x16xi32>,
        %get3A_410 = arith.index_cast %add3A_289 : i32 to index
        %get3A_411 = arith.constant 80 : index
        %get3A_412 = tpu.vector_load %arg5[%get3A_410, %get3A_411] {strides = array<i32>} : memref<79x128xi32, #tpu.memory_space<vmem>>, vector<1x16xi32>,
        %get3A_413 = vector.shape_cast %get3A_412 : vector<1x16xi32> to vector<16xi32>
        %shift_right_logical3A_414 = arith.constant 16 : i32
        %shift_right_logical3A_415 = vector.broadcast %shift_right_logical3A_414 : i32 to vector<16xi32>
        %shift_right_logical3A_416 = arith.shrui %get3A_413, %shift_right_logical3A_415 : vector<16xi32>
        %swap3A_417 = arith.constant 0 : i32
        %swap3A_418 = arith.index_cast %sub3A_257 : i32 to index
        %swap3A_419 = arith.index_cast %swap3A_417 : i32 to index
        %swap3A_420 = arith.constant 80 : index
        %swap3A_421 = tpu.vector_load %arg6[%swap3A_418, %swap3A_419, %swap3A_420] {strides = array<i32>} : memref<2x2x128xi32, #tpu.memory_space<vmem>>, vector<1x1x16xi32>,
        %swap3A_422 = vector.shape_cast %swap3A_421 : vector<1x1x16xi32> to vector<16xi32>
        %swap3A_423 = vector.shape_cast %shift_right_logical3A_416 : vector<16xi32> to vector<1x1x16xi32>
        tpu.vector_store %arg6[%swap3A_418, %swap3A_419, %swap3A_420], %swap3A_423 {strides = array<i32>} : memref<2x2x128xi32, #tpu.memory_space<vmem>>, vector<1x1x16xi32>,
        %and3A_424 = arith.constant 65535 : i32
        %and3A_425 = vector.broadcast %and3A_424 : i32 to vector<16xi32>
        %and3A_426 = arith.andi %get3A_413, %and3A_425 : vector<16xi32>
        %swap3A_427 = arith.constant 1 : i32
        %swap3A_428 = arith.index_cast %sub3A_257 : i32 to index
        %swap3A_429 = arith.index_cast %swap3A_427 : i32 to index
        %swap3A_430 = arith.constant 80 : index
        %swap3A_431 = tpu.vector_load %arg6[%swap3A_428, %swap3A_429, %swap3A_430] {strides = array<i32>} : memref<2x2x128xi32, #tpu.memory_space<vmem>>, vector<1x1x16xi32>,
        %swap3A_432 = vector.shape_cast %swap3A_431 : vector<1x1x16xi32> to vector<16xi32>
        %swap3A_433 = vector.shape_cast %and3A_426 : vector<16xi32> to vector<1x1x16xi32>
        tpu.vector_store %arg6[%swap3A_428, %swap3A_429, %swap3A_430], %swap3A_433 {strides = array<i32>} : memref<2x2x128xi32, #tpu.memory_space<vmem>>, vector<1x1x16xi32>,
        %get3A_434 = arith.index_cast %add3A_289 : i32 to index
        %get3A_435 = arith.constant 96 : index
        %get3A_436 = tpu.vector_load %arg5[%get3A_434, %get3A_435] {strides = array<i32>} : memref<79x128xi32, #tpu.memory_space<vmem>>, vector<1x16xi32>,
        %get3A_437 = vector.shape_cast %get3A_436 : vector<1x16xi32> to vector<16xi32>
        %shift_right_logical3A_438 = arith.constant 16 : i32
        %shift_right_logical3A_439 = vector.broadcast %shift_right_logical3A_438 : i32 to vector<16xi32>
        %shift_right_logical3A_440 = arith.shrui %get3A_437, %shift_right_logical3A_439 : vector<16xi32>
        %swap3A_441 = arith.constant 0 : i32
        %swap3A_442 = arith.index_cast %sub3A_257 : i32 to index
        %swap3A_443 = arith.index_cast %swap3A_441 : i32 to index
        %swap3A_444 = arith.constant 96 : index
        %swap3A_445 = tpu.vector_load %arg6[%swap3A_442, %swap3A_443, %swap3A_444] {strides = array<i32>} : memref<2x2x128xi32, #tpu.memory_space<vmem>>, vector<1x1x16xi32>,
        %swap3A_446 = vector.shape_cast %swap3A_445 : vector<1x1x16xi32> to vector<16xi32>
        %swap3A_447 = vector.shape_cast %shift_right_logical3A_440 : vector<16xi32> to vector<1x1x16xi32>
        tpu.vector_store %arg6[%swap3A_442, %swap3A_443, %swap3A_444], %swap3A_447 {strides = array<i32>} : memref<2x2x128xi32, #tpu.memory_space<vmem>>, vector<1x1x16xi32>,
        %and3A_448 = arith.constant 65535 : i32
        %and3A_449 = vector.broadcast %and3A_448 : i32 to vector<16xi32>
        %and3A_450 = arith.andi %get3A_437, %and3A_449 : vector<16xi32>
        %swap3A_451 = arith.constant 1 : i32
        %swap3A_452 = arith.index_cast %sub3A_257 : i32 to index
        %swap3A_453 = arith.index_cast %swap3A_451 : i32 to index
        %swap3A_454 = arith.constant 96 : index
        %swap3A_455 = tpu.vector_load %arg6[%swap3A_452, %swap3A_453, %swap3A_454] {strides = array<i32>} : memref<2x2x128xi32, #tpu.memory_space<vmem>>, vector<1x1x16xi32>,
        %swap3A_456 = vector.shape_cast %swap3A_455 : vector<1x1x16xi32> to vector<16xi32>
        %swap3A_457 = vector.shape_cast %and3A_450 : vector<16xi32> to vector<1x1x16xi32>
        tpu.vector_store %arg6[%swap3A_452, %swap3A_453, %swap3A_454], %swap3A_457 {strides = array<i32>} : memref<2x2x128xi32, #tpu.memory_space<vmem>>, vector<1x1x16xi32>,
        %get3A_458 = arith.index_cast %add3A_289 : i32 to index
        %get3A_459 = arith.constant 112 : index
        %get3A_460 = tpu.vector_load %arg5[%get3A_458, %get3A_459] {strides = array<i32>} : memref<79x128xi32, #tpu.memory_space<vmem>>, vector<1x16xi32>,
        %get3A_461 = vector.shape_cast %get3A_460 : vector<1x16xi32> to vector<16xi32>
        %shift_right_logical3A_462 = arith.constant 16 : i32
        %shift_right_logical3A_463 = vector.broadcast %shift_right_logical3A_462 : i32 to vector<16xi32>
        %shift_right_logical3A_464 = arith.shrui %get3A_461, %shift_right_logical3A_463 : vector<16xi32>
        %swap3A_465 = arith.constant 0 : i32
        %swap3A_466 = arith.index_cast %sub3A_257 : i32 to index
        %swap3A_467 = arith.index_cast %swap3A_465 : i32 to index
        %swap3A_468 = arith.constant 112 : index
        %swap3A_469 = tpu.vector_load %arg6[%swap3A_466, %swap3A_467, %swap3A_468] {strides = array<i32>} : memref<2x2x128xi32, #tpu.memory_space<vmem>>, vector<1x1x16xi32>,
        %swap3A_470 = vector.shape_cast %swap3A_469 : vector<1x1x16xi32> to vector<16xi32>
        %swap3A_471 = vector.shape_cast %shift_right_logical3A_464 : vector<16xi32> to vector<1x1x16xi32>
        tpu.vector_store %arg6[%swap3A_466, %swap3A_467, %swap3A_468], %swap3A_471 {strides = array<i32>} : memref<2x2x128xi32, #tpu.memory_space<vmem>>, vector<1x1x16xi32>,
        %and3A_472 = arith.constant 65535 : i32
        %and3A_473 = vector.broadcast %and3A_472 : i32 to vector<16xi32>
        %and3A_474 = arith.andi %get3A_461, %and3A_473 : vector<16xi32>
        %swap3A_475 = arith.constant 1 : i32
        %swap3A_476 = arith.index_cast %sub3A_257 : i32 to index
        %swap3A_477 = arith.index_cast %swap3A_475 : i32 to index
        %swap3A_478 = arith.constant 112 : index
        %swap3A_479 = tpu.vector_load %arg6[%swap3A_476, %swap3A_477, %swap3A_478] {strides = array<i32>} : memref<2x2x128xi32, #tpu.memory_space<vmem>>, vector<1x1x16xi32>,
        %swap3A_480 = vector.shape_cast %swap3A_479 : vector<1x1x16xi32> to vector<16xi32>
        %swap3A_481 = vector.shape_cast %and3A_474 : vector<16xi32> to vector<1x1x16xi32>
        tpu.vector_store %arg6[%swap3A_476, %swap3A_477, %swap3A_478], %swap3A_481 {strides = array<i32>} : memref<2x2x128xi32, #tpu.memory_space<vmem>>, vector<1x1x16xi32>,
        %dma_start3A_482 = arith.constant 0 : i32
        %dma_start3A_483 = arith.constant 0 : i32
        %dma_start3A_484 = arith.constant 0 : i32
        %dma_start3A_485 = tpu.memref_slice %arg7[%sub3A_257, %dma_start3A_483, %dma_start3A_484] : memref<2x128x128xf32, #tpu.memory_space<vmem>> -> memref<1x128x128xf32, #tpu.memory_space<vmem>>
        %dma_start3A_486 = tpu.memref_squeeze %dma_start3A_485 : memref<1x128x128xf32, #tpu.memory_space<vmem>> -> memref<128x128xf32, #tpu.memory_space<vmem>>
        %dma_start3A_487 = arith.constant 0 : i32
        %dma_start3A_488 = tpu.memref_slice %arg6[%sub3A_257, %dma_start3A_482, %dma_start3A_487] : memref<2x2x128xi32, #tpu.memory_space<vmem>> -> memref<1x1x128xi32, #tpu.memory_space<vmem>>
        %dma_start3A_489 = tpu.memref_squeeze %dma_start3A_488 : memref<1x1x128xi32, #tpu.memory_space<vmem>> -> memref<128xi32, #tpu.memory_space<vmem>>
        %dma_start3A_490 = arith.constant 0 : i32
        %dma_start3A_491 = arith.constant 0 : i32
        %dma_start3A_492 = tpu.memref_slice %arg2[%dma_start3A_490, %dma_start3A_491] : memref<10240x128xf32, #tpu.memory_space<hbm>> -> memref<10240x128xf32, #tpu.memory_space<hbm>>
        tpu.enqueue_indirect_dma source(%dma_start3A_492 : memref<10240x128xf32, #tpu.memory_space<hbm>>) target(%dma_start3A_486 : memref<128x128xf32, #tpu.memory_space<vmem>>) offsets(%dma_start3A_489 : memref<128xi32, #tpu.memory_space<vmem>>) semaphore(%arg9 : memref<!tpu.dma_semaphore, #tpu.memory_space<semaphore_mem>>)
      } else {
      }
    }
    %scan3A_233 = arith.constant 79 : i32
    %rem3A = arith.constant 78 : i32
    %rem3A_234 = arith.constant 2 : i32
    %rem3A_235 = arith.remsi %rem3A, %rem3A_234 : i32
    %rem3A_236 = arith.constant 78 : i32
    %rem3A_237 = arith.constant 2 : i32
    %rem3A_238 = arith.remsi %rem3A_236, %rem3A_237 : i32
    %dma_wait3A = arith.constant 1 : i32
    %dma_wait3A_239 = arith.constant 0 : i32
    %dma_wait3A_240 = arith.constant 0 : i32
    %dma_wait3A_241 = tpu.memref_slice %arg7[%rem3A_235, %dma_wait3A_239, %dma_wait3A_240] : memref<2x128x128xf32, #tpu.memory_space<vmem>> -> memref<1x128x128xf32, #tpu.memory_space<vmem>>
    %dma_wait3A_242 = tpu.memref_squeeze %dma_wait3A_241 : memref<1x128x128xf32, #tpu.memory_space<vmem>> -> memref<128x128xf32, #tpu.memory_space<vmem>>
    %dma_wait3A_243 = arith.constant 0 : i32
    %dma_wait3A_244 = tpu.memref_slice %arg6[%rem3A_238, %dma_wait3A, %dma_wait3A_243] : memref<2x2x128xi32, #tpu.memory_space<vmem>> -> memref<1x1x128xi32, #tpu.memory_space<vmem>>
    %dma_wait3A_245 = tpu.memref_squeeze %dma_wait3A_244 : memref<1x1x128xi32, #tpu.memory_space<vmem>> -> memref<128xi32, #tpu.memory_space<vmem>>
    %dma_wait3A_246 = arith.constant 0 : i32
    %dma_wait3A_247 = arith.constant 0 : i32
    %dma_wait3A_248 = tpu.memref_slice %arg8[%dma_wait3A_246, %dma_wait3A_247] : memref<10240x128xf32, #tpu.memory_space<vmem_shared>> -> memref<10240x128xf32, #tpu.memory_space<vmem_shared>>
    tpu.wait_indirect_dma semaphore(%arg10 : memref<!tpu.dma_semaphore, #tpu.memory_space<semaphore_mem>>) src(%dma_wait3A_242 : memref<128x128xf32, #tpu.memory_space<vmem>>) dst(%dma_wait3A_248 : memref<10240x128xf32, #tpu.memory_space<vmem_shared>>)
    %barrier3A_249 = arith.constant 0 : index
    tpu.barrier barrier_id(%barrier3A_249)
    %mul3A_250 = arith.constant 640 : i32
    %mul3A_251 = arith.muli %arg1, %mul3A_250 : i32
    %mul3A_252 = arith.constant 640 : i32
    %mul3A_253 = arith.muli %arg1, %mul3A_252 : i32
    "tpu.region"() ({
      %run_scoped3A = tpu.sem_alloc : memref<!tpu.dma_semaphore, #tpu.memory_space<semaphore_mem>>
      %dma_start3A_254 = arith.constant 0 : i32
      %dma_start3A_255 = tpu.memref_slice %arg4[%arg0, %mul3A_253, %dma_start3A_254] : memref<2x10240x128xf32, #tpu.memory_space<hbm>> -> memref<1x640x128xf32, #tpu.memory_space<hbm>>
      %dma_start3A_256 = tpu.memref_squeeze %dma_start3A_255 : memref<1x640x128xf32, #tpu.memory_space<hbm>> -> memref<640x128xf32, #tpu.memory_space<hbm>>
      %dma_start3A_257 = arith.constant 0 : i32
      %dma_start3A_258 = tpu.memref_slice %arg8[%mul3A_251, %dma_start3A_257] : memref<10240x128xf32, #tpu.memory_space<vmem_shared>> -> memref<640x128xf32, #tpu.memory_space<vmem_shared>>
      tpu.enqueue_dma source(%dma_start3A_258 : memref<640x128xf32, #tpu.memory_space<vmem_shared>>) target(%dma_start3A_256 : memref<640x128xf32, #tpu.memory_space<hbm>>) target_semaphore(%run_scoped3A : memref<!tpu.dma_semaphore, #tpu.memory_space<semaphore_mem>>)
      %dma_wait3A_259 = arith.constant 0 : i32
      %dma_wait3A_260 = tpu.memref_slice %arg4[%arg0, %mul3A_253, %dma_wait3A_259] : memref<2x10240x128xf32, #tpu.memory_space<hbm>> -> memref<1x640x128xf32, #tpu.memory_space<hbm>>
      %dma_wait3A_261 = tpu.memref_squeeze %dma_wait3A_260 : memref<1x640x128xf32, #tpu.memory_space<hbm>> -> memref<640x128xf32, #tpu.memory_space<hbm>>
      %dma_wait3A_262 = arith.constant 0 : i32
      %dma_wait3A_263 = tpu.memref_slice %arg8[%mul3A_251, %dma_wait3A_262] : memref<10240x128xf32, #tpu.memory_space<vmem_shared>> -> memref<640x128xf32, #tpu.memory_space<vmem_shared>>
      tpu.wait_dma2 semaphore(%run_scoped3A : memref<!tpu.dma_semaphore, #tpu.memory_space<semaphore_mem>>) src(%dma_wait3A_263 : memref<640x128xf32, #tpu.memory_space<vmem_shared>>) dst(%dma_wait3A_261 : memref<640x128xf32, #tpu.memory_space<hbm>>)
      tpu.yield
    }) : () -> ()
    return
  }
}

#map = affine_map<(d0, d1) -> (0, 0)>
#map1 = affine_map<(d0, d1) -> (0, 0, 0)>
module attributes {stable_mosaic.version = 14 : i64} {
  func.func @_agg_kernel(%arg0: i32, %arg1: i32, %arg2: memref<10240x128xf32, #tpu.memory_space<hbm>>, %arg3: memref<32x79x128xi32, #tpu.memory_space<hbm>>, %arg4: memref<2x10240x128xf32, #tpu.memory_space<hbm>>, %arg5: memref<79x128xi32, #tpu.memory_space<vmem>>, %arg6: memref<2x2x128xi32, #tpu.memory_space<vmem>>, %arg7: memref<2x128x128xf32, #tpu.memory_space<vmem>>, %arg8: memref<10240x128xf32, #tpu.memory_space<vmem_shared>>, %arg9: memref<!tpu.dma_semaphore, #tpu.memory_space<semaphore_mem>>, %arg10: memref<!tpu.dma_semaphore, #tpu.memory_space<semaphore_mem>>) attributes {dimension_semantics = [#tpu.dimension_semantics<core_parallel>, #tpu.dimension_semantics<subcore_parallel>], iteration_bounds = array<i64: 2, 16>, scalar_prefetch = 0 : i64, scratch_operands = 6 : i64, tpu.core_type = #tpu.core_type<sc_vector_subcore>, window_params = [{transform_indices = #map}, {transform_indices = #map1}, {transform_indices = #map1}]} {
    %mul3A = arith.constant 16 : i32
    %mul3A_0 = arith.muli %arg0, %mul3A : i32
    %add3A = arith.addi %mul3A_0, %arg1 : i32
    "tpu.region"() ({
      %run_scoped3A = tpu.sem_alloc : memref<!tpu.dma_semaphore, #tpu.memory_space<semaphore_mem>>
      %dma_start3A_254 = arith.constant 0 : i32
      %dma_start3A_255 = arith.constant 0 : i32
      %dma_start3A_256 = tpu.memref_slice %arg3[%add3A, %dma_start3A_254, %dma_start3A_255] : memref<32x79x128xi32, #tpu.memory_space<hbm>> -> memref<1x79x128xi32, #tpu.memory_space<hbm>>
      %dma_start3A_257 = tpu.memref_squeeze %dma_start3A_256 : memref<1x79x128xi32, #tpu.memory_space<hbm>> -> memref<79x128xi32, #tpu.memory_space<hbm>>
      %dma_start3A_258 = arith.constant 0 : i32
      %dma_start3A_259 = arith.constant 0 : i32
      %dma_start3A_260 = tpu.memref_slice %arg3[%add3A, %dma_start3A_258, %dma_start3A_259] : memref<32x79x128xi32, #tpu.memory_space<hbm>> -> memref<1x79x128xi32, #tpu.memory_space<hbm>>
      %dma_start3A_261 = tpu.memref_squeeze %dma_start3A_260 : memref<1x79x128xi32, #tpu.memory_space<hbm>> -> memref<79x128xi32, #tpu.memory_space<hbm>>
      tpu.enqueue_dma source(%dma_start3A_261 : memref<79x128xi32, #tpu.memory_space<hbm>>) target(%arg5 : memref<79x128xi32, #tpu.memory_space<vmem>>) target_semaphore(%run_scoped3A : memref<!tpu.dma_semaphore, #tpu.memory_space<semaphore_mem>>)
      %dma_wait3A_262 = arith.constant 0 : i32
      %dma_wait3A_263 = arith.constant 0 : i32
      %dma_wait3A_264 = tpu.memref_slice %arg3[%add3A, %dma_wait3A_262, %dma_wait3A_263] : memref<32x79x128xi32, #tpu.memory_space<hbm>> -> memref<1x79x128xi32, #tpu.memory_space<hbm>>
      %dma_wait3A_265 = tpu.memref_squeeze %dma_wait3A_264 : memref<1x79x128xi32, #tpu.memory_space<hbm>> -> memref<79x128xi32, #tpu.memory_space<hbm>>
      %dma_wait3A_266 = arith.constant 0 : i32
      %dma_wait3A_267 = arith.constant 0 : i32
      %dma_wait3A_268 = tpu.memref_slice %arg3[%add3A, %dma_wait3A_266, %dma_wait3A_267] : memref<32x79x128xi32, #tpu.memory_space<hbm>> -> memref<1x79x128xi32, #tpu.memory_space<hbm>>
      %dma_wait3A_269 = tpu.memref_squeeze %dma_wait3A_268 : memref<1x79x128xi32, #tpu.memory_space<hbm>> -> memref<79x128xi32, #tpu.memory_space<hbm>>
      tpu.wait_dma2 semaphore(%run_scoped3A : memref<!tpu.dma_semaphore, #tpu.memory_space<semaphore_mem>>) src(%dma_wait3A_269 : memref<79x128xi32, #tpu.memory_space<hbm>>) dst(%arg5 : memref<79x128xi32, #tpu.memory_space<vmem>>)
      tpu.yield
    }) : () -> ()
    %mul3A_1 = arith.constant 640 : i32
    %mul3A_2 = arith.muli %arg1, %mul3A_1 : i32
    %mul3A_3 = arith.constant 640 : i32
    %mul3A_4 = arith.muli %arg1, %mul3A_3 : i32
    "tpu.region"() ({
      %run_scoped3A = tpu.sem_alloc : memref<!tpu.dma_semaphore, #tpu.memory_space<semaphore_mem>>
      %dma_start3A_254 = arith.constant 0 : i32
      %dma_start3A_255 = tpu.memref_slice %arg8[%mul3A_4, %dma_start3A_254] : memref<10240x128xf32, #tpu.memory_space<vmem_shared>> -> memref<640x128xf32, #tpu.memory_space<vmem_shared>>
      %dma_start3A_256 = arith.constant 0 : i32
      %dma_start3A_257 = tpu.memref_slice %arg2[%mul3A_2, %dma_start3A_256] : memref<10240x128xf32, #tpu.memory_space<hbm>> -> memref<640x128xf32, #tpu.memory_space<hbm>>
      tpu.enqueue_dma source(%dma_start3A_257 : memref<640x128xf32, #tpu.memory_space<hbm>>) target(%dma_start3A_255 : memref<640x128xf32, #tpu.memory_space<vmem_shared>>) target_semaphore(%run_scoped3A : memref<!tpu.dma_semaphore, #tpu.memory_space<semaphore_mem>>)
      %dma_wait3A_258 = arith.constant 0 : i32
      %dma_wait3A_259 = tpu.memref_slice %arg8[%mul3A_4, %dma_wait3A_258] : memref<10240x128xf32, #tpu.memory_space<vmem_shared>> -> memref<640x128xf32, #tpu.memory_space<vmem_shared>>
      %dma_wait3A_260 = arith.constant 0 : i32
      %dma_wait3A_261 = tpu.memref_slice %arg2[%mul3A_2, %dma_wait3A_260] : memref<10240x128xf32, #tpu.memory_space<hbm>> -> memref<640x128xf32, #tpu.memory_space<hbm>>
      tpu.wait_dma2 semaphore(%run_scoped3A : memref<!tpu.dma_semaphore, #tpu.memory_space<semaphore_mem>>) src(%dma_wait3A_261 : memref<640x128xf32, #tpu.memory_space<hbm>>) dst(%dma_wait3A_259 : memref<640x128xf32, #tpu.memory_space<vmem_shared>>)
      tpu.yield
    }) : () -> ()
    %get3A = arith.constant 0 : i32
    %get3A_5 = arith.index_cast %get3A : i32 to index
    %get3A_6 = arith.constant 0 : index
    %get3A_7 = tpu.vector_load %arg5[%get3A_5, %get3A_6] {strides = array<i32>} : memref<79x128xi32, #tpu.memory_space<vmem>>, vector<1x16xi32>,
    %get3A_8 = vector.shape_cast %get3A_7 : vector<1x16xi32> to vector<16xi32>
    %shift_right_logical3A = arith.constant 16 : i32
    %shift_right_logical3A_9 = vector.broadcast %shift_right_logical3A : i32 to vector<16xi32>
    %shift_right_logical3A_10 = arith.shrui %get3A_8, %shift_right_logical3A_9 : vector<16xi32>
    %swap3A = arith.constant 0 : i32
    %swap3A_11 = arith.constant 0 : i32
    %swap3A_12 = arith.index_cast %swap3A : i32 to index
    %swap3A_13 = arith.index_cast %swap3A_11 : i32 to index
    %swap3A_14 = arith.constant 0 : index
    %swap3A_15 = tpu.vector_load %arg6[%swap3A_12, %swap3A_13, %swap3A_14] {strides = array<i32>} : memref<2x2x128xi32, #tpu.memory_space<vmem>>, vector<1x1x16xi32>,
    %swap3A_16 = vector.shape_cast %swap3A_15 : vector<1x1x16xi32> to vector<16xi32>
    %swap3A_17 = vector.shape_cast %shift_right_logical3A_10 : vector<16xi32> to vector<1x1x16xi32>
    tpu.vector_store %arg6[%swap3A_12, %swap3A_13, %swap3A_14], %swap3A_17 {strides = array<i32>} : memref<2x2x128xi32, #tpu.memory_space<vmem>>, vector<1x1x16xi32>,
    %and3A = arith.constant 65535 : i32
    %and3A_18 = vector.broadcast %and3A : i32 to vector<16xi32>
    %and3A_19 = arith.andi %get3A_8, %and3A_18 : vector<16xi32>
    %swap3A_20 = arith.constant 0 : i32
    %swap3A_21 = arith.constant 1 : i32
    %swap3A_22 = arith.index_cast %swap3A_20 : i32 to index
    %swap3A_23 = arith.index_cast %swap3A_21 : i32 to index
    %swap3A_24 = arith.constant 0 : index
    %swap3A_25 = tpu.vector_load %arg6[%swap3A_22, %swap3A_23, %swap3A_24] {strides = array<i32>} : memref<2x2x128xi32, #tpu.memory_space<vmem>>, vector<1x1x16xi32>,
    %swap3A_26 = vector.shape_cast %swap3A_25 : vector<1x1x16xi32> to vector<16xi32>
    %swap3A_27 = vector.shape_cast %and3A_19 : vector<16xi32> to vector<1x1x16xi32>
    tpu.vector_store %arg6[%swap3A_22, %swap3A_23, %swap3A_24], %swap3A_27 {strides = array<i32>} : memref<2x2x128xi32, #tpu.memory_space<vmem>>, vector<1x1x16xi32>,
    %get3A_28 = arith.constant 0 : i32
    %get3A_29 = arith.index_cast %get3A_28 : i32 to index
    %get3A_30 = arith.constant 16 : index
    %get3A_31 = tpu.vector_load %arg5[%get3A_29, %get3A_30] {strides = array<i32>} : memref<79x128xi32, #tpu.memory_space<vmem>>, vector<1x16xi32>,
    %get3A_32 = vector.shape_cast %get3A_31 : vector<1x16xi32> to vector<16xi32>
    %shift_right_logical3A_33 = arith.constant 16 : i32
    %shift_right_logical3A_34 = vector.broadcast %shift_right_logical3A_33 : i32 to vector<16xi32>
    %shift_right_logical3A_35 = arith.shrui %get3A_32, %shift_right_logical3A_34 : vector<16xi32>
    %swap3A_36 = arith.constant 0 : i32
    %swap3A_37 = arith.constant 0 : i32
    %swap3A_38 = arith.index_cast %swap3A_36 : i32 to index
    %swap3A_39 = arith.index_cast %swap3A_37 : i32 to index
    %swap3A_40 = arith.constant 16 : index
    %swap3A_41 = tpu.vector_load %arg6[%swap3A_38, %swap3A_39, %swap3A_40] {strides = array<i32>} : memref<2x2x128xi32, #tpu.memory_space<vmem>>, vector<1x1x16xi32>,
    %swap3A_42 = vector.shape_cast %swap3A_41 : vector<1x1x16xi32> to vector<16xi32>
    %swap3A_43 = vector.shape_cast %shift_right_logical3A_35 : vector<16xi32> to vector<1x1x16xi32>
    tpu.vector_store %arg6[%swap3A_38, %swap3A_39, %swap3A_40], %swap3A_43 {strides = array<i32>} : memref<2x2x128xi32, #tpu.memory_space<vmem>>, vector<1x1x16xi32>,
    %and3A_44 = arith.constant 65535 : i32
    %and3A_45 = vector.broadcast %and3A_44 : i32 to vector<16xi32>
    %and3A_46 = arith.andi %get3A_32, %and3A_45 : vector<16xi32>
    %swap3A_47 = arith.constant 0 : i32
    %swap3A_48 = arith.constant 1 : i32
    %swap3A_49 = arith.index_cast %swap3A_47 : i32 to index
    %swap3A_50 = arith.index_cast %swap3A_48 : i32 to index
    %swap3A_51 = arith.constant 16 : index
    %swap3A_52 = tpu.vector_load %arg6[%swap3A_49, %swap3A_50, %swap3A_51] {strides = array<i32>} : memref<2x2x128xi32, #tpu.memory_space<vmem>>, vector<1x1x16xi32>,
    %swap3A_53 = vector.shape_cast %swap3A_52 : vector<1x1x16xi32> to vector<16xi32>
    %swap3A_54 = vector.shape_cast %and3A_46 : vector<16xi32> to vector<1x1x16xi32>
    tpu.vector_store %arg6[%swap3A_49, %swap3A_50, %swap3A_51], %swap3A_54 {strides = array<i32>} : memref<2x2x128xi32, #tpu.memory_space<vmem>>, vector<1x1x16xi32>,
    %get3A_55 = arith.constant 0 : i32
    %get3A_56 = arith.index_cast %get3A_55 : i32 to index
    %get3A_57 = arith.constant 32 : index
    %get3A_58 = tpu.vector_load %arg5[%get3A_56, %get3A_57] {strides = array<i32>} : memref<79x128xi32, #tpu.memory_space<vmem>>, vector<1x16xi32>,
    %get3A_59 = vector.shape_cast %get3A_58 : vector<1x16xi32> to vector<16xi32>
    %shift_right_logical3A_60 = arith.constant 16 : i32
    %shift_right_logical3A_61 = vector.broadcast %shift_right_logical3A_60 : i32 to vector<16xi32>
    %shift_right_logical3A_62 = arith.shrui %get3A_59, %shift_right_logical3A_61 : vector<16xi32>
    %swap3A_63 = arith.constant 0 : i32
    %swap3A_64 = arith.constant 0 : i32
    %swap3A_65 = arith.index_cast %swap3A_63 : i32 to index
    %swap3A_66 = arith.index_cast %swap3A_64 : i32 to index
    %swap3A_67 = arith.constant 32 : index
    %swap3A_68 = tpu.vector_load %arg6[%swap3A_65, %swap3A_66, %swap3A_67] {strides = array<i32>} : memref<2x2x128xi32, #tpu.memory_space<vmem>>, vector<1x1x16xi32>,
    %swap3A_69 = vector.shape_cast %swap3A_68 : vector<1x1x16xi32> to vector<16xi32>
    %swap3A_70 = vector.shape_cast %shift_right_logical3A_62 : vector<16xi32> to vector<1x1x16xi32>
    tpu.vector_store %arg6[%swap3A_65, %swap3A_66, %swap3A_67], %swap3A_70 {strides = array<i32>} : memref<2x2x128xi32, #tpu.memory_space<vmem>>, vector<1x1x16xi32>,
    %and3A_71 = arith.constant 65535 : i32
    %and3A_72 = vector.broadcast %and3A_71 : i32 to vector<16xi32>
    %and3A_73 = arith.andi %get3A_59, %and3A_72 : vector<16xi32>
    %swap3A_74 = arith.constant 0 : i32
    %swap3A_75 = arith.constant 1 : i32
    %swap3A_76 = arith.index_cast %swap3A_74 : i32 to index
    %swap3A_77 = arith.index_cast %swap3A_75 : i32 to index
    %swap3A_78 = arith.constant 32 : index
    %swap3A_79 = tpu.vector_load %arg6[%swap3A_76, %swap3A_77, %swap3A_78] {strides = array<i32>} : memref<2x2x128xi32, #tpu.memory_space<vmem>>, vector<1x1x16xi32>,
    %swap3A_80 = vector.shape_cast %swap3A_79 : vector<1x1x16xi32> to vector<16xi32>
    %swap3A_81 = vector.shape_cast %and3A_73 : vector<16xi32> to vector<1x1x16xi32>
    tpu.vector_store %arg6[%swap3A_76, %swap3A_77, %swap3A_78], %swap3A_81 {strides = array<i32>} : memref<2x2x128xi32, #tpu.memory_space<vmem>>, vector<1x1x16xi32>,
    %get3A_82 = arith.constant 0 : i32
    %get3A_83 = arith.index_cast %get3A_82 : i32 to index
    %get3A_84 = arith.constant 48 : index
    %get3A_85 = tpu.vector_load %arg5[%get3A_83, %get3A_84] {strides = array<i32>} : memref<79x128xi32, #tpu.memory_space<vmem>>, vector<1x16xi32>,
    %get3A_86 = vector.shape_cast %get3A_85 : vector<1x16xi32> to vector<16xi32>
    %shift_right_logical3A_87 = arith.constant 16 : i32
    %shift_right_logical3A_88 = vector.broadcast %shift_right_logical3A_87 : i32 to vector<16xi32>
    %shift_right_logical3A_89 = arith.shrui %get3A_86, %shift_right_logical3A_88 : vector<16xi32>
    %swap3A_90 = arith.constant 0 : i32
    %swap3A_91 = arith.constant 0 : i32
    %swap3A_92 = arith.index_cast %swap3A_90 : i32 to index
    %swap3A_93 = arith.index_cast %swap3A_91 : i32 to index
    %swap3A_94 = arith.constant 48 : index
    %swap3A_95 = tpu.vector_load %arg6[%swap3A_92, %swap3A_93, %swap3A_94] {strides = array<i32>} : memref<2x2x128xi32, #tpu.memory_space<vmem>>, vector<1x1x16xi32>,
    %swap3A_96 = vector.shape_cast %swap3A_95 : vector<1x1x16xi32> to vector<16xi32>
    %swap3A_97 = vector.shape_cast %shift_right_logical3A_89 : vector<16xi32> to vector<1x1x16xi32>
    tpu.vector_store %arg6[%swap3A_92, %swap3A_93, %swap3A_94], %swap3A_97 {strides = array<i32>} : memref<2x2x128xi32, #tpu.memory_space<vmem>>, vector<1x1x16xi32>,
    %and3A_98 = arith.constant 65535 : i32
    %and3A_99 = vector.broadcast %and3A_98 : i32 to vector<16xi32>
    %and3A_100 = arith.andi %get3A_86, %and3A_99 : vector<16xi32>
    %swap3A_101 = arith.constant 0 : i32
    %swap3A_102 = arith.constant 1 : i32
    %swap3A_103 = arith.index_cast %swap3A_101 : i32 to index
    %swap3A_104 = arith.index_cast %swap3A_102 : i32 to index
    %swap3A_105 = arith.constant 48 : index
    %swap3A_106 = tpu.vector_load %arg6[%swap3A_103, %swap3A_104, %swap3A_105] {strides = array<i32>} : memref<2x2x128xi32, #tpu.memory_space<vmem>>, vector<1x1x16xi32>,
    %swap3A_107 = vector.shape_cast %swap3A_106 : vector<1x1x16xi32> to vector<16xi32>
    %swap3A_108 = vector.shape_cast %and3A_100 : vector<16xi32> to vector<1x1x16xi32>
    tpu.vector_store %arg6[%swap3A_103, %swap3A_104, %swap3A_105], %swap3A_108 {strides = array<i32>} : memref<2x2x128xi32, #tpu.memory_space<vmem>>, vector<1x1x16xi32>,
    %get3A_109 = arith.constant 0 : i32
    %get3A_110 = arith.index_cast %get3A_109 : i32 to index
    %get3A_111 = arith.constant 64 : index
    %get3A_112 = tpu.vector_load %arg5[%get3A_110, %get3A_111] {strides = array<i32>} : memref<79x128xi32, #tpu.memory_space<vmem>>, vector<1x16xi32>,
    %get3A_113 = vector.shape_cast %get3A_112 : vector<1x16xi32> to vector<16xi32>
    %shift_right_logical3A_114 = arith.constant 16 : i32
    %shift_right_logical3A_115 = vector.broadcast %shift_right_logical3A_114 : i32 to vector<16xi32>
    %shift_right_logical3A_116 = arith.shrui %get3A_113, %shift_right_logical3A_115 : vector<16xi32>
    %swap3A_117 = arith.constant 0 : i32
    %swap3A_118 = arith.constant 0 : i32
    %swap3A_119 = arith.index_cast %swap3A_117 : i32 to index
    %swap3A_120 = arith.index_cast %swap3A_118 : i32 to index
    %swap3A_121 = arith.constant 64 : index
    %swap3A_122 = tpu.vector_load %arg6[%swap3A_119, %swap3A_120, %swap3A_121] {strides = array<i32>} : memref<2x2x128xi32, #tpu.memory_space<vmem>>, vector<1x1x16xi32>,
    %swap3A_123 = vector.shape_cast %swap3A_122 : vector<1x1x16xi32> to vector<16xi32>
    %swap3A_124 = vector.shape_cast %shift_right_logical3A_116 : vector<16xi32> to vector<1x1x16xi32>
    tpu.vector_store %arg6[%swap3A_119, %swap3A_120, %swap3A_121], %swap3A_124 {strides = array<i32>} : memref<2x2x128xi32, #tpu.memory_space<vmem>>, vector<1x1x16xi32>,
    %and3A_125 = arith.constant 65535 : i32
    %and3A_126 = vector.broadcast %and3A_125 : i32 to vector<16xi32>
    %and3A_127 = arith.andi %get3A_113, %and3A_126 : vector<16xi32>
    %swap3A_128 = arith.constant 0 : i32
    %swap3A_129 = arith.constant 1 : i32
    %swap3A_130 = arith.index_cast %swap3A_128 : i32 to index
    %swap3A_131 = arith.index_cast %swap3A_129 : i32 to index
    %swap3A_132 = arith.constant 64 : index
    %swap3A_133 = tpu.vector_load %arg6[%swap3A_130, %swap3A_131, %swap3A_132] {strides = array<i32>} : memref<2x2x128xi32, #tpu.memory_space<vmem>>, vector<1x1x16xi32>,
    %swap3A_134 = vector.shape_cast %swap3A_133 : vector<1x1x16xi32> to vector<16xi32>
    %swap3A_135 = vector.shape_cast %and3A_127 : vector<16xi32> to vector<1x1x16xi32>
    tpu.vector_store %arg6[%swap3A_130, %swap3A_131, %swap3A_132], %swap3A_135 {strides = array<i32>} : memref<2x2x128xi32, #tpu.memory_space<vmem>>, vector<1x1x16xi32>,
    %get3A_136 = arith.constant 0 : i32
    %get3A_137 = arith.index_cast %get3A_136 : i32 to index
    %get3A_138 = arith.constant 80 : index
    %get3A_139 = tpu.vector_load %arg5[%get3A_137, %get3A_138] {strides = array<i32>} : memref<79x128xi32, #tpu.memory_space<vmem>>, vector<1x16xi32>,
    %get3A_140 = vector.shape_cast %get3A_139 : vector<1x16xi32> to vector<16xi32>
    %shift_right_logical3A_141 = arith.constant 16 : i32
    %shift_right_logical3A_142 = vector.broadcast %shift_right_logical3A_141 : i32 to vector<16xi32>
    %shift_right_logical3A_143 = arith.shrui %get3A_140, %shift_right_logical3A_142 : vector<16xi32>
    %swap3A_144 = arith.constant 0 : i32
    %swap3A_145 = arith.constant 0 : i32
    %swap3A_146 = arith.index_cast %swap3A_144 : i32 to index
    %swap3A_147 = arith.index_cast %swap3A_145 : i32 to index
    %swap3A_148 = arith.constant 80 : index
    %swap3A_149 = tpu.vector_load %arg6[%swap3A_146, %swap3A_147, %swap3A_148] {strides = array<i32>} : memref<2x2x128xi32, #tpu.memory_space<vmem>>, vector<1x1x16xi32>,
    %swap3A_150 = vector.shape_cast %swap3A_149 : vector<1x1x16xi32> to vector<16xi32>
    %swap3A_151 = vector.shape_cast %shift_right_logical3A_143 : vector<16xi32> to vector<1x1x16xi32>
    tpu.vector_store %arg6[%swap3A_146, %swap3A_147, %swap3A_148], %swap3A_151 {strides = array<i32>} : memref<2x2x128xi32, #tpu.memory_space<vmem>>, vector<1x1x16xi32>,
    %and3A_152 = arith.constant 65535 : i32
    %and3A_153 = vector.broadcast %and3A_152 : i32 to vector<16xi32>
    %and3A_154 = arith.andi %get3A_140, %and3A_153 : vector<16xi32>
    %swap3A_155 = arith.constant 0 : i32
    %swap3A_156 = arith.constant 1 : i32
    %swap3A_157 = arith.index_cast %swap3A_155 : i32 to index
    %swap3A_158 = arith.index_cast %swap3A_156 : i32 to index
    %swap3A_159 = arith.constant 80 : index
    %swap3A_160 = tpu.vector_load %arg6[%swap3A_157, %swap3A_158, %swap3A_159] {strides = array<i32>} : memref<2x2x128xi32, #tpu.memory_space<vmem>>, vector<1x1x16xi32>,
    %swap3A_161 = vector.shape_cast %swap3A_160 : vector<1x1x16xi32> to vector<16xi32>
    %swap3A_162 = vector.shape_cast %and3A_154 : vector<16xi32> to vector<1x1x16xi32>
    tpu.vector_store %arg6[%swap3A_157, %swap3A_158, %swap3A_159], %swap3A_162 {strides = array<i32>} : memref<2x2x128xi32, #tpu.memory_space<vmem>>, vector<1x1x16xi32>,
    %get3A_163 = arith.constant 0 : i32
    %get3A_164 = arith.index_cast %get3A_163 : i32 to index
    %get3A_165 = arith.constant 96 : index
    %get3A_166 = tpu.vector_load %arg5[%get3A_164, %get3A_165] {strides = array<i32>} : memref<79x128xi32, #tpu.memory_space<vmem>>, vector<1x16xi32>,
    %get3A_167 = vector.shape_cast %get3A_166 : vector<1x16xi32> to vector<16xi32>
    %shift_right_logical3A_168 = arith.constant 16 : i32
    %shift_right_logical3A_169 = vector.broadcast %shift_right_logical3A_168 : i32 to vector<16xi32>
    %shift_right_logical3A_170 = arith.shrui %get3A_167, %shift_right_logical3A_169 : vector<16xi32>
    %swap3A_171 = arith.constant 0 : i32
    %swap3A_172 = arith.constant 0 : i32
    %swap3A_173 = arith.index_cast %swap3A_171 : i32 to index
    %swap3A_174 = arith.index_cast %swap3A_172 : i32 to index
    %swap3A_175 = arith.constant 96 : index
    %swap3A_176 = tpu.vector_load %arg6[%swap3A_173, %swap3A_174, %swap3A_175] {strides = array<i32>} : memref<2x2x128xi32, #tpu.memory_space<vmem>>, vector<1x1x16xi32>,
    %swap3A_177 = vector.shape_cast %swap3A_176 : vector<1x1x16xi32> to vector<16xi32>
    %swap3A_178 = vector.shape_cast %shift_right_logical3A_170 : vector<16xi32> to vector<1x1x16xi32>
    tpu.vector_store %arg6[%swap3A_173, %swap3A_174, %swap3A_175], %swap3A_178 {strides = array<i32>} : memref<2x2x128xi32, #tpu.memory_space<vmem>>, vector<1x1x16xi32>,
    %and3A_179 = arith.constant 65535 : i32
    %and3A_180 = vector.broadcast %and3A_179 : i32 to vector<16xi32>
    %and3A_181 = arith.andi %get3A_167, %and3A_180 : vector<16xi32>
    %swap3A_182 = arith.constant 0 : i32
    %swap3A_183 = arith.constant 1 : i32
    %swap3A_184 = arith.index_cast %swap3A_182 : i32 to index
    %swap3A_185 = arith.index_cast %swap3A_183 : i32 to index
    %swap3A_186 = arith.constant 96 : index
    %swap3A_187 = tpu.vector_load %arg6[%swap3A_184, %swap3A_185, %swap3A_186] {strides = array<i32>} : memref<2x2x128xi32, #tpu.memory_space<vmem>>, vector<1x1x16xi32>,
    %swap3A_188 = vector.shape_cast %swap3A_187 : vector<1x1x16xi32> to vector<16xi32>
    %swap3A_189 = vector.shape_cast %and3A_181 : vector<16xi32> to vector<1x1x16xi32>
    tpu.vector_store %arg6[%swap3A_184, %swap3A_185, %swap3A_186], %swap3A_189 {strides = array<i32>} : memref<2x2x128xi32, #tpu.memory_space<vmem>>, vector<1x1x16xi32>,
    %get3A_190 = arith.constant 0 : i32
    %get3A_191 = arith.index_cast %get3A_190 : i32 to index
    %get3A_192 = arith.constant 112 : index
    %get3A_193 = tpu.vector_load %arg5[%get3A_191, %get3A_192] {strides = array<i32>} : memref<79x128xi32, #tpu.memory_space<vmem>>, vector<1x16xi32>,
    %get3A_194 = vector.shape_cast %get3A_193 : vector<1x16xi32> to vector<16xi32>
    %shift_right_logical3A_195 = arith.constant 16 : i32
    %shift_right_logical3A_196 = vector.broadcast %shift_right_logical3A_195 : i32 to vector<16xi32>
    %shift_right_logical3A_197 = arith.shrui %get3A_194, %shift_right_logical3A_196 : vector<16xi32>
    %swap3A_198 = arith.constant 0 : i32
    %swap3A_199 = arith.constant 0 : i32
    %swap3A_200 = arith.index_cast %swap3A_198 : i32 to index
    %swap3A_201 = arith.index_cast %swap3A_199 : i32 to index
    %swap3A_202 = arith.constant 112 : index
    %swap3A_203 = tpu.vector_load %arg6[%swap3A_200, %swap3A_201, %swap3A_202] {strides = array<i32>} : memref<2x2x128xi32, #tpu.memory_space<vmem>>, vector<1x1x16xi32>,
    %swap3A_204 = vector.shape_cast %swap3A_203 : vector<1x1x16xi32> to vector<16xi32>
    %swap3A_205 = vector.shape_cast %shift_right_logical3A_197 : vector<16xi32> to vector<1x1x16xi32>
    tpu.vector_store %arg6[%swap3A_200, %swap3A_201, %swap3A_202], %swap3A_205 {strides = array<i32>} : memref<2x2x128xi32, #tpu.memory_space<vmem>>, vector<1x1x16xi32>,
    %and3A_206 = arith.constant 65535 : i32
    %and3A_207 = vector.broadcast %and3A_206 : i32 to vector<16xi32>
    %and3A_208 = arith.andi %get3A_194, %and3A_207 : vector<16xi32>
    %swap3A_209 = arith.constant 0 : i32
    %swap3A_210 = arith.constant 1 : i32
    %swap3A_211 = arith.index_cast %swap3A_209 : i32 to index
    %swap3A_212 = arith.index_cast %swap3A_210 : i32 to index
    %swap3A_213 = arith.constant 112 : index
    %swap3A_214 = tpu.vector_load %arg6[%swap3A_211, %swap3A_212, %swap3A_213] {strides = array<i32>} : memref<2x2x128xi32, #tpu.memory_space<vmem>>, vector<1x1x16xi32>,
    %swap3A_215 = vector.shape_cast %swap3A_214 : vector<1x1x16xi32> to vector<16xi32>
    %swap3A_216 = vector.shape_cast %and3A_208 : vector<16xi32> to vector<1x1x16xi32>
    tpu.vector_store %arg6[%swap3A_211, %swap3A_212, %swap3A_213], %swap3A_216 {strides = array<i32>} : memref<2x2x128xi32, #tpu.memory_space<vmem>>, vector<1x1x16xi32>,
    %dma_start3A = arith.constant 0 : i32
    %dma_start3A_217 = arith.constant 0 : i32
    %dma_start3A_218 = arith.constant 0 : i32
    %dma_start3A_219 = arith.constant 0 : i32
    %dma_start3A_220 = arith.constant 0 : i32
    %dma_start3A_221 = tpu.memref_slice %arg7[%dma_start3A_218, %dma_start3A_219, %dma_start3A_220] : memref<2x128x128xf32, #tpu.memory_space<vmem>> -> memref<1x128x128xf32, #tpu.memory_space<vmem>>
    %dma_start3A_222 = tpu.memref_squeeze %dma_start3A_221 : memref<1x128x128xf32, #tpu.memory_space<vmem>> -> memref<128x128xf32, #tpu.memory_space<vmem>>
    %dma_start3A_223 = arith.constant 0 : i32
    %dma_start3A_224 = tpu.memref_slice %arg6[%dma_start3A, %dma_start3A_217, %dma_start3A_223] : memref<2x2x128xi32, #tpu.memory_space<vmem>> -> memref<1x1x128xi32, #tpu.memory_space<vmem>>
    %dma_start3A_225 = tpu.memref_squeeze %dma_start3A_224 : memref<1x1x128xi32, #tpu.memory_space<vmem>> -> memref<128xi32, #tpu.memory_space<vmem>>
    %dma_start3A_226 = arith.constant 0 : i32
    %dma_start3A_227 = arith.constant 0 : i32
    %dma_start3A_228 = tpu.memref_slice %arg2[%dma_start3A_226, %dma_start3A_227] : memref<10240x128xf32, #tpu.memory_space<hbm>> -> memref<10240x128xf32, #tpu.memory_space<hbm>>
    tpu.enqueue_indirect_dma source(%dma_start3A_228 : memref<10240x128xf32, #tpu.memory_space<hbm>>) target(%dma_start3A_222 : memref<128x128xf32, #tpu.memory_space<vmem>>) offsets(%dma_start3A_225 : memref<128xi32, #tpu.memory_space<vmem>>) semaphore(%arg9 : memref<!tpu.dma_semaphore, #tpu.memory_space<semaphore_mem>>)
    %barrier3A = arith.constant 0 : index
    tpu.barrier barrier_id(%barrier3A)
    %scan3A = arith.constant 0 : i32
    %scan3A_229 = arith.constant 0 : i32
    %scan3A_230 = arith.constant 79 : i32
    %scan3A_231 = arith.addi %scan3A_229, %scan3A_230 : i32
    %scan3A_232 = arith.constant 1 : i32
    scf.for %scan3A_254 = %scan3A_229 to %scan3A_231 step %scan3A_232  : i32 {
      %rem3A_255 = arith.constant 2 : i32
      %rem3A_256 = arith.remsi %scan3A_254, %rem3A_255 : i32
      %sub3A = arith.constant 1 : i32
      %sub3A_257 = arith.subi %sub3A, %rem3A_256 : i32
      %dma_wait3A_258 = arith.constant 0 : i32
      %dma_wait3A_259 = arith.constant 0 : i32
      %dma_wait3A_260 = arith.constant 0 : i32
      %dma_wait3A_261 = tpu.memref_slice %arg7[%rem3A_256, %dma_wait3A_259, %dma_wait3A_260] : memref<2x128x128xf32, #tpu.memory_space<vmem>> -> memref<1x128x128xf32, #tpu.memory_space<vmem>>
      %dma_wait3A_262 = tpu.memref_squeeze %dma_wait3A_261 : memref<1x128x128xf32, #tpu.memory_space<vmem>> -> memref<128x128xf32, #tpu.memory_space<vmem>>
      %dma_wait3A_263 = arith.constant 0 : i32
      %dma_wait3A_264 = tpu.memref_slice %arg6[%rem3A_256, %dma_wait3A_258, %dma_wait3A_263] : memref<2x2x128xi32, #tpu.memory_space<vmem>> -> memref<1x1x128xi32, #tpu.memory_space<vmem>>
      %dma_wait3A_265 = tpu.memref_squeeze %dma_wait3A_264 : memref<1x1x128xi32, #tpu.memory_space<vmem>> -> memref<128xi32, #tpu.memory_space<vmem>>
      %dma_wait3A_266 = arith.constant 0 : i32
      %dma_wait3A_267 = arith.constant 0 : i32
      %dma_wait3A_268 = tpu.memref_slice %arg2[%dma_wait3A_266, %dma_wait3A_267] : memref<10240x128xf32, #tpu.memory_space<hbm>> -> memref<10240x128xf32, #tpu.memory_space<hbm>>
      tpu.wait_indirect_dma semaphore(%arg9 : memref<!tpu.dma_semaphore, #tpu.memory_space<semaphore_mem>>) src(%dma_wait3A_268 : memref<10240x128xf32, #tpu.memory_space<hbm>>) dst(%dma_wait3A_262 : memref<128x128xf32, #tpu.memory_space<vmem>>)
      %gt3A = arith.constant 0 : i32
      %gt3A_269 = arith.cmpi sgt, %scan3A_254, %gt3A : i32
      %convert_element_type3A = arith.extui %gt3A_269 : i1 to i32
      %cond3A = arith.constant 0 : i32
      %cond3A_270 = arith.cmpi ne, %convert_element_type3A, %cond3A : i32
      scf.if %cond3A_270 {
        %dma_wait3A_288 = arith.constant 1 : i32
        %dma_wait3A_289 = arith.constant 0 : i32
        %dma_wait3A_290 = arith.constant 0 : i32
        %dma_wait3A_291 = tpu.memref_slice %arg7[%sub3A_257, %dma_wait3A_289, %dma_wait3A_290] : memref<2x128x128xf32, #tpu.memory_space<vmem>> -> memref<1x128x128xf32, #tpu.memory_space<vmem>>
        %dma_wait3A_292 = tpu.memref_squeeze %dma_wait3A_291 : memref<1x128x128xf32, #tpu.memory_space<vmem>> -> memref<128x128xf32, #tpu.memory_space<vmem>>
        %dma_wait3A_293 = arith.constant 0 : i32
        %dma_wait3A_294 = tpu.memref_slice %arg6[%sub3A_257, %dma_wait3A_288, %dma_wait3A_293] : memref<2x2x128xi32, #tpu.memory_space<vmem>> -> memref<1x1x128xi32, #tpu.memory_space<vmem>>
        %dma_wait3A_295 = tpu.memref_squeeze %dma_wait3A_294 : memref<1x1x128xi32, #tpu.memory_space<vmem>> -> memref<128xi32, #tpu.memory_space<vmem>>
        %dma_wait3A_296 = arith.constant 0 : i32
        %dma_wait3A_297 = arith.constant 0 : i32
        %dma_wait3A_298 = tpu.memref_slice %arg8[%dma_wait3A_296, %dma_wait3A_297] : memref<10240x128xf32, #tpu.memory_space<vmem_shared>> -> memref<10240x128xf32, #tpu.memory_space<vmem_shared>>
        tpu.wait_indirect_dma semaphore(%arg10 : memref<!tpu.dma_semaphore, #tpu.memory_space<semaphore_mem>>) src(%dma_wait3A_292 : memref<128x128xf32, #tpu.memory_space<vmem>>) dst(%dma_wait3A_298 : memref<10240x128xf32, #tpu.memory_space<vmem_shared>>)
      } else {
      }
      %dma_start3A_271 = arith.constant 1 : i32
      %dma_start3A_272 = arith.constant 0 : i32
      %dma_start3A_273 = arith.constant 0 : i32
      %dma_start3A_274 = tpu.memref_slice %arg7[%rem3A_256, %dma_start3A_272, %dma_start3A_273] : memref<2x128x128xf32, #tpu.memory_space<vmem>> -> memref<1x128x128xf32, #tpu.memory_space<vmem>>
      %dma_start3A_275 = tpu.memref_squeeze %dma_start3A_274 : memref<1x128x128xf32, #tpu.memory_space<vmem>> -> memref<128x128xf32, #tpu.memory_space<vmem>>
      %dma_start3A_276 = arith.constant 0 : i32
      %dma_start3A_277 = tpu.memref_slice %arg6[%rem3A_256, %dma_start3A_271, %dma_start3A_276] : memref<2x2x128xi32, #tpu.memory_space<vmem>> -> memref<1x1x128xi32, #tpu.memory_space<vmem>>
      %dma_start3A_278 = tpu.memref_squeeze %dma_start3A_277 : memref<1x1x128xi32, #tpu.memory_space<vmem>> -> memref<128xi32, #tpu.memory_space<vmem>>
      %dma_start3A_279 = arith.constant 0 : i32
      %dma_start3A_280 = arith.constant 0 : i32
      %dma_start3A_281 = tpu.memref_slice %arg8[%dma_start3A_279, %dma_start3A_280] : memref<10240x128xf32, #tpu.memory_space<vmem_shared>> -> memref<10240x128xf32, #tpu.memory_space<vmem_shared>>
      tpu.enqueue_indirect_dma source(%dma_start3A_275 : memref<128x128xf32, #tpu.memory_space<vmem>>) target(%dma_start3A_281 : memref<10240x128xf32, #tpu.memory_space<vmem_shared>>) offsets(%dma_start3A_278 : memref<128xi32, #tpu.memory_space<vmem>>) semaphore(%arg10 : memref<!tpu.dma_semaphore, #tpu.memory_space<semaphore_mem>>) {add = true}
      %add3A_282 = arith.constant 1 : i32
      %add3A_283 = arith.addi %scan3A_254, %add3A_282 : i32
      %lt3A = arith.constant 79 : i32
      %lt3A_284 = arith.cmpi slt, %add3A_283, %lt3A : i32
      %convert_element_type3A_285 = arith.extui %lt3A_284 : i1 to i32
      %cond3A_286 = arith.constant 0 : i32
      %cond3A_287 = arith.cmpi ne, %convert_element_type3A_285, %cond3A_286 : i32
      scf.if %cond3A_287 {
        %add3A_288 = arith.constant 1 : i32
        %add3A_289 = arith.addi %scan3A_254, %add3A_288 : i32
        %get3A_290 = arith.index_cast %add3A_289 : i32 to index
        %get3A_291 = arith.constant 0 : index
        %get3A_292 = tpu.vector_load %arg5[%get3A_290, %get3A_291] {strides = array<i32>} : memref<79x128xi32, #tpu.memory_space<vmem>>, vector<1x16xi32>,
        %get3A_293 = vector.shape_cast %get3A_292 : vector<1x16xi32> to vector<16xi32>
        %shift_right_logical3A_294 = arith.constant 16 : i32
        %shift_right_logical3A_295 = vector.broadcast %shift_right_logical3A_294 : i32 to vector<16xi32>
        %shift_right_logical3A_296 = arith.shrui %get3A_293, %shift_right_logical3A_295 : vector<16xi32>
        %swap3A_297 = arith.constant 0 : i32
        %swap3A_298 = arith.index_cast %sub3A_257 : i32 to index
        %swap3A_299 = arith.index_cast %swap3A_297 : i32 to index
        %swap3A_300 = arith.constant 0 : index
        %swap3A_301 = tpu.vector_load %arg6[%swap3A_298, %swap3A_299, %swap3A_300] {strides = array<i32>} : memref<2x2x128xi32, #tpu.memory_space<vmem>>, vector<1x1x16xi32>,
        %swap3A_302 = vector.shape_cast %swap3A_301 : vector<1x1x16xi32> to vector<16xi32>
        %swap3A_303 = vector.shape_cast %shift_right_logical3A_296 : vector<16xi32> to vector<1x1x16xi32>
        tpu.vector_store %arg6[%swap3A_298, %swap3A_299, %swap3A_300], %swap3A_303 {strides = array<i32>} : memref<2x2x128xi32, #tpu.memory_space<vmem>>, vector<1x1x16xi32>,
        %and3A_304 = arith.constant 65535 : i32
        %and3A_305 = vector.broadcast %and3A_304 : i32 to vector<16xi32>
        %and3A_306 = arith.andi %get3A_293, %and3A_305 : vector<16xi32>
        %swap3A_307 = arith.constant 1 : i32
        %swap3A_308 = arith.index_cast %sub3A_257 : i32 to index
        %swap3A_309 = arith.index_cast %swap3A_307 : i32 to index
        %swap3A_310 = arith.constant 0 : index
        %swap3A_311 = tpu.vector_load %arg6[%swap3A_308, %swap3A_309, %swap3A_310] {strides = array<i32>} : memref<2x2x128xi32, #tpu.memory_space<vmem>>, vector<1x1x16xi32>,
        %swap3A_312 = vector.shape_cast %swap3A_311 : vector<1x1x16xi32> to vector<16xi32>
        %swap3A_313 = vector.shape_cast %and3A_306 : vector<16xi32> to vector<1x1x16xi32>
        tpu.vector_store %arg6[%swap3A_308, %swap3A_309, %swap3A_310], %swap3A_313 {strides = array<i32>} : memref<2x2x128xi32, #tpu.memory_space<vmem>>, vector<1x1x16xi32>,
        %get3A_314 = arith.index_cast %add3A_289 : i32 to index
        %get3A_315 = arith.constant 16 : index
        %get3A_316 = tpu.vector_load %arg5[%get3A_314, %get3A_315] {strides = array<i32>} : memref<79x128xi32, #tpu.memory_space<vmem>>, vector<1x16xi32>,
        %get3A_317 = vector.shape_cast %get3A_316 : vector<1x16xi32> to vector<16xi32>
        %shift_right_logical3A_318 = arith.constant 16 : i32
        %shift_right_logical3A_319 = vector.broadcast %shift_right_logical3A_318 : i32 to vector<16xi32>
        %shift_right_logical3A_320 = arith.shrui %get3A_317, %shift_right_logical3A_319 : vector<16xi32>
        %swap3A_321 = arith.constant 0 : i32
        %swap3A_322 = arith.index_cast %sub3A_257 : i32 to index
        %swap3A_323 = arith.index_cast %swap3A_321 : i32 to index
        %swap3A_324 = arith.constant 16 : index
        %swap3A_325 = tpu.vector_load %arg6[%swap3A_322, %swap3A_323, %swap3A_324] {strides = array<i32>} : memref<2x2x128xi32, #tpu.memory_space<vmem>>, vector<1x1x16xi32>,
        %swap3A_326 = vector.shape_cast %swap3A_325 : vector<1x1x16xi32> to vector<16xi32>
        %swap3A_327 = vector.shape_cast %shift_right_logical3A_320 : vector<16xi32> to vector<1x1x16xi32>
        tpu.vector_store %arg6[%swap3A_322, %swap3A_323, %swap3A_324], %swap3A_327 {strides = array<i32>} : memref<2x2x128xi32, #tpu.memory_space<vmem>>, vector<1x1x16xi32>,
        %and3A_328 = arith.constant 65535 : i32
        %and3A_329 = vector.broadcast %and3A_328 : i32 to vector<16xi32>
        %and3A_330 = arith.andi %get3A_317, %and3A_329 : vector<16xi32>
        %swap3A_331 = arith.constant 1 : i32
        %swap3A_332 = arith.index_cast %sub3A_257 : i32 to index
        %swap3A_333 = arith.index_cast %swap3A_331 : i32 to index
        %swap3A_334 = arith.constant 16 : index
        %swap3A_335 = tpu.vector_load %arg6[%swap3A_332, %swap3A_333, %swap3A_334] {strides = array<i32>} : memref<2x2x128xi32, #tpu.memory_space<vmem>>, vector<1x1x16xi32>,
        %swap3A_336 = vector.shape_cast %swap3A_335 : vector<1x1x16xi32> to vector<16xi32>
        %swap3A_337 = vector.shape_cast %and3A_330 : vector<16xi32> to vector<1x1x16xi32>
        tpu.vector_store %arg6[%swap3A_332, %swap3A_333, %swap3A_334], %swap3A_337 {strides = array<i32>} : memref<2x2x128xi32, #tpu.memory_space<vmem>>, vector<1x1x16xi32>,
        %get3A_338 = arith.index_cast %add3A_289 : i32 to index
        %get3A_339 = arith.constant 32 : index
        %get3A_340 = tpu.vector_load %arg5[%get3A_338, %get3A_339] {strides = array<i32>} : memref<79x128xi32, #tpu.memory_space<vmem>>, vector<1x16xi32>,
        %get3A_341 = vector.shape_cast %get3A_340 : vector<1x16xi32> to vector<16xi32>
        %shift_right_logical3A_342 = arith.constant 16 : i32
        %shift_right_logical3A_343 = vector.broadcast %shift_right_logical3A_342 : i32 to vector<16xi32>
        %shift_right_logical3A_344 = arith.shrui %get3A_341, %shift_right_logical3A_343 : vector<16xi32>
        %swap3A_345 = arith.constant 0 : i32
        %swap3A_346 = arith.index_cast %sub3A_257 : i32 to index
        %swap3A_347 = arith.index_cast %swap3A_345 : i32 to index
        %swap3A_348 = arith.constant 32 : index
        %swap3A_349 = tpu.vector_load %arg6[%swap3A_346, %swap3A_347, %swap3A_348] {strides = array<i32>} : memref<2x2x128xi32, #tpu.memory_space<vmem>>, vector<1x1x16xi32>,
        %swap3A_350 = vector.shape_cast %swap3A_349 : vector<1x1x16xi32> to vector<16xi32>
        %swap3A_351 = vector.shape_cast %shift_right_logical3A_344 : vector<16xi32> to vector<1x1x16xi32>
        tpu.vector_store %arg6[%swap3A_346, %swap3A_347, %swap3A_348], %swap3A_351 {strides = array<i32>} : memref<2x2x128xi32, #tpu.memory_space<vmem>>, vector<1x1x16xi32>,
        %and3A_352 = arith.constant 65535 : i32
        %and3A_353 = vector.broadcast %and3A_352 : i32 to vector<16xi32>
        %and3A_354 = arith.andi %get3A_341, %and3A_353 : vector<16xi32>
        %swap3A_355 = arith.constant 1 : i32
        %swap3A_356 = arith.index_cast %sub3A_257 : i32 to index
        %swap3A_357 = arith.index_cast %swap3A_355 : i32 to index
        %swap3A_358 = arith.constant 32 : index
        %swap3A_359 = tpu.vector_load %arg6[%swap3A_356, %swap3A_357, %swap3A_358] {strides = array<i32>} : memref<2x2x128xi32, #tpu.memory_space<vmem>>, vector<1x1x16xi32>,
        %swap3A_360 = vector.shape_cast %swap3A_359 : vector<1x1x16xi32> to vector<16xi32>
        %swap3A_361 = vector.shape_cast %and3A_354 : vector<16xi32> to vector<1x1x16xi32>
        tpu.vector_store %arg6[%swap3A_356, %swap3A_357, %swap3A_358], %swap3A_361 {strides = array<i32>} : memref<2x2x128xi32, #tpu.memory_space<vmem>>, vector<1x1x16xi32>,
        %get3A_362 = arith.index_cast %add3A_289 : i32 to index
        %get3A_363 = arith.constant 48 : index
        %get3A_364 = tpu.vector_load %arg5[%get3A_362, %get3A_363] {strides = array<i32>} : memref<79x128xi32, #tpu.memory_space<vmem>>, vector<1x16xi32>,
        %get3A_365 = vector.shape_cast %get3A_364 : vector<1x16xi32> to vector<16xi32>
        %shift_right_logical3A_366 = arith.constant 16 : i32
        %shift_right_logical3A_367 = vector.broadcast %shift_right_logical3A_366 : i32 to vector<16xi32>
        %shift_right_logical3A_368 = arith.shrui %get3A_365, %shift_right_logical3A_367 : vector<16xi32>
        %swap3A_369 = arith.constant 0 : i32
        %swap3A_370 = arith.index_cast %sub3A_257 : i32 to index
        %swap3A_371 = arith.index_cast %swap3A_369 : i32 to index
        %swap3A_372 = arith.constant 48 : index
        %swap3A_373 = tpu.vector_load %arg6[%swap3A_370, %swap3A_371, %swap3A_372] {strides = array<i32>} : memref<2x2x128xi32, #tpu.memory_space<vmem>>, vector<1x1x16xi32>,
        %swap3A_374 = vector.shape_cast %swap3A_373 : vector<1x1x16xi32> to vector<16xi32>
        %swap3A_375 = vector.shape_cast %shift_right_logical3A_368 : vector<16xi32> to vector<1x1x16xi32>
        tpu.vector_store %arg6[%swap3A_370, %swap3A_371, %swap3A_372], %swap3A_375 {strides = array<i32>} : memref<2x2x128xi32, #tpu.memory_space<vmem>>, vector<1x1x16xi32>,
        %and3A_376 = arith.constant 65535 : i32
        %and3A_377 = vector.broadcast %and3A_376 : i32 to vector<16xi32>
        %and3A_378 = arith.andi %get3A_365, %and3A_377 : vector<16xi32>
        %swap3A_379 = arith.constant 1 : i32
        %swap3A_380 = arith.index_cast %sub3A_257 : i32 to index
        %swap3A_381 = arith.index_cast %swap3A_379 : i32 to index
        %swap3A_382 = arith.constant 48 : index
        %swap3A_383 = tpu.vector_load %arg6[%swap3A_380, %swap3A_381, %swap3A_382] {strides = array<i32>} : memref<2x2x128xi32, #tpu.memory_space<vmem>>, vector<1x1x16xi32>,
        %swap3A_384 = vector.shape_cast %swap3A_383 : vector<1x1x16xi32> to vector<16xi32>
        %swap3A_385 = vector.shape_cast %and3A_378 : vector<16xi32> to vector<1x1x16xi32>
        tpu.vector_store %arg6[%swap3A_380, %swap3A_381, %swap3A_382], %swap3A_385 {strides = array<i32>} : memref<2x2x128xi32, #tpu.memory_space<vmem>>, vector<1x1x16xi32>,
        %get3A_386 = arith.index_cast %add3A_289 : i32 to index
        %get3A_387 = arith.constant 64 : index
        %get3A_388 = tpu.vector_load %arg5[%get3A_386, %get3A_387] {strides = array<i32>} : memref<79x128xi32, #tpu.memory_space<vmem>>, vector<1x16xi32>,
        %get3A_389 = vector.shape_cast %get3A_388 : vector<1x16xi32> to vector<16xi32>
        %shift_right_logical3A_390 = arith.constant 16 : i32
        %shift_right_logical3A_391 = vector.broadcast %shift_right_logical3A_390 : i32 to vector<16xi32>
        %shift_right_logical3A_392 = arith.shrui %get3A_389, %shift_right_logical3A_391 : vector<16xi32>
        %swap3A_393 = arith.constant 0 : i32
        %swap3A_394 = arith.index_cast %sub3A_257 : i32 to index
        %swap3A_395 = arith.index_cast %swap3A_393 : i32 to index
        %swap3A_396 = arith.constant 64 : index
        %swap3A_397 = tpu.vector_load %arg6[%swap3A_394, %swap3A_395, %swap3A_396] {strides = array<i32>} : memref<2x2x128xi32, #tpu.memory_space<vmem>>, vector<1x1x16xi32>,
        %swap3A_398 = vector.shape_cast %swap3A_397 : vector<1x1x16xi32> to vector<16xi32>
        %swap3A_399 = vector.shape_cast %shift_right_logical3A_392 : vector<16xi32> to vector<1x1x16xi32>
        tpu.vector_store %arg6[%swap3A_394, %swap3A_395, %swap3A_396], %swap3A_399 {strides = array<i32>} : memref<2x2x128xi32, #tpu.memory_space<vmem>>, vector<1x1x16xi32>,
        %and3A_400 = arith.constant 65535 : i32
        %and3A_401 = vector.broadcast %and3A_400 : i32 to vector<16xi32>
        %and3A_402 = arith.andi %get3A_389, %and3A_401 : vector<16xi32>
        %swap3A_403 = arith.constant 1 : i32
        %swap3A_404 = arith.index_cast %sub3A_257 : i32 to index
        %swap3A_405 = arith.index_cast %swap3A_403 : i32 to index
        %swap3A_406 = arith.constant 64 : index
        %swap3A_407 = tpu.vector_load %arg6[%swap3A_404, %swap3A_405, %swap3A_406] {strides = array<i32>} : memref<2x2x128xi32, #tpu.memory_space<vmem>>, vector<1x1x16xi32>,
        %swap3A_408 = vector.shape_cast %swap3A_407 : vector<1x1x16xi32> to vector<16xi32>
        %swap3A_409 = vector.shape_cast %and3A_402 : vector<16xi32> to vector<1x1x16xi32>
        tpu.vector_store %arg6[%swap3A_404, %swap3A_405, %swap3A_406], %swap3A_409 {strides = array<i32>} : memref<2x2x128xi32, #tpu.memory_space<vmem>>, vector<1x1x16xi32>,
        %get3A_410 = arith.index_cast %add3A_289 : i32 to index
        %get3A_411 = arith.constant 80 : index
        %get3A_412 = tpu.vector_load %arg5[%get3A_410, %get3A_411] {strides = array<i32>} : memref<79x128xi32, #tpu.memory_space<vmem>>, vector<1x16xi32>,
        %get3A_413 = vector.shape_cast %get3A_412 : vector<1x16xi32> to vector<16xi32>
        %shift_right_logical3A_414 = arith.constant 16 : i32
        %shift_right_logical3A_415 = vector.broadcast %shift_right_logical3A_414 : i32 to vector<16xi32>
        %shift_right_logical3A_416 = arith.shrui %get3A_413, %shift_right_logical3A_415 : vector<16xi32>
        %swap3A_417 = arith.constant 0 : i32
        %swap3A_418 = arith.index_cast %sub3A_257 : i32 to index
        %swap3A_419 = arith.index_cast %swap3A_417 : i32 to index
        %swap3A_420 = arith.constant 80 : index
        %swap3A_421 = tpu.vector_load %arg6[%swap3A_418, %swap3A_419, %swap3A_420] {strides = array<i32>} : memref<2x2x128xi32, #tpu.memory_space<vmem>>, vector<1x1x16xi32>,
        %swap3A_422 = vector.shape_cast %swap3A_421 : vector<1x1x16xi32> to vector<16xi32>
        %swap3A_423 = vector.shape_cast %shift_right_logical3A_416 : vector<16xi32> to vector<1x1x16xi32>
        tpu.vector_store %arg6[%swap3A_418, %swap3A_419, %swap3A_420], %swap3A_423 {strides = array<i32>} : memref<2x2x128xi32, #tpu.memory_space<vmem>>, vector<1x1x16xi32>,
        %and3A_424 = arith.constant 65535 : i32
        %and3A_425 = vector.broadcast %and3A_424 : i32 to vector<16xi32>
        %and3A_426 = arith.andi %get3A_413, %and3A_425 : vector<16xi32>
        %swap3A_427 = arith.constant 1 : i32
        %swap3A_428 = arith.index_cast %sub3A_257 : i32 to index
        %swap3A_429 = arith.index_cast %swap3A_427 : i32 to index
        %swap3A_430 = arith.constant 80 : index
        %swap3A_431 = tpu.vector_load %arg6[%swap3A_428, %swap3A_429, %swap3A_430] {strides = array<i32>} : memref<2x2x128xi32, #tpu.memory_space<vmem>>, vector<1x1x16xi32>,
        %swap3A_432 = vector.shape_cast %swap3A_431 : vector<1x1x16xi32> to vector<16xi32>
        %swap3A_433 = vector.shape_cast %and3A_426 : vector<16xi32> to vector<1x1x16xi32>
        tpu.vector_store %arg6[%swap3A_428, %swap3A_429, %swap3A_430], %swap3A_433 {strides = array<i32>} : memref<2x2x128xi32, #tpu.memory_space<vmem>>, vector<1x1x16xi32>,
        %get3A_434 = arith.index_cast %add3A_289 : i32 to index
        %get3A_435 = arith.constant 96 : index
        %get3A_436 = tpu.vector_load %arg5[%get3A_434, %get3A_435] {strides = array<i32>} : memref<79x128xi32, #tpu.memory_space<vmem>>, vector<1x16xi32>,
        %get3A_437 = vector.shape_cast %get3A_436 : vector<1x16xi32> to vector<16xi32>
        %shift_right_logical3A_438 = arith.constant 16 : i32
        %shift_right_logical3A_439 = vector.broadcast %shift_right_logical3A_438 : i32 to vector<16xi32>
        %shift_right_logical3A_440 = arith.shrui %get3A_437, %shift_right_logical3A_439 : vector<16xi32>
        %swap3A_441 = arith.constant 0 : i32
        %swap3A_442 = arith.index_cast %sub3A_257 : i32 to index
        %swap3A_443 = arith.index_cast %swap3A_441 : i32 to index
        %swap3A_444 = arith.constant 96 : index
        %swap3A_445 = tpu.vector_load %arg6[%swap3A_442, %swap3A_443, %swap3A_444] {strides = array<i32>} : memref<2x2x128xi32, #tpu.memory_space<vmem>>, vector<1x1x16xi32>,
        %swap3A_446 = vector.shape_cast %swap3A_445 : vector<1x1x16xi32> to vector<16xi32>
        %swap3A_447 = vector.shape_cast %shift_right_logical3A_440 : vector<16xi32> to vector<1x1x16xi32>
        tpu.vector_store %arg6[%swap3A_442, %swap3A_443, %swap3A_444], %swap3A_447 {strides = array<i32>} : memref<2x2x128xi32, #tpu.memory_space<vmem>>, vector<1x1x16xi32>,
        %and3A_448 = arith.constant 65535 : i32
        %and3A_449 = vector.broadcast %and3A_448 : i32 to vector<16xi32>
        %and3A_450 = arith.andi %get3A_437, %and3A_449 : vector<16xi32>
        %swap3A_451 = arith.constant 1 : i32
        %swap3A_452 = arith.index_cast %sub3A_257 : i32 to index
        %swap3A_453 = arith.index_cast %swap3A_451 : i32 to index
        %swap3A_454 = arith.constant 96 : index
        %swap3A_455 = tpu.vector_load %arg6[%swap3A_452, %swap3A_453, %swap3A_454] {strides = array<i32>} : memref<2x2x128xi32, #tpu.memory_space<vmem>>, vector<1x1x16xi32>,
        %swap3A_456 = vector.shape_cast %swap3A_455 : vector<1x1x16xi32> to vector<16xi32>
        %swap3A_457 = vector.shape_cast %and3A_450 : vector<16xi32> to vector<1x1x16xi32>
        tpu.vector_store %arg6[%swap3A_452, %swap3A_453, %swap3A_454], %swap3A_457 {strides = array<i32>} : memref<2x2x128xi32, #tpu.memory_space<vmem>>, vector<1x1x16xi32>,
        %get3A_458 = arith.index_cast %add3A_289 : i32 to index
        %get3A_459 = arith.constant 112 : index
        %get3A_460 = tpu.vector_load %arg5[%get3A_458, %get3A_459] {strides = array<i32>} : memref<79x128xi32, #tpu.memory_space<vmem>>, vector<1x16xi32>,
        %get3A_461 = vector.shape_cast %get3A_460 : vector<1x16xi32> to vector<16xi32>
        %shift_right_logical3A_462 = arith.constant 16 : i32
        %shift_right_logical3A_463 = vector.broadcast %shift_right_logical3A_462 : i32 to vector<16xi32>
        %shift_right_logical3A_464 = arith.shrui %get3A_461, %shift_right_logical3A_463 : vector<16xi32>
        %swap3A_465 = arith.constant 0 : i32
        %swap3A_466 = arith.index_cast %sub3A_257 : i32 to index
        %swap3A_467 = arith.index_cast %swap3A_465 : i32 to index
        %swap3A_468 = arith.constant 112 : index
        %swap3A_469 = tpu.vector_load %arg6[%swap3A_466, %swap3A_467, %swap3A_468] {strides = array<i32>} : memref<2x2x128xi32, #tpu.memory_space<vmem>>, vector<1x1x16xi32>,
        %swap3A_470 = vector.shape_cast %swap3A_469 : vector<1x1x16xi32> to vector<16xi32>
        %swap3A_471 = vector.shape_cast %shift_right_logical3A_464 : vector<16xi32> to vector<1x1x16xi32>
        tpu.vector_store %arg6[%swap3A_466, %swap3A_467, %swap3A_468], %swap3A_471 {strides = array<i32>} : memref<2x2x128xi32, #tpu.memory_space<vmem>>, vector<1x1x16xi32>,
        %and3A_472 = arith.constant 65535 : i32
        %and3A_473 = vector.broadcast %and3A_472 : i32 to vector<16xi32>
        %and3A_474 = arith.andi %get3A_461, %and3A_473 : vector<16xi32>
        %swap3A_475 = arith.constant 1 : i32
        %swap3A_476 = arith.index_cast %sub3A_257 : i32 to index
        %swap3A_477 = arith.index_cast %swap3A_475 : i32 to index
        %swap3A_478 = arith.constant 112 : index
        %swap3A_479 = tpu.vector_load %arg6[%swap3A_476, %swap3A_477, %swap3A_478] {strides = array<i32>} : memref<2x2x128xi32, #tpu.memory_space<vmem>>, vector<1x1x16xi32>,
        %swap3A_480 = vector.shape_cast %swap3A_479 : vector<1x1x16xi32> to vector<16xi32>
        %swap3A_481 = vector.shape_cast %and3A_474 : vector<16xi32> to vector<1x1x16xi32>
        tpu.vector_store %arg6[%swap3A_476, %swap3A_477, %swap3A_478], %swap3A_481 {strides = array<i32>} : memref<2x2x128xi32, #tpu.memory_space<vmem>>, vector<1x1x16xi32>,
        %dma_start3A_482 = arith.constant 0 : i32
        %dma_start3A_483 = arith.constant 0 : i32
        %dma_start3A_484 = arith.constant 0 : i32
        %dma_start3A_485 = tpu.memref_slice %arg7[%sub3A_257, %dma_start3A_483, %dma_start3A_484] : memref<2x128x128xf32, #tpu.memory_space<vmem>> -> memref<1x128x128xf32, #tpu.memory_space<vmem>>
        %dma_start3A_486 = tpu.memref_squeeze %dma_start3A_485 : memref<1x128x128xf32, #tpu.memory_space<vmem>> -> memref<128x128xf32, #tpu.memory_space<vmem>>
        %dma_start3A_487 = arith.constant 0 : i32
        %dma_start3A_488 = tpu.memref_slice %arg6[%sub3A_257, %dma_start3A_482, %dma_start3A_487] : memref<2x2x128xi32, #tpu.memory_space<vmem>> -> memref<1x1x128xi32, #tpu.memory_space<vmem>>
        %dma_start3A_489 = tpu.memref_squeeze %dma_start3A_488 : memref<1x1x128xi32, #tpu.memory_space<vmem>> -> memref<128xi32, #tpu.memory_space<vmem>>
        %dma_start3A_490 = arith.constant 0 : i32
        %dma_start3A_491 = arith.constant 0 : i32
        %dma_start3A_492 = tpu.memref_slice %arg2[%dma_start3A_490, %dma_start3A_491] : memref<10240x128xf32, #tpu.memory_space<hbm>> -> memref<10240x128xf32, #tpu.memory_space<hbm>>
        tpu.enqueue_indirect_dma source(%dma_start3A_492 : memref<10240x128xf32, #tpu.memory_space<hbm>>) target(%dma_start3A_486 : memref<128x128xf32, #tpu.memory_space<vmem>>) offsets(%dma_start3A_489 : memref<128xi32, #tpu.memory_space<vmem>>) semaphore(%arg9 : memref<!tpu.dma_semaphore, #tpu.memory_space<semaphore_mem>>)
      } else {
      }
    }
    %scan3A_233 = arith.constant 79 : i32
    %rem3A = arith.constant 78 : i32
    %rem3A_234 = arith.constant 2 : i32
    %rem3A_235 = arith.remsi %rem3A, %rem3A_234 : i32
    %rem3A_236 = arith.constant 78 : i32
    %rem3A_237 = arith.constant 2 : i32
    %rem3A_238 = arith.remsi %rem3A_236, %rem3A_237 : i32
    %dma_wait3A = arith.constant 1 : i32
    %dma_wait3A_239 = arith.constant 0 : i32
    %dma_wait3A_240 = arith.constant 0 : i32
    %dma_wait3A_241 = tpu.memref_slice %arg7[%rem3A_235, %dma_wait3A_239, %dma_wait3A_240] : memref<2x128x128xf32, #tpu.memory_space<vmem>> -> memref<1x128x128xf32, #tpu.memory_space<vmem>>
    %dma_wait3A_242 = tpu.memref_squeeze %dma_wait3A_241 : memref<1x128x128xf32, #tpu.memory_space<vmem>> -> memref<128x128xf32, #tpu.memory_space<vmem>>
    %dma_wait3A_243 = arith.constant 0 : i32
    %dma_wait3A_244 = tpu.memref_slice %arg6[%rem3A_238, %dma_wait3A, %dma_wait3A_243] : memref<2x2x128xi32, #tpu.memory_space<vmem>> -> memref<1x1x128xi32, #tpu.memory_space<vmem>>
    %dma_wait3A_245 = tpu.memref_squeeze %dma_wait3A_244 : memref<1x1x128xi32, #tpu.memory_space<vmem>> -> memref<128xi32, #tpu.memory_space<vmem>>
    %dma_wait3A_246 = arith.constant 0 : i32
    %dma_wait3A_247 = arith.constant 0 : i32
    %dma_wait3A_248 = tpu.memref_slice %arg8[%dma_wait3A_246, %dma_wait3A_247] : memref<10240x128xf32, #tpu.memory_space<vmem_shared>> -> memref<10240x128xf32, #tpu.memory_space<vmem_shared>>
    tpu.wait_indirect_dma semaphore(%arg10 : memref<!tpu.dma_semaphore, #tpu.memory_space<semaphore_mem>>) src(%dma_wait3A_242 : memref<128x128xf32, #tpu.memory_space<vmem>>) dst(%dma_wait3A_248 : memref<10240x128xf32, #tpu.memory_space<vmem_shared>>)
    %barrier3A_249 = arith.constant 0 : index
    tpu.barrier barrier_id(%barrier3A_249)
    %mul3A_250 = arith.constant 640 : i32
    %mul3A_251 = arith.muli %arg1, %mul3A_250 : i32
    %mul3A_252 = arith.constant 640 : i32
    %mul3A_253 = arith.muli %arg1, %mul3A_252 : i32
    "tpu.region"() ({
      %run_scoped3A = tpu.sem_alloc : memref<!tpu.dma_semaphore, #tpu.memory_space<semaphore_mem>>
      %dma_start3A_254 = arith.constant 0 : i32
      %dma_start3A_255 = tpu.memref_slice %arg4[%arg0, %mul3A_253, %dma_start3A_254] : memref<2x10240x128xf32, #tpu.memory_space<hbm>> -> memref<1x640x128xf32, #tpu.memory_space<hbm>>
      %dma_start3A_256 = tpu.memref_squeeze %dma_start3A_255 : memref<1x640x128xf32, #tpu.memory_space<hbm>> -> memref<640x128xf32, #tpu.memory_space<hbm>>
      %dma_start3A_257 = arith.constant 0 : i32
      %dma_start3A_258 = tpu.memref_slice %arg8[%mul3A_251, %dma_start3A_257] : memref<10240x128xf32, #tpu.memory_space<vmem_shared>> -> memref<640x128xf32, #tpu.memory_space<vmem_shared>>
      tpu.enqueue_dma source(%dma_start3A_258 : memref<640x128xf32, #tpu.memory_space<vmem_shared>>) target(%dma_start3A_256 : memref<640x128xf32, #tpu.memory_space<hbm>>) target_semaphore(%run_scoped3A : memref<!tpu.dma_semaphore, #tpu.memory_space<semaphore_mem>>)
      %dma_wait3A_259 = arith.constant 0 : i32
      %dma_wait3A_260 = tpu.memref_slice %arg4[%arg0, %mul3A_253, %dma_wait3A_259] : memref<2x10240x128xf32, #tpu.memory_space<hbm>> -> memref<1x640x128xf32, #tpu.memory_space<hbm>>
      %dma_wait3A_261 = tpu.memref_squeeze %dma_wait3A_260 : memref<1x640x128xf32, #tpu.memory_space<hbm>> -> memref<640x128xf32, #tpu.memory_space<hbm>>
      %dma_wait3A_262 = arith.constant 0 : i32
      %dma_wait3A_263 = tpu.memref_slice %arg8[%mul3A_251, %dma_wait3A_262] : memref<10240x128xf32, #tpu.memory_space<vmem_shared>> -> memref<640x128xf32, #tpu.memory_space<vmem_shared>>
      tpu.wait_dma2 semaphore(%run_scoped3A : memref<!tpu.dma_semaphore, #tpu.memory_space<semaphore_mem>>) src(%dma_wait3A_263 : memref<640x128xf32, #tpu.memory_space<vmem_shared>>) dst(%dma_wait3A_261 : memref<640x128xf32, #tpu.memory_space<hbm>>)
      tpu.yield
    }) : () -> ()
    return
  }
}

#map = affine_map<(d0, d1) -> (0, 0, 0)>
#map1 = affine_map<(d0, d1) -> (0, 0)>
module attributes {stable_mosaic.version = 14 : i64} {
  func.func @_deg_kernel(%arg0: i32, %arg1: i32, %arg2: memref<32x79x128xi32, #tpu.memory_space<hbm>>, %arg3: memref<10240x16xf32, #tpu.memory_space<hbm>>, %arg4: memref<2x10240x16xf32, #tpu.memory_space<hbm>>, %arg5: memref<79x128xi32, #tpu.memory_space<vmem>>, %arg6: memref<128x16xf32, #tpu.memory_space<vmem>>, %arg7: memref<10240x16xf32, #tpu.memory_space<vmem_shared>>, %arg8: memref<!tpu.dma_semaphore, #tpu.memory_space<semaphore_mem>>) attributes {dimension_semantics = [#tpu.dimension_semantics<core_parallel>, #tpu.dimension_semantics<subcore_parallel>], iteration_bounds = array<i64: 2, 16>, scalar_prefetch = 0 : i64, scratch_operands = 4 : i64, tpu.core_type = #tpu.core_type<sc_vector_subcore>, window_params = [{transform_indices = #map}, {transform_indices = #map1}, {transform_indices = #map}]} {
    %mul3A = arith.constant 16 : i32
    %mul3A_0 = arith.muli %arg0, %mul3A : i32
    %add3A = arith.addi %mul3A_0, %arg1 : i32
    "tpu.region"() ({
      %run_scoped3A = tpu.sem_alloc : memref<!tpu.dma_semaphore, #tpu.memory_space<semaphore_mem>>
      %dma_start3A = arith.constant 0 : i32
      %dma_start3A_21 = arith.constant 0 : i32
      %dma_start3A_22 = tpu.memref_slice %arg3[%dma_start3A, %dma_start3A_21] : memref<10240x16xf32, #tpu.memory_space<hbm>> -> memref<128x16xf32, #tpu.memory_space<hbm>>
      %dma_start3A_23 = arith.constant 0 : i32
      %dma_start3A_24 = arith.constant 0 : i32
      %dma_start3A_25 = tpu.memref_slice %arg3[%dma_start3A_23, %dma_start3A_24] : memref<10240x16xf32, #tpu.memory_space<hbm>> -> memref<128x16xf32, #tpu.memory_space<hbm>>
      tpu.enqueue_dma source(%dma_start3A_25 : memref<128x16xf32, #tpu.memory_space<hbm>>) target(%arg6 : memref<128x16xf32, #tpu.memory_space<vmem>>) target_semaphore(%run_scoped3A : memref<!tpu.dma_semaphore, #tpu.memory_space<semaphore_mem>>)
      %dma_wait3A = arith.constant 0 : i32
      %dma_wait3A_26 = arith.constant 0 : i32
      %dma_wait3A_27 = tpu.memref_slice %arg3[%dma_wait3A, %dma_wait3A_26] : memref<10240x16xf32, #tpu.memory_space<hbm>> -> memref<128x16xf32, #tpu.memory_space<hbm>>
      %dma_wait3A_28 = arith.constant 0 : i32
      %dma_wait3A_29 = arith.constant 0 : i32
      %dma_wait3A_30 = tpu.memref_slice %arg3[%dma_wait3A_28, %dma_wait3A_29] : memref<10240x16xf32, #tpu.memory_space<hbm>> -> memref<128x16xf32, #tpu.memory_space<hbm>>
      tpu.wait_dma2 semaphore(%run_scoped3A : memref<!tpu.dma_semaphore, #tpu.memory_space<semaphore_mem>>) src(%dma_wait3A_30 : memref<128x16xf32, #tpu.memory_space<hbm>>) dst(%arg6 : memref<128x16xf32, #tpu.memory_space<vmem>>)
      tpu.yield
    }) : () -> ()
    "tpu.region"() ({
      %run_scoped3A = tpu.sem_alloc : memref<!tpu.dma_semaphore, #tpu.memory_space<semaphore_mem>>
      %dma_start3A = arith.constant 0 : i32
      %dma_start3A_21 = arith.constant 0 : i32
      %dma_start3A_22 = tpu.memref_slice %arg2[%add3A, %dma_start3A, %dma_start3A_21] : memref<32x79x128xi32, #tpu.memory_space<hbm>> -> memref<1x79x128xi32, #tpu.memory_space<hbm>>
      %dma_start3A_23 = tpu.memref_squeeze %dma_start3A_22 : memref<1x79x128xi32, #tpu.memory_space<hbm>> -> memref<79x128xi32, #tpu.memory_space<hbm>>
      %dma_start3A_24 = arith.constant 0 : i32
      %dma_start3A_25 = arith.constant 0 : i32
      %dma_start3A_26 = tpu.memref_slice %arg2[%add3A, %dma_start3A_24, %dma_start3A_25] : memref<32x79x128xi32, #tpu.memory_space<hbm>> -> memref<1x79x128xi32, #tpu.memory_space<hbm>>
      %dma_start3A_27 = tpu.memref_squeeze %dma_start3A_26 : memref<1x79x128xi32, #tpu.memory_space<hbm>> -> memref<79x128xi32, #tpu.memory_space<hbm>>
      tpu.enqueue_dma source(%dma_start3A_27 : memref<79x128xi32, #tpu.memory_space<hbm>>) target(%arg5 : memref<79x128xi32, #tpu.memory_space<vmem>>) target_semaphore(%run_scoped3A : memref<!tpu.dma_semaphore, #tpu.memory_space<semaphore_mem>>)
      %dma_wait3A = arith.constant 0 : i32
      %dma_wait3A_28 = arith.constant 0 : i32
      %dma_wait3A_29 = tpu.memref_slice %arg2[%add3A, %dma_wait3A, %dma_wait3A_28] : memref<32x79x128xi32, #tpu.memory_space<hbm>> -> memref<1x79x128xi32, #tpu.memory_space<hbm>>
      %dma_wait3A_30 = tpu.memref_squeeze %dma_wait3A_29 : memref<1x79x128xi32, #tpu.memory_space<hbm>> -> memref<79x128xi32, #tpu.memory_space<hbm>>
      %dma_wait3A_31 = arith.constant 0 : i32
      %dma_wait3A_32 = arith.constant 0 : i32
      %dma_wait3A_33 = tpu.memref_slice %arg2[%add3A, %dma_wait3A_31, %dma_wait3A_32] : memref<32x79x128xi32, #tpu.memory_space<hbm>> -> memref<1x79x128xi32, #tpu.memory_space<hbm>>
      %dma_wait3A_34 = tpu.memref_squeeze %dma_wait3A_33 : memref<1x79x128xi32, #tpu.memory_space<hbm>> -> memref<79x128xi32, #tpu.memory_space<hbm>>
      tpu.wait_dma2 semaphore(%run_scoped3A : memref<!tpu.dma_semaphore, #tpu.memory_space<semaphore_mem>>) src(%dma_wait3A_34 : memref<79x128xi32, #tpu.memory_space<hbm>>) dst(%arg5 : memref<79x128xi32, #tpu.memory_space<vmem>>)
      tpu.yield
    }) : () -> ()
    %mul3A_1 = arith.constant 640 : i32
    %mul3A_2 = arith.muli %arg1, %mul3A_1 : i32
    %mul3A_3 = arith.constant 640 : i32
    %mul3A_4 = arith.muli %arg1, %mul3A_3 : i32
    "tpu.region"() ({
      %run_scoped3A = tpu.sem_alloc : memref<!tpu.dma_semaphore, #tpu.memory_space<semaphore_mem>>
      %dma_start3A = arith.constant 0 : i32
      %dma_start3A_21 = tpu.memref_slice %arg7[%mul3A_4, %dma_start3A] : memref<10240x16xf32, #tpu.memory_space<vmem_shared>> -> memref<640x16xf32, #tpu.memory_space<vmem_shared>>
      %dma_start3A_22 = arith.constant 0 : i32
      %dma_start3A_23 = tpu.memref_slice %arg3[%mul3A_2, %dma_start3A_22] : memref<10240x16xf32, #tpu.memory_space<hbm>> -> memref<640x16xf32, #tpu.memory_space<hbm>>
      tpu.enqueue_dma source(%dma_start3A_23 : memref<640x16xf32, #tpu.memory_space<hbm>>) target(%dma_start3A_21 : memref<640x16xf32, #tpu.memory_space<vmem_shared>>) target_semaphore(%run_scoped3A : memref<!tpu.dma_semaphore, #tpu.memory_space<semaphore_mem>>)
      %dma_wait3A = arith.constant 0 : i32
      %dma_wait3A_24 = tpu.memref_slice %arg7[%mul3A_4, %dma_wait3A] : memref<10240x16xf32, #tpu.memory_space<vmem_shared>> -> memref<640x16xf32, #tpu.memory_space<vmem_shared>>
      %dma_wait3A_25 = arith.constant 0 : i32
      %dma_wait3A_26 = tpu.memref_slice %arg3[%mul3A_2, %dma_wait3A_25] : memref<10240x16xf32, #tpu.memory_space<hbm>> -> memref<640x16xf32, #tpu.memory_space<hbm>>
      tpu.wait_dma2 semaphore(%run_scoped3A : memref<!tpu.dma_semaphore, #tpu.memory_space<semaphore_mem>>) src(%dma_wait3A_26 : memref<640x16xf32, #tpu.memory_space<hbm>>) dst(%dma_wait3A_24 : memref<640x16xf32, #tpu.memory_space<vmem_shared>>)
      tpu.yield
    }) : () -> ()
    %barrier3A = arith.constant 0 : index
    tpu.barrier barrier_id(%barrier3A)
    %scan3A = arith.constant 0 : i32
    %scan3A_5 = arith.constant 0 : i32
    %scan3A_6 = arith.constant 79 : i32
    %scan3A_7 = arith.addi %scan3A_5, %scan3A_6 : i32
    %scan3A_8 = arith.constant 1 : i32
    scf.for %scan3A_21 = %scan3A_5 to %scan3A_7 step %scan3A_8  : i32 {
      %dma_start3A = arith.constant 0 : i32
      %dma_start3A_22 = tpu.memref_slice %arg5[%scan3A_21, %dma_start3A] : memref<79x128xi32, #tpu.memory_space<vmem>> -> memref<1x128xi32, #tpu.memory_space<vmem>>
      %dma_start3A_23 = tpu.memref_squeeze %dma_start3A_22 : memref<1x128xi32, #tpu.memory_space<vmem>> -> memref<128xi32, #tpu.memory_space<vmem>>
      %dma_start3A_24 = arith.constant 0 : i32
      %dma_start3A_25 = arith.constant 0 : i32
      %dma_start3A_26 = tpu.memref_slice %arg7[%dma_start3A_24, %dma_start3A_25] : memref<10240x16xf32, #tpu.memory_space<vmem_shared>> -> memref<10240x16xf32, #tpu.memory_space<vmem_shared>>
      tpu.enqueue_indirect_dma source(%arg6 : memref<128x16xf32, #tpu.memory_space<vmem>>) target(%dma_start3A_26 : memref<10240x16xf32, #tpu.memory_space<vmem_shared>>) offsets(%dma_start3A_23 : memref<128xi32, #tpu.memory_space<vmem>>) semaphore(%arg8 : memref<!tpu.dma_semaphore, #tpu.memory_space<semaphore_mem>>) {add = true}
    }
    %scan3A_9 = arith.constant 79 : i32
    %scan3A_10 = arith.constant 0 : i32
    %scan3A_11 = arith.constant 0 : i32
    %scan3A_12 = arith.constant 79 : i32
    %scan3A_13 = arith.addi %scan3A_11, %scan3A_12 : i32
    %scan3A_14 = arith.constant 1 : i32
    scf.for %scan3A_21 = %scan3A_11 to %scan3A_13 step %scan3A_14  : i32 {
      %dma_wait3A = arith.constant 0 : i32
      %dma_wait3A_22 = arith.constant 0 : i32
      %dma_wait3A_23 = tpu.memref_slice %arg5[%dma_wait3A, %dma_wait3A_22] : memref<79x128xi32, #tpu.memory_space<vmem>> -> memref<1x128xi32, #tpu.memory_space<vmem>>
      %dma_wait3A_24 = tpu.memref_squeeze %dma_wait3A_23 : memref<1x128xi32, #tpu.memory_space<vmem>> -> memref<128xi32, #tpu.memory_space<vmem>>
      %dma_wait3A_25 = arith.constant 0 : i32
      %dma_wait3A_26 = arith.constant 0 : i32
      %dma_wait3A_27 = tpu.memref_slice %arg7[%dma_wait3A_25, %dma_wait3A_26] : memref<10240x16xf32, #tpu.memory_space<vmem_shared>> -> memref<10240x16xf32, #tpu.memory_space<vmem_shared>>
      tpu.wait_indirect_dma semaphore(%arg8 : memref<!tpu.dma_semaphore, #tpu.memory_space<semaphore_mem>>) src(%arg6 : memref<128x16xf32, #tpu.memory_space<vmem>>) dst(%dma_wait3A_27 : memref<10240x16xf32, #tpu.memory_space<vmem_shared>>)
    }
    %scan3A_15 = arith.constant 79 : i32
    %barrier3A_16 = arith.constant 0 : index
    tpu.barrier barrier_id(%barrier3A_16)
    %mul3A_17 = arith.constant 640 : i32
    %mul3A_18 = arith.muli %arg1, %mul3A_17 : i32
    %mul3A_19 = arith.constant 640 : i32
    %mul3A_20 = arith.muli %arg1, %mul3A_19 : i32
    "tpu.region"() ({
      %run_scoped3A = tpu.sem_alloc : memref<!tpu.dma_semaphore, #tpu.memory_space<semaphore_mem>>
      %dma_start3A = arith.constant 0 : i32
      %dma_start3A_21 = tpu.memref_slice %arg4[%arg0, %mul3A_20, %dma_start3A] : memref<2x10240x16xf32, #tpu.memory_space<hbm>> -> memref<1x640x16xf32, #tpu.memory_space<hbm>>
      %dma_start3A_22 = tpu.memref_squeeze %dma_start3A_21 : memref<1x640x16xf32, #tpu.memory_space<hbm>> -> memref<640x16xf32, #tpu.memory_space<hbm>>
      %dma_start3A_23 = arith.constant 0 : i32
      %dma_start3A_24 = tpu.memref_slice %arg7[%mul3A_18, %dma_start3A_23] : memref<10240x16xf32, #tpu.memory_space<vmem_shared>> -> memref<640x16xf32, #tpu.memory_space<vmem_shared>>
      tpu.enqueue_dma source(%dma_start3A_24 : memref<640x16xf32, #tpu.memory_space<vmem_shared>>) target(%dma_start3A_22 : memref<640x16xf32, #tpu.memory_space<hbm>>) target_semaphore(%run_scoped3A : memref<!tpu.dma_semaphore, #tpu.memory_space<semaphore_mem>>)
      %dma_wait3A = arith.constant 0 : i32
      %dma_wait3A_25 = tpu.memref_slice %arg4[%arg0, %mul3A_20, %dma_wait3A] : memref<2x10240x16xf32, #tpu.memory_space<hbm>> -> memref<1x640x16xf32, #tpu.memory_space<hbm>>
      %dma_wait3A_26 = tpu.memref_squeeze %dma_wait3A_25 : memref<1x640x16xf32, #tpu.memory_space<hbm>> -> memref<640x16xf32, #tpu.memory_space<hbm>>
      %dma_wait3A_27 = arith.constant 0 : i32
      %dma_wait3A_28 = tpu.memref_slice %arg7[%mul3A_18, %dma_wait3A_27] : memref<10240x16xf32, #tpu.memory_space<vmem_shared>> -> memref<640x16xf32, #tpu.memory_space<vmem_shared>>
      tpu.wait_dma2 semaphore(%run_scoped3A : memref<!tpu.dma_semaphore, #tpu.memory_space<semaphore_mem>>) src(%dma_wait3A_28 : memref<640x16xf32, #tpu.memory_space<vmem_shared>>) dst(%dma_wait3A_26 : memref<640x16xf32, #tpu.memory_space<hbm>>)
      tpu.yield
    }) : () -> ()
    return
  }
}

#map = affine_map<(d0, d1) -> (0, 0)>
#map1 = affine_map<(d0, d1) -> (0, 0, 0)>
module attributes {stable_mosaic.version = 14 : i64} {
  func.func @_agg_kernel(%arg0: i32, %arg1: i32, %arg2: memref<10240x128xf32, #tpu.memory_space<hbm>>, %arg3: memref<32x79x128xi32, #tpu.memory_space<hbm>>, %arg4: memref<2x10240x128xf32, #tpu.memory_space<hbm>>, %arg5: memref<79x128xi32, #tpu.memory_space<vmem>>, %arg6: memref<2x2x128xi32, #tpu.memory_space<vmem>>, %arg7: memref<2x128x128xf32, #tpu.memory_space<vmem>>, %arg8: memref<10240x128xf32, #tpu.memory_space<vmem_shared>>, %arg9: memref<!tpu.dma_semaphore, #tpu.memory_space<semaphore_mem>>, %arg10: memref<!tpu.dma_semaphore, #tpu.memory_space<semaphore_mem>>) attributes {dimension_semantics = [#tpu.dimension_semantics<core_parallel>, #tpu.dimension_semantics<subcore_parallel>], iteration_bounds = array<i64: 2, 16>, scalar_prefetch = 0 : i64, scratch_operands = 6 : i64, tpu.core_type = #tpu.core_type<sc_vector_subcore>, window_params = [{transform_indices = #map}, {transform_indices = #map1}, {transform_indices = #map1}]} {
    %mul3A = arith.constant 16 : i32
    %mul3A_0 = arith.muli %arg0, %mul3A : i32
    %add3A = arith.addi %mul3A_0, %arg1 : i32
    "tpu.region"() ({
      %run_scoped3A = tpu.sem_alloc : memref<!tpu.dma_semaphore, #tpu.memory_space<semaphore_mem>>
      %dma_start3A_254 = arith.constant 0 : i32
      %dma_start3A_255 = arith.constant 0 : i32
      %dma_start3A_256 = tpu.memref_slice %arg3[%add3A, %dma_start3A_254, %dma_start3A_255] : memref<32x79x128xi32, #tpu.memory_space<hbm>> -> memref<1x79x128xi32, #tpu.memory_space<hbm>>
      %dma_start3A_257 = tpu.memref_squeeze %dma_start3A_256 : memref<1x79x128xi32, #tpu.memory_space<hbm>> -> memref<79x128xi32, #tpu.memory_space<hbm>>
      %dma_start3A_258 = arith.constant 0 : i32
      %dma_start3A_259 = arith.constant 0 : i32
      %dma_start3A_260 = tpu.memref_slice %arg3[%add3A, %dma_start3A_258, %dma_start3A_259] : memref<32x79x128xi32, #tpu.memory_space<hbm>> -> memref<1x79x128xi32, #tpu.memory_space<hbm>>
      %dma_start3A_261 = tpu.memref_squeeze %dma_start3A_260 : memref<1x79x128xi32, #tpu.memory_space<hbm>> -> memref<79x128xi32, #tpu.memory_space<hbm>>
      tpu.enqueue_dma source(%dma_start3A_261 : memref<79x128xi32, #tpu.memory_space<hbm>>) target(%arg5 : memref<79x128xi32, #tpu.memory_space<vmem>>) target_semaphore(%run_scoped3A : memref<!tpu.dma_semaphore, #tpu.memory_space<semaphore_mem>>)
      %dma_wait3A_262 = arith.constant 0 : i32
      %dma_wait3A_263 = arith.constant 0 : i32
      %dma_wait3A_264 = tpu.memref_slice %arg3[%add3A, %dma_wait3A_262, %dma_wait3A_263] : memref<32x79x128xi32, #tpu.memory_space<hbm>> -> memref<1x79x128xi32, #tpu.memory_space<hbm>>
      %dma_wait3A_265 = tpu.memref_squeeze %dma_wait3A_264 : memref<1x79x128xi32, #tpu.memory_space<hbm>> -> memref<79x128xi32, #tpu.memory_space<hbm>>
      %dma_wait3A_266 = arith.constant 0 : i32
      %dma_wait3A_267 = arith.constant 0 : i32
      %dma_wait3A_268 = tpu.memref_slice %arg3[%add3A, %dma_wait3A_266, %dma_wait3A_267] : memref<32x79x128xi32, #tpu.memory_space<hbm>> -> memref<1x79x128xi32, #tpu.memory_space<hbm>>
      %dma_wait3A_269 = tpu.memref_squeeze %dma_wait3A_268 : memref<1x79x128xi32, #tpu.memory_space<hbm>> -> memref<79x128xi32, #tpu.memory_space<hbm>>
      tpu.wait_dma2 semaphore(%run_scoped3A : memref<!tpu.dma_semaphore, #tpu.memory_space<semaphore_mem>>) src(%dma_wait3A_269 : memref<79x128xi32, #tpu.memory_space<hbm>>) dst(%arg5 : memref<79x128xi32, #tpu.memory_space<vmem>>)
      tpu.yield
    }) : () -> ()
    %mul3A_1 = arith.constant 640 : i32
    %mul3A_2 = arith.muli %arg1, %mul3A_1 : i32
    %mul3A_3 = arith.constant 640 : i32
    %mul3A_4 = arith.muli %arg1, %mul3A_3 : i32
    "tpu.region"() ({
      %run_scoped3A = tpu.sem_alloc : memref<!tpu.dma_semaphore, #tpu.memory_space<semaphore_mem>>
      %dma_start3A_254 = arith.constant 0 : i32
      %dma_start3A_255 = tpu.memref_slice %arg8[%mul3A_4, %dma_start3A_254] : memref<10240x128xf32, #tpu.memory_space<vmem_shared>> -> memref<640x128xf32, #tpu.memory_space<vmem_shared>>
      %dma_start3A_256 = arith.constant 0 : i32
      %dma_start3A_257 = tpu.memref_slice %arg2[%mul3A_2, %dma_start3A_256] : memref<10240x128xf32, #tpu.memory_space<hbm>> -> memref<640x128xf32, #tpu.memory_space<hbm>>
      tpu.enqueue_dma source(%dma_start3A_257 : memref<640x128xf32, #tpu.memory_space<hbm>>) target(%dma_start3A_255 : memref<640x128xf32, #tpu.memory_space<vmem_shared>>) target_semaphore(%run_scoped3A : memref<!tpu.dma_semaphore, #tpu.memory_space<semaphore_mem>>)
      %dma_wait3A_258 = arith.constant 0 : i32
      %dma_wait3A_259 = tpu.memref_slice %arg8[%mul3A_4, %dma_wait3A_258] : memref<10240x128xf32, #tpu.memory_space<vmem_shared>> -> memref<640x128xf32, #tpu.memory_space<vmem_shared>>
      %dma_wait3A_260 = arith.constant 0 : i32
      %dma_wait3A_261 = tpu.memref_slice %arg2[%mul3A_2, %dma_wait3A_260] : memref<10240x128xf32, #tpu.memory_space<hbm>> -> memref<640x128xf32, #tpu.memory_space<hbm>>
      tpu.wait_dma2 semaphore(%run_scoped3A : memref<!tpu.dma_semaphore, #tpu.memory_space<semaphore_mem>>) src(%dma_wait3A_261 : memref<640x128xf32, #tpu.memory_space<hbm>>) dst(%dma_wait3A_259 : memref<640x128xf32, #tpu.memory_space<vmem_shared>>)
      tpu.yield
    }) : () -> ()
    %get3A = arith.constant 0 : i32
    %get3A_5 = arith.index_cast %get3A : i32 to index
    %get3A_6 = arith.constant 0 : index
    %get3A_7 = tpu.vector_load %arg5[%get3A_5, %get3A_6] {strides = array<i32>} : memref<79x128xi32, #tpu.memory_space<vmem>>, vector<1x16xi32>,
    %get3A_8 = vector.shape_cast %get3A_7 : vector<1x16xi32> to vector<16xi32>
    %shift_right_logical3A = arith.constant 16 : i32
    %shift_right_logical3A_9 = vector.broadcast %shift_right_logical3A : i32 to vector<16xi32>
    %shift_right_logical3A_10 = arith.shrui %get3A_8, %shift_right_logical3A_9 : vector<16xi32>
    %swap3A = arith.constant 0 : i32
    %swap3A_11 = arith.constant 0 : i32
    %swap3A_12 = arith.index_cast %swap3A : i32 to index
    %swap3A_13 = arith.index_cast %swap3A_11 : i32 to index
    %swap3A_14 = arith.constant 0 : index
    %swap3A_15 = tpu.vector_load %arg6[%swap3A_12, %swap3A_13, %swap3A_14] {strides = array<i32>} : memref<2x2x128xi32, #tpu.memory_space<vmem>>, vector<1x1x16xi32>,
    %swap3A_16 = vector.shape_cast %swap3A_15 : vector<1x1x16xi32> to vector<16xi32>
    %swap3A_17 = vector.shape_cast %shift_right_logical3A_10 : vector<16xi32> to vector<1x1x16xi32>
    tpu.vector_store %arg6[%swap3A_12, %swap3A_13, %swap3A_14], %swap3A_17 {strides = array<i32>} : memref<2x2x128xi32, #tpu.memory_space<vmem>>, vector<1x1x16xi32>,
    %and3A = arith.constant 65535 : i32
    %and3A_18 = vector.broadcast %and3A : i32 to vector<16xi32>
    %and3A_19 = arith.andi %get3A_8, %and3A_18 : vector<16xi32>
    %swap3A_20 = arith.constant 0 : i32
    %swap3A_21 = arith.constant 1 : i32
    %swap3A_22 = arith.index_cast %swap3A_20 : i32 to index
    %swap3A_23 = arith.index_cast %swap3A_21 : i32 to index
    %swap3A_24 = arith.constant 0 : index
    %swap3A_25 = tpu.vector_load %arg6[%swap3A_22, %swap3A_23, %swap3A_24] {strides = array<i32>} : memref<2x2x128xi32, #tpu.memory_space<vmem>>, vector<1x1x16xi32>,
    %swap3A_26 = vector.shape_cast %swap3A_25 : vector<1x1x16xi32> to vector<16xi32>
    %swap3A_27 = vector.shape_cast %and3A_19 : vector<16xi32> to vector<1x1x16xi32>
    tpu.vector_store %arg6[%swap3A_22, %swap3A_23, %swap3A_24], %swap3A_27 {strides = array<i32>} : memref<2x2x128xi32, #tpu.memory_space<vmem>>, vector<1x1x16xi32>,
    %get3A_28 = arith.constant 0 : i32
    %get3A_29 = arith.index_cast %get3A_28 : i32 to index
    %get3A_30 = arith.constant 16 : index
    %get3A_31 = tpu.vector_load %arg5[%get3A_29, %get3A_30] {strides = array<i32>} : memref<79x128xi32, #tpu.memory_space<vmem>>, vector<1x16xi32>,
    %get3A_32 = vector.shape_cast %get3A_31 : vector<1x16xi32> to vector<16xi32>
    %shift_right_logical3A_33 = arith.constant 16 : i32
    %shift_right_logical3A_34 = vector.broadcast %shift_right_logical3A_33 : i32 to vector<16xi32>
    %shift_right_logical3A_35 = arith.shrui %get3A_32, %shift_right_logical3A_34 : vector<16xi32>
    %swap3A_36 = arith.constant 0 : i32
    %swap3A_37 = arith.constant 0 : i32
    %swap3A_38 = arith.index_cast %swap3A_36 : i32 to index
    %swap3A_39 = arith.index_cast %swap3A_37 : i32 to index
    %swap3A_40 = arith.constant 16 : index
    %swap3A_41 = tpu.vector_load %arg6[%swap3A_38, %swap3A_39, %swap3A_40] {strides = array<i32>} : memref<2x2x128xi32, #tpu.memory_space<vmem>>, vector<1x1x16xi32>,
    %swap3A_42 = vector.shape_cast %swap3A_41 : vector<1x1x16xi32> to vector<16xi32>
    %swap3A_43 = vector.shape_cast %shift_right_logical3A_35 : vector<16xi32> to vector<1x1x16xi32>
    tpu.vector_store %arg6[%swap3A_38, %swap3A_39, %swap3A_40], %swap3A_43 {strides = array<i32>} : memref<2x2x128xi32, #tpu.memory_space<vmem>>, vector<1x1x16xi32>,
    %and3A_44 = arith.constant 65535 : i32
    %and3A_45 = vector.broadcast %and3A_44 : i32 to vector<16xi32>
    %and3A_46 = arith.andi %get3A_32, %and3A_45 : vector<16xi32>
    %swap3A_47 = arith.constant 0 : i32
    %swap3A_48 = arith.constant 1 : i32
    %swap3A_49 = arith.index_cast %swap3A_47 : i32 to index
    %swap3A_50 = arith.index_cast %swap3A_48 : i32 to index
    %swap3A_51 = arith.constant 16 : index
    %swap3A_52 = tpu.vector_load %arg6[%swap3A_49, %swap3A_50, %swap3A_51] {strides = array<i32>} : memref<2x2x128xi32, #tpu.memory_space<vmem>>, vector<1x1x16xi32>,
    %swap3A_53 = vector.shape_cast %swap3A_52 : vector<1x1x16xi32> to vector<16xi32>
    %swap3A_54 = vector.shape_cast %and3A_46 : vector<16xi32> to vector<1x1x16xi32>
    tpu.vector_store %arg6[%swap3A_49, %swap3A_50, %swap3A_51], %swap3A_54 {strides = array<i32>} : memref<2x2x128xi32, #tpu.memory_space<vmem>>, vector<1x1x16xi32>,
    %get3A_55 = arith.constant 0 : i32
    %get3A_56 = arith.index_cast %get3A_55 : i32 to index
    %get3A_57 = arith.constant 32 : index
    %get3A_58 = tpu.vector_load %arg5[%get3A_56, %get3A_57] {strides = array<i32>} : memref<79x128xi32, #tpu.memory_space<vmem>>, vector<1x16xi32>,
    %get3A_59 = vector.shape_cast %get3A_58 : vector<1x16xi32> to vector<16xi32>
    %shift_right_logical3A_60 = arith.constant 16 : i32
    %shift_right_logical3A_61 = vector.broadcast %shift_right_logical3A_60 : i32 to vector<16xi32>
    %shift_right_logical3A_62 = arith.shrui %get3A_59, %shift_right_logical3A_61 : vector<16xi32>
    %swap3A_63 = arith.constant 0 : i32
    %swap3A_64 = arith.constant 0 : i32
    %swap3A_65 = arith.index_cast %swap3A_63 : i32 to index
    %swap3A_66 = arith.index_cast %swap3A_64 : i32 to index
    %swap3A_67 = arith.constant 32 : index
    %swap3A_68 = tpu.vector_load %arg6[%swap3A_65, %swap3A_66, %swap3A_67] {strides = array<i32>} : memref<2x2x128xi32, #tpu.memory_space<vmem>>, vector<1x1x16xi32>,
    %swap3A_69 = vector.shape_cast %swap3A_68 : vector<1x1x16xi32> to vector<16xi32>
    %swap3A_70 = vector.shape_cast %shift_right_logical3A_62 : vector<16xi32> to vector<1x1x16xi32>
    tpu.vector_store %arg6[%swap3A_65, %swap3A_66, %swap3A_67], %swap3A_70 {strides = array<i32>} : memref<2x2x128xi32, #tpu.memory_space<vmem>>, vector<1x1x16xi32>,
    %and3A_71 = arith.constant 65535 : i32
    %and3A_72 = vector.broadcast %and3A_71 : i32 to vector<16xi32>
    %and3A_73 = arith.andi %get3A_59, %and3A_72 : vector<16xi32>
    %swap3A_74 = arith.constant 0 : i32
    %swap3A_75 = arith.constant 1 : i32
    %swap3A_76 = arith.index_cast %swap3A_74 : i32 to index
    %swap3A_77 = arith.index_cast %swap3A_75 : i32 to index
    %swap3A_78 = arith.constant 32 : index
    %swap3A_79 = tpu.vector_load %arg6[%swap3A_76, %swap3A_77, %swap3A_78] {strides = array<i32>} : memref<2x2x128xi32, #tpu.memory_space<vmem>>, vector<1x1x16xi32>,
    %swap3A_80 = vector.shape_cast %swap3A_79 : vector<1x1x16xi32> to vector<16xi32>
    %swap3A_81 = vector.shape_cast %and3A_73 : vector<16xi32> to vector<1x1x16xi32>
    tpu.vector_store %arg6[%swap3A_76, %swap3A_77, %swap3A_78], %swap3A_81 {strides = array<i32>} : memref<2x2x128xi32, #tpu.memory_space<vmem>>, vector<1x1x16xi32>,
    %get3A_82 = arith.constant 0 : i32
    %get3A_83 = arith.index_cast %get3A_82 : i32 to index
    %get3A_84 = arith.constant 48 : index
    %get3A_85 = tpu.vector_load %arg5[%get3A_83, %get3A_84] {strides = array<i32>} : memref<79x128xi32, #tpu.memory_space<vmem>>, vector<1x16xi32>,
    %get3A_86 = vector.shape_cast %get3A_85 : vector<1x16xi32> to vector<16xi32>
    %shift_right_logical3A_87 = arith.constant 16 : i32
    %shift_right_logical3A_88 = vector.broadcast %shift_right_logical3A_87 : i32 to vector<16xi32>
    %shift_right_logical3A_89 = arith.shrui %get3A_86, %shift_right_logical3A_88 : vector<16xi32>
    %swap3A_90 = arith.constant 0 : i32
    %swap3A_91 = arith.constant 0 : i32
    %swap3A_92 = arith.index_cast %swap3A_90 : i32 to index
    %swap3A_93 = arith.index_cast %swap3A_91 : i32 to index
    %swap3A_94 = arith.constant 48 : index
    %swap3A_95 = tpu.vector_load %arg6[%swap3A_92, %swap3A_93, %swap3A_94] {strides = array<i32>} : memref<2x2x128xi32, #tpu.memory_space<vmem>>, vector<1x1x16xi32>,
    %swap3A_96 = vector.shape_cast %swap3A_95 : vector<1x1x16xi32> to vector<16xi32>
    %swap3A_97 = vector.shape_cast %shift_right_logical3A_89 : vector<16xi32> to vector<1x1x16xi32>
    tpu.vector_store %arg6[%swap3A_92, %swap3A_93, %swap3A_94], %swap3A_97 {strides = array<i32>} : memref<2x2x128xi32, #tpu.memory_space<vmem>>, vector<1x1x16xi32>,
    %and3A_98 = arith.constant 65535 : i32
    %and3A_99 = vector.broadcast %and3A_98 : i32 to vector<16xi32>
    %and3A_100 = arith.andi %get3A_86, %and3A_99 : vector<16xi32>
    %swap3A_101 = arith.constant 0 : i32
    %swap3A_102 = arith.constant 1 : i32
    %swap3A_103 = arith.index_cast %swap3A_101 : i32 to index
    %swap3A_104 = arith.index_cast %swap3A_102 : i32 to index
    %swap3A_105 = arith.constant 48 : index
    %swap3A_106 = tpu.vector_load %arg6[%swap3A_103, %swap3A_104, %swap3A_105] {strides = array<i32>} : memref<2x2x128xi32, #tpu.memory_space<vmem>>, vector<1x1x16xi32>,
    %swap3A_107 = vector.shape_cast %swap3A_106 : vector<1x1x16xi32> to vector<16xi32>
    %swap3A_108 = vector.shape_cast %and3A_100 : vector<16xi32> to vector<1x1x16xi32>
    tpu.vector_store %arg6[%swap3A_103, %swap3A_104, %swap3A_105], %swap3A_108 {strides = array<i32>} : memref<2x2x128xi32, #tpu.memory_space<vmem>>, vector<1x1x16xi32>,
    %get3A_109 = arith.constant 0 : i32
    %get3A_110 = arith.index_cast %get3A_109 : i32 to index
    %get3A_111 = arith.constant 64 : index
    %get3A_112 = tpu.vector_load %arg5[%get3A_110, %get3A_111] {strides = array<i32>} : memref<79x128xi32, #tpu.memory_space<vmem>>, vector<1x16xi32>,
    %get3A_113 = vector.shape_cast %get3A_112 : vector<1x16xi32> to vector<16xi32>
    %shift_right_logical3A_114 = arith.constant 16 : i32
    %shift_right_logical3A_115 = vector.broadcast %shift_right_logical3A_114 : i32 to vector<16xi32>
    %shift_right_logical3A_116 = arith.shrui %get3A_113, %shift_right_logical3A_115 : vector<16xi32>
    %swap3A_117 = arith.constant 0 : i32
    %swap3A_118 = arith.constant 0 : i32
    %swap3A_119 = arith.index_cast %swap3A_117 : i32 to index
    %swap3A_120 = arith.index_cast %swap3A_118 : i32 to index
    %swap3A_121 = arith.constant 64 : index
    %swap3A_122 = tpu.vector_load %arg6[%swap3A_119, %swap3A_120, %swap3A_121] {strides = array<i32>} : memref<2x2x128xi32, #tpu.memory_space<vmem>>, vector<1x1x16xi32>,
    %swap3A_123 = vector.shape_cast %swap3A_122 : vector<1x1x16xi32> to vector<16xi32>
    %swap3A_124 = vector.shape_cast %shift_right_logical3A_116 : vector<16xi32> to vector<1x1x16xi32>
    tpu.vector_store %arg6[%swap3A_119, %swap3A_120, %swap3A_121], %swap3A_124 {strides = array<i32>} : memref<2x2x128xi32, #tpu.memory_space<vmem>>, vector<1x1x16xi32>,
    %and3A_125 = arith.constant 65535 : i32
    %and3A_126 = vector.broadcast %and3A_125 : i32 to vector<16xi32>
    %and3A_127 = arith.andi %get3A_113, %and3A_126 : vector<16xi32>
    %swap3A_128 = arith.constant 0 : i32
    %swap3A_129 = arith.constant 1 : i32
    %swap3A_130 = arith.index_cast %swap3A_128 : i32 to index
    %swap3A_131 = arith.index_cast %swap3A_129 : i32 to index
    %swap3A_132 = arith.constant 64 : index
    %swap3A_133 = tpu.vector_load %arg6[%swap3A_130, %swap3A_131, %swap3A_132] {strides = array<i32>} : memref<2x2x128xi32, #tpu.memory_space<vmem>>, vector<1x1x16xi32>,
    %swap3A_134 = vector.shape_cast %swap3A_133 : vector<1x1x16xi32> to vector<16xi32>
    %swap3A_135 = vector.shape_cast %and3A_127 : vector<16xi32> to vector<1x1x16xi32>
    tpu.vector_store %arg6[%swap3A_130, %swap3A_131, %swap3A_132], %swap3A_135 {strides = array<i32>} : memref<2x2x128xi32, #tpu.memory_space<vmem>>, vector<1x1x16xi32>,
    %get3A_136 = arith.constant 0 : i32
    %get3A_137 = arith.index_cast %get3A_136 : i32 to index
    %get3A_138 = arith.constant 80 : index
    %get3A_139 = tpu.vector_load %arg5[%get3A_137, %get3A_138] {strides = array<i32>} : memref<79x128xi32, #tpu.memory_space<vmem>>, vector<1x16xi32>,
    %get3A_140 = vector.shape_cast %get3A_139 : vector<1x16xi32> to vector<16xi32>
    %shift_right_logical3A_141 = arith.constant 16 : i32
    %shift_right_logical3A_142 = vector.broadcast %shift_right_logical3A_141 : i32 to vector<16xi32>
    %shift_right_logical3A_143 = arith.shrui %get3A_140, %shift_right_logical3A_142 : vector<16xi32>
    %swap3A_144 = arith.constant 0 : i32
    %swap3A_145 = arith.constant 0 : i32
    %swap3A_146 = arith.index_cast %swap3A_144 : i32 to index
    %swap3A_147 = arith.index_cast %swap3A_145 : i32 to index
    %swap3A_148 = arith.constant 80 : index
    %swap3A_149 = tpu.vector_load %arg6[%swap3A_146, %swap3A_147, %swap3A_148] {strides = array<i32>} : memref<2x2x128xi32, #tpu.memory_space<vmem>>, vector<1x1x16xi32>,
    %swap3A_150 = vector.shape_cast %swap3A_149 : vector<1x1x16xi32> to vector<16xi32>
    %swap3A_151 = vector.shape_cast %shift_right_logical3A_143 : vector<16xi32> to vector<1x1x16xi32>
    tpu.vector_store %arg6[%swap3A_146, %swap3A_147, %swap3A_148], %swap3A_151 {strides = array<i32>} : memref<2x2x128xi32, #tpu.memory_space<vmem>>, vector<1x1x16xi32>,
    %and3A_152 = arith.constant 65535 : i32
    %and3A_153 = vector.broadcast %and3A_152 : i32 to vector<16xi32>
    %and3A_154 = arith.andi %get3A_140, %and3A_153 : vector<16xi32>
    %swap3A_155 = arith.constant 0 : i32
    %swap3A_156 = arith.constant 1 : i32
    %swap3A_157 = arith.index_cast %swap3A_155 : i32 to index
    %swap3A_158 = arith.index_cast %swap3A_156 : i32 to index
    %swap3A_159 = arith.constant 80 : index
    %swap3A_160 = tpu.vector_load %arg6[%swap3A_157, %swap3A_158, %swap3A_159] {strides = array<i32>} : memref<2x2x128xi32, #tpu.memory_space<vmem>>, vector<1x1x16xi32>,
    %swap3A_161 = vector.shape_cast %swap3A_160 : vector<1x1x16xi32> to vector<16xi32>
    %swap3A_162 = vector.shape_cast %and3A_154 : vector<16xi32> to vector<1x1x16xi32>
    tpu.vector_store %arg6[%swap3A_157, %swap3A_158, %swap3A_159], %swap3A_162 {strides = array<i32>} : memref<2x2x128xi32, #tpu.memory_space<vmem>>, vector<1x1x16xi32>,
    %get3A_163 = arith.constant 0 : i32
    %get3A_164 = arith.index_cast %get3A_163 : i32 to index
    %get3A_165 = arith.constant 96 : index
    %get3A_166 = tpu.vector_load %arg5[%get3A_164, %get3A_165] {strides = array<i32>} : memref<79x128xi32, #tpu.memory_space<vmem>>, vector<1x16xi32>,
    %get3A_167 = vector.shape_cast %get3A_166 : vector<1x16xi32> to vector<16xi32>
    %shift_right_logical3A_168 = arith.constant 16 : i32
    %shift_right_logical3A_169 = vector.broadcast %shift_right_logical3A_168 : i32 to vector<16xi32>
    %shift_right_logical3A_170 = arith.shrui %get3A_167, %shift_right_logical3A_169 : vector<16xi32>
    %swap3A_171 = arith.constant 0 : i32
    %swap3A_172 = arith.constant 0 : i32
    %swap3A_173 = arith.index_cast %swap3A_171 : i32 to index
    %swap3A_174 = arith.index_cast %swap3A_172 : i32 to index
    %swap3A_175 = arith.constant 96 : index
    %swap3A_176 = tpu.vector_load %arg6[%swap3A_173, %swap3A_174, %swap3A_175] {strides = array<i32>} : memref<2x2x128xi32, #tpu.memory_space<vmem>>, vector<1x1x16xi32>,
    %swap3A_177 = vector.shape_cast %swap3A_176 : vector<1x1x16xi32> to vector<16xi32>
    %swap3A_178 = vector.shape_cast %shift_right_logical3A_170 : vector<16xi32> to vector<1x1x16xi32>
    tpu.vector_store %arg6[%swap3A_173, %swap3A_174, %swap3A_175], %swap3A_178 {strides = array<i32>} : memref<2x2x128xi32, #tpu.memory_space<vmem>>, vector<1x1x16xi32>,
    %and3A_179 = arith.constant 65535 : i32
    %and3A_180 = vector.broadcast %and3A_179 : i32 to vector<16xi32>
    %and3A_181 = arith.andi %get3A_167, %and3A_180 : vector<16xi32>
    %swap3A_182 = arith.constant 0 : i32
    %swap3A_183 = arith.constant 1 : i32
    %swap3A_184 = arith.index_cast %swap3A_182 : i32 to index
    %swap3A_185 = arith.index_cast %swap3A_183 : i32 to index
    %swap3A_186 = arith.constant 96 : index
    %swap3A_187 = tpu.vector_load %arg6[%swap3A_184, %swap3A_185, %swap3A_186] {strides = array<i32>} : memref<2x2x128xi32, #tpu.memory_space<vmem>>, vector<1x1x16xi32>,
    %swap3A_188 = vector.shape_cast %swap3A_187 : vector<1x1x16xi32> to vector<16xi32>
    %swap3A_189 = vector.shape_cast %and3A_181 : vector<16xi32> to vector<1x1x16xi32>
    tpu.vector_store %arg6[%swap3A_184, %swap3A_185, %swap3A_186], %swap3A_189 {strides = array<i32>} : memref<2x2x128xi32, #tpu.memory_space<vmem>>, vector<1x1x16xi32>,
    %get3A_190 = arith.constant 0 : i32
    %get3A_191 = arith.index_cast %get3A_190 : i32 to index
    %get3A_192 = arith.constant 112 : index
    %get3A_193 = tpu.vector_load %arg5[%get3A_191, %get3A_192] {strides = array<i32>} : memref<79x128xi32, #tpu.memory_space<vmem>>, vector<1x16xi32>,
    %get3A_194 = vector.shape_cast %get3A_193 : vector<1x16xi32> to vector<16xi32>
    %shift_right_logical3A_195 = arith.constant 16 : i32
    %shift_right_logical3A_196 = vector.broadcast %shift_right_logical3A_195 : i32 to vector<16xi32>
    %shift_right_logical3A_197 = arith.shrui %get3A_194, %shift_right_logical3A_196 : vector<16xi32>
    %swap3A_198 = arith.constant 0 : i32
    %swap3A_199 = arith.constant 0 : i32
    %swap3A_200 = arith.index_cast %swap3A_198 : i32 to index
    %swap3A_201 = arith.index_cast %swap3A_199 : i32 to index
    %swap3A_202 = arith.constant 112 : index
    %swap3A_203 = tpu.vector_load %arg6[%swap3A_200, %swap3A_201, %swap3A_202] {strides = array<i32>} : memref<2x2x128xi32, #tpu.memory_space<vmem>>, vector<1x1x16xi32>,
    %swap3A_204 = vector.shape_cast %swap3A_203 : vector<1x1x16xi32> to vector<16xi32>
    %swap3A_205 = vector.shape_cast %shift_right_logical3A_197 : vector<16xi32> to vector<1x1x16xi32>
    tpu.vector_store %arg6[%swap3A_200, %swap3A_201, %swap3A_202], %swap3A_205 {strides = array<i32>} : memref<2x2x128xi32, #tpu.memory_space<vmem>>, vector<1x1x16xi32>,
    %and3A_206 = arith.constant 65535 : i32
    %and3A_207 = vector.broadcast %and3A_206 : i32 to vector<16xi32>
    %and3A_208 = arith.andi %get3A_194, %and3A_207 : vector<16xi32>
    %swap3A_209 = arith.constant 0 : i32
    %swap3A_210 = arith.constant 1 : i32
    %swap3A_211 = arith.index_cast %swap3A_209 : i32 to index
    %swap3A_212 = arith.index_cast %swap3A_210 : i32 to index
    %swap3A_213 = arith.constant 112 : index
    %swap3A_214 = tpu.vector_load %arg6[%swap3A_211, %swap3A_212, %swap3A_213] {strides = array<i32>} : memref<2x2x128xi32, #tpu.memory_space<vmem>>, vector<1x1x16xi32>,
    %swap3A_215 = vector.shape_cast %swap3A_214 : vector<1x1x16xi32> to vector<16xi32>
    %swap3A_216 = vector.shape_cast %and3A_208 : vector<16xi32> to vector<1x1x16xi32>
    tpu.vector_store %arg6[%swap3A_211, %swap3A_212, %swap3A_213], %swap3A_216 {strides = array<i32>} : memref<2x2x128xi32, #tpu.memory_space<vmem>>, vector<1x1x16xi32>,
    %dma_start3A = arith.constant 0 : i32
    %dma_start3A_217 = arith.constant 0 : i32
    %dma_start3A_218 = arith.constant 0 : i32
    %dma_start3A_219 = arith.constant 0 : i32
    %dma_start3A_220 = arith.constant 0 : i32
    %dma_start3A_221 = tpu.memref_slice %arg7[%dma_start3A_218, %dma_start3A_219, %dma_start3A_220] : memref<2x128x128xf32, #tpu.memory_space<vmem>> -> memref<1x128x128xf32, #tpu.memory_space<vmem>>
    %dma_start3A_222 = tpu.memref_squeeze %dma_start3A_221 : memref<1x128x128xf32, #tpu.memory_space<vmem>> -> memref<128x128xf32, #tpu.memory_space<vmem>>
    %dma_start3A_223 = arith.constant 0 : i32
    %dma_start3A_224 = tpu.memref_slice %arg6[%dma_start3A, %dma_start3A_217, %dma_start3A_223] : memref<2x2x128xi32, #tpu.memory_space<vmem>> -> memref<1x1x128xi32, #tpu.memory_space<vmem>>
    %dma_start3A_225 = tpu.memref_squeeze %dma_start3A_224 : memref<1x1x128xi32, #tpu.memory_space<vmem>> -> memref<128xi32, #tpu.memory_space<vmem>>
    %dma_start3A_226 = arith.constant 0 : i32
    %dma_start3A_227 = arith.constant 0 : i32
    %dma_start3A_228 = tpu.memref_slice %arg2[%dma_start3A_226, %dma_start3A_227] : memref<10240x128xf32, #tpu.memory_space<hbm>> -> memref<10240x128xf32, #tpu.memory_space<hbm>>
    tpu.enqueue_indirect_dma source(%dma_start3A_228 : memref<10240x128xf32, #tpu.memory_space<hbm>>) target(%dma_start3A_222 : memref<128x128xf32, #tpu.memory_space<vmem>>) offsets(%dma_start3A_225 : memref<128xi32, #tpu.memory_space<vmem>>) semaphore(%arg9 : memref<!tpu.dma_semaphore, #tpu.memory_space<semaphore_mem>>)
    %barrier3A = arith.constant 0 : index
    tpu.barrier barrier_id(%barrier3A)
    %scan3A = arith.constant 0 : i32
    %scan3A_229 = arith.constant 0 : i32
    %scan3A_230 = arith.constant 79 : i32
    %scan3A_231 = arith.addi %scan3A_229, %scan3A_230 : i32
    %scan3A_232 = arith.constant 1 : i32
    scf.for %scan3A_254 = %scan3A_229 to %scan3A_231 step %scan3A_232  : i32 {
      %rem3A_255 = arith.constant 2 : i32
      %rem3A_256 = arith.remsi %scan3A_254, %rem3A_255 : i32
      %sub3A = arith.constant 1 : i32
      %sub3A_257 = arith.subi %sub3A, %rem3A_256 : i32
      %dma_wait3A_258 = arith.constant 0 : i32
      %dma_wait3A_259 = arith.constant 0 : i32
      %dma_wait3A_260 = arith.constant 0 : i32
      %dma_wait3A_261 = tpu.memref_slice %arg7[%rem3A_256, %dma_wait3A_259, %dma_wait3A_260] : memref<2x128x128xf32, #tpu.memory_space<vmem>> -> memref<1x128x128xf32, #tpu.memory_space<vmem>>
      %dma_wait3A_262 = tpu.memref_squeeze %dma_wait3A_261 : memref<1x128x128xf32, #tpu.memory_space<vmem>> -> memref<128x128xf32, #tpu.memory_space<vmem>>
      %dma_wait3A_263 = arith.constant 0 : i32
      %dma_wait3A_264 = tpu.memref_slice %arg6[%rem3A_256, %dma_wait3A_258, %dma_wait3A_263] : memref<2x2x128xi32, #tpu.memory_space<vmem>> -> memref<1x1x128xi32, #tpu.memory_space<vmem>>
      %dma_wait3A_265 = tpu.memref_squeeze %dma_wait3A_264 : memref<1x1x128xi32, #tpu.memory_space<vmem>> -> memref<128xi32, #tpu.memory_space<vmem>>
      %dma_wait3A_266 = arith.constant 0 : i32
      %dma_wait3A_267 = arith.constant 0 : i32
      %dma_wait3A_268 = tpu.memref_slice %arg2[%dma_wait3A_266, %dma_wait3A_267] : memref<10240x128xf32, #tpu.memory_space<hbm>> -> memref<10240x128xf32, #tpu.memory_space<hbm>>
      tpu.wait_indirect_dma semaphore(%arg9 : memref<!tpu.dma_semaphore, #tpu.memory_space<semaphore_mem>>) src(%dma_wait3A_268 : memref<10240x128xf32, #tpu.memory_space<hbm>>) dst(%dma_wait3A_262 : memref<128x128xf32, #tpu.memory_space<vmem>>)
      %gt3A = arith.constant 0 : i32
      %gt3A_269 = arith.cmpi sgt, %scan3A_254, %gt3A : i32
      %convert_element_type3A = arith.extui %gt3A_269 : i1 to i32
      %cond3A = arith.constant 0 : i32
      %cond3A_270 = arith.cmpi ne, %convert_element_type3A, %cond3A : i32
      scf.if %cond3A_270 {
        %dma_wait3A_288 = arith.constant 1 : i32
        %dma_wait3A_289 = arith.constant 0 : i32
        %dma_wait3A_290 = arith.constant 0 : i32
        %dma_wait3A_291 = tpu.memref_slice %arg7[%sub3A_257, %dma_wait3A_289, %dma_wait3A_290] : memref<2x128x128xf32, #tpu.memory_space<vmem>> -> memref<1x128x128xf32, #tpu.memory_space<vmem>>
        %dma_wait3A_292 = tpu.memref_squeeze %dma_wait3A_291 : memref<1x128x128xf32, #tpu.memory_space<vmem>> -> memref<128x128xf32, #tpu.memory_space<vmem>>
        %dma_wait3A_293 = arith.constant 0 : i32
        %dma_wait3A_294 = tpu.memref_slice %arg6[%sub3A_257, %dma_wait3A_288, %dma_wait3A_293] : memref<2x2x128xi32, #tpu.memory_space<vmem>> -> memref<1x1x128xi32, #tpu.memory_space<vmem>>
        %dma_wait3A_295 = tpu.memref_squeeze %dma_wait3A_294 : memref<1x1x128xi32, #tpu.memory_space<vmem>> -> memref<128xi32, #tpu.memory_space<vmem>>
        %dma_wait3A_296 = arith.constant 0 : i32
        %dma_wait3A_297 = arith.constant 0 : i32
        %dma_wait3A_298 = tpu.memref_slice %arg8[%dma_wait3A_296, %dma_wait3A_297] : memref<10240x128xf32, #tpu.memory_space<vmem_shared>> -> memref<10240x128xf32, #tpu.memory_space<vmem_shared>>
        tpu.wait_indirect_dma semaphore(%arg10 : memref<!tpu.dma_semaphore, #tpu.memory_space<semaphore_mem>>) src(%dma_wait3A_292 : memref<128x128xf32, #tpu.memory_space<vmem>>) dst(%dma_wait3A_298 : memref<10240x128xf32, #tpu.memory_space<vmem_shared>>)
      } else {
      }
      %dma_start3A_271 = arith.constant 1 : i32
      %dma_start3A_272 = arith.constant 0 : i32
      %dma_start3A_273 = arith.constant 0 : i32
      %dma_start3A_274 = tpu.memref_slice %arg7[%rem3A_256, %dma_start3A_272, %dma_start3A_273] : memref<2x128x128xf32, #tpu.memory_space<vmem>> -> memref<1x128x128xf32, #tpu.memory_space<vmem>>
      %dma_start3A_275 = tpu.memref_squeeze %dma_start3A_274 : memref<1x128x128xf32, #tpu.memory_space<vmem>> -> memref<128x128xf32, #tpu.memory_space<vmem>>
      %dma_start3A_276 = arith.constant 0 : i32
      %dma_start3A_277 = tpu.memref_slice %arg6[%rem3A_256, %dma_start3A_271, %dma_start3A_276] : memref<2x2x128xi32, #tpu.memory_space<vmem>> -> memref<1x1x128xi32, #tpu.memory_space<vmem>>
      %dma_start3A_278 = tpu.memref_squeeze %dma_start3A_277 : memref<1x1x128xi32, #tpu.memory_space<vmem>> -> memref<128xi32, #tpu.memory_space<vmem>>
      %dma_start3A_279 = arith.constant 0 : i32
      %dma_start3A_280 = arith.constant 0 : i32
      %dma_start3A_281 = tpu.memref_slice %arg8[%dma_start3A_279, %dma_start3A_280] : memref<10240x128xf32, #tpu.memory_space<vmem_shared>> -> memref<10240x128xf32, #tpu.memory_space<vmem_shared>>
      tpu.enqueue_indirect_dma source(%dma_start3A_275 : memref<128x128xf32, #tpu.memory_space<vmem>>) target(%dma_start3A_281 : memref<10240x128xf32, #tpu.memory_space<vmem_shared>>) offsets(%dma_start3A_278 : memref<128xi32, #tpu.memory_space<vmem>>) semaphore(%arg10 : memref<!tpu.dma_semaphore, #tpu.memory_space<semaphore_mem>>) {add = true}
      %add3A_282 = arith.constant 1 : i32
      %add3A_283 = arith.addi %scan3A_254, %add3A_282 : i32
      %lt3A = arith.constant 79 : i32
      %lt3A_284 = arith.cmpi slt, %add3A_283, %lt3A : i32
      %convert_element_type3A_285 = arith.extui %lt3A_284 : i1 to i32
      %cond3A_286 = arith.constant 0 : i32
      %cond3A_287 = arith.cmpi ne, %convert_element_type3A_285, %cond3A_286 : i32
      scf.if %cond3A_287 {
        %add3A_288 = arith.constant 1 : i32
        %add3A_289 = arith.addi %scan3A_254, %add3A_288 : i32
        %get3A_290 = arith.index_cast %add3A_289 : i32 to index
        %get3A_291 = arith.constant 0 : index
        %get3A_292 = tpu.vector_load %arg5[%get3A_290, %get3A_291] {strides = array<i32>} : memref<79x128xi32, #tpu.memory_space<vmem>>, vector<1x16xi32>,
        %get3A_293 = vector.shape_cast %get3A_292 : vector<1x16xi32> to vector<16xi32>
        %shift_right_logical3A_294 = arith.constant 16 : i32
        %shift_right_logical3A_295 = vector.broadcast %shift_right_logical3A_294 : i32 to vector<16xi32>
        %shift_right_logical3A_296 = arith.shrui %get3A_293, %shift_right_logical3A_295 : vector<16xi32>
        %swap3A_297 = arith.constant 0 : i32
        %swap3A_298 = arith.index_cast %sub3A_257 : i32 to index
        %swap3A_299 = arith.index_cast %swap3A_297 : i32 to index
        %swap3A_300 = arith.constant 0 : index
        %swap3A_301 = tpu.vector_load %arg6[%swap3A_298, %swap3A_299, %swap3A_300] {strides = array<i32>} : memref<2x2x128xi32, #tpu.memory_space<vmem>>, vector<1x1x16xi32>,
        %swap3A_302 = vector.shape_cast %swap3A_301 : vector<1x1x16xi32> to vector<16xi32>
        %swap3A_303 = vector.shape_cast %shift_right_logical3A_296 : vector<16xi32> to vector<1x1x16xi32>
        tpu.vector_store %arg6[%swap3A_298, %swap3A_299, %swap3A_300], %swap3A_303 {strides = array<i32>} : memref<2x2x128xi32, #tpu.memory_space<vmem>>, vector<1x1x16xi32>,
        %and3A_304 = arith.constant 65535 : i32
        %and3A_305 = vector.broadcast %and3A_304 : i32 to vector<16xi32>
        %and3A_306 = arith.andi %get3A_293, %and3A_305 : vector<16xi32>
        %swap3A_307 = arith.constant 1 : i32
        %swap3A_308 = arith.index_cast %sub3A_257 : i32 to index
        %swap3A_309 = arith.index_cast %swap3A_307 : i32 to index
        %swap3A_310 = arith.constant 0 : index
        %swap3A_311 = tpu.vector_load %arg6[%swap3A_308, %swap3A_309, %swap3A_310] {strides = array<i32>} : memref<2x2x128xi32, #tpu.memory_space<vmem>>, vector<1x1x16xi32>,
        %swap3A_312 = vector.shape_cast %swap3A_311 : vector<1x1x16xi32> to vector<16xi32>
        %swap3A_313 = vector.shape_cast %and3A_306 : vector<16xi32> to vector<1x1x16xi32>
        tpu.vector_store %arg6[%swap3A_308, %swap3A_309, %swap3A_310], %swap3A_313 {strides = array<i32>} : memref<2x2x128xi32, #tpu.memory_space<vmem>>, vector<1x1x16xi32>,
        %get3A_314 = arith.index_cast %add3A_289 : i32 to index
        %get3A_315 = arith.constant 16 : index
        %get3A_316 = tpu.vector_load %arg5[%get3A_314, %get3A_315] {strides = array<i32>} : memref<79x128xi32, #tpu.memory_space<vmem>>, vector<1x16xi32>,
        %get3A_317 = vector.shape_cast %get3A_316 : vector<1x16xi32> to vector<16xi32>
        %shift_right_logical3A_318 = arith.constant 16 : i32
        %shift_right_logical3A_319 = vector.broadcast %shift_right_logical3A_318 : i32 to vector<16xi32>
        %shift_right_logical3A_320 = arith.shrui %get3A_317, %shift_right_logical3A_319 : vector<16xi32>
        %swap3A_321 = arith.constant 0 : i32
        %swap3A_322 = arith.index_cast %sub3A_257 : i32 to index
        %swap3A_323 = arith.index_cast %swap3A_321 : i32 to index
        %swap3A_324 = arith.constant 16 : index
        %swap3A_325 = tpu.vector_load %arg6[%swap3A_322, %swap3A_323, %swap3A_324] {strides = array<i32>} : memref<2x2x128xi32, #tpu.memory_space<vmem>>, vector<1x1x16xi32>,
        %swap3A_326 = vector.shape_cast %swap3A_325 : vector<1x1x16xi32> to vector<16xi32>
        %swap3A_327 = vector.shape_cast %shift_right_logical3A_320 : vector<16xi32> to vector<1x1x16xi32>
        tpu.vector_store %arg6[%swap3A_322, %swap3A_323, %swap3A_324], %swap3A_327 {strides = array<i32>} : memref<2x2x128xi32, #tpu.memory_space<vmem>>, vector<1x1x16xi32>,
        %and3A_328 = arith.constant 65535 : i32
        %and3A_329 = vector.broadcast %and3A_328 : i32 to vector<16xi32>
        %and3A_330 = arith.andi %get3A_317, %and3A_329 : vector<16xi32>
        %swap3A_331 = arith.constant 1 : i32
        %swap3A_332 = arith.index_cast %sub3A_257 : i32 to index
        %swap3A_333 = arith.index_cast %swap3A_331 : i32 to index
        %swap3A_334 = arith.constant 16 : index
        %swap3A_335 = tpu.vector_load %arg6[%swap3A_332, %swap3A_333, %swap3A_334] {strides = array<i32>} : memref<2x2x128xi32, #tpu.memory_space<vmem>>, vector<1x1x16xi32>,
        %swap3A_336 = vector.shape_cast %swap3A_335 : vector<1x1x16xi32> to vector<16xi32>
        %swap3A_337 = vector.shape_cast %and3A_330 : vector<16xi32> to vector<1x1x16xi32>
        tpu.vector_store %arg6[%swap3A_332, %swap3A_333, %swap3A_334], %swap3A_337 {strides = array<i32>} : memref<2x2x128xi32, #tpu.memory_space<vmem>>, vector<1x1x16xi32>,
        %get3A_338 = arith.index_cast %add3A_289 : i32 to index
        %get3A_339 = arith.constant 32 : index
        %get3A_340 = tpu.vector_load %arg5[%get3A_338, %get3A_339] {strides = array<i32>} : memref<79x128xi32, #tpu.memory_space<vmem>>, vector<1x16xi32>,
        %get3A_341 = vector.shape_cast %get3A_340 : vector<1x16xi32> to vector<16xi32>
        %shift_right_logical3A_342 = arith.constant 16 : i32
        %shift_right_logical3A_343 = vector.broadcast %shift_right_logical3A_342 : i32 to vector<16xi32>
        %shift_right_logical3A_344 = arith.shrui %get3A_341, %shift_right_logical3A_343 : vector<16xi32>
        %swap3A_345 = arith.constant 0 : i32
        %swap3A_346 = arith.index_cast %sub3A_257 : i32 to index
        %swap3A_347 = arith.index_cast %swap3A_345 : i32 to index
        %swap3A_348 = arith.constant 32 : index
        %swap3A_349 = tpu.vector_load %arg6[%swap3A_346, %swap3A_347, %swap3A_348] {strides = array<i32>} : memref<2x2x128xi32, #tpu.memory_space<vmem>>, vector<1x1x16xi32>,
        %swap3A_350 = vector.shape_cast %swap3A_349 : vector<1x1x16xi32> to vector<16xi32>
        %swap3A_351 = vector.shape_cast %shift_right_logical3A_344 : vector<16xi32> to vector<1x1x16xi32>
        tpu.vector_store %arg6[%swap3A_346, %swap3A_347, %swap3A_348], %swap3A_351 {strides = array<i32>} : memref<2x2x128xi32, #tpu.memory_space<vmem>>, vector<1x1x16xi32>,
        %and3A_352 = arith.constant 65535 : i32
        %and3A_353 = vector.broadcast %and3A_352 : i32 to vector<16xi32>
        %and3A_354 = arith.andi %get3A_341, %and3A_353 : vector<16xi32>
        %swap3A_355 = arith.constant 1 : i32
        %swap3A_356 = arith.index_cast %sub3A_257 : i32 to index
        %swap3A_357 = arith.index_cast %swap3A_355 : i32 to index
        %swap3A_358 = arith.constant 32 : index
        %swap3A_359 = tpu.vector_load %arg6[%swap3A_356, %swap3A_357, %swap3A_358] {strides = array<i32>} : memref<2x2x128xi32, #tpu.memory_space<vmem>>, vector<1x1x16xi32>,
        %swap3A_360 = vector.shape_cast %swap3A_359 : vector<1x1x16xi32> to vector<16xi32>
        %swap3A_361 = vector.shape_cast %and3A_354 : vector<16xi32> to vector<1x1x16xi32>
        tpu.vector_store %arg6[%swap3A_356, %swap3A_357, %swap3A_358], %swap3A_361 {strides = array<i32>} : memref<2x2x128xi32, #tpu.memory_space<vmem>>, vector<1x1x16xi32>,
        %get3A_362 = arith.index_cast %add3A_289 : i32 to index
        %get3A_363 = arith.constant 48 : index
        %get3A_364 = tpu.vector_load %arg5[%get3A_362, %get3A_363] {strides = array<i32>} : memref<79x128xi32, #tpu.memory_space<vmem>>, vector<1x16xi32>,
        %get3A_365 = vector.shape_cast %get3A_364 : vector<1x16xi32> to vector<16xi32>
        %shift_right_logical3A_366 = arith.constant 16 : i32
        %shift_right_logical3A_367 = vector.broadcast %shift_right_logical3A_366 : i32 to vector<16xi32>
        %shift_right_logical3A_368 = arith.shrui %get3A_365, %shift_right_logical3A_367 : vector<16xi32>
        %swap3A_369 = arith.constant 0 : i32
        %swap3A_370 = arith.index_cast %sub3A_257 : i32 to index
        %swap3A_371 = arith.index_cast %swap3A_369 : i32 to index
        %swap3A_372 = arith.constant 48 : index
        %swap3A_373 = tpu.vector_load %arg6[%swap3A_370, %swap3A_371, %swap3A_372] {strides = array<i32>} : memref<2x2x128xi32, #tpu.memory_space<vmem>>, vector<1x1x16xi32>,
        %swap3A_374 = vector.shape_cast %swap3A_373 : vector<1x1x16xi32> to vector<16xi32>
        %swap3A_375 = vector.shape_cast %shift_right_logical3A_368 : vector<16xi32> to vector<1x1x16xi32>
        tpu.vector_store %arg6[%swap3A_370, %swap3A_371, %swap3A_372], %swap3A_375 {strides = array<i32>} : memref<2x2x128xi32, #tpu.memory_space<vmem>>, vector<1x1x16xi32>,
        %and3A_376 = arith.constant 65535 : i32
        %and3A_377 = vector.broadcast %and3A_376 : i32 to vector<16xi32>
        %and3A_378 = arith.andi %get3A_365, %and3A_377 : vector<16xi32>
        %swap3A_379 = arith.constant 1 : i32
        %swap3A_380 = arith.index_cast %sub3A_257 : i32 to index
        %swap3A_381 = arith.index_cast %swap3A_379 : i32 to index
        %swap3A_382 = arith.constant 48 : index
        %swap3A_383 = tpu.vector_load %arg6[%swap3A_380, %swap3A_381, %swap3A_382] {strides = array<i32>} : memref<2x2x128xi32, #tpu.memory_space<vmem>>, vector<1x1x16xi32>,
        %swap3A_384 = vector.shape_cast %swap3A_383 : vector<1x1x16xi32> to vector<16xi32>
        %swap3A_385 = vector.shape_cast %and3A_378 : vector<16xi32> to vector<1x1x16xi32>
        tpu.vector_store %arg6[%swap3A_380, %swap3A_381, %swap3A_382], %swap3A_385 {strides = array<i32>} : memref<2x2x128xi32, #tpu.memory_space<vmem>>, vector<1x1x16xi32>,
        %get3A_386 = arith.index_cast %add3A_289 : i32 to index
        %get3A_387 = arith.constant 64 : index
        %get3A_388 = tpu.vector_load %arg5[%get3A_386, %get3A_387] {strides = array<i32>} : memref<79x128xi32, #tpu.memory_space<vmem>>, vector<1x16xi32>,
        %get3A_389 = vector.shape_cast %get3A_388 : vector<1x16xi32> to vector<16xi32>
        %shift_right_logical3A_390 = arith.constant 16 : i32
        %shift_right_logical3A_391 = vector.broadcast %shift_right_logical3A_390 : i32 to vector<16xi32>
        %shift_right_logical3A_392 = arith.shrui %get3A_389, %shift_right_logical3A_391 : vector<16xi32>
        %swap3A_393 = arith.constant 0 : i32
        %swap3A_394 = arith.index_cast %sub3A_257 : i32 to index
        %swap3A_395 = arith.index_cast %swap3A_393 : i32 to index
        %swap3A_396 = arith.constant 64 : index
        %swap3A_397 = tpu.vector_load %arg6[%swap3A_394, %swap3A_395, %swap3A_396] {strides = array<i32>} : memref<2x2x128xi32, #tpu.memory_space<vmem>>, vector<1x1x16xi32>,
        %swap3A_398 = vector.shape_cast %swap3A_397 : vector<1x1x16xi32> to vector<16xi32>
        %swap3A_399 = vector.shape_cast %shift_right_logical3A_392 : vector<16xi32> to vector<1x1x16xi32>
        tpu.vector_store %arg6[%swap3A_394, %swap3A_395, %swap3A_396], %swap3A_399 {strides = array<i32>} : memref<2x2x128xi32, #tpu.memory_space<vmem>>, vector<1x1x16xi32>,
        %and3A_400 = arith.constant 65535 : i32
        %and3A_401 = vector.broadcast %and3A_400 : i32 to vector<16xi32>
        %and3A_402 = arith.andi %get3A_389, %and3A_401 : vector<16xi32>
        %swap3A_403 = arith.constant 1 : i32
        %swap3A_404 = arith.index_cast %sub3A_257 : i32 to index
        %swap3A_405 = arith.index_cast %swap3A_403 : i32 to index
        %swap3A_406 = arith.constant 64 : index
        %swap3A_407 = tpu.vector_load %arg6[%swap3A_404, %swap3A_405, %swap3A_406] {strides = array<i32>} : memref<2x2x128xi32, #tpu.memory_space<vmem>>, vector<1x1x16xi32>,
        %swap3A_408 = vector.shape_cast %swap3A_407 : vector<1x1x16xi32> to vector<16xi32>
        %swap3A_409 = vector.shape_cast %and3A_402 : vector<16xi32> to vector<1x1x16xi32>
        tpu.vector_store %arg6[%swap3A_404, %swap3A_405, %swap3A_406], %swap3A_409 {strides = array<i32>} : memref<2x2x128xi32, #tpu.memory_space<vmem>>, vector<1x1x16xi32>,
        %get3A_410 = arith.index_cast %add3A_289 : i32 to index
        %get3A_411 = arith.constant 80 : index
        %get3A_412 = tpu.vector_load %arg5[%get3A_410, %get3A_411] {strides = array<i32>} : memref<79x128xi32, #tpu.memory_space<vmem>>, vector<1x16xi32>,
        %get3A_413 = vector.shape_cast %get3A_412 : vector<1x16xi32> to vector<16xi32>
        %shift_right_logical3A_414 = arith.constant 16 : i32
        %shift_right_logical3A_415 = vector.broadcast %shift_right_logical3A_414 : i32 to vector<16xi32>
        %shift_right_logical3A_416 = arith.shrui %get3A_413, %shift_right_logical3A_415 : vector<16xi32>
        %swap3A_417 = arith.constant 0 : i32
        %swap3A_418 = arith.index_cast %sub3A_257 : i32 to index
        %swap3A_419 = arith.index_cast %swap3A_417 : i32 to index
        %swap3A_420 = arith.constant 80 : index
        %swap3A_421 = tpu.vector_load %arg6[%swap3A_418, %swap3A_419, %swap3A_420] {strides = array<i32>} : memref<2x2x128xi32, #tpu.memory_space<vmem>>, vector<1x1x16xi32>,
        %swap3A_422 = vector.shape_cast %swap3A_421 : vector<1x1x16xi32> to vector<16xi32>
        %swap3A_423 = vector.shape_cast %shift_right_logical3A_416 : vector<16xi32> to vector<1x1x16xi32>
        tpu.vector_store %arg6[%swap3A_418, %swap3A_419, %swap3A_420], %swap3A_423 {strides = array<i32>} : memref<2x2x128xi32, #tpu.memory_space<vmem>>, vector<1x1x16xi32>,
        %and3A_424 = arith.constant 65535 : i32
        %and3A_425 = vector.broadcast %and3A_424 : i32 to vector<16xi32>
        %and3A_426 = arith.andi %get3A_413, %and3A_425 : vector<16xi32>
        %swap3A_427 = arith.constant 1 : i32
        %swap3A_428 = arith.index_cast %sub3A_257 : i32 to index
        %swap3A_429 = arith.index_cast %swap3A_427 : i32 to index
        %swap3A_430 = arith.constant 80 : index
        %swap3A_431 = tpu.vector_load %arg6[%swap3A_428, %swap3A_429, %swap3A_430] {strides = array<i32>} : memref<2x2x128xi32, #tpu.memory_space<vmem>>, vector<1x1x16xi32>,
        %swap3A_432 = vector.shape_cast %swap3A_431 : vector<1x1x16xi32> to vector<16xi32>
        %swap3A_433 = vector.shape_cast %and3A_426 : vector<16xi32> to vector<1x1x16xi32>
        tpu.vector_store %arg6[%swap3A_428, %swap3A_429, %swap3A_430], %swap3A_433 {strides = array<i32>} : memref<2x2x128xi32, #tpu.memory_space<vmem>>, vector<1x1x16xi32>,
        %get3A_434 = arith.index_cast %add3A_289 : i32 to index
        %get3A_435 = arith.constant 96 : index
        %get3A_436 = tpu.vector_load %arg5[%get3A_434, %get3A_435] {strides = array<i32>} : memref<79x128xi32, #tpu.memory_space<vmem>>, vector<1x16xi32>,
        %get3A_437 = vector.shape_cast %get3A_436 : vector<1x16xi32> to vector<16xi32>
        %shift_right_logical3A_438 = arith.constant 16 : i32
        %shift_right_logical3A_439 = vector.broadcast %shift_right_logical3A_438 : i32 to vector<16xi32>
        %shift_right_logical3A_440 = arith.shrui %get3A_437, %shift_right_logical3A_439 : vector<16xi32>
        %swap3A_441 = arith.constant 0 : i32
        %swap3A_442 = arith.index_cast %sub3A_257 : i32 to index
        %swap3A_443 = arith.index_cast %swap3A_441 : i32 to index
        %swap3A_444 = arith.constant 96 : index
        %swap3A_445 = tpu.vector_load %arg6[%swap3A_442, %swap3A_443, %swap3A_444] {strides = array<i32>} : memref<2x2x128xi32, #tpu.memory_space<vmem>>, vector<1x1x16xi32>,
        %swap3A_446 = vector.shape_cast %swap3A_445 : vector<1x1x16xi32> to vector<16xi32>
        %swap3A_447 = vector.shape_cast %shift_right_logical3A_440 : vector<16xi32> to vector<1x1x16xi32>
        tpu.vector_store %arg6[%swap3A_442, %swap3A_443, %swap3A_444], %swap3A_447 {strides = array<i32>} : memref<2x2x128xi32, #tpu.memory_space<vmem>>, vector<1x1x16xi32>,
        %and3A_448 = arith.constant 65535 : i32
        %and3A_449 = vector.broadcast %and3A_448 : i32 to vector<16xi32>
        %and3A_450 = arith.andi %get3A_437, %and3A_449 : vector<16xi32>
        %swap3A_451 = arith.constant 1 : i32
        %swap3A_452 = arith.index_cast %sub3A_257 : i32 to index
        %swap3A_453 = arith.index_cast %swap3A_451 : i32 to index
        %swap3A_454 = arith.constant 96 : index
        %swap3A_455 = tpu.vector_load %arg6[%swap3A_452, %swap3A_453, %swap3A_454] {strides = array<i32>} : memref<2x2x128xi32, #tpu.memory_space<vmem>>, vector<1x1x16xi32>,
        %swap3A_456 = vector.shape_cast %swap3A_455 : vector<1x1x16xi32> to vector<16xi32>
        %swap3A_457 = vector.shape_cast %and3A_450 : vector<16xi32> to vector<1x1x16xi32>
        tpu.vector_store %arg6[%swap3A_452, %swap3A_453, %swap3A_454], %swap3A_457 {strides = array<i32>} : memref<2x2x128xi32, #tpu.memory_space<vmem>>, vector<1x1x16xi32>,
        %get3A_458 = arith.index_cast %add3A_289 : i32 to index
        %get3A_459 = arith.constant 112 : index
        %get3A_460 = tpu.vector_load %arg5[%get3A_458, %get3A_459] {strides = array<i32>} : memref<79x128xi32, #tpu.memory_space<vmem>>, vector<1x16xi32>,
        %get3A_461 = vector.shape_cast %get3A_460 : vector<1x16xi32> to vector<16xi32>
        %shift_right_logical3A_462 = arith.constant 16 : i32
        %shift_right_logical3A_463 = vector.broadcast %shift_right_logical3A_462 : i32 to vector<16xi32>
        %shift_right_logical3A_464 = arith.shrui %get3A_461, %shift_right_logical3A_463 : vector<16xi32>
        %swap3A_465 = arith.constant 0 : i32
        %swap3A_466 = arith.index_cast %sub3A_257 : i32 to index
        %swap3A_467 = arith.index_cast %swap3A_465 : i32 to index
        %swap3A_468 = arith.constant 112 : index
        %swap3A_469 = tpu.vector_load %arg6[%swap3A_466, %swap3A_467, %swap3A_468] {strides = array<i32>} : memref<2x2x128xi32, #tpu.memory_space<vmem>>, vector<1x1x16xi32>,
        %swap3A_470 = vector.shape_cast %swap3A_469 : vector<1x1x16xi32> to vector<16xi32>
        %swap3A_471 = vector.shape_cast %shift_right_logical3A_464 : vector<16xi32> to vector<1x1x16xi32>
        tpu.vector_store %arg6[%swap3A_466, %swap3A_467, %swap3A_468], %swap3A_471 {strides = array<i32>} : memref<2x2x128xi32, #tpu.memory_space<vmem>>, vector<1x1x16xi32>,
        %and3A_472 = arith.constant 65535 : i32
        %and3A_473 = vector.broadcast %and3A_472 : i32 to vector<16xi32>
        %and3A_474 = arith.andi %get3A_461, %and3A_473 : vector<16xi32>
        %swap3A_475 = arith.constant 1 : i32
        %swap3A_476 = arith.index_cast %sub3A_257 : i32 to index
        %swap3A_477 = arith.index_cast %swap3A_475 : i32 to index
        %swap3A_478 = arith.constant 112 : index
        %swap3A_479 = tpu.vector_load %arg6[%swap3A_476, %swap3A_477, %swap3A_478] {strides = array<i32>} : memref<2x2x128xi32, #tpu.memory_space<vmem>>, vector<1x1x16xi32>,
        %swap3A_480 = vector.shape_cast %swap3A_479 : vector<1x1x16xi32> to vector<16xi32>
        %swap3A_481 = vector.shape_cast %and3A_474 : vector<16xi32> to vector<1x1x16xi32>
        tpu.vector_store %arg6[%swap3A_476, %swap3A_477, %swap3A_478], %swap3A_481 {strides = array<i32>} : memref<2x2x128xi32, #tpu.memory_space<vmem>>, vector<1x1x16xi32>,
        %dma_start3A_482 = arith.constant 0 : i32
        %dma_start3A_483 = arith.constant 0 : i32
        %dma_start3A_484 = arith.constant 0 : i32
        %dma_start3A_485 = tpu.memref_slice %arg7[%sub3A_257, %dma_start3A_483, %dma_start3A_484] : memref<2x128x128xf32, #tpu.memory_space<vmem>> -> memref<1x128x128xf32, #tpu.memory_space<vmem>>
        %dma_start3A_486 = tpu.memref_squeeze %dma_start3A_485 : memref<1x128x128xf32, #tpu.memory_space<vmem>> -> memref<128x128xf32, #tpu.memory_space<vmem>>
        %dma_start3A_487 = arith.constant 0 : i32
        %dma_start3A_488 = tpu.memref_slice %arg6[%sub3A_257, %dma_start3A_482, %dma_start3A_487] : memref<2x2x128xi32, #tpu.memory_space<vmem>> -> memref<1x1x128xi32, #tpu.memory_space<vmem>>
        %dma_start3A_489 = tpu.memref_squeeze %dma_start3A_488 : memref<1x1x128xi32, #tpu.memory_space<vmem>> -> memref<128xi32, #tpu.memory_space<vmem>>
        %dma_start3A_490 = arith.constant 0 : i32
        %dma_start3A_491 = arith.constant 0 : i32
        %dma_start3A_492 = tpu.memref_slice %arg2[%dma_start3A_490, %dma_start3A_491] : memref<10240x128xf32, #tpu.memory_space<hbm>> -> memref<10240x128xf32, #tpu.memory_space<hbm>>
        tpu.enqueue_indirect_dma source(%dma_start3A_492 : memref<10240x128xf32, #tpu.memory_space<hbm>>) target(%dma_start3A_486 : memref<128x128xf32, #tpu.memory_space<vmem>>) offsets(%dma_start3A_489 : memref<128xi32, #tpu.memory_space<vmem>>) semaphore(%arg9 : memref<!tpu.dma_semaphore, #tpu.memory_space<semaphore_mem>>)
      } else {
      }
    }
    %scan3A_233 = arith.constant 79 : i32
    %rem3A = arith.constant 78 : i32
    %rem3A_234 = arith.constant 2 : i32
    %rem3A_235 = arith.remsi %rem3A, %rem3A_234 : i32
    %rem3A_236 = arith.constant 78 : i32
    %rem3A_237 = arith.constant 2 : i32
    %rem3A_238 = arith.remsi %rem3A_236, %rem3A_237 : i32
    %dma_wait3A = arith.constant 1 : i32
    %dma_wait3A_239 = arith.constant 0 : i32
    %dma_wait3A_240 = arith.constant 0 : i32
    %dma_wait3A_241 = tpu.memref_slice %arg7[%rem3A_235, %dma_wait3A_239, %dma_wait3A_240] : memref<2x128x128xf32, #tpu.memory_space<vmem>> -> memref<1x128x128xf32, #tpu.memory_space<vmem>>
    %dma_wait3A_242 = tpu.memref_squeeze %dma_wait3A_241 : memref<1x128x128xf32, #tpu.memory_space<vmem>> -> memref<128x128xf32, #tpu.memory_space<vmem>>
    %dma_wait3A_243 = arith.constant 0 : i32
    %dma_wait3A_244 = tpu.memref_slice %arg6[%rem3A_238, %dma_wait3A, %dma_wait3A_243] : memref<2x2x128xi32, #tpu.memory_space<vmem>> -> memref<1x1x128xi32, #tpu.memory_space<vmem>>
    %dma_wait3A_245 = tpu.memref_squeeze %dma_wait3A_244 : memref<1x1x128xi32, #tpu.memory_space<vmem>> -> memref<128xi32, #tpu.memory_space<vmem>>
    %dma_wait3A_246 = arith.constant 0 : i32
    %dma_wait3A_247 = arith.constant 0 : i32
    %dma_wait3A_248 = tpu.memref_slice %arg8[%dma_wait3A_246, %dma_wait3A_247] : memref<10240x128xf32, #tpu.memory_space<vmem_shared>> -> memref<10240x128xf32, #tpu.memory_space<vmem_shared>>
    tpu.wait_indirect_dma semaphore(%arg10 : memref<!tpu.dma_semaphore, #tpu.memory_space<semaphore_mem>>) src(%dma_wait3A_242 : memref<128x128xf32, #tpu.memory_space<vmem>>) dst(%dma_wait3A_248 : memref<10240x128xf32, #tpu.memory_space<vmem_shared>>)
    %barrier3A_249 = arith.constant 0 : index
    tpu.barrier barrier_id(%barrier3A_249)
    %mul3A_250 = arith.constant 640 : i32
    %mul3A_251 = arith.muli %arg1, %mul3A_250 : i32
    %mul3A_252 = arith.constant 640 : i32
    %mul3A_253 = arith.muli %arg1, %mul3A_252 : i32
    "tpu.region"() ({
      %run_scoped3A = tpu.sem_alloc : memref<!tpu.dma_semaphore, #tpu.memory_space<semaphore_mem>>
      %dma_start3A_254 = arith.constant 0 : i32
      %dma_start3A_255 = tpu.memref_slice %arg4[%arg0, %mul3A_253, %dma_start3A_254] : memref<2x10240x128xf32, #tpu.memory_space<hbm>> -> memref<1x640x128xf32, #tpu.memory_space<hbm>>
      %dma_start3A_256 = tpu.memref_squeeze %dma_start3A_255 : memref<1x640x128xf32, #tpu.memory_space<hbm>> -> memref<640x128xf32, #tpu.memory_space<hbm>>
      %dma_start3A_257 = arith.constant 0 : i32
      %dma_start3A_258 = tpu.memref_slice %arg8[%mul3A_251, %dma_start3A_257] : memref<10240x128xf32, #tpu.memory_space<vmem_shared>> -> memref<640x128xf32, #tpu.memory_space<vmem_shared>>
      tpu.enqueue_dma source(%dma_start3A_258 : memref<640x128xf32, #tpu.memory_space<vmem_shared>>) target(%dma_start3A_256 : memref<640x128xf32, #tpu.memory_space<hbm>>) target_semaphore(%run_scoped3A : memref<!tpu.dma_semaphore, #tpu.memory_space<semaphore_mem>>)
      %dma_wait3A_259 = arith.constant 0 : i32
      %dma_wait3A_260 = tpu.memref_slice %arg4[%arg0, %mul3A_253, %dma_wait3A_259] : memref<2x10240x128xf32, #tpu.memory_space<hbm>> -> memref<1x640x128xf32, #tpu.memory_space<hbm>>
      %dma_wait3A_261 = tpu.memref_squeeze %dma_wait3A_260 : memref<1x640x128xf32, #tpu.memory_space<hbm>> -> memref<640x128xf32, #tpu.memory_space<hbm>>
      %dma_wait3A_262 = arith.constant 0 : i32
      %dma_wait3A_263 = tpu.memref_slice %arg8[%mul3A_251, %dma_wait3A_262] : memref<10240x128xf32, #tpu.memory_space<vmem_shared>> -> memref<640x128xf32, #tpu.memory_space<vmem_shared>>
      tpu.wait_dma2 semaphore(%run_scoped3A : memref<!tpu.dma_semaphore, #tpu.memory_space<semaphore_mem>>) src(%dma_wait3A_263 : memref<640x128xf32, #tpu.memory_space<vmem_shared>>) dst(%dma_wait3A_261 : memref<640x128xf32, #tpu.memory_space<hbm>>)
      tpu.yield
    }) : () -> ()
    return
  }
}

module attributes {stable_mosaic.version = 14 : i64} {
  func.func @_scale_body(%arg0: i32, %arg1: memref<1024x128xf32, #tpu.memory_space<vmem>>, %arg2: memref<2x1024x16xf32, #tpu.memory_space<vmem>>, %arg3: memref<1024x128xf32, #tpu.memory_space<vmem>>) attributes {dimension_semantics = [#tpu.dimension_semantics<arbitrary>], iteration_bounds = array<i64: 10>, scalar_prefetch = 0 : i64, scratch_operands = 0 : i64, tpu.core_type = #tpu.core_type<tc>, window_params = [{transform_indices = @transform_0, window_bounds = array<i64: 1024, 128>}, {transform_indices = @transform_1, window_bounds = array<i64: 2, 1024, 16>}, {transform_indices = @transform_2, window_bounds = array<i64: 1024, 128>}]} {
    %get3A = arith.constant 0 : index
    %get3A_0 = arith.constant 0 : index
    %get3A_1 = arith.constant 0 : index
    %get3A_2 = vector.load %arg2[%get3A, %get3A_0, %get3A_1] : memref<2x1024x16xf32, #tpu.memory_space<vmem>>, vector<1x1024x1xf32>
    %get3A_3 = vector.shape_cast %get3A_2 : vector<1x1024x1xf32> to vector<1024x1xf32>
    %get3A_4 = arith.constant 1 : index
    %get3A_5 = arith.constant 0 : index
    %get3A_6 = arith.constant 0 : index
    %get3A_7 = vector.load %arg2[%get3A_4, %get3A_5, %get3A_6] : memref<2x1024x16xf32, #tpu.memory_space<vmem>>, vector<1x1024x1xf32>
    %get3A_8 = vector.shape_cast %get3A_7 : vector<1x1024x1xf32> to vector<1024x1xf32>
    %add3A = arith.addf %get3A_3, %get3A_8 : vector<1024x1xf32>
    %sub3A = arith.constant 1.000000e+00 : f32
    %sub3A_9 = vector.broadcast %sub3A : f32 to vector<1024x1xf32>
    %sub3A_10 = arith.subf %add3A, %sub3A_9 : vector<1024x1xf32>
    %get3A_11 = arith.constant 0 : index
    %get3A_12 = arith.constant 0 : index
    %get3A_13 = vector.load %arg1[%get3A_11, %get3A_12] : memref<1024x128xf32, #tpu.memory_space<vmem>>, vector<1024x128xf32>
    %rsqrt3A = math.rsqrt %sub3A_10 : vector<1024x1xf32>
    %mul3A = vector.broadcast %rsqrt3A : vector<1024x1xf32> to vector<1024x128xf32>
    %mul3A_14 = arith.mulf %get3A_13, %mul3A : vector<1024x128xf32>
    %swap3A = arith.constant 0 : index
    %swap3A_15 = arith.constant 0 : index
    %swap3A_16 = vector.load %arg3[%swap3A, %swap3A_15] : memref<1024x128xf32, #tpu.memory_space<vmem>>, vector<1024x128xf32>
    tpu.vector_store %arg3[%swap3A, %swap3A_15], %mul3A_14 {strides = array<i32>} : memref<1024x128xf32, #tpu.memory_space<vmem>>, vector<1024x128xf32>,
    return
  }
  func.func @transform_0(%arg0: i32) -> (i32, i32) {
    %c0_i32 = arith.constant 0 : i32
    %c0_i32_0 = arith.constant 0 : i32
    return %arg0, %c0_i32 : i32, i32
  }
  func.func @transform_1(%arg0: i32) -> (i32, i32, i32) {
    %c0_i32 = arith.constant 0 : i32
    %c0_i32_0 = arith.constant 0 : i32
    %c0_i32_1 = arith.constant 0 : i32
    return %c0_i32, %arg0, %c0_i32_0 : i32, i32, i32
  }
  func.func @transform_2(%arg0: i32) -> (i32, i32) {
    %c0_i32 = arith.constant 0 : i32
    %c0_i32_0 = arith.constant 0 : i32
    return %arg0, %c0_i32 : i32, i32
  }
}

module attributes {stable_mosaic.version = 14 : i64} {
  func.func @_mm_body(%arg0: i32, %arg1: memref<1024x128xf32, #tpu.memory_space<vmem>>, %arg2: memref<128x128xf32, #tpu.memory_space<vmem>>, %arg3: memref<1024x128xf32, #tpu.memory_space<vmem>>) attributes {dimension_semantics = [#tpu.dimension_semantics<arbitrary>], iteration_bounds = array<i64: 10>, scalar_prefetch = 0 : i64, scratch_operands = 0 : i64, tpu.core_type = #tpu.core_type<tc>, window_params = [{transform_indices = @transform_0, window_bounds = array<i64: 1024, 128>}, {pipeline_mode = #tpu.pipeline_mode<synchronous>, transform_indices = @transform_1, window_bounds = array<i64: 128, 128>}, {transform_indices = @transform_2, window_bounds = array<i64: 1024, 128>}]} {
    %get3A = arith.constant 0 : index
    %get3A_0 = arith.constant 0 : index
    %get3A_1 = vector.load %arg1[%get3A, %get3A_0] : memref<1024x128xf32, #tpu.memory_space<vmem>>, vector<1024x128xf32>
    %get3A_2 = arith.constant 0 : index
    %get3A_3 = arith.constant 0 : index
    %get3A_4 = vector.load %arg2[%get3A_2, %get3A_3] : memref<128x128xf32, #tpu.memory_space<vmem>>, vector<128x128xf32>
    %dot_general3A = arith.constant dense<0.000000e+00> : vector<1024x128xf32>
    %dot_general3A_5 = tpu.matmul %get3A_1, %get3A_4, %dot_general3A {dimension_numbers = #tpu.dot_dimension_numbers<[1], [0], [0], [1], [0, 0, 1, 1], [], []>, transpose_lhs_hint = false} : vector<1024x128xf32>, vector<128x128xf32>, vector<1024x128xf32> -> vector<1024x128xf32>
    %swap3A = arith.constant 0 : index
    %swap3A_6 = arith.constant 0 : index
    %swap3A_7 = vector.load %arg3[%swap3A, %swap3A_6] : memref<1024x128xf32, #tpu.memory_space<vmem>>, vector<1024x128xf32>
    tpu.vector_store %arg3[%swap3A, %swap3A_6], %dot_general3A_5 {strides = array<i32>} : memref<1024x128xf32, #tpu.memory_space<vmem>>, vector<1024x128xf32>,
    return
  }
  func.func @transform_0(%arg0: i32) -> (i32, i32) {
    %c0_i32 = arith.constant 0 : i32
    %c0_i32_0 = arith.constant 0 : i32
    return %arg0, %c0_i32 : i32, i32
  }
  func.func @transform_1(%arg0: i32) -> (i32, i32) {
    %c0_i32 = arith.constant 0 : i32
    %c0_i32_0 = arith.constant 0 : i32
    %c0_i32_1 = arith.constant 0 : i32
    return %c0_i32, %c0_i32_0 : i32, i32
  }
  func.func @transform_2(%arg0: i32) -> (i32, i32) {
    %c0_i32 = arith.constant 0 : i32
    %c0_i32_0 = arith.constant 0 : i32
    return %arg0, %c0_i32 : i32, i32
  }
}

module attributes {stable_mosaic.version = 14 : i64} {
  func.func @_postbn_body(%arg0: i32, %arg1: i32, %arg2: memref<2x1024x128xf32, #tpu.memory_space<vmem>>, %arg3: memref<1024x128xf32, #tpu.memory_space<vmem>>, %arg4: memref<1024x1xf32, #tpu.memory_space<vmem>>, %arg5: memref<1x128xf32, #tpu.memory_space<vmem>>, %arg6: memref<1x128xf32, #tpu.memory_space<vmem>>, %arg7: memref<1x128xf32, #tpu.memory_space<vmem>>, %arg8: memref<128x128xf32, #tpu.memory_space<vmem>>, %arg9: memref<1024x128xf32, #tpu.memory_space<vmem>>, %arg10: memref<1024x128xf32, #tpu.memory_space<vmem>>, %arg11: memref<1x128xf32, #tpu.memory_space<vmem>>, %arg12: memref<1x128xf32, #tpu.memory_space<vmem>>) attributes {dimension_semantics = [#tpu.dimension_semantics<arbitrary>, #tpu.dimension_semantics<arbitrary>], iteration_bounds = array<i64: 2, 10>, scalar_prefetch = 0 : i64, scratch_operands = 2 : i64, tpu.core_type = #tpu.core_type<tc>, window_params = [{transform_indices = @transform_0, window_bounds = array<i64: 2, 1024, 128>}, {transform_indices = @transform_1, window_bounds = array<i64: 1024, 128>}, {transform_indices = @transform_2, window_bounds = array<i64: 1024, 1>}, {pipeline_mode = #tpu.pipeline_mode<synchronous>, transform_indices = @transform_3, window_bounds = array<i64: 1, 128>}, {pipeline_mode = #tpu.pipeline_mode<synchronous>, transform_indices = @transform_4, window_bounds = array<i64: 1, 128>}, {pipeline_mode = #tpu.pipeline_mode<synchronous>, transform_indices = @transform_5, window_bounds = array<i64: 1, 128>}, {pipeline_mode = #tpu.pipeline_mode<synchronous>, transform_indices = @transform_6, window_bounds = array<i64: 128, 128>}, {transform_indices = @transform_7, window_bounds = array<i64: 1024, 128>}, {transform_indices = @transform_8, window_bounds = array<i64: 1024, 128>}]} {
    %get3A = arith.constant 0 : index
    %get3A_0 = arith.constant 0 : index
    %get3A_1 = arith.constant 0 : index
    %get3A_2 = vector.load %arg2[%get3A, %get3A_0, %get3A_1] : memref<2x1024x128xf32, #tpu.memory_space<vmem>>, vector<1x1024x128xf32>
    %get3A_3 = vector.shape_cast %get3A_2 : vector<1x1024x128xf32> to vector<1024x128xf32>
    %get3A_4 = arith.constant 1 : index
    %get3A_5 = arith.constant 0 : index
    %get3A_6 = arith.constant 0 : index
    %get3A_7 = vector.load %arg2[%get3A_4, %get3A_5, %get3A_6] : memref<2x1024x128xf32, #tpu.memory_space<vmem>>, vector<1x1024x128xf32>
    %get3A_8 = vector.shape_cast %get3A_7 : vector<1x1024x128xf32> to vector<1024x128xf32>
    %add3A = arith.addf %get3A_3, %get3A_8 : vector<1024x128xf32>
    %get3A_9 = arith.constant 0 : index
    %get3A_10 = arith.constant 0 : index
    %get3A_11 = vector.load %arg3[%get3A_9, %get3A_10] : memref<1024x128xf32, #tpu.memory_space<vmem>>, vector<1024x128xf32>
    %sub3A = arith.subf %add3A, %get3A_11 : vector<1024x128xf32>
    %get3A_12 = arith.constant 0 : index
    %get3A_13 = arith.constant 0 : index
    %get3A_14 = vector.load %arg4[%get3A_12, %get3A_13] : memref<1024x1xf32, #tpu.memory_space<vmem>>, vector<1024x1xf32>
    %rsqrt3A = math.rsqrt %get3A_14 : vector<1024x1xf32>
    %mul3A = vector.broadcast %rsqrt3A : vector<1024x1xf32> to vector<1024x128xf32>
    %mul3A_15 = arith.mulf %sub3A, %mul3A : vector<1024x128xf32>
    %get3A_16 = arith.constant 0 : index
    %get3A_17 = arith.constant 0 : index
    %get3A_18 = vector.load %arg5[%get3A_16, %get3A_17] : memref<1x128xf32, #tpu.memory_space<vmem>>, vector<1x128xf32>
    %add3A_19 = vector.broadcast %get3A_18 : vector<1x128xf32> to vector<1024x128xf32>
    %add3A_20 = arith.addf %mul3A_15, %add3A_19 : vector<1024x128xf32>
    %eq3A = arith.constant 0 : i32
    %eq3A_21 = arith.cmpi eq, %arg0, %eq3A : i32
    %convert_element_type3A = arith.extui %eq3A_21 : i1 to i32
    %cond3A = arith.constant 0 : i32
    %cond3A_22 = arith.cmpi ne, %convert_element_type3A, %cond3A : i32
    scf.if %cond3A_22 {
      %mul3A_28 = arith.constant 1024 : i32
      %mul3A_29 = arith.muli %arg1, %mul3A_28 : i32
      %iota3A = tpu.iota {dimensions = array<i32: 0>} : vector<1024x1xi32>
      %add3A_30 = vector.broadcast %mul3A_29 : i32 to vector<1024x1xi32>
      %add3A_31 = arith.addi %add3A_30, %iota3A : vector<1024x1xi32>
      %lt3A = arith.constant 10000 : i32
      %lt3A_32 = vector.broadcast %lt3A : i32 to vector<1024x1xi32>
      %lt3A_33 = arith.cmpi slt, %add3A_31, %lt3A_32 : vector<1024x1xi32>
      %jit3A = arith.constant 0.000000e+00 : f32
      %broadcast_in_dim3A = vector.shape_cast %lt3A_33 : vector<1024x1xi1> to vector<1024x1xi1>
      %broadcast_in_dim3A_34 = vector.broadcast %broadcast_in_dim3A : vector<1024x1xi1> to vector<1024x128xi1>
      %broadcast_in_dim3A_35 = vector.broadcast %jit3A : f32 to vector<1024x128xf32>
      %select_n3A = arith.select %broadcast_in_dim3A_34, %add3A_20, %broadcast_in_dim3A_35 : vector<1024x128xi1>, vector<1024x128xf32>
      %reduce_sum3A = arith.constant dense<0.000000e+00> : vector<128xf32>
      %reduce_sum3A_36 = vector.multi_reduction <add>, %select_n3A, %reduce_sum3A [0] : vector<1024x128xf32> to vector<128xf32>
      %broadcast_in_dim3A_37 = vector.shape_cast %reduce_sum3A_36 : vector<128xf32> to vector<1x128xf32>
      %mul3A_38 = arith.mulf %select_n3A, %select_n3A : vector<1024x128xf32>
      %reduce_sum3A_39 = arith.constant dense<0.000000e+00> : vector<128xf32>
      %reduce_sum3A_40 = vector.multi_reduction <add>, %mul3A_38, %reduce_sum3A_39 [0] : vector<1024x128xf32> to vector<128xf32>
      %broadcast_in_dim3A_41 = vector.shape_cast %reduce_sum3A_40 : vector<128xf32> to vector<1x128xf32>
      %eq3A_42 = arith.constant 0 : i32
      %eq3A_43 = arith.cmpi eq, %arg1, %eq3A_42 : i32
      %convert_element_type3A_44 = arith.extui %eq3A_43 : i1 to i32
      %cond3A_45 = arith.constant 0 : i32
      %cond3A_46 = arith.cmpi ne, %convert_element_type3A_44, %cond3A_45 : i32
      scf.if %cond3A_46 {
        %swap3A = arith.constant 0 : index
        %swap3A_51 = arith.constant 0 : index
        %swap3A_52 = vector.load %arg11[%swap3A, %swap3A_51] : memref<1x128xf32, #tpu.memory_space<vmem>>, vector<1x128xf32>
        tpu.vector_store %arg11[%swap3A, %swap3A_51], %broadcast_in_dim3A_37 {strides = array<i32>} : memref<1x128xf32, #tpu.memory_space<vmem>>, vector<1x128xf32>,
        %swap3A_53 = arith.constant 0 : index
        %swap3A_54 = arith.constant 0 : index
        %swap3A_55 = vector.load %arg12[%swap3A_53, %swap3A_54] : memref<1x128xf32, #tpu.memory_space<vmem>>, vector<1x128xf32>
        tpu.vector_store %arg12[%swap3A_53, %swap3A_54], %broadcast_in_dim3A_41 {strides = array<i32>} : memref<1x128xf32, #tpu.memory_space<vmem>>, vector<1x128xf32>,
      } else {
      }
      %gt3A = arith.constant 0 : i32
      %gt3A_47 = arith.cmpi sgt, %arg1, %gt3A : i32
      %convert_element_type3A_48 = arith.extui %gt3A_47 : i1 to i32
      %cond3A_49 = arith.constant 0 : i32
      %cond3A_50 = arith.cmpi ne, %convert_element_type3A_48, %cond3A_49 : i32
      scf.if %cond3A_50 {
        %get3A_51 = arith.constant 0 : index
        %get3A_52 = arith.constant 0 : index
        %get3A_53 = vector.load %arg11[%get3A_51, %get3A_52] : memref<1x128xf32, #tpu.memory_space<vmem>>, vector<1x128xf32>
        %add3A_54 = arith.addf %get3A_53, %broadcast_in_dim3A_37 : vector<1x128xf32>
        %swap3A = arith.constant 0 : index
        %swap3A_55 = arith.constant 0 : index
        %swap3A_56 = vector.load %arg11[%swap3A, %swap3A_55] : memref<1x128xf32, #tpu.memory_space<vmem>>, vector<1x128xf32>
        tpu.vector_store %arg11[%swap3A, %swap3A_55], %add3A_54 {strides = array<i32>} : memref<1x128xf32, #tpu.memory_space<vmem>>, vector<1x128xf32>,
        %get3A_57 = arith.constant 0 : index
        %get3A_58 = arith.constant 0 : index
        %get3A_59 = vector.load %arg12[%get3A_57, %get3A_58] : memref<1x128xf32, #tpu.memory_space<vmem>>, vector<1x128xf32>
        %add3A_60 = arith.addf %get3A_59, %broadcast_in_dim3A_41 : vector<1x128xf32>
        %swap3A_61 = arith.constant 0 : index
        %swap3A_62 = arith.constant 0 : index
        %swap3A_63 = vector.load %arg12[%swap3A_61, %swap3A_62] : memref<1x128xf32, #tpu.memory_space<vmem>>, vector<1x128xf32>
        tpu.vector_store %arg12[%swap3A_61, %swap3A_62], %add3A_60 {strides = array<i32>} : memref<1x128xf32, #tpu.memory_space<vmem>>, vector<1x128xf32>,
      } else {
      }
    } else {
    }
    %eq3A_23 = arith.constant 1 : i32
    %eq3A_24 = arith.cmpi eq, %arg0, %eq3A_23 : i32
    %convert_element_type3A_25 = arith.extui %eq3A_24 : i1 to i32
    %cond3A_26 = arith.constant 0 : i32
    %cond3A_27 = arith.cmpi ne, %convert_element_type3A_25, %cond3A_26 : i32
    scf.if %cond3A_27 {
      %get3A_28 = arith.constant 0 : index
      %get3A_29 = arith.constant 0 : index
      %get3A_30 = vector.load %arg11[%get3A_28, %get3A_29] : memref<1x128xf32, #tpu.memory_space<vmem>>, vector<1x128xf32>
      %mul3A_31 = arith.constant 9.99999974E-5 : f32
      %mul3A_32 = vector.broadcast %mul3A_31 : f32 to vector<1x128xf32>
      %mul3A_33 = arith.mulf %get3A_30, %mul3A_32 : vector<1x128xf32>
      %get3A_34 = arith.constant 0 : index
      %get3A_35 = arith.constant 0 : index
      %get3A_36 = vector.load %arg12[%get3A_34, %get3A_35] : memref<1x128xf32, #tpu.memory_space<vmem>>, vector<1x128xf32>
      %mul3A_37 = arith.constant 9.99999974E-5 : f32
      %mul3A_38 = vector.broadcast %mul3A_37 : f32 to vector<1x128xf32>
      %mul3A_39 = arith.mulf %get3A_36, %mul3A_38 : vector<1x128xf32>
      %mul3A_40 = arith.mulf %mul3A_33, %mul3A_33 : vector<1x128xf32>
      %sub3A_41 = arith.subf %mul3A_39, %mul3A_40 : vector<1x128xf32>
      %add3A_42 = arith.constant 9.99999974E-6 : f32
      %add3A_43 = vector.broadcast %add3A_42 : f32 to vector<1x128xf32>
      %add3A_44 = arith.addf %sub3A_41, %add3A_43 : vector<1x128xf32>
      %rsqrt3A_45 = math.rsqrt %add3A_44 : vector<1x128xf32>
      %sub3A_46 = vector.broadcast %mul3A_33 : vector<1x128xf32> to vector<1024x128xf32>
      %sub3A_47 = arith.subf %add3A_20, %sub3A_46 : vector<1024x128xf32>
      %mul3A_48 = vector.broadcast %rsqrt3A_45 : vector<1x128xf32> to vector<1024x128xf32>
      %mul3A_49 = arith.mulf %sub3A_47, %mul3A_48 : vector<1024x128xf32>
      %get3A_50 = arith.constant 0 : index
      %get3A_51 = arith.constant 0 : index
      %get3A_52 = vector.load %arg6[%get3A_50, %get3A_51] : memref<1x128xf32, #tpu.memory_space<vmem>>, vector<1x128xf32>
      %mul3A_53 = vector.broadcast %get3A_52 : vector<1x128xf32> to vector<1024x128xf32>
      %mul3A_54 = arith.mulf %mul3A_49, %mul3A_53 : vector<1024x128xf32>
      %get3A_55 = arith.constant 0 : index
      %get3A_56 = arith.constant 0 : index
      %get3A_57 = vector.load %arg7[%get3A_55, %get3A_56] : memref<1x128xf32, #tpu.memory_space<vmem>>, vector<1x128xf32>
      %add3A_58 = vector.broadcast %get3A_57 : vector<1x128xf32> to vector<1024x128xf32>
      %add3A_59 = arith.addf %mul3A_54, %add3A_58 : vector<1024x128xf32>
      %max3A = arith.constant 0.000000e+00 : f32
      %max3A_60 = vector.broadcast %max3A : f32 to vector<1024x128xf32>
      %max3A_61 = arith.maximumf %add3A_59, %max3A_60 : vector<1024x128xf32>
      %swap3A = arith.constant 0 : index
      %swap3A_62 = arith.constant 0 : index
      %swap3A_63 = vector.load %arg9[%swap3A, %swap3A_62] : memref<1024x128xf32, #tpu.memory_space<vmem>>, vector<1024x128xf32>
      tpu.vector_store %arg9[%swap3A, %swap3A_62], %max3A_61 {strides = array<i32>} : memref<1024x128xf32, #tpu.memory_space<vmem>>, vector<1024x128xf32>,
      %get3A_64 = arith.constant 0 : index
      %get3A_65 = arith.constant 0 : index
      %get3A_66 = vector.load %arg4[%get3A_64, %get3A_65] : memref<1024x1xf32, #tpu.memory_space<vmem>>, vector<1024x1xf32>
      %rsqrt3A_67 = math.rsqrt %get3A_66 : vector<1024x1xf32>
      %get3A_68 = arith.constant 0 : index
      %get3A_69 = arith.constant 0 : index
      %get3A_70 = vector.load %arg8[%get3A_68, %get3A_69] : memref<128x128xf32, #tpu.memory_space<vmem>>, vector<128x128xf32>
      %dot_general3A = arith.constant dense<0.000000e+00> : vector<1024x128xf32>
      %dot_general3A_71 = tpu.matmul %max3A_61, %get3A_70, %dot_general3A {dimension_numbers = #tpu.dot_dimension_numbers<[1], [0], [0], [1], [0, 0, 1, 1], [], []>, transpose_lhs_hint = false} : vector<1024x128xf32>, vector<128x128xf32>, vector<1024x128xf32> -> vector<1024x128xf32>
      %mul3A_72 = vector.broadcast %rsqrt3A_67 : vector<1024x1xf32> to vector<1024x128xf32>
      %mul3A_73 = arith.mulf %mul3A_72, %dot_general3A_71 : vector<1024x128xf32>
      %swap3A_74 = arith.constant 0 : index
      %swap3A_75 = arith.constant 0 : index
      %swap3A_76 = vector.load %arg10[%swap3A_74, %swap3A_75] : memref<1024x128xf32, #tpu.memory_space<vmem>>, vector<1024x128xf32>
      tpu.vector_store %arg10[%swap3A_74, %swap3A_75], %mul3A_73 {strides = array<i32>} : memref<1024x128xf32, #tpu.memory_space<vmem>>, vector<1024x128xf32>,
    } else {
    }
    return
  }
  func.func @transform_0(%arg0: i32, %arg1: i32) -> (i32, i32, i32) {
    %c0_i32 = arith.constant 0 : i32
    %c0_i32_0 = arith.constant 0 : i32
    %c0_i32_1 = arith.constant 0 : i32
    return %c0_i32, %arg1, %c0_i32_0 : i32, i32, i32
  }
  func.func @transform_1(%arg0: i32, %arg1: i32) -> (i32, i32) {
    %c0_i32 = arith.constant 0 : i32
    %c0_i32_0 = arith.constant 0 : i32
    return %arg1, %c0_i32 : i32, i32
  }
  func.func @transform_2(%arg0: i32, %arg1: i32) -> (i32, i32) {
    %c0_i32 = arith.constant 0 : i32
    %c0_i32_0 = arith.constant 0 : i32
    return %arg1, %c0_i32 : i32, i32
  }
  func.func @transform_3(%arg0: i32, %arg1: i32) -> (i32, i32) {
    %c0_i32 = arith.constant 0 : i32
    %c0_i32_0 = arith.constant 0 : i32
    %c0_i32_1 = arith.constant 0 : i32
    return %c0_i32, %c0_i32_0 : i32, i32
  }
  func.func @transform_4(%arg0: i32, %arg1: i32) -> (i32, i32) {
    %c0_i32 = arith.constant 0 : i32
    %c0_i32_0 = arith.constant 0 : i32
    %c0_i32_1 = arith.constant 0 : i32
    return %c0_i32, %c0_i32_0 : i32, i32
  }
  func.func @transform_5(%arg0: i32, %arg1: i32) -> (i32, i32) {
    %c0_i32 = arith.constant 0 : i32
    %c0_i32_0 = arith.constant 0 : i32
    %c0_i32_1 = arith.constant 0 : i32
    return %c0_i32, %c0_i32_0 : i32, i32
  }
  func.func @transform_6(%arg0: i32, %arg1: i32) -> (i32, i32) {
    %c0_i32 = arith.constant 0 : i32
    %c0_i32_0 = arith.constant 0 : i32
    %c0_i32_1 = arith.constant 0 : i32
    return %c0_i32, %c0_i32_0 : i32, i32
  }
  func.func @transform_7(%arg0: i32, %arg1: i32) -> (i32, i32) {
    %mul3A = arith.muli %arg1, %arg0 : i32
    %c0_i32 = arith.constant 0 : i32
    %c0_i32_0 = arith.constant 0 : i32
    return %mul3A, %c0_i32 : i32, i32
  }
  func.func @transform_8(%arg0: i32, %arg1: i32) -> (i32, i32) {
    %mul3A = arith.muli %arg1, %arg0 : i32
    %c0_i32 = arith.constant 0 : i32
    %c0_i32_0 = arith.constant 0 : i32
    return %mul3A, %c0_i32 : i32, i32
  }
}

module attributes {stable_mosaic.version = 14 : i64} {
  func.func @_mlp_body(%arg0: i32, %arg1: memref<1x400x128xf32, #tpu.memory_space<vmem>>, %arg2: memref<400x128xf32, #tpu.memory_space<vmem>>, %arg3: memref<128x128xf32, #tpu.memory_space<vmem>>, %arg4: memref<1x128xf32, #tpu.memory_space<vmem>>, %arg5: memref<1x128xf32, #tpu.memory_space<vmem>>, %arg6: memref<1x128xf32, #tpu.memory_space<vmem>>, %arg7: memref<128x128xf32, #tpu.memory_space<vmem>>, %arg8: memref<1x128xf32, #tpu.memory_space<vmem>>, %arg9: memref<1x400x128xf32, #tpu.memory_space<vmem>>) attributes {dimension_semantics = [#tpu.dimension_semantics<arbitrary>], iteration_bounds = array<i64: 25>, scalar_prefetch = 0 : i64, scratch_operands = 0 : i64, tpu.core_type = #tpu.core_type<tc>, window_params = [{transform_indices = @transform_0, window_bounds = array<i64: 1, 400, 128>}, {transform_indices = @transform_1, window_bounds = array<i64: 400, 128>}, {pipeline_mode = #tpu.pipeline_mode<synchronous>, transform_indices = @transform_2, window_bounds = array<i64: 128, 128>}, {pipeline_mode = #tpu.pipeline_mode<synchronous>, transform_indices = @transform_3, window_bounds = array<i64: 1, 128>}, {pipeline_mode = #tpu.pipeline_mode<synchronous>, transform_indices = @transform_4, window_bounds = array<i64: 1, 128>}, {pipeline_mode = #tpu.pipeline_mode<synchronous>, transform_indices = @transform_5, window_bounds = array<i64: 1, 128>}, {pipeline_mode = #tpu.pipeline_mode<synchronous>, transform_indices = @transform_6, window_bounds = array<i64: 128, 128>}, {pipeline_mode = #tpu.pipeline_mode<synchronous>, transform_indices = @transform_7, window_bounds = array<i64: 1, 128>}, {transform_indices = @transform_8, window_bounds = array<i64: 1, 400, 128>}]} {
    %get3A = arith.constant 0 : index
    %get3A_0 = arith.constant 0 : index
    %get3A_1 = vector.load %arg2[%get3A, %get3A_0] : memref<400x128xf32, #tpu.memory_space<vmem>>, vector<400x128xf32>
    %get3A_2 = arith.constant 0 : index
    %get3A_3 = arith.constant 0 : index
    %get3A_4 = vector.load %arg3[%get3A_2, %get3A_3] : memref<128x128xf32, #tpu.memory_space<vmem>>, vector<128x128xf32>
    %dot_general3A = arith.constant dense<0.000000e+00> : vector<400x128xf32>
    %dot_general3A_5 = tpu.matmul %get3A_1, %get3A_4, %dot_general3A {dimension_numbers = #tpu.dot_dimension_numbers<[1], [0], [0], [1], [0, 0, 1, 1], [], []>, transpose_lhs_hint = false} : vector<400x128xf32>, vector<128x128xf32>, vector<400x128xf32> -> vector<400x128xf32>
    %get3A_6 = arith.constant 0 : index
    %get3A_7 = arith.constant 0 : index
    %get3A_8 = vector.load %arg4[%get3A_6, %get3A_7] : memref<1x128xf32, #tpu.memory_space<vmem>>, vector<1x128xf32>
    %add3A = vector.broadcast %get3A_8 : vector<1x128xf32> to vector<400x128xf32>
    %add3A_9 = arith.addf %dot_general3A_5, %add3A : vector<400x128xf32>
    %reduce_sum3A = arith.constant dense<0.000000e+00> : vector<400xf32>
    %reduce_sum3A_10 = vector.multi_reduction <add>, %add3A_9, %reduce_sum3A [1] : vector<400x128xf32> to vector<400xf32>
    %broadcast_in_dim3A = vector.shape_cast %reduce_sum3A_10 : vector<400xf32> to vector<400x1xf32>
    %div3A = arith.constant 1.280000e+02 : f32
    %div3A_11 = vector.broadcast %div3A : f32 to vector<400x1xf32>
    %div3A_12 = arith.divf %broadcast_in_dim3A, %div3A_11 : vector<400x1xf32>
    %mul3A = arith.mulf %add3A_9, %add3A_9 : vector<400x128xf32>
    %reduce_sum3A_13 = arith.constant dense<0.000000e+00> : vector<400xf32>
    %reduce_sum3A_14 = vector.multi_reduction <add>, %mul3A, %reduce_sum3A_13 [1] : vector<400x128xf32> to vector<400xf32>
    %broadcast_in_dim3A_15 = vector.shape_cast %reduce_sum3A_14 : vector<400xf32> to vector<400x1xf32>
    %div3A_16 = arith.constant 1.280000e+02 : f32
    %div3A_17 = vector.broadcast %div3A_16 : f32 to vector<400x1xf32>
    %div3A_18 = arith.divf %broadcast_in_dim3A_15, %div3A_17 : vector<400x1xf32>
    %mul3A_19 = arith.mulf %div3A_12, %div3A_12 : vector<400x1xf32>
    %sub3A = arith.subf %div3A_18, %mul3A_19 : vector<400x1xf32>
    %sub3A_20 = vector.broadcast %div3A_12 : vector<400x1xf32> to vector<400x128xf32>
    %sub3A_21 = arith.subf %add3A_9, %sub3A_20 : vector<400x128xf32>
    %add3A_22 = arith.constant 9.99999974E-6 : f32
    %add3A_23 = vector.broadcast %add3A_22 : f32 to vector<400x1xf32>
    %add3A_24 = arith.addf %sub3A, %add3A_23 : vector<400x1xf32>
    %rsqrt3A = math.rsqrt %add3A_24 : vector<400x1xf32>
    %mul3A_25 = vector.broadcast %rsqrt3A : vector<400x1xf32> to vector<400x128xf32>
    %mul3A_26 = arith.mulf %sub3A_21, %mul3A_25 : vector<400x128xf32>
    %get3A_27 = arith.constant 0 : index
    %get3A_28 = arith.constant 0 : index
    %get3A_29 = vector.load %arg5[%get3A_27, %get3A_28] : memref<1x128xf32, #tpu.memory_space<vmem>>, vector<1x128xf32>
    %mul3A_30 = vector.broadcast %get3A_29 : vector<1x128xf32> to vector<400x128xf32>
    %mul3A_31 = arith.mulf %mul3A_26, %mul3A_30 : vector<400x128xf32>
    %get3A_32 = arith.constant 0 : index
    %get3A_33 = arith.constant 0 : index
    %get3A_34 = vector.load %arg6[%get3A_32, %get3A_33] : memref<1x128xf32, #tpu.memory_space<vmem>>, vector<1x128xf32>
    %add3A_35 = vector.broadcast %get3A_34 : vector<1x128xf32> to vector<400x128xf32>
    %add3A_36 = arith.addf %mul3A_31, %add3A_35 : vector<400x128xf32>
    %max3A = arith.constant 0.000000e+00 : f32
    %max3A_37 = vector.broadcast %max3A : f32 to vector<400x128xf32>
    %max3A_38 = arith.maximumf %add3A_36, %max3A_37 : vector<400x128xf32>
    %get3A_39 = arith.constant 0 : index
    %get3A_40 = arith.constant 0 : index
    %get3A_41 = vector.load %arg7[%get3A_39, %get3A_40] : memref<128x128xf32, #tpu.memory_space<vmem>>, vector<128x128xf32>
    %dot_general3A_42 = arith.constant dense<0.000000e+00> : vector<400x128xf32>
    %dot_general3A_43 = tpu.matmul %max3A_38, %get3A_41, %dot_general3A_42 {dimension_numbers = #tpu.dot_dimension_numbers<[1], [0], [0], [1], [0, 0, 1, 1], [], []>, transpose_lhs_hint = false} : vector<400x128xf32>, vector<128x128xf32>, vector<400x128xf32> -> vector<400x128xf32>
    %broadcast_in_dim3A_44 = vector.shape_cast %dot_general3A_43 : vector<400x128xf32> to vector<1x400x128xf32>
    %get3A_45 = arith.constant 0 : index
    %get3A_46 = arith.constant 0 : index
    %get3A_47 = vector.load %arg8[%get3A_45, %get3A_46] : memref<1x128xf32, #tpu.memory_space<vmem>>, vector<1x128xf32>
    %broadcast_in_dim3A_48 = vector.shape_cast %get3A_47 : vector<1x128xf32> to vector<1x1x128xf32>
    %add3A_49 = vector.broadcast %broadcast_in_dim3A_48 : vector<1x1x128xf32> to vector<1x400x128xf32>
    %add3A_50 = arith.addf %broadcast_in_dim3A_44, %add3A_49 : vector<1x400x128xf32>
    %swap3A = arith.constant 0 : index
    %swap3A_51 = arith.constant 0 : index
    %swap3A_52 = arith.constant 0 : index
    %swap3A_53 = vector.load %arg9[%swap3A, %swap3A_51, %swap3A_52] : memref<1x400x128xf32, #tpu.memory_space<vmem>>, vector<1x400x128xf32>
    tpu.vector_store %arg9[%swap3A, %swap3A_51, %swap3A_52], %add3A_50 {strides = array<i32>} : memref<1x400x128xf32, #tpu.memory_space<vmem>>, vector<1x400x128xf32>,
    return
  }
  func.func @transform_0(%arg0: i32) -> (i32, i32, i32) {
    %c0_i32 = arith.constant 0 : i32
    %c0_i32_0 = arith.constant 0 : i32
    %c0_i32_1 = arith.constant 0 : i32
    return %c0_i32, %arg0, %c0_i32_0 : i32, i32, i32
  }
  func.func @transform_1(%arg0: i32) -> (i32, i32) {
    %c0_i32 = arith.constant 0 : i32
    %c0_i32_0 = arith.constant 0 : i32
    return %arg0, %c0_i32 : i32, i32
  }
  func.func @transform_2(%arg0: i32) -> (i32, i32) {
    %c0_i32 = arith.constant 0 : i32
    %c0_i32_0 = arith.constant 0 : i32
    %c0_i32_1 = arith.constant 0 : i32
    return %c0_i32, %c0_i32_0 : i32, i32
  }
  func.func @transform_3(%arg0: i32) -> (i32, i32) {
    %c0_i32 = arith.constant 0 : i32
    %c0_i32_0 = arith.constant 0 : i32
    %c0_i32_1 = arith.constant 0 : i32
    return %c0_i32, %c0_i32_0 : i32, i32
  }
  func.func @transform_4(%arg0: i32) -> (i32, i32) {
    %c0_i32 = arith.constant 0 : i32
    %c0_i32_0 = arith.constant 0 : i32
    %c0_i32_1 = arith.constant 0 : i32
    return %c0_i32, %c0_i32_0 : i32, i32
  }
  func.func @transform_5(%arg0: i32) -> (i32, i32) {
    %c0_i32 = arith.constant 0 : i32
    %c0_i32_0 = arith.constant 0 : i32
    %c0_i32_1 = arith.constant 0 : i32
    return %c0_i32, %c0_i32_0 : i32, i32
  }
  func.func @transform_6(%arg0: i32) -> (i32, i32) {
    %c0_i32 = arith.constant 0 : i32
    %c0_i32_0 = arith.constant 0 : i32
    %c0_i32_1 = arith.constant 0 : i32
    return %c0_i32, %c0_i32_0 : i32, i32
  }
  func.func @transform_7(%arg0: i32) -> (i32, i32) {
    %c0_i32 = arith.constant 0 : i32
    %c0_i32_0 = arith.constant 0 : i32
    %c0_i32_1 = arith.constant 0 : i32
    return %c0_i32, %c0_i32_0 : i32, i32
  }
  func.func @transform_8(%arg0: i32) -> (i32, i32, i32) {
    %c0_i32 = arith.constant 0 : i32
    %c0_i32_0 = arith.constant 0 : i32
    %c0_i32_1 = arith.constant 0 : i32
    return %c0_i32, %arg0, %c0_i32_0 : i32, i32, i32
  }
}

module attributes {stable_mosaic.version = 14 : i64} {
  func.func @_mlp_body(%arg0: i32, %arg1: memref<1x400x128xf32, #tpu.memory_space<vmem>>, %arg2: memref<400x128xf32, #tpu.memory_space<vmem>>, %arg3: memref<128x128xf32, #tpu.memory_space<vmem>>, %arg4: memref<1x128xf32, #tpu.memory_space<vmem>>, %arg5: memref<1x128xf32, #tpu.memory_space<vmem>>, %arg6: memref<1x128xf32, #tpu.memory_space<vmem>>, %arg7: memref<128x128xf32, #tpu.memory_space<vmem>>, %arg8: memref<1x128xf32, #tpu.memory_space<vmem>>, %arg9: memref<1x400x128xf32, #tpu.memory_space<vmem>>) attributes {dimension_semantics = [#tpu.dimension_semantics<arbitrary>], iteration_bounds = array<i64: 25>, scalar_prefetch = 0 : i64, scratch_operands = 0 : i64, tpu.core_type = #tpu.core_type<tc>, window_params = [{transform_indices = @transform_0, window_bounds = array<i64: 1, 400, 128>}, {transform_indices = @transform_1, window_bounds = array<i64: 400, 128>}, {pipeline_mode = #tpu.pipeline_mode<synchronous>, transform_indices = @transform_2, window_bounds = array<i64: 128, 128>}, {pipeline_mode = #tpu.pipeline_mode<synchronous>, transform_indices = @transform_3, window_bounds = array<i64: 1, 128>}, {pipeline_mode = #tpu.pipeline_mode<synchronous>, transform_indices = @transform_4, window_bounds = array<i64: 1, 128>}, {pipeline_mode = #tpu.pipeline_mode<synchronous>, transform_indices = @transform_5, window_bounds = array<i64: 1, 128>}, {pipeline_mode = #tpu.pipeline_mode<synchronous>, transform_indices = @transform_6, window_bounds = array<i64: 128, 128>}, {pipeline_mode = #tpu.pipeline_mode<synchronous>, transform_indices = @transform_7, window_bounds = array<i64: 1, 128>}, {transform_indices = @transform_8, window_bounds = array<i64: 1, 400, 128>}]} {
    %get3A = arith.constant 0 : index
    %get3A_0 = arith.constant 0 : index
    %get3A_1 = vector.load %arg2[%get3A, %get3A_0] : memref<400x128xf32, #tpu.memory_space<vmem>>, vector<400x128xf32>
    %get3A_2 = arith.constant 0 : index
    %get3A_3 = arith.constant 0 : index
    %get3A_4 = vector.load %arg3[%get3A_2, %get3A_3] : memref<128x128xf32, #tpu.memory_space<vmem>>, vector<128x128xf32>
    %dot_general3A = arith.constant dense<0.000000e+00> : vector<400x128xf32>
    %dot_general3A_5 = tpu.matmul %get3A_1, %get3A_4, %dot_general3A {dimension_numbers = #tpu.dot_dimension_numbers<[1], [0], [0], [1], [0, 0, 1, 1], [], []>, transpose_lhs_hint = false} : vector<400x128xf32>, vector<128x128xf32>, vector<400x128xf32> -> vector<400x128xf32>
    %get3A_6 = arith.constant 0 : index
    %get3A_7 = arith.constant 0 : index
    %get3A_8 = vector.load %arg4[%get3A_6, %get3A_7] : memref<1x128xf32, #tpu.memory_space<vmem>>, vector<1x128xf32>
    %add3A = vector.broadcast %get3A_8 : vector<1x128xf32> to vector<400x128xf32>
    %add3A_9 = arith.addf %dot_general3A_5, %add3A : vector<400x128xf32>
    %reduce_sum3A = arith.constant dense<0.000000e+00> : vector<400xf32>
    %reduce_sum3A_10 = vector.multi_reduction <add>, %add3A_9, %reduce_sum3A [1] : vector<400x128xf32> to vector<400xf32>
    %broadcast_in_dim3A = vector.shape_cast %reduce_sum3A_10 : vector<400xf32> to vector<400x1xf32>
    %div3A = arith.constant 1.280000e+02 : f32
    %div3A_11 = vector.broadcast %div3A : f32 to vector<400x1xf32>
    %div3A_12 = arith.divf %broadcast_in_dim3A, %div3A_11 : vector<400x1xf32>
    %mul3A = arith.mulf %add3A_9, %add3A_9 : vector<400x128xf32>
    %reduce_sum3A_13 = arith.constant dense<0.000000e+00> : vector<400xf32>
    %reduce_sum3A_14 = vector.multi_reduction <add>, %mul3A, %reduce_sum3A_13 [1] : vector<400x128xf32> to vector<400xf32>
    %broadcast_in_dim3A_15 = vector.shape_cast %reduce_sum3A_14 : vector<400xf32> to vector<400x1xf32>
    %div3A_16 = arith.constant 1.280000e+02 : f32
    %div3A_17 = vector.broadcast %div3A_16 : f32 to vector<400x1xf32>
    %div3A_18 = arith.divf %broadcast_in_dim3A_15, %div3A_17 : vector<400x1xf32>
    %mul3A_19 = arith.mulf %div3A_12, %div3A_12 : vector<400x1xf32>
    %sub3A = arith.subf %div3A_18, %mul3A_19 : vector<400x1xf32>
    %sub3A_20 = vector.broadcast %div3A_12 : vector<400x1xf32> to vector<400x128xf32>
    %sub3A_21 = arith.subf %add3A_9, %sub3A_20 : vector<400x128xf32>
    %add3A_22 = arith.constant 9.99999974E-6 : f32
    %add3A_23 = vector.broadcast %add3A_22 : f32 to vector<400x1xf32>
    %add3A_24 = arith.addf %sub3A, %add3A_23 : vector<400x1xf32>
    %rsqrt3A = math.rsqrt %add3A_24 : vector<400x1xf32>
    %mul3A_25 = vector.broadcast %rsqrt3A : vector<400x1xf32> to vector<400x128xf32>
    %mul3A_26 = arith.mulf %sub3A_21, %mul3A_25 : vector<400x128xf32>
    %get3A_27 = arith.constant 0 : index
    %get3A_28 = arith.constant 0 : index
    %get3A_29 = vector.load %arg5[%get3A_27, %get3A_28] : memref<1x128xf32, #tpu.memory_space<vmem>>, vector<1x128xf32>
    %mul3A_30 = vector.broadcast %get3A_29 : vector<1x128xf32> to vector<400x128xf32>
    %mul3A_31 = arith.mulf %mul3A_26, %mul3A_30 : vector<400x128xf32>
    %get3A_32 = arith.constant 0 : index
    %get3A_33 = arith.constant 0 : index
    %get3A_34 = vector.load %arg6[%get3A_32, %get3A_33] : memref<1x128xf32, #tpu.memory_space<vmem>>, vector<1x128xf32>
    %add3A_35 = vector.broadcast %get3A_34 : vector<1x128xf32> to vector<400x128xf32>
    %add3A_36 = arith.addf %mul3A_31, %add3A_35 : vector<400x128xf32>
    %max3A = arith.constant 0.000000e+00 : f32
    %max3A_37 = vector.broadcast %max3A : f32 to vector<400x128xf32>
    %max3A_38 = arith.maximumf %add3A_36, %max3A_37 : vector<400x128xf32>
    %get3A_39 = arith.constant 0 : index
    %get3A_40 = arith.constant 0 : index
    %get3A_41 = vector.load %arg7[%get3A_39, %get3A_40] : memref<128x128xf32, #tpu.memory_space<vmem>>, vector<128x128xf32>
    %dot_general3A_42 = arith.constant dense<0.000000e+00> : vector<400x128xf32>
    %dot_general3A_43 = tpu.matmul %max3A_38, %get3A_41, %dot_general3A_42 {dimension_numbers = #tpu.dot_dimension_numbers<[1], [0], [0], [1], [0, 0, 1, 1], [], []>, transpose_lhs_hint = false} : vector<400x128xf32>, vector<128x128xf32>, vector<400x128xf32> -> vector<400x128xf32>
    %broadcast_in_dim3A_44 = vector.shape_cast %dot_general3A_43 : vector<400x128xf32> to vector<1x400x128xf32>
    %get3A_45 = arith.constant 0 : index
    %get3A_46 = arith.constant 0 : index
    %get3A_47 = vector.load %arg8[%get3A_45, %get3A_46] : memref<1x128xf32, #tpu.memory_space<vmem>>, vector<1x128xf32>
    %broadcast_in_dim3A_48 = vector.shape_cast %get3A_47 : vector<1x128xf32> to vector<1x1x128xf32>
    %add3A_49 = vector.broadcast %broadcast_in_dim3A_48 : vector<1x1x128xf32> to vector<1x400x128xf32>
    %add3A_50 = arith.addf %broadcast_in_dim3A_44, %add3A_49 : vector<1x400x128xf32>
    %swap3A = arith.constant 0 : index
    %swap3A_51 = arith.constant 0 : index
    %swap3A_52 = arith.constant 0 : index
    %swap3A_53 = vector.load %arg9[%swap3A, %swap3A_51, %swap3A_52] : memref<1x400x128xf32, #tpu.memory_space<vmem>>, vector<1x400x128xf32>
    tpu.vector_store %arg9[%swap3A, %swap3A_51, %swap3A_52], %add3A_50 {strides = array<i32>} : memref<1x400x128xf32, #tpu.memory_space<vmem>>, vector<1x400x128xf32>,
    return
  }
  func.func @transform_0(%arg0: i32) -> (i32, i32, i32) {
    %c0_i32 = arith.constant 0 : i32
    %c1_i32 = arith.constant 1 : i32
    %c0_i32_0 = arith.constant 0 : i32
    return %c0_i32, %arg0, %c1_i32 : i32, i32, i32
  }
  func.func @transform_1(%arg0: i32) -> (i32, i32) {
    %c0_i32 = arith.constant 0 : i32
    %c0_i32_0 = arith.constant 0 : i32
    return %arg0, %c0_i32 : i32, i32
  }
  func.func @transform_2(%arg0: i32) -> (i32, i32) {
    %c0_i32 = arith.constant 0 : i32
    %c0_i32_0 = arith.constant 0 : i32
    %c0_i32_1 = arith.constant 0 : i32
    return %c0_i32, %c0_i32_0 : i32, i32
  }
  func.func @transform_3(%arg0: i32) -> (i32, i32) {
    %c0_i32 = arith.constant 0 : i32
    %c0_i32_0 = arith.constant 0 : i32
    %c0_i32_1 = arith.constant 0 : i32
    return %c0_i32, %c0_i32_0 : i32, i32
  }
  func.func @transform_4(%arg0: i32) -> (i32, i32) {
    %c0_i32 = arith.constant 0 : i32
    %c0_i32_0 = arith.constant 0 : i32
    %c0_i32_1 = arith.constant 0 : i32
    return %c0_i32, %c0_i32_0 : i32, i32
  }
  func.func @transform_5(%arg0: i32) -> (i32, i32) {
    %c0_i32 = arith.constant 0 : i32
    %c0_i32_0 = arith.constant 0 : i32
    %c0_i32_1 = arith.constant 0 : i32
    return %c0_i32, %c0_i32_0 : i32, i32
  }
  func.func @transform_6(%arg0: i32) -> (i32, i32) {
    %c0_i32 = arith.constant 0 : i32
    %c0_i32_0 = arith.constant 0 : i32
    %c0_i32_1 = arith.constant 0 : i32
    return %c0_i32, %c0_i32_0 : i32, i32
  }
  func.func @transform_7(%arg0: i32) -> (i32, i32) {
    %c0_i32 = arith.constant 0 : i32
    %c0_i32_0 = arith.constant 0 : i32
    %c0_i32_1 = arith.constant 0 : i32
    return %c0_i32, %c0_i32_0 : i32, i32
  }
  func.func @transform_8(%arg0: i32) -> (i32, i32, i32) {
    %c0_i32 = arith.constant 0 : i32
    %c1_i32 = arith.constant 1 : i32
    %c0_i32_0 = arith.constant 0 : i32
    return %c0_i32, %arg0, %c1_i32 : i32, i32, i32
  }
}

module attributes {stable_mosaic.version = 14 : i64} {
  func.func @_mlp_body(%arg0: i32, %arg1: memref<1x400x128xf32, #tpu.memory_space<vmem>>, %arg2: memref<400x128xf32, #tpu.memory_space<vmem>>, %arg3: memref<128x128xf32, #tpu.memory_space<vmem>>, %arg4: memref<1x128xf32, #tpu.memory_space<vmem>>, %arg5: memref<1x128xf32, #tpu.memory_space<vmem>>, %arg6: memref<1x128xf32, #tpu.memory_space<vmem>>, %arg7: memref<128x128xf32, #tpu.memory_space<vmem>>, %arg8: memref<1x128xf32, #tpu.memory_space<vmem>>, %arg9: memref<1x400x128xf32, #tpu.memory_space<vmem>>) attributes {dimension_semantics = [#tpu.dimension_semantics<arbitrary>], iteration_bounds = array<i64: 25>, scalar_prefetch = 0 : i64, scratch_operands = 0 : i64, tpu.core_type = #tpu.core_type<tc>, window_params = [{transform_indices = @transform_0, window_bounds = array<i64: 1, 400, 128>}, {transform_indices = @transform_1, window_bounds = array<i64: 400, 128>}, {pipeline_mode = #tpu.pipeline_mode<synchronous>, transform_indices = @transform_2, window_bounds = array<i64: 128, 128>}, {pipeline_mode = #tpu.pipeline_mode<synchronous>, transform_indices = @transform_3, window_bounds = array<i64: 1, 128>}, {pipeline_mode = #tpu.pipeline_mode<synchronous>, transform_indices = @transform_4, window_bounds = array<i64: 1, 128>}, {pipeline_mode = #tpu.pipeline_mode<synchronous>, transform_indices = @transform_5, window_bounds = array<i64: 1, 128>}, {pipeline_mode = #tpu.pipeline_mode<synchronous>, transform_indices = @transform_6, window_bounds = array<i64: 128, 128>}, {pipeline_mode = #tpu.pipeline_mode<synchronous>, transform_indices = @transform_7, window_bounds = array<i64: 1, 128>}, {transform_indices = @transform_8, window_bounds = array<i64: 1, 400, 128>}]} {
    %get3A = arith.constant 0 : index
    %get3A_0 = arith.constant 0 : index
    %get3A_1 = vector.load %arg2[%get3A, %get3A_0] : memref<400x128xf32, #tpu.memory_space<vmem>>, vector<400x128xf32>
    %get3A_2 = arith.constant 0 : index
    %get3A_3 = arith.constant 0 : index
    %get3A_4 = vector.load %arg3[%get3A_2, %get3A_3] : memref<128x128xf32, #tpu.memory_space<vmem>>, vector<128x128xf32>
    %dot_general3A = arith.constant dense<0.000000e+00> : vector<400x128xf32>
    %dot_general3A_5 = tpu.matmul %get3A_1, %get3A_4, %dot_general3A {dimension_numbers = #tpu.dot_dimension_numbers<[1], [0], [0], [1], [0, 0, 1, 1], [], []>, transpose_lhs_hint = false} : vector<400x128xf32>, vector<128x128xf32>, vector<400x128xf32> -> vector<400x128xf32>
    %get3A_6 = arith.constant 0 : index
    %get3A_7 = arith.constant 0 : index
    %get3A_8 = vector.load %arg4[%get3A_6, %get3A_7] : memref<1x128xf32, #tpu.memory_space<vmem>>, vector<1x128xf32>
    %add3A = vector.broadcast %get3A_8 : vector<1x128xf32> to vector<400x128xf32>
    %add3A_9 = arith.addf %dot_general3A_5, %add3A : vector<400x128xf32>
    %reduce_sum3A = arith.constant dense<0.000000e+00> : vector<400xf32>
    %reduce_sum3A_10 = vector.multi_reduction <add>, %add3A_9, %reduce_sum3A [1] : vector<400x128xf32> to vector<400xf32>
    %broadcast_in_dim3A = vector.shape_cast %reduce_sum3A_10 : vector<400xf32> to vector<400x1xf32>
    %div3A = arith.constant 1.280000e+02 : f32
    %div3A_11 = vector.broadcast %div3A : f32 to vector<400x1xf32>
    %div3A_12 = arith.divf %broadcast_in_dim3A, %div3A_11 : vector<400x1xf32>
    %mul3A = arith.mulf %add3A_9, %add3A_9 : vector<400x128xf32>
    %reduce_sum3A_13 = arith.constant dense<0.000000e+00> : vector<400xf32>
    %reduce_sum3A_14 = vector.multi_reduction <add>, %mul3A, %reduce_sum3A_13 [1] : vector<400x128xf32> to vector<400xf32>
    %broadcast_in_dim3A_15 = vector.shape_cast %reduce_sum3A_14 : vector<400xf32> to vector<400x1xf32>
    %div3A_16 = arith.constant 1.280000e+02 : f32
    %div3A_17 = vector.broadcast %div3A_16 : f32 to vector<400x1xf32>
    %div3A_18 = arith.divf %broadcast_in_dim3A_15, %div3A_17 : vector<400x1xf32>
    %mul3A_19 = arith.mulf %div3A_12, %div3A_12 : vector<400x1xf32>
    %sub3A = arith.subf %div3A_18, %mul3A_19 : vector<400x1xf32>
    %sub3A_20 = vector.broadcast %div3A_12 : vector<400x1xf32> to vector<400x128xf32>
    %sub3A_21 = arith.subf %add3A_9, %sub3A_20 : vector<400x128xf32>
    %add3A_22 = arith.constant 9.99999974E-6 : f32
    %add3A_23 = vector.broadcast %add3A_22 : f32 to vector<400x1xf32>
    %add3A_24 = arith.addf %sub3A, %add3A_23 : vector<400x1xf32>
    %rsqrt3A = math.rsqrt %add3A_24 : vector<400x1xf32>
    %mul3A_25 = vector.broadcast %rsqrt3A : vector<400x1xf32> to vector<400x128xf32>
    %mul3A_26 = arith.mulf %sub3A_21, %mul3A_25 : vector<400x128xf32>
    %get3A_27 = arith.constant 0 : index
    %get3A_28 = arith.constant 0 : index
    %get3A_29 = vector.load %arg5[%get3A_27, %get3A_28] : memref<1x128xf32, #tpu.memory_space<vmem>>, vector<1x128xf32>
    %mul3A_30 = vector.broadcast %get3A_29 : vector<1x128xf32> to vector<400x128xf32>
    %mul3A_31 = arith.mulf %mul3A_26, %mul3A_30 : vector<400x128xf32>
    %get3A_32 = arith.constant 0 : index
    %get3A_33 = arith.constant 0 : index
    %get3A_34 = vector.load %arg6[%get3A_32, %get3A_33] : memref<1x128xf32, #tpu.memory_space<vmem>>, vector<1x128xf32>
    %add3A_35 = vector.broadcast %get3A_34 : vector<1x128xf32> to vector<400x128xf32>
    %add3A_36 = arith.addf %mul3A_31, %add3A_35 : vector<400x128xf32>
    %max3A = arith.constant 0.000000e+00 : f32
    %max3A_37 = vector.broadcast %max3A : f32 to vector<400x128xf32>
    %max3A_38 = arith.maximumf %add3A_36, %max3A_37 : vector<400x128xf32>
    %get3A_39 = arith.constant 0 : index
    %get3A_40 = arith.constant 0 : index
    %get3A_41 = vector.load %arg7[%get3A_39, %get3A_40] : memref<128x128xf32, #tpu.memory_space<vmem>>, vector<128x128xf32>
    %dot_general3A_42 = arith.constant dense<0.000000e+00> : vector<400x128xf32>
    %dot_general3A_43 = tpu.matmul %max3A_38, %get3A_41, %dot_general3A_42 {dimension_numbers = #tpu.dot_dimension_numbers<[1], [0], [0], [1], [0, 0, 1, 1], [], []>, transpose_lhs_hint = false} : vector<400x128xf32>, vector<128x128xf32>, vector<400x128xf32> -> vector<400x128xf32>
    %broadcast_in_dim3A_44 = vector.shape_cast %dot_general3A_43 : vector<400x128xf32> to vector<1x400x128xf32>
    %get3A_45 = arith.constant 0 : index
    %get3A_46 = arith.constant 0 : index
    %get3A_47 = vector.load %arg8[%get3A_45, %get3A_46] : memref<1x128xf32, #tpu.memory_space<vmem>>, vector<1x128xf32>
    %broadcast_in_dim3A_48 = vector.shape_cast %get3A_47 : vector<1x128xf32> to vector<1x1x128xf32>
    %add3A_49 = vector.broadcast %broadcast_in_dim3A_48 : vector<1x1x128xf32> to vector<1x400x128xf32>
    %add3A_50 = arith.addf %broadcast_in_dim3A_44, %add3A_49 : vector<1x400x128xf32>
    %swap3A = arith.constant 0 : index
    %swap3A_51 = arith.constant 0 : index
    %swap3A_52 = arith.constant 0 : index
    %swap3A_53 = vector.load %arg9[%swap3A, %swap3A_51, %swap3A_52] : memref<1x400x128xf32, #tpu.memory_space<vmem>>, vector<1x400x128xf32>
    tpu.vector_store %arg9[%swap3A, %swap3A_51, %swap3A_52], %add3A_50 {strides = array<i32>} : memref<1x400x128xf32, #tpu.memory_space<vmem>>, vector<1x400x128xf32>,
    return
  }
  func.func @transform_0(%arg0: i32) -> (i32, i32, i32) {
    %c0_i32 = arith.constant 0 : i32
    %c2_i32 = arith.constant 2 : i32
    %c0_i32_0 = arith.constant 0 : i32
    return %c0_i32, %arg0, %c2_i32 : i32, i32, i32
  }
  func.func @transform_1(%arg0: i32) -> (i32, i32) {
    %c0_i32 = arith.constant 0 : i32
    %c0_i32_0 = arith.constant 0 : i32
    return %arg0, %c0_i32 : i32, i32
  }
  func.func @transform_2(%arg0: i32) -> (i32, i32) {
    %c0_i32 = arith.constant 0 : i32
    %c0_i32_0 = arith.constant 0 : i32
    %c0_i32_1 = arith.constant 0 : i32
    return %c0_i32, %c0_i32_0 : i32, i32
  }
  func.func @transform_3(%arg0: i32) -> (i32, i32) {
    %c0_i32 = arith.constant 0 : i32
    %c0_i32_0 = arith.constant 0 : i32
    %c0_i32_1 = arith.constant 0 : i32
    return %c0_i32, %c0_i32_0 : i32, i32
  }
  func.func @transform_4(%arg0: i32) -> (i32, i32) {
    %c0_i32 = arith.constant 0 : i32
    %c0_i32_0 = arith.constant 0 : i32
    %c0_i32_1 = arith.constant 0 : i32
    return %c0_i32, %c0_i32_0 : i32, i32
  }
  func.func @transform_5(%arg0: i32) -> (i32, i32) {
    %c0_i32 = arith.constant 0 : i32
    %c0_i32_0 = arith.constant 0 : i32
    %c0_i32_1 = arith.constant 0 : i32
    return %c0_i32, %c0_i32_0 : i32, i32
  }
  func.func @transform_6(%arg0: i32) -> (i32, i32) {
    %c0_i32 = arith.constant 0 : i32
    %c0_i32_0 = arith.constant 0 : i32
    %c0_i32_1 = arith.constant 0 : i32
    return %c0_i32, %c0_i32_0 : i32, i32
  }
  func.func @transform_7(%arg0: i32) -> (i32, i32) {
    %c0_i32 = arith.constant 0 : i32
    %c0_i32_0 = arith.constant 0 : i32
    %c0_i32_1 = arith.constant 0 : i32
    return %c0_i32, %c0_i32_0 : i32, i32
  }
  func.func @transform_8(%arg0: i32) -> (i32, i32, i32) {
    %c0_i32 = arith.constant 0 : i32
    %c2_i32 = arith.constant 2 : i32
    %c0_i32_0 = arith.constant 0 : i32
    return %c0_i32, %arg0, %c2_i32 : i32, i32, i32
  }
}

module attributes {stable_mosaic.version = 14 : i64} {
  func.func @_postbn_body(%arg0: i32, %arg1: i32, %arg2: memref<2x1024x128xf32, #tpu.memory_space<vmem>>, %arg3: memref<1024x128xf32, #tpu.memory_space<vmem>>, %arg4: memref<1024x1xf32, #tpu.memory_space<vmem>>, %arg5: memref<1x128xf32, #tpu.memory_space<vmem>>, %arg6: memref<1x128xf32, #tpu.memory_space<vmem>>, %arg7: memref<1x128xf32, #tpu.memory_space<vmem>>, %arg8: memref<128x128xf32, #tpu.memory_space<vmem>>, %arg9: memref<1024x128xf32, #tpu.memory_space<vmem>>, %arg10: memref<1024x128xf32, #tpu.memory_space<vmem>>, %arg11: memref<1x128xf32, #tpu.memory_space<vmem>>, %arg12: memref<1x128xf32, #tpu.memory_space<vmem>>) attributes {dimension_semantics = [#tpu.dimension_semantics<arbitrary>, #tpu.dimension_semantics<arbitrary>], iteration_bounds = array<i64: 2, 10>, scalar_prefetch = 0 : i64, scratch_operands = 2 : i64, tpu.core_type = #tpu.core_type<tc>, window_params = [{transform_indices = @transform_0, window_bounds = array<i64: 2, 1024, 128>}, {transform_indices = @transform_1, window_bounds = array<i64: 1024, 128>}, {transform_indices = @transform_2, window_bounds = array<i64: 1024, 1>}, {pipeline_mode = #tpu.pipeline_mode<synchronous>, transform_indices = @transform_3, window_bounds = array<i64: 1, 128>}, {pipeline_mode = #tpu.pipeline_mode<synchronous>, transform_indices = @transform_4, window_bounds = array<i64: 1, 128>}, {pipeline_mode = #tpu.pipeline_mode<synchronous>, transform_indices = @transform_5, window_bounds = array<i64: 1, 128>}, {pipeline_mode = #tpu.pipeline_mode<synchronous>, transform_indices = @transform_6, window_bounds = array<i64: 128, 128>}, {transform_indices = @transform_7, window_bounds = array<i64: 1024, 128>}, {transform_indices = @transform_8, window_bounds = array<i64: 1024, 128>}]} {
    %get3A = arith.constant 0 : index
    %get3A_0 = arith.constant 0 : index
    %get3A_1 = arith.constant 0 : index
    %get3A_2 = vector.load %arg2[%get3A, %get3A_0, %get3A_1] : memref<2x1024x128xf32, #tpu.memory_space<vmem>>, vector<1x1024x128xf32>
    %get3A_3 = vector.shape_cast %get3A_2 : vector<1x1024x128xf32> to vector<1024x128xf32>
    %get3A_4 = arith.constant 1 : index
    %get3A_5 = arith.constant 0 : index
    %get3A_6 = arith.constant 0 : index
    %get3A_7 = vector.load %arg2[%get3A_4, %get3A_5, %get3A_6] : memref<2x1024x128xf32, #tpu.memory_space<vmem>>, vector<1x1024x128xf32>
    %get3A_8 = vector.shape_cast %get3A_7 : vector<1x1024x128xf32> to vector<1024x128xf32>
    %add3A = arith.addf %get3A_3, %get3A_8 : vector<1024x128xf32>
    %get3A_9 = arith.constant 0 : index
    %get3A_10 = arith.constant 0 : index
    %get3A_11 = vector.load %arg3[%get3A_9, %get3A_10] : memref<1024x128xf32, #tpu.memory_space<vmem>>, vector<1024x128xf32>
    %sub3A = arith.subf %add3A, %get3A_11 : vector<1024x128xf32>
    %get3A_12 = arith.constant 0 : index
    %get3A_13 = arith.constant 0 : index
    %get3A_14 = vector.load %arg4[%get3A_12, %get3A_13] : memref<1024x1xf32, #tpu.memory_space<vmem>>, vector<1024x1xf32>
    %rsqrt3A = math.rsqrt %get3A_14 : vector<1024x1xf32>
    %mul3A = vector.broadcast %rsqrt3A : vector<1024x1xf32> to vector<1024x128xf32>
    %mul3A_15 = arith.mulf %sub3A, %mul3A : vector<1024x128xf32>
    %get3A_16 = arith.constant 0 : index
    %get3A_17 = arith.constant 0 : index
    %get3A_18 = vector.load %arg5[%get3A_16, %get3A_17] : memref<1x128xf32, #tpu.memory_space<vmem>>, vector<1x128xf32>
    %add3A_19 = vector.broadcast %get3A_18 : vector<1x128xf32> to vector<1024x128xf32>
    %add3A_20 = arith.addf %mul3A_15, %add3A_19 : vector<1024x128xf32>
    %eq3A = arith.constant 0 : i32
    %eq3A_21 = arith.cmpi eq, %arg0, %eq3A : i32
    %convert_element_type3A = arith.extui %eq3A_21 : i1 to i32
    %cond3A = arith.constant 0 : i32
    %cond3A_22 = arith.cmpi ne, %convert_element_type3A, %cond3A : i32
    scf.if %cond3A_22 {
      %mul3A_28 = arith.constant 1024 : i32
      %mul3A_29 = arith.muli %arg1, %mul3A_28 : i32
      %iota3A = tpu.iota {dimensions = array<i32: 0>} : vector<1024x1xi32>
      %add3A_30 = vector.broadcast %mul3A_29 : i32 to vector<1024x1xi32>
      %add3A_31 = arith.addi %add3A_30, %iota3A : vector<1024x1xi32>
      %lt3A = arith.constant 10000 : i32
      %lt3A_32 = vector.broadcast %lt3A : i32 to vector<1024x1xi32>
      %lt3A_33 = arith.cmpi slt, %add3A_31, %lt3A_32 : vector<1024x1xi32>
      %jit3A = arith.constant 0.000000e+00 : f32
      %broadcast_in_dim3A = vector.shape_cast %lt3A_33 : vector<1024x1xi1> to vector<1024x1xi1>
      %broadcast_in_dim3A_34 = vector.broadcast %broadcast_in_dim3A : vector<1024x1xi1> to vector<1024x128xi1>
      %broadcast_in_dim3A_35 = vector.broadcast %jit3A : f32 to vector<1024x128xf32>
      %select_n3A = arith.select %broadcast_in_dim3A_34, %add3A_20, %broadcast_in_dim3A_35 : vector<1024x128xi1>, vector<1024x128xf32>
      %reduce_sum3A = arith.constant dense<0.000000e+00> : vector<128xf32>
      %reduce_sum3A_36 = vector.multi_reduction <add>, %select_n3A, %reduce_sum3A [0] : vector<1024x128xf32> to vector<128xf32>
      %broadcast_in_dim3A_37 = vector.shape_cast %reduce_sum3A_36 : vector<128xf32> to vector<1x128xf32>
      %mul3A_38 = arith.mulf %select_n3A, %select_n3A : vector<1024x128xf32>
      %reduce_sum3A_39 = arith.constant dense<0.000000e+00> : vector<128xf32>
      %reduce_sum3A_40 = vector.multi_reduction <add>, %mul3A_38, %reduce_sum3A_39 [0] : vector<1024x128xf32> to vector<128xf32>
      %broadcast_in_dim3A_41 = vector.shape_cast %reduce_sum3A_40 : vector<128xf32> to vector<1x128xf32>
      %eq3A_42 = arith.constant 0 : i32
      %eq3A_43 = arith.cmpi eq, %arg1, %eq3A_42 : i32
      %convert_element_type3A_44 = arith.extui %eq3A_43 : i1 to i32
      %cond3A_45 = arith.constant 0 : i32
      %cond3A_46 = arith.cmpi ne, %convert_element_type3A_44, %cond3A_45 : i32
      scf.if %cond3A_46 {
        %swap3A = arith.constant 0 : index
        %swap3A_51 = arith.constant 0 : index
        %swap3A_52 = vector.load %arg11[%swap3A, %swap3A_51] : memref<1x128xf32, #tpu.memory_space<vmem>>, vector<1x128xf32>
        tpu.vector_store %arg11[%swap3A, %swap3A_51], %broadcast_in_dim3A_37 {strides = array<i32>} : memref<1x128xf32, #tpu.memory_space<vmem>>, vector<1x128xf32>,
        %swap3A_53 = arith.constant 0 : index
        %swap3A_54 = arith.constant 0 : index
        %swap3A_55 = vector.load %arg12[%swap3A_53, %swap3A_54] : memref<1x128xf32, #tpu.memory_space<vmem>>, vector<1x128xf32>
        tpu.vector_store %arg12[%swap3A_53, %swap3A_54], %broadcast_in_dim3A_41 {strides = array<i32>} : memref<1x128xf32, #tpu.memory_space<vmem>>, vector<1x128xf32>,
      } else {
      }
      %gt3A = arith.constant 0 : i32
      %gt3A_47 = arith.cmpi sgt, %arg1, %gt3A : i32
      %convert_element_type3A_48 = arith.extui %gt3A_47 : i1 to i32
      %cond3A_49 = arith.constant 0 : i32
      %cond3A_50 = arith.cmpi ne, %convert_element_type3A_48, %cond3A_49 : i32
      scf.if %cond3A_50 {
        %get3A_51 = arith.constant 0 : index
        %get3A_52 = arith.constant 0 : index
        %get3A_53 = vector.load %arg11[%get3A_51, %get3A_52] : memref<1x128xf32, #tpu.memory_space<vmem>>, vector<1x128xf32>
        %add3A_54 = arith.addf %get3A_53, %broadcast_in_dim3A_37 : vector<1x128xf32>
        %swap3A = arith.constant 0 : index
        %swap3A_55 = arith.constant 0 : index
        %swap3A_56 = vector.load %arg11[%swap3A, %swap3A_55] : memref<1x128xf32, #tpu.memory_space<vmem>>, vector<1x128xf32>
        tpu.vector_store %arg11[%swap3A, %swap3A_55], %add3A_54 {strides = array<i32>} : memref<1x128xf32, #tpu.memory_space<vmem>>, vector<1x128xf32>,
        %get3A_57 = arith.constant 0 : index
        %get3A_58 = arith.constant 0 : index
        %get3A_59 = vector.load %arg12[%get3A_57, %get3A_58] : memref<1x128xf32, #tpu.memory_space<vmem>>, vector<1x128xf32>
        %add3A_60 = arith.addf %get3A_59, %broadcast_in_dim3A_41 : vector<1x128xf32>
        %swap3A_61 = arith.constant 0 : index
        %swap3A_62 = arith.constant 0 : index
        %swap3A_63 = vector.load %arg12[%swap3A_61, %swap3A_62] : memref<1x128xf32, #tpu.memory_space<vmem>>, vector<1x128xf32>
        tpu.vector_store %arg12[%swap3A_61, %swap3A_62], %add3A_60 {strides = array<i32>} : memref<1x128xf32, #tpu.memory_space<vmem>>, vector<1x128xf32>,
      } else {
      }
    } else {
    }
    %eq3A_23 = arith.constant 1 : i32
    %eq3A_24 = arith.cmpi eq, %arg0, %eq3A_23 : i32
    %convert_element_type3A_25 = arith.extui %eq3A_24 : i1 to i32
    %cond3A_26 = arith.constant 0 : i32
    %cond3A_27 = arith.cmpi ne, %convert_element_type3A_25, %cond3A_26 : i32
    scf.if %cond3A_27 {
      %get3A_28 = arith.constant 0 : index
      %get3A_29 = arith.constant 0 : index
      %get3A_30 = vector.load %arg11[%get3A_28, %get3A_29] : memref<1x128xf32, #tpu.memory_space<vmem>>, vector<1x128xf32>
      %mul3A_31 = arith.constant 9.99999974E-5 : f32
      %mul3A_32 = vector.broadcast %mul3A_31 : f32 to vector<1x128xf32>
      %mul3A_33 = arith.mulf %get3A_30, %mul3A_32 : vector<1x128xf32>
      %get3A_34 = arith.constant 0 : index
      %get3A_35 = arith.constant 0 : index
      %get3A_36 = vector.load %arg12[%get3A_34, %get3A_35] : memref<1x128xf32, #tpu.memory_space<vmem>>, vector<1x128xf32>
      %mul3A_37 = arith.constant 9.99999974E-5 : f32
      %mul3A_38 = vector.broadcast %mul3A_37 : f32 to vector<1x128xf32>
      %mul3A_39 = arith.mulf %get3A_36, %mul3A_38 : vector<1x128xf32>
      %mul3A_40 = arith.mulf %mul3A_33, %mul3A_33 : vector<1x128xf32>
      %sub3A_41 = arith.subf %mul3A_39, %mul3A_40 : vector<1x128xf32>
      %add3A_42 = arith.constant 9.99999974E-6 : f32
      %add3A_43 = vector.broadcast %add3A_42 : f32 to vector<1x128xf32>
      %add3A_44 = arith.addf %sub3A_41, %add3A_43 : vector<1x128xf32>
      %rsqrt3A_45 = math.rsqrt %add3A_44 : vector<1x128xf32>
      %sub3A_46 = vector.broadcast %mul3A_33 : vector<1x128xf32> to vector<1024x128xf32>
      %sub3A_47 = arith.subf %add3A_20, %sub3A_46 : vector<1024x128xf32>
      %mul3A_48 = vector.broadcast %rsqrt3A_45 : vector<1x128xf32> to vector<1024x128xf32>
      %mul3A_49 = arith.mulf %sub3A_47, %mul3A_48 : vector<1024x128xf32>
      %get3A_50 = arith.constant 0 : index
      %get3A_51 = arith.constant 0 : index
      %get3A_52 = vector.load %arg6[%get3A_50, %get3A_51] : memref<1x128xf32, #tpu.memory_space<vmem>>, vector<1x128xf32>
      %mul3A_53 = vector.broadcast %get3A_52 : vector<1x128xf32> to vector<1024x128xf32>
      %mul3A_54 = arith.mulf %mul3A_49, %mul3A_53 : vector<1024x128xf32>
      %get3A_55 = arith.constant 0 : index
      %get3A_56 = arith.constant 0 : index
      %get3A_57 = vector.load %arg7[%get3A_55, %get3A_56] : memref<1x128xf32, #tpu.memory_space<vmem>>, vector<1x128xf32>
      %add3A_58 = vector.broadcast %get3A_57 : vector<1x128xf32> to vector<1024x128xf32>
      %add3A_59 = arith.addf %mul3A_54, %add3A_58 : vector<1024x128xf32>
      %max3A = arith.constant 0.000000e+00 : f32
      %max3A_60 = vector.broadcast %max3A : f32 to vector<1024x128xf32>
      %max3A_61 = arith.maximumf %add3A_59, %max3A_60 : vector<1024x128xf32>
      %swap3A = arith.constant 0 : index
      %swap3A_62 = arith.constant 0 : index
      %swap3A_63 = vector.load %arg9[%swap3A, %swap3A_62] : memref<1024x128xf32, #tpu.memory_space<vmem>>, vector<1024x128xf32>
      tpu.vector_store %arg9[%swap3A, %swap3A_62], %max3A_61 {strides = array<i32>} : memref<1024x128xf32, #tpu.memory_space<vmem>>, vector<1024x128xf32>,
      %get3A_64 = arith.constant 0 : index
      %get3A_65 = arith.constant 0 : index
      %get3A_66 = vector.load %arg4[%get3A_64, %get3A_65] : memref<1024x1xf32, #tpu.memory_space<vmem>>, vector<1024x1xf32>
      %rsqrt3A_67 = math.rsqrt %get3A_66 : vector<1024x1xf32>
      %get3A_68 = arith.constant 0 : index
      %get3A_69 = arith.constant 0 : index
      %get3A_70 = vector.load %arg8[%get3A_68, %get3A_69] : memref<128x128xf32, #tpu.memory_space<vmem>>, vector<128x128xf32>
      %dot_general3A = arith.constant dense<0.000000e+00> : vector<1024x128xf32>
      %dot_general3A_71 = tpu.matmul %max3A_61, %get3A_70, %dot_general3A {dimension_numbers = #tpu.dot_dimension_numbers<[1], [0], [0], [1], [0, 0, 1, 1], [], []>, transpose_lhs_hint = false} : vector<1024x128xf32>, vector<128x128xf32>, vector<1024x128xf32> -> vector<1024x128xf32>
      %mul3A_72 = vector.broadcast %rsqrt3A_67 : vector<1024x1xf32> to vector<1024x128xf32>
      %mul3A_73 = arith.mulf %mul3A_72, %dot_general3A_71 : vector<1024x128xf32>
      %swap3A_74 = arith.constant 0 : index
      %swap3A_75 = arith.constant 0 : index
      %swap3A_76 = vector.load %arg10[%swap3A_74, %swap3A_75] : memref<1024x128xf32, #tpu.memory_space<vmem>>, vector<1024x128xf32>
      tpu.vector_store %arg10[%swap3A_74, %swap3A_75], %mul3A_73 {strides = array<i32>} : memref<1024x128xf32, #tpu.memory_space<vmem>>, vector<1024x128xf32>,
    } else {
    }
    return
  }
  func.func @transform_0(%arg0: i32, %arg1: i32) -> (i32, i32, i32) {
    %c0_i32 = arith.constant 0 : i32
    %c0_i32_0 = arith.constant 0 : i32
    %c0_i32_1 = arith.constant 0 : i32
    return %c0_i32, %arg1, %c0_i32_0 : i32, i32, i32
  }
  func.func @transform_1(%arg0: i32, %arg1: i32) -> (i32, i32) {
    %c0_i32 = arith.constant 0 : i32
    %c0_i32_0 = arith.constant 0 : i32
    return %arg1, %c0_i32 : i32, i32
  }
  func.func @transform_2(%arg0: i32, %arg1: i32) -> (i32, i32) {
    %c0_i32 = arith.constant 0 : i32
    %c0_i32_0 = arith.constant 0 : i32
    return %arg1, %c0_i32 : i32, i32
  }
  func.func @transform_3(%arg0: i32, %arg1: i32) -> (i32, i32) {
    %c0_i32 = arith.constant 0 : i32
    %c0_i32_0 = arith.constant 0 : i32
    %c0_i32_1 = arith.constant 0 : i32
    return %c0_i32, %c0_i32_0 : i32, i32
  }
  func.func @transform_4(%arg0: i32, %arg1: i32) -> (i32, i32) {
    %c0_i32 = arith.constant 0 : i32
    %c0_i32_0 = arith.constant 0 : i32
    %c0_i32_1 = arith.constant 0 : i32
    return %c0_i32, %c0_i32_0 : i32, i32
  }
  func.func @transform_5(%arg0: i32, %arg1: i32) -> (i32, i32) {
    %c0_i32 = arith.constant 0 : i32
    %c0_i32_0 = arith.constant 0 : i32
    %c0_i32_1 = arith.constant 0 : i32
    return %c0_i32, %c0_i32_0 : i32, i32
  }
  func.func @transform_6(%arg0: i32, %arg1: i32) -> (i32, i32) {
    %c0_i32 = arith.constant 0 : i32
    %c0_i32_0 = arith.constant 0 : i32
    %c0_i32_1 = arith.constant 0 : i32
    return %c0_i32, %c0_i32_0 : i32, i32
  }
  func.func @transform_7(%arg0: i32, %arg1: i32) -> (i32, i32) {
    %mul3A = arith.muli %arg1, %arg0 : i32
    %c0_i32 = arith.constant 0 : i32
    %c0_i32_0 = arith.constant 0 : i32
    return %mul3A, %c0_i32 : i32, i32
  }
  func.func @transform_8(%arg0: i32, %arg1: i32) -> (i32, i32) {
    %mul3A = arith.muli %arg1, %arg0 : i32
    %c0_i32 = arith.constant 0 : i32
    %c0_i32_0 = arith.constant 0 : i32
    return %mul3A, %c0_i32 : i32, i32
  }
}

module attributes {stable_mosaic.version = 14 : i64} {
  func.func @_mlp_body(%arg0: i32, %arg1: memref<1x400x128xf32, #tpu.memory_space<vmem>>, %arg2: memref<400x128xf32, #tpu.memory_space<vmem>>, %arg3: memref<128x128xf32, #tpu.memory_space<vmem>>, %arg4: memref<1x128xf32, #tpu.memory_space<vmem>>, %arg5: memref<1x128xf32, #tpu.memory_space<vmem>>, %arg6: memref<1x128xf32, #tpu.memory_space<vmem>>, %arg7: memref<128x128xf32, #tpu.memory_space<vmem>>, %arg8: memref<1x128xf32, #tpu.memory_space<vmem>>, %arg9: memref<1x400x128xf32, #tpu.memory_space<vmem>>) attributes {dimension_semantics = [#tpu.dimension_semantics<arbitrary>], iteration_bounds = array<i64: 25>, scalar_prefetch = 0 : i64, scratch_operands = 0 : i64, tpu.core_type = #tpu.core_type<tc>, window_params = [{transform_indices = @transform_0, window_bounds = array<i64: 1, 400, 128>}, {transform_indices = @transform_1, window_bounds = array<i64: 400, 128>}, {pipeline_mode = #tpu.pipeline_mode<synchronous>, transform_indices = @transform_2, window_bounds = array<i64: 128, 128>}, {pipeline_mode = #tpu.pipeline_mode<synchronous>, transform_indices = @transform_3, window_bounds = array<i64: 1, 128>}, {pipeline_mode = #tpu.pipeline_mode<synchronous>, transform_indices = @transform_4, window_bounds = array<i64: 1, 128>}, {pipeline_mode = #tpu.pipeline_mode<synchronous>, transform_indices = @transform_5, window_bounds = array<i64: 1, 128>}, {pipeline_mode = #tpu.pipeline_mode<synchronous>, transform_indices = @transform_6, window_bounds = array<i64: 128, 128>}, {pipeline_mode = #tpu.pipeline_mode<synchronous>, transform_indices = @transform_7, window_bounds = array<i64: 1, 128>}, {transform_indices = @transform_8, window_bounds = array<i64: 1, 400, 128>}]} {
    %get3A = arith.constant 0 : index
    %get3A_0 = arith.constant 0 : index
    %get3A_1 = vector.load %arg2[%get3A, %get3A_0] : memref<400x128xf32, #tpu.memory_space<vmem>>, vector<400x128xf32>
    %get3A_2 = arith.constant 0 : index
    %get3A_3 = arith.constant 0 : index
    %get3A_4 = vector.load %arg3[%get3A_2, %get3A_3] : memref<128x128xf32, #tpu.memory_space<vmem>>, vector<128x128xf32>
    %dot_general3A = arith.constant dense<0.000000e+00> : vector<400x128xf32>
    %dot_general3A_5 = tpu.matmul %get3A_1, %get3A_4, %dot_general3A {dimension_numbers = #tpu.dot_dimension_numbers<[1], [0], [0], [1], [0, 0, 1, 1], [], []>, transpose_lhs_hint = false} : vector<400x128xf32>, vector<128x128xf32>, vector<400x128xf32> -> vector<400x128xf32>
    %get3A_6 = arith.constant 0 : index
    %get3A_7 = arith.constant 0 : index
    %get3A_8 = vector.load %arg4[%get3A_6, %get3A_7] : memref<1x128xf32, #tpu.memory_space<vmem>>, vector<1x128xf32>
    %add3A = vector.broadcast %get3A_8 : vector<1x128xf32> to vector<400x128xf32>
    %add3A_9 = arith.addf %dot_general3A_5, %add3A : vector<400x128xf32>
    %reduce_sum3A = arith.constant dense<0.000000e+00> : vector<400xf32>
    %reduce_sum3A_10 = vector.multi_reduction <add>, %add3A_9, %reduce_sum3A [1] : vector<400x128xf32> to vector<400xf32>
    %broadcast_in_dim3A = vector.shape_cast %reduce_sum3A_10 : vector<400xf32> to vector<400x1xf32>
    %div3A = arith.constant 1.280000e+02 : f32
    %div3A_11 = vector.broadcast %div3A : f32 to vector<400x1xf32>
    %div3A_12 = arith.divf %broadcast_in_dim3A, %div3A_11 : vector<400x1xf32>
    %mul3A = arith.mulf %add3A_9, %add3A_9 : vector<400x128xf32>
    %reduce_sum3A_13 = arith.constant dense<0.000000e+00> : vector<400xf32>
    %reduce_sum3A_14 = vector.multi_reduction <add>, %mul3A, %reduce_sum3A_13 [1] : vector<400x128xf32> to vector<400xf32>
    %broadcast_in_dim3A_15 = vector.shape_cast %reduce_sum3A_14 : vector<400xf32> to vector<400x1xf32>
    %div3A_16 = arith.constant 1.280000e+02 : f32
    %div3A_17 = vector.broadcast %div3A_16 : f32 to vector<400x1xf32>
    %div3A_18 = arith.divf %broadcast_in_dim3A_15, %div3A_17 : vector<400x1xf32>
    %mul3A_19 = arith.mulf %div3A_12, %div3A_12 : vector<400x1xf32>
    %sub3A = arith.subf %div3A_18, %mul3A_19 : vector<400x1xf32>
    %sub3A_20 = vector.broadcast %div3A_12 : vector<400x1xf32> to vector<400x128xf32>
    %sub3A_21 = arith.subf %add3A_9, %sub3A_20 : vector<400x128xf32>
    %add3A_22 = arith.constant 9.99999974E-6 : f32
    %add3A_23 = vector.broadcast %add3A_22 : f32 to vector<400x1xf32>
    %add3A_24 = arith.addf %sub3A, %add3A_23 : vector<400x1xf32>
    %rsqrt3A = math.rsqrt %add3A_24 : vector<400x1xf32>
    %mul3A_25 = vector.broadcast %rsqrt3A : vector<400x1xf32> to vector<400x128xf32>
    %mul3A_26 = arith.mulf %sub3A_21, %mul3A_25 : vector<400x128xf32>
    %get3A_27 = arith.constant 0 : index
    %get3A_28 = arith.constant 0 : index
    %get3A_29 = vector.load %arg5[%get3A_27, %get3A_28] : memref<1x128xf32, #tpu.memory_space<vmem>>, vector<1x128xf32>
    %mul3A_30 = vector.broadcast %get3A_29 : vector<1x128xf32> to vector<400x128xf32>
    %mul3A_31 = arith.mulf %mul3A_26, %mul3A_30 : vector<400x128xf32>
    %get3A_32 = arith.constant 0 : index
    %get3A_33 = arith.constant 0 : index
    %get3A_34 = vector.load %arg6[%get3A_32, %get3A_33] : memref<1x128xf32, #tpu.memory_space<vmem>>, vector<1x128xf32>
    %add3A_35 = vector.broadcast %get3A_34 : vector<1x128xf32> to vector<400x128xf32>
    %add3A_36 = arith.addf %mul3A_31, %add3A_35 : vector<400x128xf32>
    %max3A = arith.constant 0.000000e+00 : f32
    %max3A_37 = vector.broadcast %max3A : f32 to vector<400x128xf32>
    %max3A_38 = arith.maximumf %add3A_36, %max3A_37 : vector<400x128xf32>
    %get3A_39 = arith.constant 0 : index
    %get3A_40 = arith.constant 0 : index
    %get3A_41 = vector.load %arg7[%get3A_39, %get3A_40] : memref<128x128xf32, #tpu.memory_space<vmem>>, vector<128x128xf32>
    %dot_general3A_42 = arith.constant dense<0.000000e+00> : vector<400x128xf32>
    %dot_general3A_43 = tpu.matmul %max3A_38, %get3A_41, %dot_general3A_42 {dimension_numbers = #tpu.dot_dimension_numbers<[1], [0], [0], [1], [0, 0, 1, 1], [], []>, transpose_lhs_hint = false} : vector<400x128xf32>, vector<128x128xf32>, vector<400x128xf32> -> vector<400x128xf32>
    %broadcast_in_dim3A_44 = vector.shape_cast %dot_general3A_43 : vector<400x128xf32> to vector<1x400x128xf32>
    %get3A_45 = arith.constant 0 : index
    %get3A_46 = arith.constant 0 : index
    %get3A_47 = vector.load %arg8[%get3A_45, %get3A_46] : memref<1x128xf32, #tpu.memory_space<vmem>>, vector<1x128xf32>
    %broadcast_in_dim3A_48 = vector.shape_cast %get3A_47 : vector<1x128xf32> to vector<1x1x128xf32>
    %add3A_49 = vector.broadcast %broadcast_in_dim3A_48 : vector<1x1x128xf32> to vector<1x400x128xf32>
    %add3A_50 = arith.addf %broadcast_in_dim3A_44, %add3A_49 : vector<1x400x128xf32>
    %swap3A = arith.constant 0 : index
    %swap3A_51 = arith.constant 0 : index
    %swap3A_52 = arith.constant 0 : index
    %swap3A_53 = vector.load %arg9[%swap3A, %swap3A_51, %swap3A_52] : memref<1x400x128xf32, #tpu.memory_space<vmem>>, vector<1x400x128xf32>
    tpu.vector_store %arg9[%swap3A, %swap3A_51, %swap3A_52], %add3A_50 {strides = array<i32>} : memref<1x400x128xf32, #tpu.memory_space<vmem>>, vector<1x400x128xf32>,
    return
  }
  func.func @transform_0(%arg0: i32) -> (i32, i32, i32) {
    %c0_i32 = arith.constant 0 : i32
    %c3_i32 = arith.constant 3 : i32
    %c0_i32_0 = arith.constant 0 : i32
    return %c0_i32, %arg0, %c3_i32 : i32, i32, i32
  }
  func.func @transform_1(%arg0: i32) -> (i32, i32) {
    %c0_i32 = arith.constant 0 : i32
    %c0_i32_0 = arith.constant 0 : i32
    return %arg0, %c0_i32 : i32, i32
  }
  func.func @transform_2(%arg0: i32) -> (i32, i32) {
    %c0_i32 = arith.constant 0 : i32
    %c0_i32_0 = arith.constant 0 : i32
    %c0_i32_1 = arith.constant 0 : i32
    return %c0_i32, %c0_i32_0 : i32, i32
  }
  func.func @transform_3(%arg0: i32) -> (i32, i32) {
    %c0_i32 = arith.constant 0 : i32
    %c0_i32_0 = arith.constant 0 : i32
    %c0_i32_1 = arith.constant 0 : i32
    return %c0_i32, %c0_i32_0 : i32, i32
  }
  func.func @transform_4(%arg0: i32) -> (i32, i32) {
    %c0_i32 = arith.constant 0 : i32
    %c0_i32_0 = arith.constant 0 : i32
    %c0_i32_1 = arith.constant 0 : i32
    return %c0_i32, %c0_i32_0 : i32, i32
  }
  func.func @transform_5(%arg0: i32) -> (i32, i32) {
    %c0_i32 = arith.constant 0 : i32
    %c0_i32_0 = arith.constant 0 : i32
    %c0_i32_1 = arith.constant 0 : i32
    return %c0_i32, %c0_i32_0 : i32, i32
  }
  func.func @transform_6(%arg0: i32) -> (i32, i32) {
    %c0_i32 = arith.constant 0 : i32
    %c0_i32_0 = arith.constant 0 : i32
    %c0_i32_1 = arith.constant 0 : i32
    return %c0_i32, %c0_i32_0 : i32, i32
  }
  func.func @transform_7(%arg0: i32) -> (i32, i32) {
    %c0_i32 = arith.constant 0 : i32
    %c0_i32_0 = arith.constant 0 : i32
    %c0_i32_1 = arith.constant 0 : i32
    return %c0_i32, %c0_i32_0 : i32, i32
  }
  func.func @transform_8(%arg0: i32) -> (i32, i32, i32) {
    %c0_i32 = arith.constant 0 : i32
    %c3_i32 = arith.constant 3 : i32
    %c0_i32_0 = arith.constant 0 : i32
    return %c0_i32, %arg0, %c3_i32 : i32, i32, i32
  }
}

</mosaic_0001>

<sc_bundles>
// kernel: kernel.17.cloned.1.call-start
scs
__scs_entry_jumppad:
0x0: {  	(pc) =	sbr.rel $0x88, $3  }
0x1: {  	(tag) =	ssettag $0x0;
	lr =	simm.s32 $0x1  }
0x2: {  	[smem:$0x3F95] =	sst lr;
	_ =	strace $0xD0000000  }
0x3: {  	_ = 	snop  }
0x4: {  	_ = 	snop  }
0x5: {  	_ = 	snop  }
0x6: {  	_ = 	snop  }
0x7: {  	_ = 	snop  }
__scs_overlays_trampoline_lowered:
0x8: {  	[smem:$0x3FA4] =	sst s0  }
0x9: {  	[smem:$0x3FA5] =	sst s1  }
0xa: {  	[smem:$0x3FA6] =	sst s2  }
0xb: {  	[smem:$0x3FA7] =	sst s3  }
0xc: {  	[smem:$0x3FA8] =	sst s4  }
0xd: {  	[smem:$0x3FA9] =	sst s5  }
0xe: {  	[smem:$0x3FAA] =	sst s6  }
0xf: {  	[smem:$0x3FAB] =	sst s7  }
0x10: {  	[smem:$0x3FAC] =	sst s8  }
0x11: {  	[smem:$0x3FAD] =	sst s9;
	s0 =	simm.s32 @!p0 $0x0  }
0x12: {  	s1 =	sld [smem:$0x3F93];
	s0 =	simm.s32 @p0 $0x1  }
0x13: {  	[smem:$0x3FAE] =	sst s0;
	s0 =	simm.s32 @!p1 $0x0  }
0x14: {  	s2 =	sld [smem:$0x3F92];
	s0 =	simm.s32 @p1 $0x1  }
0x15: {  	[smem:$0x3FAF] =	sst s0;
	s0 =	simm.s32 @!p2 $0x0  }
0x16: {  	s3 =	sld [smem:$0x3FDB];
	s0 =	simm.s32 @p2 $0x1  }
0x17: {  	s4 =	simm.s32 $0x1BF5;
	[smem:$0x3FB1] =	sst s0  }
0x18: {  	s0 =	sld [smem:$0x3F94];
	_ =	swait.ge [sflag:s4], $0x0  }
0x19: {  	s7 =	sld [smem:$0x3F95]  }
0x1a: {  	s8 =	sadd.s32 $0xFFFFE003, lr  }
0x1b: {  	s9 =	sadd.s32 $0xFFFFFEF7, lr;
	s5 =	simm.s32 $0xFFFFFFFF;
	p2 =	slt.u32 s8, $0xFFFFF086  }
0x1c: {  	p1 =	slt.u32 s9, $0xF7A;
	s5 =	simm.s32 @!p2 $0x0  }
0x1d: {  	s5 =	simm.s32 @p1 $0x1;
	p0 =	seq.s32 s7, s2  }
0x1e: {  	s7 =	smul.u32 @!p0 $0xF7A, s2;
	p2 =	seq.s32 @!p0 s5, $0x0  }
0x1f: {  	s9 =	smul.u32 $0xF7A, s1;
	s8 =	simm.s32 @!p0 $0x1BF5;
	p2 =	por !p2, p0  }
0x20: {  	[sflag:s8] =	ssyncset.s32 @!p0 $0xFFFFF086;
	s6 =	sadd.s32 @!p0 s3, s7;
	s7 =	simm.s32 @!p0 $0x108  }
0x21: {  	s3 =	sadd.s32 s3, s9;
	s6 =	sadd.s32 @!p0 $0x88, s6;
	s7 =	simm.s32 @p2 $0x1082  }
0x22: {  	[simem:s7], [sflag:s8] =	dma.local @!p0 [hbm:s6], $0xF7A  }
0x23: {  	s9 =	sor.u32 $0xD0000000, s2;
	s6 =	simm.s32 $0x108;
	_ =	swait.ge @!p0 [sflag:s8], $0x0  }
0x24: {  	s3 =	sadd.s32 $0x88, s3;
	s6 =	simm.s32 @!p1 $0x1082;
	[sflag:s4] =	ssyncset.s32 $0xFFFFF086  }
0x25: {  	[simem:s6], [sflag:s4] =	dma.local [hbm:s3], $0xF7A  }
0x26: {  	[smem:$0x3F95] =	sst s1;
	(tag) =	ssettag s2;
	_ =	strace s9  }
0x27: {  	s1 =	sld [smem:$0x3FA5]  }
0x28: {  	s2 =	sld [smem:$0x3FA6]  }
0x29: {  	s4 =	sld [smem:$0x3FA8]  }
0x2a: {  	p0 =	seq.s32 s5, $0x0;
	s5 =	sld [smem:$0x3FA9]  }
0x2b: {  	s6 =	sld [smem:$0x3FAA]  }
0x2c: {  	s7 =	sld [smem:$0x3FAB]  }
0x2d: {  	s3 =	simm.s32 $0x108;
	s8 =	sld [smem:$0x3FAC]  }
0x2e: {  	s3 =	simm.s32 @!p0 $0x1082;
	s9 =	sld [smem:$0x3FAD]  }
0x2f: {  	lr =	sadd.s32 s0, s3;
	s0 =	sld [smem:$0x3FA4]  }
0x30: {  	s3 =	sld [smem:$0x3FA7]  }
0x31: {  	[smem:$0x3FB0] =	sst s10  }
0x32: {  	s10 =	sld [smem:$0x3FAE];
	_ =	sdelay $0x3  }
0x33: {  	p0 =	seq.s32 s10, $0x1;
	s10 =	sld [smem:$0x3FB0];
	_ =	sdelay $0x3  }
0x34: {  	[smem:$0x3FB0] =	sst s10  }
0x35: {  	s10 =	sld [smem:$0x3FAF];
	_ =	sdelay $0x3  }
0x36: {  	p1 =	seq.s32 s10, $0x1;
	s10 =	sld [smem:$0x3FB0];
	_ =	sdelay $0x3  }
0x37: {  	[smem:$0x3FB0] =	sst s10  }
0x38: {  	s10 =	sld [smem:$0x3FB1]  }
0x39: {  	_ = 	snop;
	(pc) =	sbr.ind lr, $3  }
0x3a: {  	_ = 	snop  }
0x3b: {  	_ = 	snop  }
0x3c: {  	p2 =	seq.s32 s10, $0x1;
	s10 =	sld [smem:$0x3FB0]  }
0x3d: {  	_ =	shalt  }
0x3e: {  	_ =	shalt  }
0x3f: {  	_ =	shalt  }
0x40: {  	_ =	shalt  }
0x41: {  	_ =	shalt  }
0x42: {  	_ =	shalt  }
0x43: {  	_ =	shalt  }
0x44: {  	_ =	shalt  }
0x45: {  	_ =	shalt  }
0x46: {  	_ =	shalt  }
0x47: {  	_ =	shalt  }
0x48: {  	_ =	shalt  }
0x49: {  	_ =	shalt  }
0x4a: {  	_ =	shalt  }
0x4b: {  	_ =	shalt  }
0x4c: {  	_ =	shalt  }
0x4d: {  	_ =	shalt  }
0x4e: {  	_ =	shalt  }
0x4f: {  	_ =	shalt  }
0x50: {  	_ =	shalt  }
0x51: {  	_ =	shalt  }
0x52: {  	_ =	shalt  }
0x53: {  	_ =	shalt  }
0x54: {  	_ =	shalt  }
0x55: {  	_ =	shalt  }
0x56: {  	_ =	shalt  }
0x57: {  	_ =	shalt  }
0x58: {  	_ =	shalt  }
0x59: {  	_ =	shalt  }
0x5a: {  	_ =	shalt  }
0x5b: {  	_ =	shalt  }
0x5c: {  	_ =	shalt  }
0x5d: {  	_ =	shalt  }
0x5e: {  	_ =	shalt  }
0x5f: {  	_ =	shalt  }
0x60: {  	_ =	shalt  }
0x61: {  	_ =	shalt  }
0x62: {  	_ =	shalt  }
0x63: {  	_ =	shalt  }
0x64: {  	_ =	shalt  }
0x65: {  	_ =	shalt  }
0x66: {  	_ =	shalt  }
0x67: {  	_ =	shalt  }
0x68: {  	_ =	shalt  }
0x69: {  	_ =	shalt  }
0x6a: {  	_ =	shalt  }
0x6b: {  	_ =	shalt  }
0x6c: {  	_ =	shalt  }
0x6d: {  	_ =	shalt  }
0x6e: {  	_ =	shalt  }
0x6f: {  	_ =	shalt  }
0x70: {  	_ =	shalt  }
0x71: {  	_ =	shalt  }
0x72: {  	_ =	shalt  }
0x73: {  	_ =	shalt  }
0x74: {  	_ =	shalt  }
0x75: {  	_ =	shalt  }
0x76: {  	_ =	shalt  }
0x77: {  	_ =	shalt  }
0x78: {  	_ =	shalt  }
0x79: {  	_ =	shalt  }
0x7a: {  	_ =	shalt  }
0x7b: {  	_ =	shalt  }
0x7c: {  	_ =	shalt  }
0x7d: {  	_ =	shalt  }
0x7e: {  	_ =	shalt  }
0x7f: {  	_ =	shalt  }
0x80: {  	_ =	shalt  }
0x81: {  	_ =	shalt  }
0x82: {  	_ =	shalt  }
0x83: {  	_ =	shalt  }
0x84: {  	_ =	shalt  }
0x85: {  	_ =	shalt  }
0x86: {  	_ =	shalt  }
0x87: {  	_ =	shalt  }
.Lfunc_end0:
.L_simem_size_0:
called_computation_lowered:
.L_overlay_start_0:
0x88: {  	s2 =	sld [smem:$0x3FD9]  }
0x89: {  	s3 =	sld [smem:$0x3FFE];
	_ =	sdelay $0x1  }
0x8a: {  	s1 =	srdreg.scid  }
0x8b: {  	s0 =	sand.u32 $0x1, s1  }
0x8c: {  	s17 =	sshll.u32 s0, $0xA;
	s2 =	sadd.s32 s3, s2  }
0x8d: {  	s2 =	sadd.s32 s2, s17  }
0x8e: {  	[smem:$0x3FBC] =	sst s2  }
0x8f: {  	_ = 	snop  }
0x90: {  	s2 =	sld [smem:$0x3FD0];
	(tm) =	ssettm $0x1  }
0x91: {  	s18 =	sld [smem:$0x3FFB];
	_ =	sdelay $0x3  }
0x92: {  	_ =	strace s18  }
0x93: {  	s3 =	sld [smem:$0x3FFC];
	_ =	sdelay $0x3  }
0x94: {  	_ =	strace s3  }
0x95: {  	s3 =	sld [smem:$0x3FFD];
	_ =	sdelay $0x3  }
0x96: {  	_ =	strace s3  }
0x97: {  	_ =	strace $0x8FFFFFFF  }
0x98: {  	s19 =	sld [smem:$0x3FDB];
	_ =	sdelay $0x1  }
0x99: {  	s4 =	simm.s32 $_scs_section_size  }
0x9a: {  	s5 =	simm.s32 $_size__tile_overlayer_lowered;
	s6 =	simm.s32 $_tile_overlayer_lowered  }
0x9b: {  	s22 =	simm.s32 $0x1BFF;
	s21 =	sshll.u32 s6, $0x1;
	s3 =	sadd.s32 s4, s19  }
0x9c: {  	s7 =	simm.s32 $0x0;
	s20 =	sshll.u32 s5, $0x1;
	s5 =	sadd.s32 s21, s3  }
0x9d: {  	[timem:s7], [sflag:s22] =	dma.local [hbm:s5], s20  }
0x9e: {  	_ =	swait.ge [sflag:s22], s20  }
0x9f: {  	s4 =	ssub.s32 $0x0, s20;
	[sflag:s22] =	ssyncset.done $0x0  }
0xa0: {  	[sflag:s22] =	ssyncadd.s32 s4;
	_ =	sdelay $0x1  }
0xa1: {  	s23 =	simm.s32 $0x1B8B  }
0xa2: {  	_ =	swait.ge [sflag:s23], $0x1  }
0xa3: {  	[sflag:s23] =	ssyncset.done $0x0  }
0xa4: {  	s25 =	simm.s32 $0x1B8E;
	s24 =	sld [smem:$0x3FFE];
	[sflag:s23] =	ssyncadd.s32 $0xFFFFFFFF  }
0xa5: {  	s26 =	simm.s32 $execute0_lowered;
	[smem:$0x3FD2] =	sst s25  }
0xa6: {  	s5 =	sshll.u32 s26, $0x1;
	_ =	strace $0x80000046;
	[dreg:$0x1] =	wrdreg $0xFFFFFFFF  }
0xa7: {  	s28 =	simm.s32 $_size_execute0_lowered;
	s3 =	sadd.s32 s3, s5;
	[dreg:$0x0] =	wrdreg $0x0  }
0xa8: {  	s5 =	sshll.u32 s28, $0x1;
	[dreg:$0x2] =	wrdreg s3  }
0xa9: {  	[dreg:$0x3] =	wrdreg s5  }
0xaa: {  	[dreg:$0x4] =	wrdreg $0xC0  }
0xab: {  	_ =	task [dreg:s7], $0x5FFFF  }
0xac: {  	[dreg:$0x1] =	wrdreg $0xFFFFFFFF  }
0xad: {  	[dreg:$0x0] =	wrdreg $0x60  }
0xae: {  	[dreg:$0x2] =	wrdreg s24  }
0xaf: {  	[dreg:$0x3] =	wrdreg s2  }
0xb0: {  	[dreg:$0x4] =	wrdreg $0x68000  }
0xb1: {  	[dreg:$0x5] =	wrdreg $0x9  }
0xb2: {  	_ =	task.clear_ibuf [dreg:s7], $0x6FFFF;
	_ =	strace $0x90000046  }
0xb3: {  	s29 =	simm.s32 $0x9;
	_ =	strace $0x80000048  }
0xb4: {  	_ =	swait.ge [sflag:s29], $0x1  }
0xb5: {  	[sflag:s29] =	ssyncadd.s32 $0xFFFFFFFF  }
0xb6: {  	_ =	strace $0x90000048  }
0xb7: {  	_ =	sfence  }
0xb8: {  	s30 =	sld [smem:$0x0];
	_ =	sdelay $0x2  }
0xb9: {  	s31 =	sshll.u32 s1, $0xD;
	s1 =	sshrl.u32 s1, $0x2  }
0xba: {  	s3 =	sand.u32 $0x4000, s31;
	s1 =	sadd.s32 s1, s30  }
0xbb: {  	s0 =	sor.u32 s3, s0;
	s1 =	sshll.u32 s1, $0x11  }
0xbc: {  	s0 =	sor.u32 s1, s0  }
0xbd: {  	s0 =	sadd.s32 $0x8F2B, s0  }
0xbe: {  	[sflag:s0] =	ssyncadd.remote.s32 $0x1  }
0xbf: {  	_ =	sfence.sel $0xFFFF  }
0xc0: {  	[dreg:$0x0] =	wrdreg $0xFFFFFFFF;
	(pc) =	sbr.abs _section_cstart, $3  }
0xc1: {  	[dreg:$0x1] =	wrdreg $0xFFFFFFFF  }
0xc2: {  	_ =	task.clear_ibuf [dreg:s7], $0x2FFFF;
	_ =	strace $0x9FFFFFFF  }
0xc3: {  	(tm) =	ssettm $0x7FFFFFFF  }
tec
execute0_lowered:
.L_overlay_start_1:
0x0: {  	(tag) =	ssettag $0x1  }
0x1: {  	s5 =	rddreg [dreg:$0x0]  }
0x2: {  	s2 =	rddreg [dreg:$0x1]  }
0x3: {  	s3 =	rddreg [dreg:$0x2]  }
0x4: {  	s0 =	rddreg [dreg:$0x3];
	s6 =	srdreg.scid  }
0x5: {  	s1 =	stileid.u32;
	s4 =	simm.s32 $0x0;
	s13 =	simm.s32 $0x80  }
0x6: {  	s14 =	simm.s32 $0x1;
	s15 =	simm.s32 $0x0;
	s7 =	smul.u32 $0x14000, s1  }
0x7: {  	s6 =	sand.u32 $0x1, s6;
	[smem:$0x7FF] =	sst s4;
	s11 =	smul.u32 $0x50000, s1  }
0x8: {  	s31 =	sshll.u32 s1, $0x6;
	s8 =	sshll.u32 s6, $0x4;
	s9 =	smul.u32 $0x140000, s6  }
0x9: {  	_ =	strace $0x80000047;
	s6 =	ssub.s32 $0x2, s6;
	s8 =	sor.u32 s1, s8  }
0xa: {  	s10 =	sshrl.u32 s6, $0x1;
	s30 =	sshrl.u32 s11, $0x2;
	s11 =	sor.u32 $0x1C02, s31  }
0xb: {  	s8 =	smul.u32 $0x500, s8;
	s9 =	sadd.s32 s7, s9;
	s10 =	ssub.s32 s6, s10  }
0xc: {  	s7 =	sshrl.u32 s7, $0x3;
	s12 =	sadd.s32 s30, s3;
	s9 =	sshrl.u32 s9, $0x3  }
0xd: {  	s6 =	sadd.s32 s2, s7;
	s8 =	sadd.s32 s8, s5;
	s9 =	sadd.s32 s9, s5  }
0xe: {  	s12 =	sshrl.u32 s12, $0x3;
	s5 =	sadd.s32 $0x6E00, s8;
	s7 =	sadd.s32 $0x10E00, s9  }
0xf: {  	s8 =	smax.u32 s10, $0x1;
	s9 =	simm.s32 $0x2800;
	s10 =	simm.s32 $0x2  }
.LBB2_1:
0x10: {  	[tilespmem:s9], [sflag:$0x2] =	stream.linear.gather [hbm4b:s2+s4], $0x4000, $0x38;
	[tilespmem:$0x9000] =	vst v63  }
0x11: {  	_ =	swait.ge [sflag:s10], $0x4000  }
0x12: {  	[sflag:s10] =	ssyncset.done $0x0  }
0x13: {  	[sflag:s10] =	ssyncadd.s32 $0xFFFFC000  }
0x14: {  	[tilespmem:s4], [sflag:$0x2] =	stream.linear.gather [hbm4b:s5+s4], $0x2780, $0x38;
	[tilespmem:$0x9000] =	vst v63  }
0x15: {  	_ =	swait.ge [sflag:s10], $0x2780  }
0x16: {  	[sflag:s10] =	ssyncset.done $0x0  }
0x17: {  	[sflag:s10] =	ssyncadd.s32 $0xFFFFD880  }
0x18: {  	[spmem:s12], [sflag:s11] =	dma.local [hbm:s6], $0x2800  }
0x19: {  	_ =	swait.ge [sflag:s10], $0x2800  }
0x1a: {  	[sflag:s10] =	ssyncset.done $0x0  }
0x1b: {  	[sflag:s10] =	ssyncadd.s32 $0xFFFFD800  }
0x1c: {  	s16 =	simm.s32 $0x0;
	[bflag:$0x0] =	sbarrier.arrive $0xFFFF  }
.LBB2_2:
0x1d: {  	p0 =	sne.s32 s16, $0x9C00  }
.Ltmp0:
0x1e: {  	_ = 	snop;
	(pc) =	sbr.rel @p0 .LBB2_2-.Ltmp0, $3  }
0x1f: {  	_ =	sdelay $0x1  }
0x20: {  	s17 =	sshra.s32 s16, $0x2;
	s16 =	sadd.s32 $0x200, s16  }
0x21: {  	[spmem:s3] =	stream.indirect.scatter.add.f32 [tilespmem:s9], [sflag:$0x1], $0x10, s17, s13, $0xb8;
	[tilespmem:$0x9000] =	vst v63  }
0x22: {  	_ =	swait.ge [sflag:s14], $0x800  }
0x23: {  	s16 =	simm.s32 $0x4E;
	[sflag:s14] =	ssyncset.done $0x0  }
.LBB2_4:
0x24: {  	p0 =	sne.s32 s16, $0x1;
	s16 =	sadd.s32 $0xFFFFFFFF, s16;
	[sflag:s14] =	ssyncadd.s32 $0xFFFFF800  }
.Ltmp1:
0x25: {  	(pc) =	sbr.rel @p0 .LBB2_4-.Ltmp1, $3  }
0x26: {  	_ =	sdelay $0x1  }
0x27: {  	_ =	swait.ge [sflag:s14], $0x800  }
0x28: {  	[sflag:s14] =	ssyncset.done $0x0  }
0x29: {  	s15 =	sadd.s32 $0x1, s15  }
0x2a: {  	[sflag:s14] =	ssyncadd.s32 $0xFFFFF800;
	p0 =	sne.s32 s15, s8  }
.Ltmp2:
0x2b: {  	[bflag:$0x0] =	sbarrier.arrive $0xFFFF;
	(pc) =	sbr.rel @p0 .LBB2_1-.Ltmp2, $4  }
0x2c: {  	[hbm:s7], [sflag:s11] =	dma.local [spmem:s12], $0x2800  }
0x2d: {  	_ =	swait.ge [sflag:s10], $0x2800  }
0x2e: {  	[sflag:s10] =	ssyncset.done $0x0  }
0x2f: {  	[sflag:s10] =	ssyncadd.s32 $0xFFFFD800  }
0x30: {  	_ =	sfence.sel $0x180000  }
0x31: {  	[bflag:$0x0] =	sbarrier.arrive $0xFFFF  }
0x32: {  	p0 =	sne.s32 s1, $0x0;
	_ =	strace $0x90000047  }
0x33: {  	s0 =	sadd.s32 @!p0 $0x100000, s0;
	[bflag:$0x2] =	sbarrier.arrive $0xFFFF  }
0x34: {  	[sflag:s0] =	ssyncadd.tile.s32 @!p0 $0x1;
	_ =	shalt  }
.Lfunc_end2:
_tile_overlayer_lowered:
.L_overlay_start_2:
0x35: {  	(tag) =	ssettag $0x2  }
0x36: {  	s0 =	rddreg [dreg:$0x0];
	s2 =	stileid.u32  }
0x37: {  	s1 =	rddreg [dreg:$0x1];
	p0 =	sne.s32 s2, $0x0  }
0x38: {  	s3 =	rddreg [dreg:$0x2];
	[bflag:$0x3] =	sbarrier.arrive $0xFFFF;
	s2 =	simm.s32 @!p0 $0x1C02  }
0x39: {  	[timem:s3], [sflag:s2] =	dma.local @!p0 [hbm:s0], s1  }
0x3a: {  	s0 =	simm.s32 @!p0 $0x2  }
0x3b: {  	_ =	swait.ge @!p0 [sflag:s0], s1  }
0x3c: {  	s1 =	ssub.s32 @!p0 $0x0, s1;
	[sflag:s0] =	ssyncset.done @!p0 $0x0  }
0x3d: {  	[sflag:s0] =	ssyncadd.s32 @!p0 s1  }
0x3e: {  	[bflag:$0x3] =	sbarrier.arrive $0xFFFF  }
0x3f: {  	_ =	shalt  }

// kernel: kernel.20.cloned.1.call-start
scs
__scs_entry_jumppad:
0x0: {  	(pc) =	sbr.rel $0x88, $3  }
0x1: {  	(tag) =	ssettag $0x0;
	lr =	simm.s32 $0x1  }
0x2: {  	[smem:$0x3F95] =	sst lr;
	_ =	strace $0xD0000000  }
0x3: {  	_ = 	snop  }
0x4: {  	_ = 	snop  }
0x5: {  	_ = 	snop  }
0x6: {  	_ = 	snop  }
0x7: {  	_ = 	snop  }
__scs_overlays_trampoline_lowered:
0x8: {  	[smem:$0x3FA4] =	sst s0  }
0x9: {  	[smem:$0x3FA5] =	sst s1  }
0xa: {  	[smem:$0x3FA6] =	sst s2  }
0xb: {  	[smem:$0x3FA7] =	sst s3  }
0xc: {  	[smem:$0x3FA8] =	sst s4  }
0xd: {  	[smem:$0x3FA9] =	sst s5  }
0xe: {  	[smem:$0x3FAA] =	sst s6  }
0xf: {  	[smem:$0x3FAB] =	sst s7  }
0x10: {  	[smem:$0x3FAC] =	sst s8  }
0x11: {  	[smem:$0x3FAD] =	sst s9;
	s0 =	simm.s32 @!p0 $0x0  }
0x12: {  	s1 =	sld [smem:$0x3F93];
	s0 =	simm.s32 @p0 $0x1  }
0x13: {  	[smem:$0x3FAE] =	sst s0;
	s0 =	simm.s32 @!p1 $0x0  }
0x14: {  	s2 =	sld [smem:$0x3F92];
	s0 =	simm.s32 @p1 $0x1  }
0x15: {  	[smem:$0x3FAF] =	sst s0;
	s0 =	simm.s32 @!p2 $0x0  }
0x16: {  	s3 =	sld [smem:$0x3FDB];
	s0 =	simm.s32 @p2 $0x1  }
0x17: {  	s4 =	simm.s32 $0x1BF5;
	[smem:$0x3FB1] =	sst s0  }
0x18: {  	s0 =	sld [smem:$0x3F94];
	_ =	swait.ge [sflag:s4], $0x0  }
0x19: {  	s7 =	sld [smem:$0x3F95]  }
0x1a: {  	s8 =	sadd.s32 $0xFFFFE003, lr  }
0x1b: {  	s9 =	sadd.s32 $0xFFFFFEF7, lr;
	s5 =	simm.s32 $0xFFFFFFFF;
	p2 =	slt.u32 s8, $0xFFFFF086  }
0x1c: {  	p1 =	slt.u32 s9, $0xF7A;
	s5 =	simm.s32 @!p2 $0x0  }
0x1d: {  	s5 =	simm.s32 @p1 $0x1;
	p0 =	seq.s32 s7, s2  }
0x1e: {  	s7 =	smul.u32 @!p0 $0xF7A, s2;
	p2 =	seq.s32 @!p0 s5, $0x0  }
0x1f: {  	s9 =	smul.u32 $0xF7A, s1;
	s8 =	simm.s32 @!p0 $0x1BF5;
	p2 =	por !p2, p0  }
0x20: {  	[sflag:s8] =	ssyncset.s32 @!p0 $0xFFFFF086;
	s6 =	sadd.s32 @!p0 s3, s7;
	s7 =	simm.s32 @!p0 $0x108  }
0x21: {  	s3 =	sadd.s32 s3, s9;
	s6 =	sadd.s32 @!p0 $0x88, s6;
	s7 =	simm.s32 @p2 $0x1082  }
0x22: {  	[simem:s7], [sflag:s8] =	dma.local @!p0 [hbm:s6], $0xF7A  }
0x23: {  	s9 =	sor.u32 $0xD0000000, s2;
	s6 =	simm.s32 $0x108;
	_ =	swait.ge @!p0 [sflag:s8], $0x0  }
0x24: {  	s3 =	sadd.s32 $0x88, s3;
	s6 =	simm.s32 @!p1 $0x1082;
	[sflag:s4] =	ssyncset.s32 $0xFFFFF086  }
0x25: {  	[simem:s6], [sflag:s4] =	dma.local [hbm:s3], $0xF7A  }
0x26: {  	[smem:$0x3F95] =	sst s1;
	(tag) =	ssettag s2;
	_ =	strace s9  }
0x27: {  	s1 =	sld [smem:$0x3FA5]  }
0x28: {  	s2 =	sld [smem:$0x3FA6]  }
0x29: {  	s4 =	sld [smem:$0x3FA8]  }
0x2a: {  	p0 =	seq.s32 s5, $0x0;
	s5 =	sld [smem:$0x3FA9]  }
0x2b: {  	s6 =	sld [smem:$0x3FAA]  }
0x2c: {  	s7 =	sld [smem:$0x3FAB]  }
0x2d: {  	s3 =	simm.s32 $0x108;
	s8 =	sld [smem:$0x3FAC]  }
0x2e: {  	s3 =	simm.s32 @!p0 $0x1082;
	s9 =	sld [smem:$0x3FAD]  }
0x2f: {  	lr =	sadd.s32 s0, s3;
	s0 =	sld [smem:$0x3FA4]  }
0x30: {  	s3 =	sld [smem:$0x3FA7]  }
0x31: {  	[smem:$0x3FB0] =	sst s10  }
0x32: {  	s10 =	sld [smem:$0x3FAE];
	_ =	sdelay $0x3  }
0x33: {  	p0 =	seq.s32 s10, $0x1;
	s10 =	sld [smem:$0x3FB0];
	_ =	sdelay $0x3  }
0x34: {  	[smem:$0x3FB0] =	sst s10  }
0x35: {  	s10 =	sld [smem:$0x3FAF];
	_ =	sdelay $0x3  }
0x36: {  	p1 =	seq.s32 s10, $0x1;
	s10 =	sld [smem:$0x3FB0];
	_ =	sdelay $0x3  }
0x37: {  	[smem:$0x3FB0] =	sst s10  }
0x38: {  	s10 =	sld [smem:$0x3FB1]  }
0x39: {  	_ = 	snop;
	(pc) =	sbr.ind lr, $3  }
0x3a: {  	_ = 	snop  }
0x3b: {  	_ = 	snop  }
0x3c: {  	p2 =	seq.s32 s10, $0x1;
	s10 =	sld [smem:$0x3FB0]  }
0x3d: {  	_ =	shalt  }
0x3e: {  	_ =	shalt  }
0x3f: {  	_ =	shalt  }
0x40: {  	_ =	shalt  }
0x41: {  	_ =	shalt  }
0x42: {  	_ =	shalt  }
0x43: {  	_ =	shalt  }
0x44: {  	_ =	shalt  }
0x45: {  	_ =	shalt  }
0x46: {  	_ =	shalt  }
0x47: {  	_ =	shalt  }
0x48: {  	_ =	shalt  }
0x49: {  	_ =	shalt  }
0x4a: {  	_ =	shalt  }
0x4b: {  	_ =	shalt  }
0x4c: {  	_ =	shalt  }
0x4d: {  	_ =	shalt  }
0x4e: {  	_ =	shalt  }
0x4f: {  	_ =	shalt  }
0x50: {  	_ =	shalt  }
0x51: {  	_ =	shalt  }
0x52: {  	_ =	shalt  }
0x53: {  	_ =	shalt  }
0x54: {  	_ =	shalt  }
0x55: {  	_ =	shalt  }
0x56: {  	_ =	shalt  }
0x57: {  	_ =	shalt  }
0x58: {  	_ =	shalt  }
0x59: {  	_ =	shalt  }
0x5a: {  	_ =	shalt  }
0x5b: {  	_ =	shalt  }
0x5c: {  	_ =	shalt  }
0x5d: {  	_ =	shalt  }
0x5e: {  	_ =	shalt  }
0x5f: {  	_ =	shalt  }
0x60: {  	_ =	shalt  }
0x61: {  	_ =	shalt  }
0x62: {  	_ =	shalt  }
0x63: {  	_ =	shalt  }
0x64: {  	_ =	shalt  }
0x65: {  	_ =	shalt  }
0x66: {  	_ =	shalt  }
0x67: {  	_ =	shalt  }
0x68: {  	_ =	shalt  }
0x69: {  	_ =	shalt  }
0x6a: {  	_ =	shalt  }
0x6b: {  	_ =	shalt  }
0x6c: {  	_ =	shalt  }
0x6d: {  	_ =	shalt  }
0x6e: {  	_ =	shalt  }
0x6f: {  	_ =	shalt  }
0x70: {  	_ =	shalt  }
0x71: {  	_ =	shalt  }
0x72: {  	_ =	shalt  }
0x73: {  	_ =	shalt  }
0x74: {  	_ =	shalt  }
0x75: {  	_ =	shalt  }
0x76: {  	_ =	shalt  }
0x77: {  	_ =	shalt  }
0x78: {  	_ =	shalt  }
0x79: {  	_ =	shalt  }
0x7a: {  	_ =	shalt  }
0x7b: {  	_ =	shalt  }
0x7c: {  	_ =	shalt  }
0x7d: {  	_ =	shalt  }
0x7e: {  	_ =	shalt  }
0x7f: {  	_ =	shalt  }
0x80: {  	_ =	shalt  }
0x81: {  	_ =	shalt  }
0x82: {  	_ =	shalt  }
0x83: {  	_ =	shalt  }
0x84: {  	_ =	shalt  }
0x85: {  	_ =	shalt  }
0x86: {  	_ =	shalt  }
0x87: {  	_ =	shalt  }
.Lfunc_end0:
.L_simem_size_0:
called_computation.1_lowered:
.L_overlay_start_0:
0x88: {  	s2 =	sld [smem:$0x3FD9]  }
0x89: {  	s3 =	sld [smem:$0x3FFE];
	_ =	sdelay $0x1  }
0x8a: {  	s1 =	srdreg.scid  }
0x8b: {  	s0 =	sand.u32 $0x1, s1  }
0x8c: {  	s17 =	sshll.u32 s0, $0xA;
	s2 =	sadd.s32 s3, s2  }
0x8d: {  	s2 =	sadd.s32 s2, s17  }
0x8e: {  	[smem:$0x3FBC] =	sst s2  }
0x8f: {  	_ = 	snop  }
0x90: {  	s2 =	sld [smem:$0x3FD0];
	(tm) =	ssettm $0x1  }
0x91: {  	s18 =	sld [smem:$0x3FFB];
	_ =	sdelay $0x3  }
0x92: {  	_ =	strace s18  }
0x93: {  	s3 =	sld [smem:$0x3FFC];
	_ =	sdelay $0x3  }
0x94: {  	_ =	strace s3  }
0x95: {  	s3 =	sld [smem:$0x3FFD];
	_ =	sdelay $0x3  }
0x96: {  	_ =	strace s3  }
0x97: {  	_ =	strace $0x8FFFFFFF  }
0x98: {  	s19 =	sld [smem:$0x3FDB];
	_ =	sdelay $0x1  }
0x99: {  	s4 =	simm.s32 $_scs_section_size  }
0x9a: {  	s5 =	simm.s32 $_size__tile_overlayer_lowered;
	s6 =	simm.s32 $_tile_overlayer_lowered  }
0x9b: {  	s22 =	simm.s32 $0x1BFF;
	s21 =	sshll.u32 s6, $0x1;
	s3 =	sadd.s32 s4, s19  }
0x9c: {  	s7 =	simm.s32 $0x0;
	s20 =	sshll.u32 s5, $0x1;
	s5 =	sadd.s32 s21, s3  }
0x9d: {  	[timem:s7], [sflag:s22] =	dma.local [hbm:s5], s20  }
0x9e: {  	_ =	swait.ge [sflag:s22], s20  }
0x9f: {  	s4 =	ssub.s32 $0x0, s20;
	[sflag:s22] =	ssyncset.done $0x0  }
0xa0: {  	[sflag:s22] =	ssyncadd.s32 s4;
	_ =	sdelay $0x1  }
0xa1: {  	s23 =	simm.s32 $0x1B8B  }
0xa2: {  	_ =	swait.ge [sflag:s23], $0x1  }
0xa3: {  	[sflag:s23] =	ssyncset.done $0x0  }
0xa4: {  	s25 =	simm.s32 $0x1B8E;
	s24 =	sld [smem:$0x3FFE];
	[sflag:s23] =	ssyncadd.s32 $0xFFFFFFFF  }
0xa5: {  	s26 =	simm.s32 $execute0_lowered;
	[smem:$0x3FD2] =	sst s25  }
0xa6: {  	s5 =	sshll.u32 s26, $0x1;
	_ =	strace $0x80000049;
	[dreg:$0x1] =	wrdreg $0xFFFFFFFF  }
0xa7: {  	s28 =	simm.s32 $_size_execute0_lowered;
	s3 =	sadd.s32 s3, s5;
	[dreg:$0x0] =	wrdreg $0x0  }
0xa8: {  	s5 =	sshll.u32 s28, $0x1;
	[dreg:$0x2] =	wrdreg s3  }
0xa9: {  	[dreg:$0x3] =	wrdreg s5  }
0xaa: {  	[dreg:$0x4] =	wrdreg $0xC0  }
0xab: {  	_ =	task [dreg:s7], $0x5FFFF  }
0xac: {  	[dreg:$0x1] =	wrdreg $0xFFFFFFFF  }
0xad: {  	[dreg:$0x0] =	wrdreg $0x60  }
0xae: {  	[dreg:$0x2] =	wrdreg s24  }
0xaf: {  	[dreg:$0x3] =	wrdreg s2  }
0xb0: {  	[dreg:$0x4] =	wrdreg $0xAA000  }
0xb1: {  	[dreg:$0x5] =	wrdreg $0x9  }
0xb2: {  	_ =	task.clear_ibuf [dreg:s7], $0x6FFFF;
	_ =	strace $0x90000049  }
0xb3: {  	s29 =	simm.s32 $0x9;
	_ =	strace $0x8000004B  }
0xb4: {  	_ =	swait.ge [sflag:s29], $0x1  }
0xb5: {  	[sflag:s29] =	ssyncadd.s32 $0xFFFFFFFF  }
0xb6: {  	_ =	strace $0x9000004B  }
0xb7: {  	_ =	sfence  }
0xb8: {  	s30 =	sld [smem:$0x0];
	_ =	sdelay $0x2  }
0xb9: {  	s31 =	sshll.u32 s1, $0xD;
	s1 =	sshrl.u32 s1, $0x2  }
0xba: {  	s3 =	sand.u32 $0x4000, s31;
	s1 =	sadd.s32 s1, s30  }
0xbb: {  	s0 =	sor.u32 s3, s0;
	s1 =	sshll.u32 s1, $0x11  }
0xbc: {  	s0 =	sor.u32 s1, s0  }
0xbd: {  	s0 =	sadd.s32 $0x8F2B, s0  }
0xbe: {  	[sflag:s0] =	ssyncadd.remote.s32 $0x1  }
0xbf: {  	_ =	sfence.sel $0xFFFF  }
0xc0: {  	[dreg:$0x0] =	wrdreg $0xFFFFFFFF;
	(pc) =	sbr.abs _section_cstart, $3  }
0xc1: {  	[dreg:$0x1] =	wrdreg $0xFFFFFFFF  }
0xc2: {  	_ =	task.clear_ibuf [dreg:s7], $0x2FFFF;
	_ =	strace $0x9FFFFFFF  }
0xc3: {  	(tm) =	ssettm $0x7FFFFFFF  }
tec
execute0_lowered:
.L_overlay_start_1:
0x0: {  	(tag) =	ssettag $0x1  }
0x1: {  	s5 =	rddreg [dreg:$0x0]  }
0x2: {  	s0 =	srdreg.scid;
	s7 =	rddreg [dreg:$0x1]  }
0x3: {  	s2 =	rddreg [dreg:$0x2];
	s1 =	stileid.u32  }
0x4: {  	s3 =	simm.s32 $0x0;
	s13 =	simm.s32 $0x2800;
	s14 =	simm.s32 $0x2A00  }
0x5: {  	s15 =	simm.s32 $0x1;
	s16 =	simm.s32 $0x2880;
	s17 =	simm.s32 $0x2  }
0x6: {  	s6 =	sand.u32 $0x1, s0;
	s0 =	rddreg [dreg:$0x3];
	s9 =	smul.u32 $0x14000, s1  }
0x7: {  	s18 =	simm.s32 $0x0;
	[smem:$0x7FF] =	sst s3;
	s11 =	smul.u32 $0x50000, s1  }
0x8: {  	s31 =	sshll.u32 s1, $0x6;
	s4 =	sshll.u32 s6, $0x4;
	_ =	strace $0x8000004A  }
0x9: {  	s10 =	ssub.s32 $0x2, s6;
	s6 =	smul.u32 $0x140000, s6;
	s4 =	sor.u32 s1, s4  }
0xa: {  	s28 =	sshrl.u32 s10, $0x1;
	s29 =	sshrl.u32 s11, $0x2;
	s8 =	smul.u32 $0x500, s4  }
0xb: {  	s4 =	sadd.s32 $0x6AE00, s5;
	s6 =	sadd.s32 s9, s6;
	s9 =	sshrl.u32 s9, $0x3  }
0xc: {  	s12 =	sadd.s32 s29, s2;
	s30 =	sshrl.u32 s6, $0x3;
	s6 =	sadd.s32 s4, s9  }
0xd: {  	s9 =	simm.s32 $0x3;
	s11 =	sshrl.u32 s12, $0x3;
	s12 =	simm.s32 $0x80  }
0xe: {  	s5 =	sadd.s32 s8, s5;
	s8 =	ssub.s32 s10, s28;
	s7 =	sadd.s32 s7, s30  }
0xf: {  	s10 =	sor.u32 $0x1C03, s31;
	s5 =	sadd.s32 $0x60E00, s5;
	s8 =	smax.u32 s8, $0x1  }
.LBB2_1:
0x10: {  	[tilespmem:s3], [sflag:$0x3] =	stream.linear.gather [hbm4b:s5+s3], $0x2780, $0x38;
	[tilespmem:$0x1EA00] =	vst v63  }
0x11: {  	_ =	swait.ge [sflag:s9], $0x2780  }
0x12: {  	[sflag:s9] =	ssyncset.done $0x0  }
0x13: {  	[sflag:s9] =	ssyncadd.s32 $0xFFFFD880  }
0x14: {  	[spmem:s11], [sflag:s10] =	dma.local [hbm:s6], $0x2800  }
0x15: {  	_ =	swait.ge [sflag:s9], $0x2800  }
0x16: {  	[sflag:s9] =	ssyncset.done $0x0  }
0x17: {  	[sflag:s9] =	ssyncadd.s32 $0xFFFFD800  }
0x18: {  	v0 =	vld [tilespmem:$0x0];
	_ =	sdelay $0x1  }
0x19: {  	v1 =	vld [tilespmem:$0x10];
	_ =	sdelay $0x1  }
0x1a: {  	v2 =	vld [tilespmem:$0x20]  }
0x1b: {  	v3 =	vshrl.u32 v0, $0x10  }
0x1c: {  	v45 =	vld [tilespmem:$0x30];
	v0 =	vand.u32 $0xFFFF, v0;
	[tilespmem:$0x2800] =	vst v3  }
0x1d: {  	v46 =	vshrl.u32 v1, $0x10;
	[tilespmem:$0x2880] =	vst v0  }
0x1e: {  	v48 =	vld [tilespmem:$0x40];
	v47 =	vand.u32 $0xFFFF, v1;
	[tilespmem:$0x2810] =	vst v46  }
0x1f: {  	v49 =	vshrl.u32 v2, $0x10;
	[tilespmem:$0x2890] =	vst v47  }
0x20: {  	v51 =	vld [tilespmem:$0x50];
	v50 =	vand.u32 $0xFFFF, v2;
	[tilespmem:$0x2820] =	vst v49  }
0x21: {  	v52 =	vshrl.u32 v45, $0x10;
	[tilespmem:$0x28A0] =	vst v50  }
0x22: {  	v54 =	vld [tilespmem:$0x60];
	v53 =	vand.u32 $0xFFFF, v45;
	[tilespmem:$0x2830] =	vst v52  }
0x23: {  	v55 =	vshrl.u32 v48, $0x10;
	[tilespmem:$0x28B0] =	vst v53  }
0x24: {  	v57 =	vld [tilespmem:$0x70];
	v56 =	vand.u32 $0xFFFF, v48;
	[tilespmem:$0x2840] =	vst v55  }
0x25: {  	v58 =	vshrl.u32 v51, $0x10;
	[tilespmem:$0x28C0] =	vst v56  }
0x26: {  	v59 =	vand.u32 $0xFFFF, v51;
	[tilespmem:$0x2850] =	vst v58  }
0x27: {  	v60 =	vshrl.u32 v54, $0x10;
	[tilespmem:$0x28D0] =	vst v59  }
0x28: {  	v61 =	vand.u32 $0xFFFF, v54;
	[tilespmem:$0x2860] =	vst v60  }
0x29: {  	v62 =	vshrl.u32 v57, $0x10;
	[tilespmem:$0x28E0] =	vst v61  }
.Ltmp0:
0x2a: {  	v63 =	vand.u32 $0xFFFF, v57;
	[tilespmem:$0x2870] =	vst v62;
	(pc) =	sbr.rel .LBB2_2-.Ltmp0, $4  }
0x2b: {  	[tilespmem:$0x28F0] =	vst v63  }
0x2c: {  	[tilespmem:s14], [sflag:$0x1] =	stream.indirect.gather [hbm4b:s4+s12], $0x80, s13, s12, $0xb8;
	[tilespmem:$0x1EA00] =	vst v63  }
0x2d: {  	[bflag:$0x0] =	sbarrier.arrive $0xFFFF  }
0x2e: {  	s19 =	simm.s32 $0xF0;
	s20 =	simm.s32 $0x0  }
.LBB2_3:
0x2f: {  	[spmem:s2] =	stream.indirect.scatter.add.f32 [tilespmem:s22], [sflag:$0x2], $0x80, s16, s12, $0xb8;
	[tilespmem:$0x1EA00] =	vst v63  }
.LBB2_5:
0x30: {  	v0 =	vld [tilespmem:s19+$0xFFFFFF90];
	_ =	sdelay $0x3  }
0x31: {  	s21 =	sxor.u32 $0x1, s21  }
0x32: {  	s22 =	sshll.u32 s21, $0x8;
	v1 =	vshrl.u32 v0, $0x10  }
0x33: {  	v0 =	vand.u32 $0xFFFF, v0;
	[tilespmem:s22+$0x2800] =	vst v1  }
0x34: {  	[tilespmem:s22+$0x2880] =	vst v0  }
0x35: {  	v0 =	vld [tilespmem:s19+$0xFFFFFFA0];
	_ =	sdelay $0x4  }
0x36: {  	v57 =	vshrl.u32 v0, $0x10  }
0x37: {  	v0 =	vand.u32 $0xFFFF, v0;
	[tilespmem:s22+$0x2810] =	vst v57  }
0x38: {  	[tilespmem:s22+$0x2890] =	vst v0  }
0x39: {  	v0 =	vld [tilespmem:s19+$0xFFFFFFB0];
	_ =	sdelay $0x4  }
0x3a: {  	v58 =	vshrl.u32 v0, $0x10  }
0x3b: {  	v0 =	vand.u32 $0xFFFF, v0;
	[tilespmem:s22+$0x2820] =	vst v58  }
0x3c: {  	[tilespmem:s22+$0x28A0] =	vst v0  }
0x3d: {  	v0 =	vld [tilespmem:s19+$0xFFFFFFC0];
	_ =	sdelay $0x4  }
0x3e: {  	v59 =	vshrl.u32 v0, $0x10  }
0x3f: {  	v0 =	vand.u32 $0xFFFF, v0;
	[tilespmem:s22+$0x2830] =	vst v59  }
0x40: {  	[tilespmem:s22+$0x28B0] =	vst v0  }
0x41: {  	v0 =	vld [tilespmem:s19+$0xFFFFFFD0];
	_ =	sdelay $0x4  }
0x42: {  	v60 =	vshrl.u32 v0, $0x10  }
0x43: {  	v0 =	vand.u32 $0xFFFF, v0;
	[tilespmem:s22+$0x2840] =	vst v60  }
0x44: {  	[tilespmem:s22+$0x28C0] =	vst v0  }
0x45: {  	v0 =	vld [tilespmem:s19+$0xFFFFFFE0];
	_ =	sdelay $0x4  }
0x46: {  	v61 =	vshrl.u32 v0, $0x10  }
0x47: {  	v0 =	vand.u32 $0xFFFF, v0;
	[tilespmem:s22+$0x2850] =	vst v61  }
0x48: {  	[tilespmem:s22+$0x28D0] =	vst v0  }
0x49: {  	v0 =	vld [tilespmem:s19+$0xFFFFFFF0];
	_ =	sdelay $0x4  }
0x4a: {  	v62 =	vshrl.u32 v0, $0x10  }
0x4b: {  	v0 =	vand.u32 $0xFFFF, v0;
	[tilespmem:s22+$0x2860] =	vst v62  }
0x4c: {  	[tilespmem:s22+$0x28E0] =	vst v0  }
0x4d: {  	v0 =	vld [tilespmem:s19+$0x0];
	_ =	sdelay $0x4  }
0x4e: {  	v63 =	vshrl.u32 v0, $0x10  }
0x4f: {  	s20 =	sadd.s32 $0x1, s20;
	s21 =	sshll.u32 s21, $0xE;
	v0 =	vand.u32 $0xFFFF, v0;
	[tilespmem:s22+$0x2870] =	vst v63  }
0x50: {  	s23 =	sor.u32 $0x2800, s22;
	s21 =	sor.u32 $0x2A00, s21;
	s19 =	sadd.s32 $0x80, s19;
	[tilespmem:s22+$0x28F0] =	vst v0  }
0x51: {  	[tilespmem:s21], [sflag:$0x1] =	stream.indirect.gather [hbm4b:s4+s12], $0x80, s23, s12, $0xb8;
	[tilespmem:$0x1EA00] =	vst v63  }
.LBB2_2:
0x52: {  	p0 =	sne.s32 s20, $0x0  }
.Ltmp1:
0x53: {  	_ = 	snop;
	(pc) =	sbr.rel @!p0 .LBB2_3-.Ltmp1, $4  }
0x54: {  	_ = 	snop  }
0x55: {  	s21 =	sand.u32 $0x1, s20;
	_ =	swait.ge [sflag:s15], $0x4000  }
0x56: {  	s22 =	sshll.u32 s21, $0xE;
	[sflag:s15] =	ssyncset.done $0x0  }
0x57: {  	s22 =	sor.u32 $0x2A00, s22;
	[sflag:s15] =	ssyncadd.s32 $0xFFFFC000  }
0x58: {  	p0 =	seq.s32 s20, $0x4E  }
.Ltmp2:
0x59: {  	_ = 	snop;
	(pc) =	sbr.rel @!p0 .LBB2_5-.Ltmp2, $4  }
0x5a: {  	_ =	swait.ge [sflag:s17], $0x4000  }
0x5b: {  	s23 =	sshll.u32 s21, $0x8;
	[sflag:s17] =	ssyncset.done $0x0  }
0x5c: {  	s23 =	sor.u32 $0x2880, s23;
	[sflag:s17] =	ssyncadd.s32 $0xFFFFC000  }
0x5d: {  	[spmem:s2] =	stream.indirect.scatter.add.f32 [tilespmem:s22], [sflag:$0x2], $0x80, s23, s12, $0xb8;
	[tilespmem:$0x1EA00] =	vst v63  }
0x5e: {  	_ =	swait.ge [sflag:s17], $0x4000  }
0x5f: {  	s18 =	sadd.s32 $0x1, s18;
	[sflag:s17] =	ssyncset.done $0x0  }
0x60: {  	p0 =	sne.s32 s18, s8;
	[sflag:s17] =	ssyncadd.s32 $0xFFFFC000  }
.Ltmp3:
0x61: {  	[bflag:$0x0] =	sbarrier.arrive $0xFFFF;
	(pc) =	sbr.rel @p0 .LBB2_1-.Ltmp3, $4  }
0x62: {  	[hbm:s7], [sflag:s10] =	dma.local [spmem:s11], $0x2800  }
0x63: {  	_ =	swait.ge [sflag:s9], $0x2800  }
0x64: {  	[sflag:s9] =	ssyncset.done $0x0  }
0x65: {  	[sflag:s9] =	ssyncadd.s32 $0xFFFFD800  }
0x66: {  	_ =	sfence.sel $0x180000  }
0x67: {  	[bflag:$0x0] =	sbarrier.arrive $0xFFFF  }
0x68: {  	p0 =	sne.s32 s1, $0x0;
	_ =	strace $0x9000004A  }
0x69: {  	s0 =	sadd.s32 @!p0 $0x100000, s0;
	[bflag:$0x2] =	sbarrier.arrive $0xFFFF  }
0x6a: {  	[sflag:s0] =	ssyncadd.tile.s32 @!p0 $0x1;
	_ =	shalt  }
.Lfunc_end2:
_tile_overlayer_lowered:
.L_overlay_start_2:
0x6b: {  	(tag) =	ssettag $0x2  }
0x6c: {  	s0 =	rddreg [dreg:$0x0];
	s2 =	stileid.u32  }
0x6d: {  	s1 =	rddreg [dreg:$0x1];
	p0 =	sne.s32 s2, $0x0  }
0x6e: {  	s3 =	rddreg [dreg:$0x2];
	[bflag:$0x3] =	sbarrier.arrive $0xFFFF;
	s2 =	simm.s32 @!p0 $0x1C03  }
0x6f: {  	[timem:s3], [sflag:s2] =	dma.local @!p0 [hbm:s0], s1  }
0x70: {  	s0 =	simm.s32 @!p0 $0x3  }
0x71: {  	_ =	swait.ge @!p0 [sflag:s0], s1  }
0x72: {  	s1 =	ssub.s32 @!p0 $0x0, s1;
	[sflag:s0] =	ssyncset.done @!p0 $0x0  }
0x73: {  	[sflag:s0] =	ssyncadd.s32 @!p0 s1  }
0x74: {  	[bflag:$0x3] =	sbarrier.arrive $0xFFFF  }
0x75: {  	_ =	shalt  }

// kernel: kernel.23.cloned.1.call-start
scs
__scs_entry_jumppad:
0x0: {  	(pc) =	sbr.rel $0x88, $3  }
0x1: {  	(tag) =	ssettag $0x0;
	lr =	simm.s32 $0x1  }
0x2: {  	[smem:$0x3F95] =	sst lr;
	_ =	strace $0xD0000000  }
0x3: {  	_ = 	snop  }
0x4: {  	_ = 	snop  }
0x5: {  	_ = 	snop  }
0x6: {  	_ = 	snop  }
0x7: {  	_ = 	snop  }
__scs_overlays_trampoline_lowered:
0x8: {  	[smem:$0x3FA4] =	sst s0  }
0x9: {  	[smem:$0x3FA5] =	sst s1  }
0xa: {  	[smem:$0x3FA6] =	sst s2  }
0xb: {  	[smem:$0x3FA7] =	sst s3  }
0xc: {  	[smem:$0x3FA8] =	sst s4  }
0xd: {  	[smem:$0x3FA9] =	sst s5  }
0xe: {  	[smem:$0x3FAA] =	sst s6  }
0xf: {  	[smem:$0x3FAB] =	sst s7  }
0x10: {  	[smem:$0x3FAC] =	sst s8  }
0x11: {  	[smem:$0x3FAD] =	sst s9;
	s0 =	simm.s32 @!p0 $0x0  }
0x12: {  	s1 =	sld [smem:$0x3F93];
	s0 =	simm.s32 @p0 $0x1  }
0x13: {  	[smem:$0x3FAE] =	sst s0;
	s0 =	simm.s32 @!p1 $0x0  }
0x14: {  	s2 =	sld [smem:$0x3F92];
	s0 =	simm.s32 @p1 $0x1  }
0x15: {  	[smem:$0x3FAF] =	sst s0;
	s0 =	simm.s32 @!p2 $0x0  }
0x16: {  	s3 =	sld [smem:$0x3FDB];
	s0 =	simm.s32 @p2 $0x1  }
0x17: {  	s4 =	simm.s32 $0x1BF5;
	[smem:$0x3FB1] =	sst s0  }
0x18: {  	s0 =	sld [smem:$0x3F94];
	_ =	swait.ge [sflag:s4], $0x0  }
0x19: {  	s7 =	sld [smem:$0x3F95]  }
0x1a: {  	s8 =	sadd.s32 $0xFFFFE003, lr  }
0x1b: {  	s9 =	sadd.s32 $0xFFFFFEF7, lr;
	s5 =	simm.s32 $0xFFFFFFFF;
	p2 =	slt.u32 s8, $0xFFFFF086  }
0x1c: {  	p1 =	slt.u32 s9, $0xF7A;
	s5 =	simm.s32 @!p2 $0x0  }
0x1d: {  	s5 =	simm.s32 @p1 $0x1;
	p0 =	seq.s32 s7, s2  }
0x1e: {  	s7 =	smul.u32 @!p0 $0xF7A, s2;
	p2 =	seq.s32 @!p0 s5, $0x0  }
0x1f: {  	s9 =	smul.u32 $0xF7A, s1;
	s8 =	simm.s32 @!p0 $0x1BF5;
	p2 =	por !p2, p0  }
0x20: {  	[sflag:s8] =	ssyncset.s32 @!p0 $0xFFFFF086;
	s6 =	sadd.s32 @!p0 s3, s7;
	s7 =	simm.s32 @!p0 $0x108  }
0x21: {  	s3 =	sadd.s32 s3, s9;
	s6 =	sadd.s32 @!p0 $0x88, s6;
	s7 =	simm.s32 @p2 $0x1082  }
0x22: {  	[simem:s7], [sflag:s8] =	dma.local @!p0 [hbm:s6], $0xF7A  }
0x23: {  	s9 =	sor.u32 $0xD0000000, s2;
	s6 =	simm.s32 $0x108;
	_ =	swait.ge @!p0 [sflag:s8], $0x0  }
0x24: {  	s3 =	sadd.s32 $0x88, s3;
	s6 =	simm.s32 @!p1 $0x1082;
	[sflag:s4] =	ssyncset.s32 $0xFFFFF086  }
0x25: {  	[simem:s6], [sflag:s4] =	dma.local [hbm:s3], $0xF7A  }
0x26: {  	[smem:$0x3F95] =	sst s1;
	(tag) =	ssettag s2;
	_ =	strace s9  }
0x27: {  	s1 =	sld [smem:$0x3FA5]  }
0x28: {  	s2 =	sld [smem:$0x3FA6]  }
0x29: {  	s4 =	sld [smem:$0x3FA8]  }
0x2a: {  	p0 =	seq.s32 s5, $0x0;
	s5 =	sld [smem:$0x3FA9]  }
0x2b: {  	s6 =	sld [smem:$0x3FAA]  }
0x2c: {  	s7 =	sld [smem:$0x3FAB]  }
0x2d: {  	s3 =	simm.s32 $0x108;
	s8 =	sld [smem:$0x3FAC]  }
0x2e: {  	s3 =	simm.s32 @!p0 $0x1082;
	s9 =	sld [smem:$0x3FAD]  }
0x2f: {  	lr =	sadd.s32 s0, s3;
	s0 =	sld [smem:$0x3FA4]  }
0x30: {  	s3 =	sld [smem:$0x3FA7]  }
0x31: {  	[smem:$0x3FB0] =	sst s10  }
0x32: {  	s10 =	sld [smem:$0x3FAE];
	_ =	sdelay $0x3  }
0x33: {  	p0 =	seq.s32 s10, $0x1;
	s10 =	sld [smem:$0x3FB0];
	_ =	sdelay $0x3  }
0x34: {  	[smem:$0x3FB0] =	sst s10  }
0x35: {  	s10 =	sld [smem:$0x3FAF];
	_ =	sdelay $0x3  }
0x36: {  	p1 =	seq.s32 s10, $0x1;
	s10 =	sld [smem:$0x3FB0];
	_ =	sdelay $0x3  }
0x37: {  	[smem:$0x3FB0] =	sst s10  }
0x38: {  	s10 =	sld [smem:$0x3FB1]  }
0x39: {  	_ = 	snop;
	(pc) =	sbr.ind lr, $3  }
0x3a: {  	_ = 	snop  }
0x3b: {  	_ = 	snop  }
0x3c: {  	p2 =	seq.s32 s10, $0x1;
	s10 =	sld [smem:$0x3FB0]  }
0x3d: {  	_ =	shalt  }
0x3e: {  	_ =	shalt  }
0x3f: {  	_ =	shalt  }
0x40: {  	_ =	shalt  }
0x41: {  	_ =	shalt  }
0x42: {  	_ =	shalt  }
0x43: {  	_ =	shalt  }
0x44: {  	_ =	shalt  }
0x45: {  	_ =	shalt  }
0x46: {  	_ =	shalt  }
0x47: {  	_ =	shalt  }
0x48: {  	_ =	shalt  }
0x49: {  	_ =	shalt  }
0x4a: {  	_ =	shalt  }
0x4b: {  	_ =	shalt  }
0x4c: {  	_ =	shalt  }
0x4d: {  	_ =	shalt  }
0x4e: {  	_ =	shalt  }
0x4f: {  	_ =	shalt  }
0x50: {  	_ =	shalt  }
0x51: {  	_ =	shalt  }
0x52: {  	_ =	shalt  }
0x53: {  	_ =	shalt  }
0x54: {  	_ =	shalt  }
0x55: {  	_ =	shalt  }
0x56: {  	_ =	shalt  }
0x57: {  	_ =	shalt  }
0x58: {  	_ =	shalt  }
0x59: {  	_ =	shalt  }
0x5a: {  	_ =	shalt  }
0x5b: {  	_ =	shalt  }
0x5c: {  	_ =	shalt  }
0x5d: {  	_ =	shalt  }
0x5e: {  	_ =	shalt  }
0x5f: {  	_ =	shalt  }
0x60: {  	_ =	shalt  }
0x61: {  	_ =	shalt  }
0x62: {  	_ =	shalt  }
0x63: {  	_ =	shalt  }
0x64: {  	_ =	shalt  }
0x65: {  	_ =	shalt  }
0x66: {  	_ =	shalt  }
0x67: {  	_ =	shalt  }
0x68: {  	_ =	shalt  }
0x69: {  	_ =	shalt  }
0x6a: {  	_ =	shalt  }
0x6b: {  	_ =	shalt  }
0x6c: {  	_ =	shalt  }
0x6d: {  	_ =	shalt  }
0x6e: {  	_ =	shalt  }
0x6f: {  	_ =	shalt  }
0x70: {  	_ =	shalt  }
0x71: {  	_ =	shalt  }
0x72: {  	_ =	shalt  }
0x73: {  	_ =	shalt  }
0x74: {  	_ =	shalt  }
0x75: {  	_ =	shalt  }
0x76: {  	_ =	shalt  }
0x77: {  	_ =	shalt  }
0x78: {  	_ =	shalt  }
0x79: {  	_ =	shalt  }
0x7a: {  	_ =	shalt  }
0x7b: {  	_ =	shalt  }
0x7c: {  	_ =	shalt  }
0x7d: {  	_ =	shalt  }
0x7e: {  	_ =	shalt  }
0x7f: {  	_ =	shalt  }
0x80: {  	_ =	shalt  }
0x81: {  	_ =	shalt  }
0x82: {  	_ =	shalt  }
0x83: {  	_ =	shalt  }
0x84: {  	_ =	shalt  }
0x85: {  	_ =	shalt  }
0x86: {  	_ =	shalt  }
0x87: {  	_ =	shalt  }
.Lfunc_end0:
.L_simem_size_0:
called_computation.2_lowered:
.L_overlay_start_0:
0x88: {  	s2 =	sld [smem:$0x3FD9]  }
0x89: {  	s3 =	sld [smem:$0x3FFE];
	_ =	sdelay $0x1  }
0x8a: {  	s1 =	srdreg.scid  }
0x8b: {  	s0 =	sand.u32 $0x1, s1  }
0x8c: {  	s17 =	sshll.u32 s0, $0xA;
	s2 =	sadd.s32 s3, s2  }
0x8d: {  	s2 =	sadd.s32 s2, s17  }
0x8e: {  	[smem:$0x3FBC] =	sst s2  }
0x8f: {  	_ = 	snop  }
0x90: {  	s2 =	sld [smem:$0x3FD0];
	(tm) =	ssettm $0x1  }
0x91: {  	s18 =	sld [smem:$0x3FFB];
	_ =	sdelay $0x3  }
0x92: {  	_ =	strace s18  }
0x93: {  	s3 =	sld [smem:$0x3FFC];
	_ =	sdelay $0x3  }
0x94: {  	_ =	strace s3  }
0x95: {  	s3 =	sld [smem:$0x3FFD];
	_ =	sdelay $0x3  }
0x96: {  	_ =	strace s3  }
0x97: {  	_ =	strace $0x8FFFFFFF  }
0x98: {  	s19 =	sld [smem:$0x3FDB];
	_ =	sdelay $0x1  }
0x99: {  	s4 =	simm.s32 $_scs_section_size  }
0x9a: {  	s5 =	simm.s32 $_size__tile_overlayer_lowered;
	s6 =	simm.s32 $_tile_overlayer_lowered  }
0x9b: {  	s22 =	simm.s32 $0x1BFF;
	s21 =	sshll.u32 s6, $0x1;
	s3 =	sadd.s32 s4, s19  }
0x9c: {  	s7 =	simm.s32 $0x0;
	s20 =	sshll.u32 s5, $0x1;
	s5 =	sadd.s32 s21, s3  }
0x9d: {  	[timem:s7], [sflag:s22] =	dma.local [hbm:s5], s20  }
0x9e: {  	_ =	swait.ge [sflag:s22], s20  }
0x9f: {  	s4 =	ssub.s32 $0x0, s20;
	[sflag:s22] =	ssyncset.done $0x0  }
0xa0: {  	[sflag:s22] =	ssyncadd.s32 s4;
	_ =	sdelay $0x1  }
0xa1: {  	s23 =	simm.s32 $0x1B8B  }
0xa2: {  	_ =	swait.ge [sflag:s23], $0x1  }
0xa3: {  	[sflag:s23] =	ssyncset.done $0x0  }
0xa4: {  	s25 =	simm.s32 $0x1B8E;
	s24 =	sld [smem:$0x3FFE];
	[sflag:s23] =	ssyncadd.s32 $0xFFFFFFFF  }
0xa5: {  	s26 =	simm.s32 $execute0_lowered;
	[smem:$0x3FD2] =	sst s25  }
0xa6: {  	s5 =	sshll.u32 s26, $0x1;
	_ =	strace $0x8000004C;
	[dreg:$0x1] =	wrdreg $0xFFFFFFFF  }
0xa7: {  	s28 =	simm.s32 $_size_execute0_lowered;
	s3 =	sadd.s32 s3, s5;
	[dreg:$0x0] =	wrdreg $0x0  }
0xa8: {  	s5 =	sshll.u32 s28, $0x1;
	[dreg:$0x2] =	wrdreg s3  }
0xa9: {  	[dreg:$0x3] =	wrdreg s5  }
0xaa: {  	[dreg:$0x4] =	wrdreg $0xC0  }
0xab: {  	_ =	task [dreg:s7], $0x5FFFF  }
0xac: {  	[dreg:$0x1] =	wrdreg $0xFFFFFFFF  }
0xad: {  	[dreg:$0x0] =	wrdreg $0x60  }
0xae: {  	[dreg:$0x2] =	wrdreg s24  }
0xaf: {  	[dreg:$0x3] =	wrdreg s2  }
0xb0: {  	[dreg:$0x4] =	wrdreg $0xAA000  }
0xb1: {  	[dreg:$0x5] =	wrdreg $0x9  }
0xb2: {  	_ =	task.clear_ibuf [dreg:s7], $0x6FFFF;
	_ =	strace $0x9000004C  }
0xb3: {  	s29 =	simm.s32 $0x9;
	_ =	strace $0x8000004E  }
0xb4: {  	_ =	swait.ge [sflag:s29], $0x1  }
0xb5: {  	[sflag:s29] =	ssyncadd.s32 $0xFFFFFFFF  }
0xb6: {  	_ =	strace $0x9000004E  }
0xb7: {  	_ =	sfence  }
0xb8: {  	s30 =	sld [smem:$0x0];
	_ =	sdelay $0x2  }
0xb9: {  	s31 =	sshll.u32 s1, $0xD;
	s1 =	sshrl.u32 s1, $0x2  }
0xba: {  	s3 =	sand.u32 $0x4000, s31;
	s1 =	sadd.s32 s1, s30  }
0xbb: {  	s0 =	sor.u32 s3, s0;
	s1 =	sshll.u32 s1, $0x11  }
0xbc: {  	s0 =	sor.u32 s1, s0  }
0xbd: {  	s0 =	sadd.s32 $0x8F2B, s0  }
0xbe: {  	[sflag:s0] =	ssyncadd.remote.s32 $0x1  }
0xbf: {  	_ =	sfence.sel $0xFFFF  }
0xc0: {  	[dreg:$0x0] =	wrdreg $0xFFFFFFFF;
	(pc) =	sbr.abs _section_cstart, $3  }
0xc1: {  	[dreg:$0x1] =	wrdreg $0xFFFFFFFF  }
0xc2: {  	_ =	task.clear_ibuf [dreg:s7], $0x2FFFF;
	_ =	strace $0x9FFFFFFF  }
0xc3: {  	(tm) =	ssettm $0x7FFFFFFF  }
tec
execute0_lowered:
.L_overlay_start_1:
0x0: {  	(tag) =	ssettag $0x1  }
0x1: {  	s5 =	rddreg [dreg:$0x0]  }
0x2: {  	s0 =	srdreg.scid;
	s7 =	rddreg [dreg:$0x1]  }
0x3: {  	s2 =	rddreg [dreg:$0x2];
	s1 =	stileid.u32  }
0x4: {  	s3 =	simm.s32 $0x0;
	s13 =	simm.s32 $0x2800;
	s14 =	simm.s32 $0x2A00  }
0x5: {  	s15 =	simm.s32 $0x1;
	s16 =	simm.s32 $0x2880;
	s17 =	simm.s32 $0x2  }
0x6: {  	s6 =	sand.u32 $0x1, s0;
	s0 =	rddreg [dreg:$0x3];
	s9 =	smul.u32 $0x14000, s1  }
0x7: {  	s18 =	simm.s32 $0x0;
	[smem:$0x7FF] =	sst s3;
	s11 =	smul.u32 $0x50000, s1  }
0x8: {  	s31 =	sshll.u32 s1, $0x6;
	s4 =	sshll.u32 s6, $0x4;
	_ =	strace $0x8000004D  }
0x9: {  	s10 =	ssub.s32 $0x2, s6;
	s6 =	smul.u32 $0x140000, s6;
	s4 =	sor.u32 s1, s4  }
0xa: {  	s28 =	sshrl.u32 s10, $0x1;
	s29 =	sshrl.u32 s11, $0x2;
	s8 =	smul.u32 $0x500, s4  }
0xb: {  	s4 =	sadd.s32 $0x6E00, s5;
	s6 =	sadd.s32 s9, s6;
	s9 =	sshrl.u32 s9, $0x3  }
0xc: {  	s12 =	sadd.s32 s29, s2;
	s30 =	sshrl.u32 s6, $0x3;
	s6 =	sadd.s32 s4, s9  }
0xd: {  	s9 =	simm.s32 $0x3;
	s11 =	sshrl.u32 s12, $0x3;
	s12 =	simm.s32 $0x80  }
0xe: {  	s5 =	sadd.s32 s8, s5;
	s8 =	ssub.s32 s10, s28;
	s7 =	sadd.s32 s7, s30  }
0xf: {  	s10 =	sor.u32 $0x1C03, s31;
	s5 =	sadd.s32 $0x60E00, s5;
	s8 =	smax.u32 s8, $0x1  }
.LBB2_1:
0x10: {  	[tilespmem:s3], [sflag:$0x3] =	stream.linear.gather [hbm4b:s5+s3], $0x2780, $0x38;
	[tilespmem:$0x1EA00] =	vst v63  }
0x11: {  	_ =	swait.ge [sflag:s9], $0x2780  }
0x12: {  	[sflag:s9] =	ssyncset.done $0x0  }
0x13: {  	[sflag:s9] =	ssyncadd.s32 $0xFFFFD880  }
0x14: {  	[spmem:s11], [sflag:s10] =	dma.local [hbm:s6], $0x2800  }
0x15: {  	_ =	swait.ge [sflag:s9], $0x2800  }
0x16: {  	[sflag:s9] =	ssyncset.done $0x0  }
0x17: {  	[sflag:s9] =	ssyncadd.s32 $0xFFFFD800  }
0x18: {  	v0 =	vld [tilespmem:$0x0];
	_ =	sdelay $0x1  }
0x19: {  	v1 =	vld [tilespmem:$0x10];
	_ =	sdelay $0x1  }
0x1a: {  	v2 =	vld [tilespmem:$0x20]  }
0x1b: {  	v3 =	vshrl.u32 v0, $0x10  }
0x1c: {  	v45 =	vld [tilespmem:$0x30];
	v0 =	vand.u32 $0xFFFF, v0;
	[tilespmem:$0x2800] =	vst v3  }
0x1d: {  	v46 =	vshrl.u32 v1, $0x10;
	[tilespmem:$0x2880] =	vst v0  }
0x1e: {  	v48 =	vld [tilespmem:$0x40];
	v47 =	vand.u32 $0xFFFF, v1;
	[tilespmem:$0x2810] =	vst v46  }
0x1f: {  	v49 =	vshrl.u32 v2, $0x10;
	[tilespmem:$0x2890] =	vst v47  }
0x20: {  	v51 =	vld [tilespmem:$0x50];
	v50 =	vand.u32 $0xFFFF, v2;
	[tilespmem:$0x2820] =	vst v49  }
0x21: {  	v52 =	vshrl.u32 v45, $0x10;
	[tilespmem:$0x28A0] =	vst v50  }
0x22: {  	v54 =	vld [tilespmem:$0x60];
	v53 =	vand.u32 $0xFFFF, v45;
	[tilespmem:$0x2830] =	vst v52  }
0x23: {  	v55 =	vshrl.u32 v48, $0x10;
	[tilespmem:$0x28B0] =	vst v53  }
0x24: {  	v57 =	vld [tilespmem:$0x70];
	v56 =	vand.u32 $0xFFFF, v48;
	[tilespmem:$0x2840] =	vst v55  }
0x25: {  	v58 =	vshrl.u32 v51, $0x10;
	[tilespmem:$0x28C0] =	vst v56  }
0x26: {  	v59 =	vand.u32 $0xFFFF, v51;
	[tilespmem:$0x2850] =	vst v58  }
0x27: {  	v60 =	vshrl.u32 v54, $0x10;
	[tilespmem:$0x28D0] =	vst v59  }
0x28: {  	v61 =	vand.u32 $0xFFFF, v54;
	[tilespmem:$0x2860] =	vst v60  }
0x29: {  	v62 =	vshrl.u32 v57, $0x10;
	[tilespmem:$0x28E0] =	vst v61  }
.Ltmp0:
0x2a: {  	v63 =	vand.u32 $0xFFFF, v57;
	[tilespmem:$0x2870] =	vst v62;
	(pc) =	sbr.rel .LBB2_2-.Ltmp0, $4  }
0x2b: {  	[tilespmem:$0x28F0] =	vst v63  }
0x2c: {  	[tilespmem:s14], [sflag:$0x1] =	stream.indirect.gather [hbm4b:s4+s12], $0x80, s13, s12, $0xb8;
	[tilespmem:$0x1EA00] =	vst v63  }
0x2d: {  	[bflag:$0x0] =	sbarrier.arrive $0xFFFF  }
0x2e: {  	s19 =	simm.s32 $0xF0;
	s20 =	simm.s32 $0x0  }
.LBB2_3:
0x2f: {  	[spmem:s2] =	stream.indirect.scatter.add.f32 [tilespmem:s22], [sflag:$0x2], $0x80, s16, s12, $0xb8;
	[tilespmem:$0x1EA00] =	vst v63  }
.LBB2_5:
0x30: {  	v0 =	vld [tilespmem:s19+$0xFFFFFF90];
	_ =	sdelay $0x3  }
0x31: {  	s21 =	sxor.u32 $0x1, s21  }
0x32: {  	s22 =	sshll.u32 s21, $0x8;
	v1 =	vshrl.u32 v0, $0x10  }
0x33: {  	v0 =	vand.u32 $0xFFFF, v0;
	[tilespmem:s22+$0x2800] =	vst v1  }
0x34: {  	[tilespmem:s22+$0x2880] =	vst v0  }
0x35: {  	v0 =	vld [tilespmem:s19+$0xFFFFFFA0];
	_ =	sdelay $0x4  }
0x36: {  	v57 =	vshrl.u32 v0, $0x10  }
0x37: {  	v0 =	vand.u32 $0xFFFF, v0;
	[tilespmem:s22+$0x2810] =	vst v57  }
0x38: {  	[tilespmem:s22+$0x2890] =	vst v0  }
0x39: {  	v0 =	vld [tilespmem:s19+$0xFFFFFFB0];
	_ =	sdelay $0x4  }
0x3a: {  	v58 =	vshrl.u32 v0, $0x10  }
0x3b: {  	v0 =	vand.u32 $0xFFFF, v0;
	[tilespmem:s22+$0x2820] =	vst v58  }
0x3c: {  	[tilespmem:s22+$0x28A0] =	vst v0  }
0x3d: {  	v0 =	vld [tilespmem:s19+$0xFFFFFFC0];
	_ =	sdelay $0x4  }
0x3e: {  	v59 =	vshrl.u32 v0, $0x10  }
0x3f: {  	v0 =	vand.u32 $0xFFFF, v0;
	[tilespmem:s22+$0x2830] =	vst v59  }
0x40: {  	[tilespmem:s22+$0x28B0] =	vst v0  }
0x41: {  	v0 =	vld [tilespmem:s19+$0xFFFFFFD0];
	_ =	sdelay $0x4  }
0x42: {  	v60 =	vshrl.u32 v0, $0x10  }
0x43: {  	v0 =	vand.u32 $0xFFFF, v0;
	[tilespmem:s22+$0x2840] =	vst v60  }
0x44: {  	[tilespmem:s22+$0x28C0] =	vst v0  }
0x45: {  	v0 =	vld [tilespmem:s19+$0xFFFFFFE0];
	_ =	sdelay $0x4  }
0x46: {  	v61 =	vshrl.u32 v0, $0x10  }
0x47: {  	v0 =	vand.u32 $0xFFFF, v0;
	[tilespmem:s22+$0x2850] =	vst v61  }
0x48: {  	[tilespmem:s22+$0x28D0] =	vst v0  }
0x49: {  	v0 =	vld [tilespmem:s19+$0xFFFFFFF0];
	_ =	sdelay $0x4  }
0x4a: {  	v62 =	vshrl.u32 v0, $0x10  }
0x4b: {  	v0 =	vand.u32 $0xFFFF, v0;
	[tilespmem:s22+$0x2860] =	vst v62  }
0x4c: {  	[tilespmem:s22+$0x28E0] =	vst v0  }
0x4d: {  	v0 =	vld [tilespmem:s19+$0x0];
	_ =	sdelay $0x4  }
0x4e: {  	v63 =	vshrl.u32 v0, $0x10  }
0x4f: {  	s20 =	sadd.s32 $0x1, s20;
	s21 =	sshll.u32 s21, $0xE;
	v0 =	vand.u32 $0xFFFF, v0;
	[tilespmem:s22+$0x2870] =	vst v63  }
0x50: {  	s23 =	sor.u32 $0x2800, s22;
	s21 =	sor.u32 $0x2A00, s21;
	s19 =	sadd.s32 $0x80, s19;
	[tilespmem:s22+$0x28F0] =	vst v0  }
0x51: {  	[tilespmem:s21], [sflag:$0x1] =	stream.indirect.gather [hbm4b:s4+s12], $0x80, s23, s12, $0xb8;
	[tilespmem:$0x1EA00] =	vst v63  }
.LBB2_2:
0x52: {  	p0 =	sne.s32 s20, $0x0  }
.Ltmp1:
0x53: {  	_ = 	snop;
	(pc) =	sbr.rel @!p0 .LBB2_3-.Ltmp1, $4  }
0x54: {  	_ = 	snop  }
0x55: {  	s21 =	sand.u32 $0x1, s20;
	_ =	swait.ge [sflag:s15], $0x4000  }
0x56: {  	s22 =	sshll.u32 s21, $0xE;
	[sflag:s15] =	ssyncset.done $0x0  }
0x57: {  	s22 =	sor.u32 $0x2A00, s22;
	[sflag:s15] =	ssyncadd.s32 $0xFFFFC000  }
0x58: {  	p0 =	seq.s32 s20, $0x4E  }
.Ltmp2:
0x59: {  	_ = 	snop;
	(pc) =	sbr.rel @!p0 .LBB2_5-.Ltmp2, $4  }
0x5a: {  	_ =	swait.ge [sflag:s17], $0x4000  }
0x5b: {  	s23 =	sshll.u32 s21, $0x8;
	[sflag:s17] =	ssyncset.done $0x0  }
0x5c: {  	s23 =	sor.u32 $0x2880, s23;
	[sflag:s17] =	ssyncadd.s32 $0xFFFFC000  }
0x5d: {  	[spmem:s2] =	stream.indirect.scatter.add.f32 [tilespmem:s22], [sflag:$0x2], $0x80, s23, s12, $0xb8;
	[tilespmem:$0x1EA00] =	vst v63  }
0x5e: {  	_ =	swait.ge [sflag:s17], $0x4000  }
0x5f: {  	s18 =	sadd.s32 $0x1, s18;
	[sflag:s17] =	ssyncset.done $0x0  }
0x60: {  	p0 =	sne.s32 s18, s8;
	[sflag:s17] =	ssyncadd.s32 $0xFFFFC000  }
.Ltmp3:
0x61: {  	[bflag:$0x0] =	sbarrier.arrive $0xFFFF;
	(pc) =	sbr.rel @p0 .LBB2_1-.Ltmp3, $4  }
0x62: {  	[hbm:s7], [sflag:s10] =	dma.local [spmem:s11], $0x2800  }
0x63: {  	_ =	swait.ge [sflag:s9], $0x2800  }
0x64: {  	[sflag:s9] =	ssyncset.done $0x0  }
0x65: {  	[sflag:s9] =	ssyncadd.s32 $0xFFFFD800  }
0x66: {  	_ =	sfence.sel $0x180000  }
0x67: {  	[bflag:$0x0] =	sbarrier.arrive $0xFFFF  }
0x68: {  	p0 =	sne.s32 s1, $0x0;
	_ =	strace $0x9000004D  }
0x69: {  	s0 =	sadd.s32 @!p0 $0x100000, s0;
	[bflag:$0x2] =	sbarrier.arrive $0xFFFF  }
0x6a: {  	[sflag:s0] =	ssyncadd.tile.s32 @!p0 $0x1;
	_ =	shalt  }
.Lfunc_end2:
_tile_overlayer_lowered:
.L_overlay_start_2:
0x6b: {  	(tag) =	ssettag $0x2  }
0x6c: {  	s0 =	rddreg [dreg:$0x0];
	s2 =	stileid.u32  }
0x6d: {  	s1 =	rddreg [dreg:$0x1];
	p0 =	sne.s32 s2, $0x0  }
0x6e: {  	s3 =	rddreg [dreg:$0x2];
	[bflag:$0x3] =	sbarrier.arrive $0xFFFF;
	s2 =	simm.s32 @!p0 $0x1C03  }
0x6f: {  	[timem:s3], [sflag:s2] =	dma.local @!p0 [hbm:s0], s1  }
0x70: {  	s0 =	simm.s32 @!p0 $0x3  }
0x71: {  	_ =	swait.ge @!p0 [sflag:s0], s1  }
0x72: {  	s1 =	ssub.s32 @!p0 $0x0, s1;
	[sflag:s0] =	ssyncset.done @!p0 $0x0  }
0x73: {  	[sflag:s0] =	ssyncadd.s32 @!p0 s1  }
0x74: {  	[bflag:$0x3] =	sbarrier.arrive $0xFFFF  }
0x75: {  	_ =	shalt  }

// kernel: kernel.26.cloned.1.call-start
scs
__scs_entry_jumppad:
0x0: {  	(pc) =	sbr.rel $0x88, $3  }
0x1: {  	(tag) =	ssettag $0x0;
	lr =	simm.s32 $0x1  }
0x2: {  	[smem:$0x3F95] =	sst lr;
	_ =	strace $0xD0000000  }
0x3: {  	_ = 	snop  }
0x4: {  	_ = 	snop  }
0x5: {  	_ = 	snop  }
0x6: {  	_ = 	snop  }
0x7: {  	_ = 	snop  }
__scs_overlays_trampoline_lowered:
0x8: {  	[smem:$0x3FA4] =	sst s0  }
0x9: {  	[smem:$0x3FA5] =	sst s1  }
0xa: {  	[smem:$0x3FA6] =	sst s2  }
0xb: {  	[smem:$0x3FA7] =	sst s3  }
0xc: {  	[smem:$0x3FA8] =	sst s4  }
0xd: {  	[smem:$0x3FA9] =	sst s5  }
0xe: {  	[smem:$0x3FAA] =	sst s6  }
0xf: {  	[smem:$0x3FAB] =	sst s7  }
0x10: {  	[smem:$0x3FAC] =	sst s8  }
0x11: {  	[smem:$0x3FAD] =	sst s9;
	s0 =	simm.s32 @!p0 $0x0  }
0x12: {  	s1 =	sld [smem:$0x3F93];
	s0 =	simm.s32 @p0 $0x1  }
0x13: {  	[smem:$0x3FAE] =	sst s0;
	s0 =	simm.s32 @!p1 $0x0  }
0x14: {  	s2 =	sld [smem:$0x3F92];
	s0 =	simm.s32 @p1 $0x1  }
0x15: {  	[smem:$0x3FAF] =	sst s0;
	s0 =	simm.s32 @!p2 $0x0  }
0x16: {  	s3 =	sld [smem:$0x3FDB];
	s0 =	simm.s32 @p2 $0x1  }
0x17: {  	s4 =	simm.s32 $0x1BF5;
	[smem:$0x3FB1] =	sst s0  }
0x18: {  	s0 =	sld [smem:$0x3F94];
	_ =	swait.ge [sflag:s4], $0x0  }
0x19: {  	s7 =	sld [smem:$0x3F95]  }
0x1a: {  	s8 =	sadd.s32 $0xFFFFE003, lr  }
0x1b: {  	s9 =	sadd.s32 $0xFFFFFEF7, lr;
	s5 =	simm.s32 $0xFFFFFFFF;
	p2 =	slt.u32 s8, $0xFFFFF086  }
0x1c: {  	p1 =	slt.u32 s9, $0xF7A;
	s5 =	simm.s32 @!p2 $0x0  }
0x1d: {  	s5 =	simm.s32 @p1 $0x1;
	p0 =	seq.s32 s7, s2  }
0x1e: {  	s7 =	smul.u32 @!p0 $0xF7A, s2;
	p2 =	seq.s32 @!p0 s5, $0x0  }
0x1f: {  	s9 =	smul.u32 $0xF7A, s1;
	s8 =	simm.s32 @!p0 $0x1BF5;
	p2 =	por !p2, p0  }
0x20: {  	[sflag:s8] =	ssyncset.s32 @!p0 $0xFFFFF086;
	s6 =	sadd.s32 @!p0 s3, s7;
	s7 =	simm.s32 @!p0 $0x108  }
0x21: {  	s3 =	sadd.s32 s3, s9;
	s6 =	sadd.s32 @!p0 $0x88, s6;
	s7 =	simm.s32 @p2 $0x1082  }
0x22: {  	[simem:s7], [sflag:s8] =	dma.local @!p0 [hbm:s6], $0xF7A  }
0x23: {  	s9 =	sor.u32 $0xD0000000, s2;
	s6 =	simm.s32 $0x108;
	_ =	swait.ge @!p0 [sflag:s8], $0x0  }
0x24: {  	s3 =	sadd.s32 $0x88, s3;
	s6 =	simm.s32 @!p1 $0x1082;
	[sflag:s4] =	ssyncset.s32 $0xFFFFF086  }
0x25: {  	[simem:s6], [sflag:s4] =	dma.local [hbm:s3], $0xF7A  }
0x26: {  	[smem:$0x3F95] =	sst s1;
	(tag) =	ssettag s2;
	_ =	strace s9  }
0x27: {  	s1 =	sld [smem:$0x3FA5]  }
0x28: {  	s2 =	sld [smem:$0x3FA6]  }
0x29: {  	s4 =	sld [smem:$0x3FA8]  }
0x2a: {  	p0 =	seq.s32 s5, $0x0;
	s5 =	sld [smem:$0x3FA9]  }
0x2b: {  	s6 =	sld [smem:$0x3FAA]  }
0x2c: {  	s7 =	sld [smem:$0x3FAB]  }
0x2d: {  	s3 =	simm.s32 $0x108;
	s8 =	sld [smem:$0x3FAC]  }
0x2e: {  	s3 =	simm.s32 @!p0 $0x1082;
	s9 =	sld [smem:$0x3FAD]  }
0x2f: {  	lr =	sadd.s32 s0, s3;
	s0 =	sld [smem:$0x3FA4]  }
0x30: {  	s3 =	sld [smem:$0x3FA7]  }
0x31: {  	[smem:$0x3FB0] =	sst s10  }
0x32: {  	s10 =	sld [smem:$0x3FAE];
	_ =	sdelay $0x3  }
0x33: {  	p0 =	seq.s32 s10, $0x1;
	s10 =	sld [smem:$0x3FB0];
	_ =	sdelay $0x3  }
0x34: {  	[smem:$0x3FB0] =	sst s10  }
0x35: {  	s10 =	sld [smem:$0x3FAF];
	_ =	sdelay $0x3  }
0x36: {  	p1 =	seq.s32 s10, $0x1;
	s10 =	sld [smem:$0x3FB0];
	_ =	sdelay $0x3  }
0x37: {  	[smem:$0x3FB0] =	sst s10  }
0x38: {  	s10 =	sld [smem:$0x3FB1]  }
0x39: {  	_ = 	snop;
	(pc) =	sbr.ind lr, $3  }
0x3a: {  	_ = 	snop  }
0x3b: {  	_ = 	snop  }
0x3c: {  	p2 =	seq.s32 s10, $0x1;
	s10 =	sld [smem:$0x3FB0]  }
0x3d: {  	_ =	shalt  }
0x3e: {  	_ =	shalt  }
0x3f: {  	_ =	shalt  }
0x40: {  	_ =	shalt  }
0x41: {  	_ =	shalt  }
0x42: {  	_ =	shalt  }
0x43: {  	_ =	shalt  }
0x44: {  	_ =	shalt  }
0x45: {  	_ =	shalt  }
0x46: {  	_ =	shalt  }
0x47: {  	_ =	shalt  }
0x48: {  	_ =	shalt  }
0x49: {  	_ =	shalt  }
0x4a: {  	_ =	shalt  }
0x4b: {  	_ =	shalt  }
0x4c: {  	_ =	shalt  }
0x4d: {  	_ =	shalt  }
0x4e: {  	_ =	shalt  }
0x4f: {  	_ =	shalt  }
0x50: {  	_ =	shalt  }
0x51: {  	_ =	shalt  }
0x52: {  	_ =	shalt  }
0x53: {  	_ =	shalt  }
0x54: {  	_ =	shalt  }
0x55: {  	_ =	shalt  }
0x56: {  	_ =	shalt  }
0x57: {  	_ =	shalt  }
0x58: {  	_ =	shalt  }
0x59: {  	_ =	shalt  }
0x5a: {  	_ =	shalt  }
0x5b: {  	_ =	shalt  }
0x5c: {  	_ =	shalt  }
0x5d: {  	_ =	shalt  }
0x5e: {  	_ =	shalt  }
0x5f: {  	_ =	shalt  }
0x60: {  	_ =	shalt  }
0x61: {  	_ =	shalt  }
0x62: {  	_ =	shalt  }
0x63: {  	_ =	shalt  }
0x64: {  	_ =	shalt  }
0x65: {  	_ =	shalt  }
0x66: {  	_ =	shalt  }
0x67: {  	_ =	shalt  }
0x68: {  	_ =	shalt  }
0x69: {  	_ =	shalt  }
0x6a: {  	_ =	shalt  }
0x6b: {  	_ =	shalt  }
0x6c: {  	_ =	shalt  }
0x6d: {  	_ =	shalt  }
0x6e: {  	_ =	shalt  }
0x6f: {  	_ =	shalt  }
0x70: {  	_ =	shalt  }
0x71: {  	_ =	shalt  }
0x72: {  	_ =	shalt  }
0x73: {  	_ =	shalt  }
0x74: {  	_ =	shalt  }
0x75: {  	_ =	shalt  }
0x76: {  	_ =	shalt  }
0x77: {  	_ =	shalt  }
0x78: {  	_ =	shalt  }
0x79: {  	_ =	shalt  }
0x7a: {  	_ =	shalt  }
0x7b: {  	_ =	shalt  }
0x7c: {  	_ =	shalt  }
0x7d: {  	_ =	shalt  }
0x7e: {  	_ =	shalt  }
0x7f: {  	_ =	shalt  }
0x80: {  	_ =	shalt  }
0x81: {  	_ =	shalt  }
0x82: {  	_ =	shalt  }
0x83: {  	_ =	shalt  }
0x84: {  	_ =	shalt  }
0x85: {  	_ =	shalt  }
0x86: {  	_ =	shalt  }
0x87: {  	_ =	shalt  }
.Lfunc_end0:
.L_simem_size_0:
called_computation.3_lowered:
.L_overlay_start_0:
0x88: {  	s2 =	sld [smem:$0x3FD9]  }
0x89: {  	s3 =	sld [smem:$0x3FFE];
	_ =	sdelay $0x1  }
0x8a: {  	s1 =	srdreg.scid  }
0x8b: {  	s0 =	sand.u32 $0x1, s1  }
0x8c: {  	s17 =	sshll.u32 s0, $0xA;
	s2 =	sadd.s32 s3, s2  }
0x8d: {  	s2 =	sadd.s32 s2, s17  }
0x8e: {  	[smem:$0x3FBC] =	sst s2  }
0x8f: {  	_ = 	snop  }
0x90: {  	s2 =	sld [smem:$0x3FD0];
	(tm) =	ssettm $0x1  }
0x91: {  	s18 =	sld [smem:$0x3FFB];
	_ =	sdelay $0x3  }
0x92: {  	_ =	strace s18  }
0x93: {  	s3 =	sld [smem:$0x3FFC];
	_ =	sdelay $0x3  }
0x94: {  	_ =	strace s3  }
0x95: {  	s3 =	sld [smem:$0x3FFD];
	_ =	sdelay $0x3  }
0x96: {  	_ =	strace s3  }
0x97: {  	_ =	strace $0x8FFFFFFF  }
0x98: {  	s19 =	sld [smem:$0x3FDB];
	_ =	sdelay $0x1  }
0x99: {  	s4 =	simm.s32 $_scs_section_size  }
0x9a: {  	s5 =	simm.s32 $_size__tile_overlayer_lowered;
	s6 =	simm.s32 $_tile_overlayer_lowered  }
0x9b: {  	s22 =	simm.s32 $0x1BFF;
	s21 =	sshll.u32 s6, $0x1;
	s3 =	sadd.s32 s4, s19  }
0x9c: {  	s7 =	simm.s32 $0x0;
	s20 =	sshll.u32 s5, $0x1;
	s5 =	sadd.s32 s21, s3  }
0x9d: {  	[timem:s7], [sflag:s22] =	dma.local [hbm:s5], s20  }
0x9e: {  	_ =	swait.ge [sflag:s22], s20  }
0x9f: {  	s4 =	ssub.s32 $0x0, s20;
	[sflag:s22] =	ssyncset.done $0x0  }
0xa0: {  	[sflag:s22] =	ssyncadd.s32 s4;
	_ =	sdelay $0x1  }
0xa1: {  	s23 =	simm.s32 $0x1B8B  }
0xa2: {  	_ =	swait.ge [sflag:s23], $0x1  }
0xa3: {  	[sflag:s23] =	ssyncset.done $0x0  }
0xa4: {  	s25 =	simm.s32 $0x1B8E;
	s24 =	sld [smem:$0x3FFE];
	[sflag:s23] =	ssyncadd.s32 $0xFFFFFFFF  }
0xa5: {  	s26 =	simm.s32 $execute0_lowered;
	[smem:$0x3FD2] =	sst s25  }
0xa6: {  	s5 =	sshll.u32 s26, $0x1;
	_ =	strace $0x8000004F;
	[dreg:$0x1] =	wrdreg $0xFFFFFFFF  }
0xa7: {  	s28 =	simm.s32 $_size_execute0_lowered;
	s3 =	sadd.s32 s3, s5;
	[dreg:$0x0] =	wrdreg $0x0  }
0xa8: {  	s5 =	sshll.u32 s28, $0x1;
	[dreg:$0x2] =	wrdreg s3  }
0xa9: {  	[dreg:$0x3] =	wrdreg s5  }
0xaa: {  	[dreg:$0x4] =	wrdreg $0xC0  }
0xab: {  	_ =	task [dreg:s7], $0x5FFFF  }
0xac: {  	[dreg:$0x1] =	wrdreg $0xFFFFFFFF  }
0xad: {  	[dreg:$0x0] =	wrdreg $0x60  }
0xae: {  	[dreg:$0x2] =	wrdreg s24  }
0xaf: {  	[dreg:$0x3] =	wrdreg s2  }
0xb0: {  	[dreg:$0x4] =	wrdreg $0xAA000  }
0xb1: {  	[dreg:$0x5] =	wrdreg $0x9  }
0xb2: {  	_ =	task.clear_ibuf [dreg:s7], $0x6FFFF;
	_ =	strace $0x9000004F  }
0xb3: {  	s29 =	simm.s32 $0x9;
	_ =	strace $0x80000051  }
0xb4: {  	_ =	swait.ge [sflag:s29], $0x1  }
0xb5: {  	[sflag:s29] =	ssyncadd.s32 $0xFFFFFFFF  }
0xb6: {  	_ =	strace $0x90000051  }
0xb7: {  	_ =	sfence  }
0xb8: {  	s30 =	sld [smem:$0x0];
	_ =	sdelay $0x2  }
0xb9: {  	s31 =	sshll.u32 s1, $0xD;
	s1 =	sshrl.u32 s1, $0x2  }
0xba: {  	s3 =	sand.u32 $0x4000, s31;
	s1 =	sadd.s32 s1, s30  }
0xbb: {  	s0 =	sor.u32 s3, s0;
	s1 =	sshll.u32 s1, $0x11  }
0xbc: {  	s0 =	sor.u32 s1, s0  }
0xbd: {  	s0 =	sadd.s32 $0x8F2B, s0  }
0xbe: {  	[sflag:s0] =	ssyncadd.remote.s32 $0x1  }
0xbf: {  	_ =	sfence.sel $0xFFFF  }
0xc0: {  	[dreg:$0x0] =	wrdreg $0xFFFFFFFF;
	(pc) =	sbr.abs _section_cstart, $3  }
0xc1: {  	[dreg:$0x1] =	wrdreg $0xFFFFFFFF  }
0xc2: {  	_ =	task.clear_ibuf [dreg:s7], $0x2FFFF;
	_ =	strace $0x9FFFFFFF  }
0xc3: {  	(tm) =	ssettm $0x7FFFFFFF  }
tec
execute0_lowered:
.L_overlay_start_1:
0x0: {  	(tag) =	ssettag $0x1  }
0x1: {  	s5 =	rddreg [dreg:$0x0]  }
0x2: {  	s0 =	srdreg.scid;
	s7 =	rddreg [dreg:$0x1]  }
0x3: {  	s2 =	rddreg [dreg:$0x2];
	s1 =	stileid.u32  }
0x4: {  	s3 =	simm.s32 $0x0;
	s13 =	simm.s32 $0x2800;
	s14 =	simm.s32 $0x2A00  }
0x5: {  	s15 =	simm.s32 $0x1;
	s16 =	simm.s32 $0x2880;
	s17 =	simm.s32 $0x2  }
0x6: {  	s6 =	sand.u32 $0x1, s0;
	s0 =	rddreg [dreg:$0x3];
	s9 =	smul.u32 $0x14000, s1  }
0x7: {  	s18 =	simm.s32 $0x0;
	[smem:$0x7FF] =	sst s3;
	s11 =	smul.u32 $0x50000, s1  }
0x8: {  	s31 =	sshll.u32 s1, $0x6;
	s4 =	sshll.u32 s6, $0x4;
	_ =	strace $0x80000050  }
0x9: {  	s10 =	ssub.s32 $0x2, s6;
	s6 =	smul.u32 $0x140000, s6;
	s4 =	sor.u32 s1, s4  }
0xa: {  	s28 =	sshrl.u32 s10, $0x1;
	s29 =	sshrl.u32 s11, $0x2;
	s8 =	smul.u32 $0x500, s4  }
0xb: {  	s4 =	sadd.s32 $0x6E00, s5;
	s6 =	sadd.s32 s9, s6;
	s9 =	sshrl.u32 s9, $0x3  }
0xc: {  	s12 =	sadd.s32 s29, s2;
	s30 =	sshrl.u32 s6, $0x3;
	s6 =	sadd.s32 s4, s9  }
0xd: {  	s9 =	simm.s32 $0x3;
	s11 =	sshrl.u32 s12, $0x3;
	s12 =	simm.s32 $0x80  }
0xe: {  	s5 =	sadd.s32 s8, s5;
	s8 =	ssub.s32 s10, s28;
	s7 =	sadd.s32 s7, s30  }
0xf: {  	s10 =	sor.u32 $0x1C03, s31;
	s5 =	sadd.s32 $0x60E00, s5;
	s8 =	smax.u32 s8, $0x1  }
.LBB2_1:
0x10: {  	[tilespmem:s3], [sflag:$0x3] =	stream.linear.gather [hbm4b:s5+s3], $0x2780, $0x38;
	[tilespmem:$0x1EA00] =	vst v63  }
0x11: {  	_ =	swait.ge [sflag:s9], $0x2780  }
0x12: {  	[sflag:s9] =	ssyncset.done $0x0  }
0x13: {  	[sflag:s9] =	ssyncadd.s32 $0xFFFFD880  }
0x14: {  	[spmem:s11], [sflag:s10] =	dma.local [hbm:s6], $0x2800  }
0x15: {  	_ =	swait.ge [sflag:s9], $0x2800  }
0x16: {  	[sflag:s9] =	ssyncset.done $0x0  }
0x17: {  	[sflag:s9] =	ssyncadd.s32 $0xFFFFD800  }
0x18: {  	v0 =	vld [tilespmem:$0x0];
	_ =	sdelay $0x1  }
0x19: {  	v1 =	vld [tilespmem:$0x10];
	_ =	sdelay $0x1  }
0x1a: {  	v2 =	vld [tilespmem:$0x20]  }
0x1b: {  	v3 =	vshrl.u32 v0, $0x10  }
0x1c: {  	v45 =	vld [tilespmem:$0x30];
	v0 =	vand.u32 $0xFFFF, v0;
	[tilespmem:$0x2800] =	vst v3  }
0x1d: {  	v46 =	vshrl.u32 v1, $0x10;
	[tilespmem:$0x2880] =	vst v0  }
0x1e: {  	v48 =	vld [tilespmem:$0x40];
	v47 =	vand.u32 $0xFFFF, v1;
	[tilespmem:$0x2810] =	vst v46  }
0x1f: {  	v49 =	vshrl.u32 v2, $0x10;
	[tilespmem:$0x2890] =	vst v47  }
0x20: {  	v51 =	vld [tilespmem:$0x50];
	v50 =	vand.u32 $0xFFFF, v2;
	[tilespmem:$0x2820] =	vst v49  }
0x21: {  	v52 =	vshrl.u32 v45, $0x10;
	[tilespmem:$0x28A0] =	vst v50  }
0x22: {  	v54 =	vld [tilespmem:$0x60];
	v53 =	vand.u32 $0xFFFF, v45;
	[tilespmem:$0x2830] =	vst v52  }
0x23: {  	v55 =	vshrl.u32 v48, $0x10;
	[tilespmem:$0x28B0] =	vst v53  }
0x24: {  	v57 =	vld [tilespmem:$0x70];
	v56 =	vand.u32 $0xFFFF, v48;
	[tilespmem:$0x2840] =	vst v55  }
0x25: {  	v58 =	vshrl.u32 v51, $0x10;
	[tilespmem:$0x28C0] =	vst v56  }
0x26: {  	v59 =	vand.u32 $0xFFFF, v51;
	[tilespmem:$0x2850] =	vst v58  }
0x27: {  	v60 =	vshrl.u32 v54, $0x10;
	[tilespmem:$0x28D0] =	vst v59  }
0x28: {  	v61 =	vand.u32 $0xFFFF, v54;
	[tilespmem:$0x2860] =	vst v60  }
0x29: {  	v62 =	vshrl.u32 v57, $0x10;
	[tilespmem:$0x28E0] =	vst v61  }
.Ltmp0:
0x2a: {  	v63 =	vand.u32 $0xFFFF, v57;
	[tilespmem:$0x2870] =	vst v62;
	(pc) =	sbr.rel .LBB2_2-.Ltmp0, $4  }
0x2b: {  	[tilespmem:$0x28F0] =	vst v63  }
0x2c: {  	[tilespmem:s14], [sflag:$0x1] =	stream.indirect.gather [hbm4b:s4+s12], $0x80, s13, s12, $0xb8;
	[tilespmem:$0x1EA00] =	vst v63  }
0x2d: {  	[bflag:$0x0] =	sbarrier.arrive $0xFFFF  }
0x2e: {  	s19 =	simm.s32 $0xF0;
	s20 =	simm.s32 $0x0  }
.LBB2_3:
0x2f: {  	[spmem:s2] =	stream.indirect.scatter.add.f32 [tilespmem:s22], [sflag:$0x2], $0x80, s16, s12, $0xb8;
	[tilespmem:$0x1EA00] =	vst v63  }
.LBB2_5:
0x30: {  	v0 =	vld [tilespmem:s19+$0xFFFFFF90];
	_ =	sdelay $0x3  }
0x31: {  	s21 =	sxor.u32 $0x1, s21  }
0x32: {  	s22 =	sshll.u32 s21, $0x8;
	v1 =	vshrl.u32 v0, $0x10  }
0x33: {  	v0 =	vand.u32 $0xFFFF, v0;
	[tilespmem:s22+$0x2800] =	vst v1  }
0x34: {  	[tilespmem:s22+$0x2880] =	vst v0  }
0x35: {  	v0 =	vld [tilespmem:s19+$0xFFFFFFA0];
	_ =	sdelay $0x4  }
0x36: {  	v57 =	vshrl.u32 v0, $0x10  }
0x37: {  	v0 =	vand.u32 $0xFFFF, v0;
	[tilespmem:s22+$0x2810] =	vst v57  }
0x38: {  	[tilespmem:s22+$0x2890] =	vst v0  }
0x39: {  	v0 =	vld [tilespmem:s19+$0xFFFFFFB0];
	_ =	sdelay $0x4  }
0x3a: {  	v58 =	vshrl.u32 v0, $0x10  }
0x3b: {  	v0 =	vand.u32 $0xFFFF, v0;
	[tilespmem:s22+$0x2820] =	vst v58  }
0x3c: {  	[tilespmem:s22+$0x28A0] =	vst v0  }
0x3d: {  	v0 =	vld [tilespmem:s19+$0xFFFFFFC0];
	_ =	sdelay $0x4  }
0x3e: {  	v59 =	vshrl.u32 v0, $0x10  }
0x3f: {  	v0 =	vand.u32 $0xFFFF, v0;
	[tilespmem:s22+$0x2830] =	vst v59  }
0x40: {  	[tilespmem:s22+$0x28B0] =	vst v0  }
0x41: {  	v0 =	vld [tilespmem:s19+$0xFFFFFFD0];
	_ =	sdelay $0x4  }
0x42: {  	v60 =	vshrl.u32 v0, $0x10  }
0x43: {  	v0 =	vand.u32 $0xFFFF, v0;
	[tilespmem:s22+$0x2840] =	vst v60  }
0x44: {  	[tilespmem:s22+$0x28C0] =	vst v0  }
0x45: {  	v0 =	vld [tilespmem:s19+$0xFFFFFFE0];
	_ =	sdelay $0x4  }
0x46: {  	v61 =	vshrl.u32 v0, $0x10  }
0x47: {  	v0 =	vand.u32 $0xFFFF, v0;
	[tilespmem:s22+$0x2850] =	vst v61  }
0x48: {  	[tilespmem:s22+$0x28D0] =	vst v0  }
0x49: {  	v0 =	vld [tilespmem:s19+$0xFFFFFFF0];
	_ =	sdelay $0x4  }
0x4a: {  	v62 =	vshrl.u32 v0, $0x10  }
0x4b: {  	v0 =	vand.u32 $0xFFFF, v0;
	[tilespmem:s22+$0x2860] =	vst v62  }
0x4c: {  	[tilespmem:s22+$0x28E0] =	vst v0  }
0x4d: {  	v0 =	vld [tilespmem:s19+$0x0];
	_ =	sdelay $0x4  }
0x4e: {  	v63 =	vshrl.u32 v0, $0x10  }
0x4f: {  	s20 =	sadd.s32 $0x1, s20;
	s21 =	sshll.u32 s21, $0xE;
	v0 =	vand.u32 $0xFFFF, v0;
	[tilespmem:s22+$0x2870] =	vst v63  }
0x50: {  	s23 =	sor.u32 $0x2800, s22;
	s21 =	sor.u32 $0x2A00, s21;
	s19 =	sadd.s32 $0x80, s19;
	[tilespmem:s22+$0x28F0] =	vst v0  }
0x51: {  	[tilespmem:s21], [sflag:$0x1] =	stream.indirect.gather [hbm4b:s4+s12], $0x80, s23, s12, $0xb8;
	[tilespmem:$0x1EA00] =	vst v63  }
.LBB2_2:
0x52: {  	p0 =	sne.s32 s20, $0x0  }
.Ltmp1:
0x53: {  	_ = 	snop;
	(pc) =	sbr.rel @!p0 .LBB2_3-.Ltmp1, $4  }
0x54: {  	_ = 	snop  }
0x55: {  	s21 =	sand.u32 $0x1, s20;
	_ =	swait.ge [sflag:s15], $0x4000  }
0x56: {  	s22 =	sshll.u32 s21, $0xE;
	[sflag:s15] =	ssyncset.done $0x0  }
0x57: {  	s22 =	sor.u32 $0x2A00, s22;
	[sflag:s15] =	ssyncadd.s32 $0xFFFFC000  }
0x58: {  	p0 =	seq.s32 s20, $0x4E  }
.Ltmp2:
0x59: {  	_ = 	snop;
	(pc) =	sbr.rel @!p0 .LBB2_5-.Ltmp2, $4  }
0x5a: {  	_ =	swait.ge [sflag:s17], $0x4000  }
0x5b: {  	s23 =	sshll.u32 s21, $0x8;
	[sflag:s17] =	ssyncset.done $0x0  }
0x5c: {  	s23 =	sor.u32 $0x2880, s23;
	[sflag:s17] =	ssyncadd.s32 $0xFFFFC000  }
0x5d: {  	[spmem:s2] =	stream.indirect.scatter.add.f32 [tilespmem:s22], [sflag:$0x2], $0x80, s23, s12, $0xb8;
	[tilespmem:$0x1EA00] =	vst v63  }
0x5e: {  	_ =	swait.ge [sflag:s17], $0x4000  }
0x5f: {  	s18 =	sadd.s32 $0x1, s18;
	[sflag:s17] =	ssyncset.done $0x0  }
0x60: {  	p0 =	sne.s32 s18, s8;
	[sflag:s17] =	ssyncadd.s32 $0xFFFFC000  }
.Ltmp3:
0x61: {  	[bflag:$0x0] =	sbarrier.arrive $0xFFFF;
	(pc) =	sbr.rel @p0 .LBB2_1-.Ltmp3, $4  }
0x62: {  	[hbm:s7], [sflag:s10] =	dma.local [spmem:s11], $0x2800  }
0x63: {  	_ =	swait.ge [sflag:s9], $0x2800  }
0x64: {  	[sflag:s9] =	ssyncset.done $0x0  }
0x65: {  	[sflag:s9] =	ssyncadd.s32 $0xFFFFD800  }
0x66: {  	_ =	sfence.sel $0x180000  }
0x67: {  	[bflag:$0x0] =	sbarrier.arrive $0xFFFF  }
0x68: {  	p0 =	sne.s32 s1, $0x0;
	_ =	strace $0x90000050  }
0x69: {  	s0 =	sadd.s32 @!p0 $0x100000, s0;
	[bflag:$0x2] =	sbarrier.arrive $0xFFFF  }
0x6a: {  	[sflag:s0] =	ssyncadd.tile.s32 @!p0 $0x1;
	_ =	shalt  }
.Lfunc_end2:
_tile_overlayer_lowered:
.L_overlay_start_2:
0x6b: {  	(tag) =	ssettag $0x2  }
0x6c: {  	s0 =	rddreg [dreg:$0x0];
	s2 =	stileid.u32  }
0x6d: {  	s1 =	rddreg [dreg:$0x1];
	p0 =	sne.s32 s2, $0x0  }
0x6e: {  	s3 =	rddreg [dreg:$0x2];
	[bflag:$0x3] =	sbarrier.arrive $0xFFFF;
	s2 =	simm.s32 @!p0 $0x1C03  }
0x6f: {  	[timem:s3], [sflag:s2] =	dma.local @!p0 [hbm:s0], s1  }
0x70: {  	s0 =	simm.s32 @!p0 $0x3  }
0x71: {  	_ =	swait.ge @!p0 [sflag:s0], s1  }
0x72: {  	s1 =	ssub.s32 @!p0 $0x0, s1;
	[sflag:s0] =	ssyncset.done @!p0 $0x0  }
0x73: {  	[sflag:s0] =	ssyncadd.s32 @!p0 s1  }
0x74: {  	[bflag:$0x3] =	sbarrier.arrive $0xFFFF  }
0x75: {  	_ =	shalt  }

// kernel: kernel.29.cloned.1.call-start
scs
__scs_entry_jumppad:
0x0: {  	(pc) =	sbr.rel $0x88, $3  }
0x1: {  	(tag) =	ssettag $0x0;
	lr =	simm.s32 $0x1  }
0x2: {  	[smem:$0x3F95] =	sst lr;
	_ =	strace $0xD0000000  }
0x3: {  	_ = 	snop  }
0x4: {  	_ = 	snop  }
0x5: {  	_ = 	snop  }
0x6: {  	_ = 	snop  }
0x7: {  	_ = 	snop  }
__scs_overlays_trampoline_lowered:
0x8: {  	[smem:$0x3FA4] =	sst s0  }
0x9: {  	[smem:$0x3FA5] =	sst s1  }
0xa: {  	[smem:$0x3FA6] =	sst s2  }
0xb: {  	[smem:$0x3FA7] =	sst s3  }
0xc: {  	[smem:$0x3FA8] =	sst s4  }
0xd: {  	[smem:$0x3FA9] =	sst s5  }
0xe: {  	[smem:$0x3FAA] =	sst s6  }
0xf: {  	[smem:$0x3FAB] =	sst s7  }
0x10: {  	[smem:$0x3FAC] =	sst s8  }
0x11: {  	[smem:$0x3FAD] =	sst s9;
	s0 =	simm.s32 @!p0 $0x0  }
0x12: {  	s1 =	sld [smem:$0x3F93];
	s0 =	simm.s32 @p0 $0x1  }
0x13: {  	[smem:$0x3FAE] =	sst s0;
	s0 =	simm.s32 @!p1 $0x0  }
0x14: {  	s2 =	sld [smem:$0x3F92];
	s0 =	simm.s32 @p1 $0x1  }
0x15: {  	[smem:$0x3FAF] =	sst s0;
	s0 =	simm.s32 @!p2 $0x0  }
0x16: {  	s3 =	sld [smem:$0x3FDB];
	s0 =	simm.s32 @p2 $0x1  }
0x17: {  	s4 =	simm.s32 $0x1BF5;
	[smem:$0x3FB1] =	sst s0  }
0x18: {  	s0 =	sld [smem:$0x3F94];
	_ =	swait.ge [sflag:s4], $0x0  }
0x19: {  	s7 =	sld [smem:$0x3F95]  }
0x1a: {  	s8 =	sadd.s32 $0xFFFFE003, lr  }
0x1b: {  	s9 =	sadd.s32 $0xFFFFFEF7, lr;
	s5 =	simm.s32 $0xFFFFFFFF;
	p2 =	slt.u32 s8, $0xFFFFF086  }
0x1c: {  	p1 =	slt.u32 s9, $0xF7A;
	s5 =	simm.s32 @!p2 $0x0  }
0x1d: {  	s5 =	simm.s32 @p1 $0x1;
	p0 =	seq.s32 s7, s2  }
0x1e: {  	s7 =	smul.u32 @!p0 $0xF7A, s2;
	p2 =	seq.s32 @!p0 s5, $0x0  }
0x1f: {  	s9 =	smul.u32 $0xF7A, s1;
	s8 =	simm.s32 @!p0 $0x1BF5;
	p2 =	por !p2, p0  }
0x20: {  	[sflag:s8] =	ssyncset.s32 @!p0 $0xFFFFF086;
	s6 =	sadd.s32 @!p0 s3, s7;
	s7 =	simm.s32 @!p0 $0x108  }
0x21: {  	s3 =	sadd.s32 s3, s9;
	s6 =	sadd.s32 @!p0 $0x88, s6;
	s7 =	simm.s32 @p2 $0x1082  }
0x22: {  	[simem:s7], [sflag:s8] =	dma.local @!p0 [hbm:s6], $0xF7A  }
0x23: {  	s9 =	sor.u32 $0xD0000000, s2;
	s6 =	simm.s32 $0x108;
	_ =	swait.ge @!p0 [sflag:s8], $0x0  }
0x24: {  	s3 =	sadd.s32 $0x88, s3;
	s6 =	simm.s32 @!p1 $0x1082;
	[sflag:s4] =	ssyncset.s32 $0xFFFFF086  }
0x25: {  	[simem:s6], [sflag:s4] =	dma.local [hbm:s3], $0xF7A  }
0x26: {  	[smem:$0x3F95] =	sst s1;
	(tag) =	ssettag s2;
	_ =	strace s9  }
0x27: {  	s1 =	sld [smem:$0x3FA5]  }
0x28: {  	s2 =	sld [smem:$0x3FA6]  }
0x29: {  	s4 =	sld [smem:$0x3FA8]  }
0x2a: {  	p0 =	seq.s32 s5, $0x0;
	s5 =	sld [smem:$0x3FA9]  }
0x2b: {  	s6 =	sld [smem:$0x3FAA]  }
0x2c: {  	s7 =	sld [smem:$0x3FAB]  }
0x2d: {  	s3 =	simm.s32 $0x108;
	s8 =	sld [smem:$0x3FAC]  }
0x2e: {  	s3 =	simm.s32 @!p0 $0x1082;
	s9 =	sld [smem:$0x3FAD]  }
0x2f: {  	lr =	sadd.s32 s0, s3;
	s0 =	sld [smem:$0x3FA4]  }
0x30: {  	s3 =	sld [smem:$0x3FA7]  }
0x31: {  	[smem:$0x3FB0] =	sst s10  }
0x32: {  	s10 =	sld [smem:$0x3FAE];
	_ =	sdelay $0x3  }
0x33: {  	p0 =	seq.s32 s10, $0x1;
	s10 =	sld [smem:$0x3FB0];
	_ =	sdelay $0x3  }
0x34: {  	[smem:$0x3FB0] =	sst s10  }
0x35: {  	s10 =	sld [smem:$0x3FAF];
	_ =	sdelay $0x3  }
0x36: {  	p1 =	seq.s32 s10, $0x1;
	s10 =	sld [smem:$0x3FB0];
	_ =	sdelay $0x3  }
0x37: {  	[smem:$0x3FB0] =	sst s10  }
0x38: {  	s10 =	sld [smem:$0x3FB1]  }
0x39: {  	_ = 	snop;
	(pc) =	sbr.ind lr, $3  }
0x3a: {  	_ = 	snop  }
0x3b: {  	_ = 	snop  }
0x3c: {  	p2 =	seq.s32 s10, $0x1;
	s10 =	sld [smem:$0x3FB0]  }
0x3d: {  	_ =	shalt  }
0x3e: {  	_ =	shalt  }
0x3f: {  	_ =	shalt  }
0x40: {  	_ =	shalt  }
0x41: {  	_ =	shalt  }
0x42: {  	_ =	shalt  }
0x43: {  	_ =	shalt  }
0x44: {  	_ =	shalt  }
0x45: {  	_ =	shalt  }
0x46: {  	_ =	shalt  }
0x47: {  	_ =	shalt  }
0x48: {  	_ =	shalt  }
0x49: {  	_ =	shalt  }
0x4a: {  	_ =	shalt  }
0x4b: {  	_ =	shalt  }
0x4c: {  	_ =	shalt  }
0x4d: {  	_ =	shalt  }
0x4e: {  	_ =	shalt  }
0x4f: {  	_ =	shalt  }
0x50: {  	_ =	shalt  }
0x51: {  	_ =	shalt  }
0x52: {  	_ =	shalt  }
0x53: {  	_ =	shalt  }
0x54: {  	_ =	shalt  }
0x55: {  	_ =	shalt  }
0x56: {  	_ =	shalt  }
0x57: {  	_ =	shalt  }
0x58: {  	_ =	shalt  }
0x59: {  	_ =	shalt  }
0x5a: {  	_ =	shalt  }
0x5b: {  	_ =	shalt  }
0x5c: {  	_ =	shalt  }
0x5d: {  	_ =	shalt  }
0x5e: {  	_ =	shalt  }
0x5f: {  	_ =	shalt  }
0x60: {  	_ =	shalt  }
0x61: {  	_ =	shalt  }
0x62: {  	_ =	shalt  }
0x63: {  	_ =	shalt  }
0x64: {  	_ =	shalt  }
0x65: {  	_ =	shalt  }
0x66: {  	_ =	shalt  }
0x67: {  	_ =	shalt  }
0x68: {  	_ =	shalt  }
0x69: {  	_ =	shalt  }
0x6a: {  	_ =	shalt  }
0x6b: {  	_ =	shalt  }
0x6c: {  	_ =	shalt  }
0x6d: {  	_ =	shalt  }
0x6e: {  	_ =	shalt  }
0x6f: {  	_ =	shalt  }
0x70: {  	_ =	shalt  }
0x71: {  	_ =	shalt  }
0x72: {  	_ =	shalt  }
0x73: {  	_ =	shalt  }
0x74: {  	_ =	shalt  }
0x75: {  	_ =	shalt  }
0x76: {  	_ =	shalt  }
0x77: {  	_ =	shalt  }
0x78: {  	_ =	shalt  }
0x79: {  	_ =	shalt  }
0x7a: {  	_ =	shalt  }
0x7b: {  	_ =	shalt  }
0x7c: {  	_ =	shalt  }
0x7d: {  	_ =	shalt  }
0x7e: {  	_ =	shalt  }
0x7f: {  	_ =	shalt  }
0x80: {  	_ =	shalt  }
0x81: {  	_ =	shalt  }
0x82: {  	_ =	shalt  }
0x83: {  	_ =	shalt  }
0x84: {  	_ =	shalt  }
0x85: {  	_ =	shalt  }
0x86: {  	_ =	shalt  }
0x87: {  	_ =	shalt  }
.Lfunc_end0:
.L_simem_size_0:
called_computation.4_lowered:
.L_overlay_start_0:
0x88: {  	s2 =	sld [smem:$0x3FD9]  }
0x89: {  	s3 =	sld [smem:$0x3FFE];
	_ =	sdelay $0x1  }
0x8a: {  	s1 =	srdreg.scid  }
0x8b: {  	s0 =	sand.u32 $0x1, s1  }
0x8c: {  	s16 =	sshll.u32 s0, $0xA;
	s2 =	sadd.s32 s3, s2  }
0x8d: {  	s2 =	sadd.s32 s2, s16  }
0x8e: {  	[smem:$0x3FBC] =	sst s2  }
0x8f: {  	_ = 	snop  }
0x90: {  	(tm) =	ssettm $0x1  }
0x91: {  	s17 =	sld [smem:$0x3FFB];
	_ =	sdelay $0x3  }
0x92: {  	_ =	strace s17  }
0x93: {  	s2 =	sld [smem:$0x3FFC];
	_ =	sdelay $0x3  }
0x94: {  	_ =	strace s2  }
0x95: {  	s2 =	sld [smem:$0x3FFD];
	_ =	sdelay $0x3  }
0x96: {  	_ =	strace s2  }
0x97: {  	_ =	strace $0x8FFFFFFF  }
0x98: {  	s18 =	sld [smem:$0x3FDB];
	_ =	sdelay $0x1  }
0x99: {  	s19 =	simm.s32 $_scs_section_size  }
0x9a: {  	s4 =	simm.s32 $_size__tile_overlayer_lowered;
	s5 =	simm.s32 $_tile_overlayer_lowered  }
0x9b: {  	s22 =	simm.s32 $0x1BFF;
	s21 =	sshll.u32 s5, $0x1;
	s2 =	sadd.s32 s19, s18  }
0x9c: {  	s6 =	simm.s32 $0x0;
	s20 =	sshll.u32 s4, $0x1;
	s4 =	sadd.s32 s21, s2  }
0x9d: {  	[timem:s6], [sflag:s22] =	dma.local [hbm:s4], s20  }
0x9e: {  	_ =	swait.ge [sflag:s22], s20  }
0x9f: {  	s3 =	ssub.s32 $0x0, s20;
	[sflag:s22] =	ssyncset.done $0x0  }
0xa0: {  	[sflag:s22] =	ssyncadd.s32 s3;
	_ =	sdelay $0x1  }
0xa1: {  	s23 =	simm.s32 $0x1B8B  }
0xa2: {  	_ =	swait.ge [sflag:s23], $0x1  }
0xa3: {  	[sflag:s23] =	ssyncset.done $0x0  }
0xa4: {  	s25 =	simm.s32 $0x1B8E;
	s24 =	sld [smem:$0x3FFE];
	[sflag:s23] =	ssyncadd.s32 $0xFFFFFFFF  }
0xa5: {  	s26 =	simm.s32 $execute0_lowered;
	[smem:$0x3FD2] =	sst s25  }
0xa6: {  	s4 =	sshll.u32 s26, $0x1;
	_ =	strace $0x80000052;
	[dreg:$0x1] =	wrdreg $0xFFFFFFFF  }
0xa7: {  	s28 =	simm.s32 $_size_execute0_lowered;
	s2 =	sadd.s32 s2, s4;
	[dreg:$0x0] =	wrdreg $0x0  }
0xa8: {  	s4 =	sshll.u32 s28, $0x1;
	[dreg:$0x2] =	wrdreg s2  }
0xa9: {  	[dreg:$0x3] =	wrdreg s4  }
0xaa: {  	[dreg:$0x4] =	wrdreg $0xC0  }
0xab: {  	_ =	task [dreg:s6], $0x5FFFF  }
0xac: {  	[dreg:$0x1] =	wrdreg $0xFFFFFFFF  }
0xad: {  	[dreg:$0x0] =	wrdreg $0x60  }
0xae: {  	[dreg:$0x2] =	wrdreg s24  }
0xaf: {  	[dreg:$0x3] =	wrdreg $0xAA000  }
0xb0: {  	[dreg:$0x4] =	wrdreg $0x9  }
0xb1: {  	_ =	task.clear_ibuf [dreg:s6], $0x5FFFF;
	_ =	strace $0x90000052  }
0xb2: {  	s29 =	simm.s32 $0x9;
	_ =	strace $0x80000054  }
0xb3: {  	_ =	swait.ge [sflag:s29], $0x1  }
0xb4: {  	[sflag:s29] =	ssyncadd.s32 $0xFFFFFFFF  }
0xb5: {  	_ =	strace $0x90000054  }
0xb6: {  	_ =	sfence  }
0xb7: {  	s30 =	sld [smem:$0x0];
	_ =	sdelay $0x2  }
0xb8: {  	s31 =	sshll.u32 s1, $0xD;
	s1 =	sshrl.u32 s1, $0x2  }
0xb9: {  	s3 =	sand.u32 $0x4000, s31;
	s1 =	sadd.s32 s1, s30  }
0xba: {  	s0 =	sor.u32 s3, s0;
	s1 =	sshll.u32 s1, $0x11  }
0xbb: {  	s0 =	sor.u32 s1, s0  }
0xbc: {  	s0 =	sadd.s32 $0x8F2B, s0  }
0xbd: {  	[sflag:s0] =	ssyncadd.remote.s32 $0x1  }
0xbe: {  	_ =	sfence.sel $0xFFFF  }
0xbf: {  	[dreg:$0x0] =	wrdreg $0xFFFFFFFF;
	(pc) =	sbr.abs _section_cstart, $3  }
0xc0: {  	[dreg:$0x1] =	wrdreg $0xFFFFFFFF  }
0xc1: {  	_ =	task.clear_ibuf [dreg:s6], $0x2FFFF;
	_ =	strace $0x9FFFFFFF  }
0xc2: {  	(tm) =	ssettm $0x7FFFFFFF  }
0xc3: {  	_ =	shalt  }
tec
execute0_lowered:
.L_overlay_start_1:
0x0: {  	(tag) =	ssettag $0x1  }
0x1: {  	s5 =	rddreg [dreg:$0x0]  }
0x2: {  	s2 =	rddreg [dreg:$0x1]  }
0x3: {  	s0 =	rddreg [dreg:$0x2]  }
0x4: {  	s4 =	srdreg.scid;
	s1 =	stileid.u32  }
0x5: {  	s3 =	simm.s32 $0x0;
	s12 =	simm.s32 $0x80;
	s13 =	simm.s32 $0x2800  }
0x6: {  	s14 =	simm.s32 $0x2A00;
	s15 =	simm.s32 $0x1;
	s16 =	simm.s32 $0x2880  }
0x7: {  	s17 =	simm.s32 $0x2;
	s18 =	simm.s32 $0x0;
	s6 =	sand.u32 $0x1, s4  }
0x8: {  	s7 =	smul.u32 $0x14000, s1;
	[smem:$0x7FF] =	sst s3;
	s4 =	sadd.s32 $0x6E00, s5  }
0x9: {  	s11 =	smul.u32 $0x50000, s1;
	s31 =	sshll.u32 s1, $0x6;
	s8 =	sshll.u32 s6, $0x4  }
0xa: {  	s9 =	smul.u32 $0x140000, s6;
	_ =	strace $0x80000053;
	s6 =	ssub.s32 $0x2, s6  }
0xb: {  	s8 =	sor.u32 s1, s8;
	s10 =	sshrl.u32 s6, $0x1;
	s30 =	sshrl.u32 s11, $0x2  }
0xc: {  	s8 =	smul.u32 $0x500, s8;
	s9 =	sadd.s32 s7, s9;
	s10 =	ssub.s32 s6, s10  }
0xd: {  	s7 =	sshrl.u32 s7, $0x3;
	s11 =	sadd.s32 s30, s2;
	s9 =	sshrl.u32 s9, $0x3  }
0xe: {  	s6 =	sadd.s32 s4, s7;
	s8 =	sadd.s32 s8, s5;
	s9 =	sadd.s32 s9, s5  }
0xf: {  	s11 =	sshrl.u32 s11, $0x3;
	s5 =	sadd.s32 $0x60E00, s8;
	s7 =	sadd.s32 $0x6AE00, s9  }
0x10: {  	s8 =	smax.u32 s10, $0x1;
	s9 =	simm.s32 $0x3;
	s10 =	sor.u32 $0x1C03, s31  }
.LBB2_1:
0x11: {  	[tilespmem:s3], [sflag:$0x3] =	stream.linear.gather [hbm4b:s5+s3], $0x2780, $0x38;
	[tilespmem:$0x1EA00] =	vst v63  }
0x12: {  	_ =	swait.ge [sflag:s9], $0x2780  }
0x13: {  	[sflag:s9] =	ssyncset.done $0x0  }
0x14: {  	[sflag:s9] =	ssyncadd.s32 $0xFFFFD880  }
0x15: {  	[spmem:s11], [sflag:s10] =	dma.local [hbm:s6], $0x2800  }
0x16: {  	_ =	swait.ge [sflag:s9], $0x2800  }
0x17: {  	[sflag:s9] =	ssyncset.done $0x0  }
0x18: {  	[sflag:s9] =	ssyncadd.s32 $0xFFFFD800  }
0x19: {  	v0 =	vld [tilespmem:$0x0];
	_ =	sdelay $0x1  }
0x1a: {  	v1 =	vld [tilespmem:$0x10];
	_ =	sdelay $0x1  }
0x1b: {  	v2 =	vld [tilespmem:$0x20]  }
0x1c: {  	v3 =	vshrl.u32 v0, $0x10  }
0x1d: {  	v45 =	vld [tilespmem:$0x30];
	v0 =	vand.u32 $0xFFFF, v0;
	[tilespmem:$0x2800] =	vst v3  }
0x1e: {  	v46 =	vshrl.u32 v1, $0x10;
	[tilespmem:$0x2880] =	vst v0  }
0x1f: {  	v48 =	vld [tilespmem:$0x40];
	v47 =	vand.u32 $0xFFFF, v1;
	[tilespmem:$0x2810] =	vst v46  }
0x20: {  	v49 =	vshrl.u32 v2, $0x10;
	[tilespmem:$0x2890] =	vst v47  }
0x21: {  	v51 =	vld [tilespmem:$0x50];
	v50 =	vand.u32 $0xFFFF, v2;
	[tilespmem:$0x2820] =	vst v49  }
0x22: {  	v52 =	vshrl.u32 v45, $0x10;
	[tilespmem:$0x28A0] =	vst v50  }
0x23: {  	v54 =	vld [tilespmem:$0x60];
	v53 =	vand.u32 $0xFFFF, v45;
	[tilespmem:$0x2830] =	vst v52  }
0x24: {  	v55 =	vshrl.u32 v48, $0x10;
	[tilespmem:$0x28B0] =	vst v53  }
0x25: {  	v57 =	vld [tilespmem:$0x70];
	v56 =	vand.u32 $0xFFFF, v48;
	[tilespmem:$0x2840] =	vst v55  }
0x26: {  	v58 =	vshrl.u32 v51, $0x10;
	[tilespmem:$0x28C0] =	vst v56  }
0x27: {  	v59 =	vand.u32 $0xFFFF, v51;
	[tilespmem:$0x2850] =	vst v58  }
0x28: {  	v60 =	vshrl.u32 v54, $0x10;
	[tilespmem:$0x28D0] =	vst v59  }
0x29: {  	v61 =	vand.u32 $0xFFFF, v54;
	[tilespmem:$0x2860] =	vst v60  }
0x2a: {  	v62 =	vshrl.u32 v57, $0x10;
	[tilespmem:$0x28E0] =	vst v61  }
.Ltmp0:
0x2b: {  	v63 =	vand.u32 $0xFFFF, v57;
	[tilespmem:$0x2870] =	vst v62;
	(pc) =	sbr.rel .LBB2_2-.Ltmp0, $4  }
0x2c: {  	[tilespmem:$0x28F0] =	vst v63  }
0x2d: {  	[tilespmem:s14], [sflag:$0x1] =	stream.indirect.gather [hbm4b:s4+s12], $0x80, s13, s12, $0xb8;
	[tilespmem:$0x1EA00] =	vst v63  }
0x2e: {  	[bflag:$0x0] =	sbarrier.arrive $0xFFFF  }
0x2f: {  	s19 =	simm.s32 $0xF0;
	s20 =	simm.s32 $0x0  }
.LBB2_3:
0x30: {  	[spmem:s2] =	stream.indirect.scatter.add.f32 [tilespmem:s22], [sflag:$0x2], $0x80, s16, s12, $0xb8;
	[tilespmem:$0x1EA00] =	vst v63  }
.LBB2_5:
0x31: {  	v0 =	vld [tilespmem:s19+$0xFFFFFF90];
	_ =	sdelay $0x3  }
0x32: {  	s21 =	sxor.u32 $0x1, s21  }
0x33: {  	s22 =	sshll.u32 s21, $0x8;
	v1 =	vshrl.u32 v0, $0x10  }
0x34: {  	v0 =	vand.u32 $0xFFFF, v0;
	[tilespmem:s22+$0x2800] =	vst v1  }
0x35: {  	[tilespmem:s22+$0x2880] =	vst v0  }
0x36: {  	v0 =	vld [tilespmem:s19+$0xFFFFFFA0];
	_ =	sdelay $0x4  }
0x37: {  	v57 =	vshrl.u32 v0, $0x10  }
0x38: {  	v0 =	vand.u32 $0xFFFF, v0;
	[tilespmem:s22+$0x2810] =	vst v57  }
0x39: {  	[tilespmem:s22+$0x2890] =	vst v0  }
0x3a: {  	v0 =	vld [tilespmem:s19+$0xFFFFFFB0];
	_ =	sdelay $0x4  }
0x3b: {  	v58 =	vshrl.u32 v0, $0x10  }
0x3c: {  	v0 =	vand.u32 $0xFFFF, v0;
	[tilespmem:s22+$0x2820] =	vst v58  }
0x3d: {  	[tilespmem:s22+$0x28A0] =	vst v0  }
0x3e: {  	v0 =	vld [tilespmem:s19+$0xFFFFFFC0];
	_ =	sdelay $0x4  }
0x3f: {  	v59 =	vshrl.u32 v0, $0x10  }
0x40: {  	v0 =	vand.u32 $0xFFFF, v0;
	[tilespmem:s22+$0x2830] =	vst v59  }
0x41: {  	[tilespmem:s22+$0x28B0] =	vst v0  }
0x42: {  	v0 =	vld [tilespmem:s19+$0xFFFFFFD0];
	_ =	sdelay $0x4  }
0x43: {  	v60 =	vshrl.u32 v0, $0x10  }
0x44: {  	v0 =	vand.u32 $0xFFFF, v0;
	[tilespmem:s22+$0x2840] =	vst v60  }
0x45: {  	[tilespmem:s22+$0x28C0] =	vst v0  }
0x46: {  	v0 =	vld [tilespmem:s19+$0xFFFFFFE0];
	_ =	sdelay $0x4  }
0x47: {  	v61 =	vshrl.u32 v0, $0x10  }
0x48: {  	v0 =	vand.u32 $0xFFFF, v0;
	[tilespmem:s22+$0x2850] =	vst v61  }
0x49: {  	[tilespmem:s22+$0x28D0] =	vst v0  }
0x4a: {  	v0 =	vld [tilespmem:s19+$0xFFFFFFF0];
	_ =	sdelay $0x4  }
0x4b: {  	v62 =	vshrl.u32 v0, $0x10  }
0x4c: {  	v0 =	vand.u32 $0xFFFF, v0;
	[tilespmem:s22+$0x2860] =	vst v62  }
0x4d: {  	[tilespmem:s22+$0x28E0] =	vst v0  }
0x4e: {  	v0 =	vld [tilespmem:s19+$0x0];
	_ =	sdelay $0x4  }
0x4f: {  	v63 =	vshrl.u32 v0, $0x10  }
0x50: {  	s20 =	sadd.s32 $0x1, s20;
	s21 =	sshll.u32 s21, $0xE;
	v0 =	vand.u32 $0xFFFF, v0;
	[tilespmem:s22+$0x2870] =	vst v63  }
0x51: {  	s23 =	sor.u32 $0x2800, s22;
	s21 =	sor.u32 $0x2A00, s21;
	s19 =	sadd.s32 $0x80, s19;
	[tilespmem:s22+$0x28F0] =	vst v0  }
0x52: {  	[tilespmem:s21], [sflag:$0x1] =	stream.indirect.gather [hbm4b:s4+s12], $0x80, s23, s12, $0xb8;
	[tilespmem:$0x1EA00] =	vst v63  }
.LBB2_2:
0x53: {  	p0 =	sne.s32 s20, $0x0  }
.Ltmp1:
0x54: {  	_ = 	snop;
	(pc) =	sbr.rel @!p0 .LBB2_3-.Ltmp1, $4  }
0x55: {  	_ = 	snop  }
0x56: {  	s21 =	sand.u32 $0x1, s20;
	_ =	swait.ge [sflag:s15], $0x4000  }
0x57: {  	s22 =	sshll.u32 s21, $0xE;
	[sflag:s15] =	ssyncset.done $0x0  }
0x58: {  	s22 =	sor.u32 $0x2A00, s22;
	[sflag:s15] =	ssyncadd.s32 $0xFFFFC000  }
0x59: {  	p0 =	seq.s32 s20, $0x4E  }
.Ltmp2:
0x5a: {  	_ = 	snop;
	(pc) =	sbr.rel @!p0 .LBB2_5-.Ltmp2, $4  }
0x5b: {  	_ =	swait.ge [sflag:s17], $0x4000  }
0x5c: {  	s23 =	sshll.u32 s21, $0x8;
	[sflag:s17] =	ssyncset.done $0x0  }
0x5d: {  	s23 =	sor.u32 $0x2880, s23;
	[sflag:s17] =	ssyncadd.s32 $0xFFFFC000  }
0x5e: {  	[spmem:s2] =	stream.indirect.scatter.add.f32 [tilespmem:s22], [sflag:$0x2], $0x80, s23, s12, $0xb8;
	[tilespmem:$0x1EA00] =	vst v63  }
0x5f: {  	_ =	swait.ge [sflag:s17], $0x4000  }
0x60: {  	s18 =	sadd.s32 $0x1, s18;
	[sflag:s17] =	ssyncset.done $0x0  }
0x61: {  	p0 =	sne.s32 s18, s8;
	[sflag:s17] =	ssyncadd.s32 $0xFFFFC000  }
.Ltmp3:
0x62: {  	[bflag:$0x0] =	sbarrier.arrive $0xFFFF;
	(pc) =	sbr.rel @p0 .LBB2_1-.Ltmp3, $4  }
0x63: {  	[hbm:s7], [sflag:s10] =	dma.local [spmem:s11], $0x2800  }
0x64: {  	_ =	swait.ge [sflag:s9], $0x2800  }
0x65: {  	[sflag:s9] =	ssyncset.done $0x0  }
0x66: {  	[sflag:s9] =	ssyncadd.s32 $0xFFFFD800  }
0x67: {  	_ =	sfence.sel $0x180000  }
0x68: {  	[bflag:$0x0] =	sbarrier.arrive $0xFFFF  }
0x69: {  	p0 =	sne.s32 s1, $0x0;
	_ =	strace $0x90000053  }
0x6a: {  	s0 =	sadd.s32 @!p0 $0x100000, s0;
	[bflag:$0x2] =	sbarrier.arrive $0xFFFF  }
0x6b: {  	[sflag:s0] =	ssyncadd.tile.s32 @!p0 $0x1;
	_ =	shalt  }
.Lfunc_end2:
_tile_overlayer_lowered:
.L_overlay_start_2:
0x6c: {  	(tag) =	ssettag $0x2  }
0x6d: {  	s0 =	rddreg [dreg:$0x0];
	s2 =	stileid.u32  }
0x6e: {  	s1 =	rddreg [dreg:$0x1];
	p0 =	sne.s32 s2, $0x0  }
0x6f: {  	s3 =	rddreg [dreg:$0x2];
	[bflag:$0x3] =	sbarrier.arrive $0xFFFF;
	s2 =	simm.s32 @!p0 $0x1C03  }
0x70: {  	[timem:s3], [sflag:s2] =	dma.local @!p0 [hbm:s0], s1  }
0x71: {  	s0 =	simm.s32 @!p0 $0x3  }
0x72: {  	_ =	swait.ge @!p0 [sflag:s0], s1  }
0x73: {  	s1 =	ssub.s32 @!p0 $0x0, s1;
	[sflag:s0] =	ssyncset.done @!p0 $0x0  }
0x74: {  	[sflag:s0] =	ssyncadd.s32 @!p0 s1  }
0x75: {  	[bflag:$0x3] =	sbarrier.arrive $0xFFFF  }
0x76: {  	_ =	shalt  }

</sc_bundles>
